<compile_context>
chip_gen: v7x
topology: tpu7x:2x2x1
jax: 0.10.2.dev20260603
libtpu: 0.0.44.dev20260713+nightly
codegen_flags: <defaults>
</compile_context>

<pallas_src>
import functools
import jax
import jax.numpy as jnp
from jax import lax
from jax.experimental import pallas as pl
from jax.experimental.pallas import tpu as pltpu
from jax.experimental.pallas import tpu_sc as plsc

N = 10000
NPAD = 10240
E_ALL = 330000
EPAD = 331776
NC, NS = 2, 16
NW = NC * NS
EPW = EPAD // NW
VPW = EPW // 16
CHUNKS = EPAD // 128 // NS
TROWS = NPAD // NS
BLK = 1024
NBLK = NPAD // BLK

_mesh = plsc.VectorSubcoreMesh(core_axis_name="c", subcore_axis_name="s")
_sc_params = pltpu.CompilerParams(needs_layout_passes=False)



def _dense1_body(x_ref, w_ref, as_ref, ad_ref,
                 htab_ref, es_ref, ed_ref, m_ref, msc):
    i = pl.program_id(0)
    h = jnp.dot(x_ref[...], w_ref[...], preferred_element_type=jnp.float32)
    htab_ref[0] = h[:, :128]
    htab_ref[1] = h[:, 128:]
    es = jnp.sum(h * as_ref[...], axis=1)
    ed = jnp.sum(h * ad_ref[...], axis=1)
    es_ref[...] = es
    ed_ref[...] = ed
    bm = jnp.max(es)

    @pl.when(i == 0)
    def _():
        msc[0] = bm

    @pl.when(i > 0)
    def _():
        msc[0] = jnp.maximum(msc[0], bm)

    @pl.when(i == NBLK - 1)
    def _():
        m_ref[...] = jnp.full((16,), msc[0], jnp.float32)


_dense1 = pl.pallas_call(
    _dense1_body,
    grid=(NBLK,),
    in_specs=[
        pl.BlockSpec((BLK, 128), lambda i: (i, 0)),
        pl.BlockSpec((128, 256), lambda i: (0, 0)),
        pl.BlockSpec((1, 256), lambda i: (0, 0)),
        pl.BlockSpec((1, 256), lambda i: (0, 0)),
    ],
    out_specs=[
        pl.BlockSpec((2, BLK, 128), lambda i: (0, i, 0)),
        pl.BlockSpec((BLK,), lambda i: (i,)),
        pl.BlockSpec((BLK,), lambda i: (i,)),
        pl.BlockSpec((16,), lambda i: (0,)),
    ],
    out_shape=[
        jax.ShapeDtypeStruct((2, NPAD, 128), jnp.float32),
        jax.ShapeDtypeStruct((NPAD,), jnp.float32),
        jax.ShapeDtypeStruct((NPAD,), jnp.float32),
        jax.ShapeDtypeStruct((16,), jnp.float32),
    ],
    scratch_shapes=[pltpu.SMEM((1,), jnp.float32)],
)


def _dense2_body(num_ref, s_ref, b1_ref, w2_ref, as2_ref, ad2_ref,
                 w3_ref, as3_ref, ad3_ref,
                 htab_ref, es2_ref, ed2_ref, m2_ref, es3_ref, ed3_ref, m3_ref,
                 m2sc, m3sc):
    i = pl.program_id(0)
    s = jnp.sum(s_ref[...], axis=0)
    r = 1.0 / (s + 1e-16)
    hcat = jnp.concatenate([num_ref[0] * r[:, None], num_ref[1] * r[:, None]],
                           axis=1) + b1_ref[...]
    h = jnp.maximum(hcat, 0.0)
    h2a = jnp.dot(h, w2_ref[...], preferred_element_type=jnp.float32)
    h2b = jnp.dot(h, w3_ref[...], preferred_element_type=jnp.float32)
    htab_ref[0] = h2a
    htab_ref[1] = h2b
    es2 = jnp.sum(h2a * as2_ref[...], axis=1)
    ed2 = jnp.sum(h2a * ad2_ref[...], axis=1)
    es3 = jnp.sum(h2b * as3_ref[...], axis=1)
    ed3 = jnp.sum(h2b * ad3_ref[...], axis=1)
    es2_ref[...] = es2
    ed2_ref[...] = ed2
    es3_ref[...] = es3
    ed3_ref[...] = ed3
    bm2 = jnp.max(es2)
    bm3 = jnp.max(es3)

    @pl.when(i == 0)
    def _():
        m2sc[0] = bm2
        m3sc[0] = bm3

    @pl.when(i > 0)
    def _():
        m2sc[0] = jnp.maximum(m2sc[0], bm2)
        m3sc[0] = jnp.maximum(m3sc[0], bm3)

    @pl.when(i == NBLK - 1)
    def _():
        m2_ref[...] = jnp.full((16,), m2sc[0], jnp.float32)
        m3_ref[...] = jnp.full((16,), m3sc[0], jnp.float32)


_dense2 = pl.pallas_call(
    _dense2_body,
    grid=(NBLK,),
    in_specs=[
        pl.BlockSpec((2, BLK, 128), lambda i: (0, i, 0)),
        pl.BlockSpec((NW, BLK), lambda i: (0, i)),
        pl.BlockSpec((1, 256), lambda i: (0, 0)),
        pl.BlockSpec((256, 128), lambda i: (0, 0)),
        pl.BlockSpec((1, 128), lambda i: (0, 0)),
        pl.BlockSpec((1, 128), lambda i: (0, 0)),
        pl.BlockSpec((256, 128), lambda i: (0, 0)),
        pl.BlockSpec((1, 128), lambda i: (0, 0)),
        pl.BlockSpec((1, 128), lambda i: (0, 0)),
    ],
    out_specs=[
        pl.BlockSpec((2, BLK, 128), lambda i: (0, i, 0)),
        pl.BlockSpec((BLK,), lambda i: (i,)),
        pl.BlockSpec((BLK,), lambda i: (i,)),
        pl.BlockSpec((16,), lambda i: (0,)),
        pl.BlockSpec((BLK,), lambda i: (i,)),
        pl.BlockSpec((BLK,), lambda i: (i,)),
        pl.BlockSpec((16,), lambda i: (0,)),
    ],
    out_shape=[
        jax.ShapeDtypeStruct((2, NPAD, 128), jnp.float32),
        jax.ShapeDtypeStruct((NPAD,), jnp.float32),
        jax.ShapeDtypeStruct((NPAD,), jnp.float32),
        jax.ShapeDtypeStruct((16,), jnp.float32),
        jax.ShapeDtypeStruct((NPAD,), jnp.float32),
        jax.ShapeDtypeStruct((NPAD,), jnp.float32),
        jax.ShapeDtypeStruct((16,), jnp.float32),
    ],
    scratch_shapes=[pltpu.SMEM((1,), jnp.float32),
                    pltpu.SMEM((1,), jnp.float32)],
)


def _final_body(num_ref, s2_ref, s3_ref, b2_ref, b3_ref, mu_ref, ls_ref):
    s2 = jnp.sum(s2_ref[...], axis=0)
    s3 = jnp.sum(s3_ref[...], axis=0)
    r2 = 1.0 / (s2 + 1e-16)
    r3 = 1.0 / (s3 + 1e-16)
    mu_ref[...] = num_ref[0] * r2[:, None] + b2_ref[...]
    ls_ref[...] = num_ref[1] * r3[:, None] + b3_ref[...]


_final = pl.pallas_call(
    _final_body,
    grid=(NBLK,),
    in_specs=[
        pl.BlockSpec((2, BLK, 128), lambda i: (0, i, 0)),
        pl.BlockSpec((NW, BLK), lambda i: (0, i)),
        pl.BlockSpec((NW, BLK), lambda i: (0, i)),
        pl.BlockSpec((1, 128), lambda i: (0, 0)),
        pl.BlockSpec((1, 128), lambda i: (0, 0)),
    ],
    out_specs=[
        pl.BlockSpec((BLK, 128), lambda i: (i, 0)),
        pl.BlockSpec((BLK, 128), lambda i: (i, 0)),
    ],
    out_shape=[
        jax.ShapeDtypeStruct((NPAD, 128), jnp.float32),
        jax.ShapeDtypeStruct((NPAD, 128), jnp.float32),
    ],
)



def _make_phase_a(L):
    scratch = (
        [pltpu.VMEM((EPW,), jnp.int32), pltpu.VMEM((EPW,), jnp.int32)]
        + [pltpu.VMEM((EPW,), jnp.float32) for _ in range(L)]
        + [pltpu.VMEM((NPAD,), jnp.float32) for _ in range(2 * L)]
        + [pltpu.VMEM((16,), jnp.float32) for _ in range(L)]
        + [pltpu.VMEM((NPAD,), jnp.float32) for _ in range(L)]
    )

    def body(*refs):
        src_h, dst_h = refs[0], refs[1]
        lay = [refs[2 + 3 * l: 5 + 3 * l] for l in range(L)]
        ex_h, s_h = refs[2 + 3 * L], refs[3 + 3 * L]
        sc = list(refs[4 + 3 * L:])
        src_v, dst_v = sc[0], sc[1]
        ex_v = sc[2:2 + L]
        tab_v = sc[2 + L:2 + 3 * L]
        m_v = sc[2 + 3 * L:2 + 4 * L]
        s_v = sc[2 + 4 * L:2 + 5 * L]

        cid = lax.axis_index("c")
        sid = lax.axis_index("s")
        wid = cid * NS + sid
        e0 = wid * EPW
        pltpu.sync_copy(src_h.at[pl.ds(e0, EPW)], src_v)
        pltpu.sync_copy(dst_h.at[pl.ds(e0, EPW)], dst_v)
        for l in range(L):
            pltpu.sync_copy(lay[l][0], tab_v[2 * l])
            pltpu.sync_copy(lay[l][1], tab_v[2 * l + 1])
            pltpu.sync_copy(lay[l][2], m_v[l])

        def zero_body(j, _):
            for l in range(L):
                s_v[l][pl.ds(j * 16, 16)] = jnp.zeros((16,), jnp.float32)
            return 0

        lax.fori_loop(0, NPAD // 16, zero_body, 0)

        lanes = lax.iota(jnp.int32, 16)

        def edge_body(j, _):
            base = j * 16
            isrc = src_v[pl.ds(base, 16)]
            idst = dst_v[pl.ds(base, 16)]
            valid = (e0 + base + lanes) < E_ALL
            for l in range(L):
                a = plsc.load_gather(tab_v[2 * l], [isrc])
                bd = plsc.load_gather(tab_v[2 * l + 1], [idst])
                m = m_v[l][...]
                t = a + bd
                e = jnp.where(t >= 0, t, 0.2 * t)
                tc = bd + m
                cd = jnp.where(tc >= 0, tc, 0.2 * tc)
                exv = jnp.exp(e - cd)
                exv = jnp.where(valid, exv, 0.0)
                ex_v[l][pl.ds(base, 16)] = exv
                plsc.addupdate_scatter(s_v[l], [idst], exv)
            return 0

        lax.fori_loop(0, VPW, edge_body, 0)

        for l in range(L):
            pltpu.sync_copy(ex_v[l], ex_h.at[pl.ds(l * EPAD + e0, EPW)])
            pltpu.sync_copy(s_v[l], s_h.at[l * NW + wid])

    return pl.kernel(
        body,
        out_type=(jax.ShapeDtypeStruct((L * EPAD,), jnp.float32),
                  jax.ShapeDtypeStruct((L * NW, NPAD), jnp.float32)),
        mesh=_mesh,
        compiler_params=_sc_params,
        scratch_types=scratch,
    )


_phase_a1 = _make_phase_a(1)
_phase_a2 = _make_phase_a(2)


def _make_phase_b(percore_ex):

    def body(tab_h, src_h, dstr_h, ex_h, out_h,
             rows_v, dsti_v, srci_v, ex_v, acc_sh, sem):
        cid = lax.axis_index("c")
        sid = lax.axis_index("s")

        def zb(rr, _):
            for q in range(8):
                rows_v[rr, pl.ds(q * 16, 16)] = jnp.zeros((16,), jnp.float32)
            return 0

        lax.fori_loop(0, 128, zb, 0)
        for k in range(TROWS // 128):
            pltpu.sync_copy(rows_v, acc_sh.at[pl.ds(sid * TROWS + k * 128, 128)])
        plsc.subcore_barrier()

        def chunk_body(c, _):
            ch = sid * CHUNKS + c
            eb = ch * 128
            pltpu.sync_copy(src_h.at[pl.ds(cid * EPAD + eb, 128)], srci_v)
            pltpu.sync_copy(dstr_h.at[pl.ds(ch, 1)], dsti_v)
            ex_base = eb + cid * EPAD if percore_ex else eb
            pltpu.sync_copy(ex_h.at[pl.ds(ex_base, 128)], ex_v)
            pltpu.async_copy(tab_h.at[srci_v], rows_v, sem).wait()

            def grp(g, _):
                gb = g * 16
                for e in range(16):
                    ai = jnp.full((16,), gb + e, jnp.int32)
                    ab = plsc.load_gather(ex_v, [ai])
                    row = gb + e
                    for q in range(8):
                        rows_v[row, pl.ds(q * 16, 16)] = (
                            rows_v[row, pl.ds(q * 16, 16)] * ab)
                return 0

            lax.fori_loop(0, 8, grp, 0)
            pltpu.sync_copy(rows_v, acc_sh.at[dsti_v.at[0]], add=True)
            return 0

        lax.fori_loop(0, CHUNKS, chunk_body, 0)
        plsc.subcore_barrier()
        for k in range(TROWS // 128):
            r0 = sid * TROWS + k * 128
            pltpu.sync_copy(acc_sh.at[pl.ds(r0, 128)], rows_v)
            pltpu.sync_copy(rows_v, out_h.at[pl.ds(cid * NPAD + r0, 128)])

    return pl.kernel(
        body,
        out_type=jax.ShapeDtypeStruct((2 * NPAD, 128), jnp.float32),
        mesh=_mesh,
        compiler_params=_sc_params,
        scratch_types=[
            pltpu.VMEM((128, 128), jnp.float32),
            pltpu.VMEM((1, 128), jnp.int32),
            pltpu.VMEM((128,), jnp.int32),
            pltpu.VMEM((128,), jnp.float32),
            pltpu.VMEM_SHARED((NPAD, 128), jnp.float32),
            pltpu.SemaphoreType.DMA,
        ],
    )


_phase_b_shared = _make_phase_b(False)
_phase_b_percore = _make_phase_b(True)



def kernel(x, edge_index, W1, as1, ad1, b1, W2, as2, ad2, b2,
           W3, as3, ad3, b3):
    loop = jnp.arange(N, dtype=edge_index.dtype)
    src = jnp.concatenate([edge_index[0], loop])
    dst = jnp.concatenate([edge_index[1], loop])
    pad = jnp.zeros((EPAD - E_ALL,), edge_index.dtype)
    srcp = jnp.concatenate([src, pad])
    dstp = jnp.concatenate([dst, pad])
    src2 = jnp.concatenate([srcp, srcp + NPAD])
    dstr = dstp.reshape(EPAD // 128, 128)
    xp = jnp.pad(x, ((0, NPAD - N), (0, 0)))

    htab, es1, ed1, m1 = _dense1(xp, W1, as1.reshape(1, -1), ad1.reshape(1, -1))
    ex1, s1 = _phase_a1(srcp, dstp, es1, ed1, m1)
    num1 = _phase_b_shared(htab.reshape(2 * NPAD, 128), src2, dstr, ex1)
    htab2, es2, ed2, m2, es3, ed3, m3 = _dense2(
        num1.reshape(2, NPAD, 128), s1, b1.reshape(1, -1),
        W2, as2.reshape(1, -1), ad2.reshape(1, -1),
        W3, as3.reshape(1, -1), ad3.reshape(1, -1))
    exc, s23 = _phase_a2(srcp, dstp, es2, ed2, m2, es3, ed3, m3)
    num23 = _phase_b_percore(htab2.reshape(2 * NPAD, 128), src2, dstr, exc)
    mu, ls = _final(num23.reshape(2, NPAD, 128), s23[:NW], s23[NW:],
                    b2.reshape(1, -1), b3.reshape(1, -1))
    return mu[:N], ls[:N]

# --- scband reference (transcript-rebuilt; emitter-appended) ---
"""Pipeline reference for scband-gatencoder-9921374454406 (READ-ONLY COPY).

The authoritative reference and input builder live on the scoring server;
editing this copy changes nothing except your own understanding.
"""

import jax, jax.numpy as jnp
import numpy as np

N = 10000
E = 320000
IN = 128
OUT = 128
HID = 2 * OUT


def setup_inputs(seed: int = 0) -> dict:
    key = jax.random.key(seed)
    ks = jax.random.split(key, 16)
    x = jax.random.normal(ks[0], (N, IN), dtype=jnp.float32)
    edge_index = jax.random.randint(ks[1], (2, E), 0, N, dtype=jnp.int32)
    def glorot(k, shape):
        fan_in = shape[0]
        return jax.random.normal(k, shape, dtype=jnp.float32) * (1.0 / np.sqrt(fan_in))
    # conv1: in=IN, out=HID
    W1 = glorot(ks[2], (IN, HID))
    as1 = jax.random.normal(ks[3], (HID,), dtype=jnp.float32) * 0.1
    ad1 = jax.random.normal(ks[4], (HID,), dtype=jnp.float32) * 0.1
    b1 = jnp.zeros((HID,), dtype=jnp.float32)
    # conv_mu: in=HID, out=OUT
    W2 = glorot(ks[5], (HID, OUT))
    as2 = jax.random.normal(ks[6], (OUT,), dtype=jnp.float32) * 0.1
    ad2 = jax.random.normal(ks[7], (OUT,), dtype=jnp.float32) * 0.1
    b2 = jnp.zeros((OUT,), dtype=jnp.float32)
    # conv_logstd: in=HID, out=OUT
    W3 = glorot(ks[8], (HID, OUT))
    as3 = jax.random.normal(ks[9], (OUT,), dtype=jnp.float32) * 0.1
    ad3 = jax.random.normal(ks[10], (OUT,), dtype=jnp.float32) * 0.1
    b3 = jnp.zeros((OUT,), dtype=jnp.float32)
    return {"x": x, "edge_index": edge_index,
            "W1": W1, "as1": as1, "ad1": ad1, "b1": b1,
            "W2": W2, "as2": as2, "ad2": ad2, "b2": b2,
            "W3": W3, "as3": as3, "ad3": ad3, "b3": b3}


def gat_conv(x, src, dst, W, a_s, a_d, b, n_nodes):
    # PyG GATConv, heads=1, concat=True, negative_slope=0.2, self-loops already added
    h = x @ W                                      # [N, F]
    e_src = (h * a_s).sum(axis=-1)                 # [N]
    e_dst = (h * a_d).sum(axis=-1)                 # [N]
    e = e_src[src] + e_dst[dst]                    # [E']
    e = jax.nn.leaky_relu(e, 0.2)
    m = jax.ops.segment_max(e, dst, num_segments=n_nodes)
    m = jnp.where(jnp.isfinite(m), m, 0.0)
    ex = jnp.exp(e - m[dst])
    s = jax.ops.segment_sum(ex, dst, num_segments=n_nodes)
    alpha = ex / (s[dst] + 1e-16)
    out = jax.ops.segment_sum(h[src] * alpha[:, None], dst, num_segments=n_nodes)
    return out + b


def reference(x, edge_index, W1, as1, ad1, b1, W2, as2, ad2, b2, W3, as3, ad3, b3):
    n_nodes = x.shape[0]
    loop = jnp.arange(n_nodes, dtype=edge_index.dtype)
    src = jnp.concatenate([edge_index[0], loop])
    dst = jnp.concatenate([edge_index[1], loop])
    h = jax.nn.relu(gat_conv(x, src, dst, W1, as1, ad1, b1, n_nodes))
    mu = gat_conv(h, src, dst, W2, as2, ad2, b2, n_nodes)
    logstd = gat_conv(h, src, dst, W3, as3, ad3, b3, n_nodes)
    return (mu, logstd)

if __name__ == "__main__":
    import jax
    _d = setup_inputs()
    print(jax.jit(kernel)(*tuple(_d.values())))

</pallas_src>

<mosaic_0001>
#map = affine_map<(d0, d1) -> (0)>
#map1 = affine_map<(d0, d1) -> (0, 0)>
module attributes {stable_mosaic.version = 14 : i64} {
  func.func @body(%arg0: i32, %arg1: i32, %arg2: memref<331776xi32, #tpu.memory_space<hbm>>, %arg3: memref<331776xi32, #tpu.memory_space<hbm>>, %arg4: memref<10240xf32, #tpu.memory_space<hbm>>, %arg5: memref<10240xf32, #tpu.memory_space<hbm>>, %arg6: memref<16xf32, #tpu.memory_space<hbm>>, %arg7: memref<331776xf32, #tpu.memory_space<hbm>>, %arg8: memref<32x10240xf32, #tpu.memory_space<hbm>>, %arg9: memref<10368xi32, #tpu.memory_space<vmem>>, %arg10: memref<10368xi32, #tpu.memory_space<vmem>>, %arg11: memref<10368xf32, #tpu.memory_space<vmem>>, %arg12: memref<10240xf32, #tpu.memory_space<vmem>>, %arg13: memref<10240xf32, #tpu.memory_space<vmem>>, %arg14: memref<16xf32, #tpu.memory_space<vmem>>, %arg15: memref<10240xf32, #tpu.memory_space<vmem>>) attributes {dimension_semantics = [#tpu.dimension_semantics<core_parallel>, #tpu.dimension_semantics<subcore_parallel>], iteration_bounds = array<i64: 2, 16>, scalar_prefetch = 0 : i64, scratch_operands = 7 : i64, tpu.core_type = #tpu.core_type<sc_vector_subcore>, window_params = [{transform_indices = #map}, {transform_indices = #map}, {transform_indices = #map}, {transform_indices = #map}, {transform_indices = #map}, {transform_indices = #map}, {transform_indices = #map1}]} {
    %mul3A = arith.constant 16 : i32
    %mul3A_0 = arith.muli %arg0, %mul3A : i32
    %add3A = arith.addi %mul3A_0, %arg1 : i32
    %mul3A_1 = arith.constant 10368 : i32
    %mul3A_2 = arith.muli %add3A, %mul3A_1 : i32
    "tpu.region"() ({
      %run_scoped3A = tpu.sem_alloc : memref<!tpu.dma_semaphore, #tpu.memory_space<semaphore_mem>>
      %dma_start3A = tpu.memref_slice %arg2[%mul3A_2] : memref<331776xi32, #tpu.memory_space<hbm>> -> memref<10368xi32, #tpu.memory_space<hbm>>
      %dma_start3A_20 = tpu.memref_slice %arg2[%mul3A_2] : memref<331776xi32, #tpu.memory_space<hbm>> -> memref<10368xi32, #tpu.memory_space<hbm>>
      tpu.enqueue_dma source(%dma_start3A_20 : memref<10368xi32, #tpu.memory_space<hbm>>) target(%arg9 : memref<10368xi32, #tpu.memory_space<vmem>>) target_semaphore(%run_scoped3A : memref<!tpu.dma_semaphore, #tpu.memory_space<semaphore_mem>>)
      %dma_wait3A = tpu.memref_slice %arg2[%mul3A_2] : memref<331776xi32, #tpu.memory_space<hbm>> -> memref<10368xi32, #tpu.memory_space<hbm>>
      %dma_wait3A_21 = tpu.memref_slice %arg2[%mul3A_2] : memref<331776xi32, #tpu.memory_space<hbm>> -> memref<10368xi32, #tpu.memory_space<hbm>>
      tpu.wait_dma2 semaphore(%run_scoped3A : memref<!tpu.dma_semaphore, #tpu.memory_space<semaphore_mem>>) src(%dma_wait3A_21 : memref<10368xi32, #tpu.memory_space<hbm>>) dst(%arg9 : memref<10368xi32, #tpu.memory_space<vmem>>)
      tpu.yield
    }) : () -> ()
    "tpu.region"() ({
      %run_scoped3A = tpu.sem_alloc : memref<!tpu.dma_semaphore, #tpu.memory_space<semaphore_mem>>
      %dma_start3A = tpu.memref_slice %arg3[%mul3A_2] : memref<331776xi32, #tpu.memory_space<hbm>> -> memref<10368xi32, #tpu.memory_space<hbm>>
      %dma_start3A_20 = tpu.memref_slice %arg3[%mul3A_2] : memref<331776xi32, #tpu.memory_space<hbm>> -> memref<10368xi32, #tpu.memory_space<hbm>>
      tpu.enqueue_dma source(%dma_start3A_20 : memref<10368xi32, #tpu.memory_space<hbm>>) target(%arg10 : memref<10368xi32, #tpu.memory_space<vmem>>) target_semaphore(%run_scoped3A : memref<!tpu.dma_semaphore, #tpu.memory_space<semaphore_mem>>)
      %dma_wait3A = tpu.memref_slice %arg3[%mul3A_2] : memref<331776xi32, #tpu.memory_space<hbm>> -> memref<10368xi32, #tpu.memory_space<hbm>>
      %dma_wait3A_21 = tpu.memref_slice %arg3[%mul3A_2] : memref<331776xi32, #tpu.memory_space<hbm>> -> memref<10368xi32, #tpu.memory_space<hbm>>
      tpu.wait_dma2 semaphore(%run_scoped3A : memref<!tpu.dma_semaphore, #tpu.memory_space<semaphore_mem>>) src(%dma_wait3A_21 : memref<10368xi32, #tpu.memory_space<hbm>>) dst(%arg10 : memref<10368xi32, #tpu.memory_space<vmem>>)
      tpu.yield
    }) : () -> ()
    "tpu.region"() ({
      %run_scoped3A = tpu.sem_alloc : memref<!tpu.dma_semaphore, #tpu.memory_space<semaphore_mem>>
      tpu.enqueue_dma source(%arg4 : memref<10240xf32, #tpu.memory_space<hbm>>) target(%arg12 : memref<10240xf32, #tpu.memory_space<vmem>>) target_semaphore(%run_scoped3A : memref<!tpu.dma_semaphore, #tpu.memory_space<semaphore_mem>>)
      tpu.wait_dma2 semaphore(%run_scoped3A : memref<!tpu.dma_semaphore, #tpu.memory_space<semaphore_mem>>) src(%arg4 : memref<10240xf32, #tpu.memory_space<hbm>>) dst(%arg12 : memref<10240xf32, #tpu.memory_space<vmem>>)
      tpu.yield
    }) : () -> ()
    "tpu.region"() ({
      %run_scoped3A = tpu.sem_alloc : memref<!tpu.dma_semaphore, #tpu.memory_space<semaphore_mem>>
      tpu.enqueue_dma source(%arg5 : memref<10240xf32, #tpu.memory_space<hbm>>) target(%arg13 : memref<10240xf32, #tpu.memory_space<vmem>>) target_semaphore(%run_scoped3A : memref<!tpu.dma_semaphore, #tpu.memory_space<semaphore_mem>>)
      tpu.wait_dma2 semaphore(%run_scoped3A : memref<!tpu.dma_semaphore, #tpu.memory_space<semaphore_mem>>) src(%arg5 : memref<10240xf32, #tpu.memory_space<hbm>>) dst(%arg13 : memref<10240xf32, #tpu.memory_space<vmem>>)
      tpu.yield
    }) : () -> ()
    "tpu.region"() ({
      %run_scoped3A = tpu.sem_alloc : memref<!tpu.dma_semaphore, #tpu.memory_space<semaphore_mem>>
      tpu.enqueue_dma source(%arg6 : memref<16xf32, #tpu.memory_space<hbm>>) target(%arg14 : memref<16xf32, #tpu.memory_space<vmem>>) target_semaphore(%run_scoped3A : memref<!tpu.dma_semaphore, #tpu.memory_space<semaphore_mem>>)
      tpu.wait_dma2 semaphore(%run_scoped3A : memref<!tpu.dma_semaphore, #tpu.memory_space<semaphore_mem>>) src(%arg6 : memref<16xf32, #tpu.memory_space<hbm>>) dst(%arg14 : memref<16xf32, #tpu.memory_space<vmem>>)
      tpu.yield
    }) : () -> ()
    %scan3A = arith.constant 0 : i32
    %scan3A_3 = arith.constant 0 : i32
    %scan3A_4 = arith.constant 640 : i32
    %scan3A_5 = arith.addi %scan3A_3, %scan3A_4 : i32
    %scan3A_6 = arith.constant 1 : i32
    %scan3A_7 = scf.for %scan3A_20 = %scan3A_3 to %scan3A_5 step %scan3A_6 iter_args(%scan3A_21 = %scan3A) -> (i32)  : i32 {
      %broadcast_in_dim3A = arith.constant 0.000000e+00 : f32
      %broadcast_in_dim3A_22 = vector.broadcast %broadcast_in_dim3A : f32 to vector<16xf32>
      %mul3A_23 = arith.constant 16 : i32
      %mul3A_24 = arith.muli %scan3A_20, %mul3A_23 : i32
      %swap3A = arith.index_cast %mul3A_24 : i32 to index
      %swap3A_25 = tpu.vector_load %arg15[%swap3A] {strides = array<i32>} : memref<10240xf32, #tpu.memory_space<vmem>>, vector<16xf32>,
      tpu.vector_store %arg15[%swap3A], %broadcast_in_dim3A_22 {strides = array<i32>} : memref<10240xf32, #tpu.memory_space<vmem>>, vector<16xf32>,
      %scan3A_26 = arith.constant 0 : i32
      scf.yield %scan3A_26 : i32
    }
    %scan3A_8 = arith.constant 640 : i32
    %iota3A = tpu.iota {dimensions = array<i32: 0>} : vector<16xi32>
    %scan3A_9 = arith.constant 0 : i32
    %scan3A_10 = arith.constant 0 : i32
    %scan3A_11 = arith.constant 648 : i32
    %scan3A_12 = arith.addi %scan3A_10, %scan3A_11 : i32
    %scan3A_13 = arith.constant 1 : i32
    %scan3A_14 = scf.for %scan3A_20 = %scan3A_10 to %scan3A_12 step %scan3A_13 iter_args(%scan3A_21 = %scan3A_9) -> (i32)  : i32 {
      %mul3A_22 = arith.constant 16 : i32
      %mul3A_23 = arith.muli %scan3A_20, %mul3A_22 : i32
      %get3A = arith.index_cast %mul3A_23 : i32 to index
      %get3A_24 = tpu.vector_load %arg9[%get3A] {strides = array<i32>} : memref<10368xi32, #tpu.memory_space<vmem>>, vector<16xi32>,
      %get3A_25 = arith.index_cast %mul3A_23 : i32 to index
      %get3A_26 = tpu.vector_load %arg10[%get3A_25] {strides = array<i32>} : memref<10368xi32, #tpu.memory_space<vmem>>, vector<16xi32>,
      %add3A_27 = arith.addi %mul3A_2, %mul3A_23 : i32
      %add3A_28 = vector.broadcast %add3A_27 : i32 to vector<16xi32>
      %add3A_29 = arith.addi %add3A_28, %iota3A : vector<16xi32>
      %lt3A = arith.constant 330000 : i32
      %lt3A_30 = vector.broadcast %lt3A : i32 to vector<16xi32>
      %lt3A_31 = arith.cmpi slt, %add3A_29, %lt3A_30 : vector<16xi32>
      %gather3A = tpu.vector_load_idx %arg12[%get3A_24] : memref<10240xf32, #tpu.memory_space<vmem>>[vector<16xi32>], vector<16xf32>,
      %gather3A_32 = tpu.vector_load_idx %arg13[%get3A_26] : memref<10240xf32, #tpu.memory_space<vmem>>[vector<16xi32>], vector<16xf32>,
      %get3A_33 = arith.constant 0 : index
      %get3A_34 = tpu.vector_load %arg14[%get3A_33] {strides = array<i32>} : memref<16xf32, #tpu.memory_space<vmem>>, vector<16xf32>,
      %add3A_35 = arith.addf %gather3A, %gather3A_32 : vector<16xf32>
      %ge3A = arith.constant 0.000000e+00 : f32
      %ge3A_36 = vector.broadcast %ge3A : f32 to vector<16xf32>
      %ge3A_37 = arith.cmpf oge, %add3A_35, %ge3A_36 : vector<16xf32>
      %mul3A_38 = arith.constant 2.000000e-01 : f32
      %mul3A_39 = vector.broadcast %mul3A_38 : f32 to vector<16xf32>
      %mul3A_40 = arith.mulf %mul3A_39, %add3A_35 : vector<16xf32>
      %select_n3A = arith.select %ge3A_37, %add3A_35, %mul3A_40 : vector<16xi1>, vector<16xf32>
      %add3A_41 = arith.addf %gather3A_32, %get3A_34 : vector<16xf32>
      %ge3A_42 = arith.constant 0.000000e+00 : f32
      %ge3A_43 = vector.broadcast %ge3A_42 : f32 to vector<16xf32>
      %ge3A_44 = arith.cmpf oge, %add3A_41, %ge3A_43 : vector<16xf32>
      %mul3A_45 = arith.constant 2.000000e-01 : f32
      %mul3A_46 = vector.broadcast %mul3A_45 : f32 to vector<16xf32>
      %mul3A_47 = arith.mulf %mul3A_46, %add3A_41 : vector<16xf32>
      %select_n3A_48 = arith.select %ge3A_44, %add3A_41, %mul3A_47 : vector<16xi1>, vector<16xf32>
      %sub3A = arith.subf %select_n3A, %select_n3A_48 : vector<16xf32>
      %exp3A = math.exp %sub3A : vector<16xf32>
      %jit3A = arith.constant 0.000000e+00 : f32
      %broadcast_in_dim3A = vector.broadcast %jit3A : f32 to vector<16xf32>
      %select_n3A_49 = arith.select %lt3A_31, %exp3A, %broadcast_in_dim3A : vector<16xi1>, vector<16xf32>
      %swap3A = arith.index_cast %mul3A_23 : i32 to index
      %swap3A_50 = tpu.vector_load %arg11[%swap3A] {strides = array<i32>} : memref<10368xf32, #tpu.memory_space<vmem>>, vector<16xf32>,
      tpu.vector_store %arg11[%swap3A], %select_n3A_49 {strides = array<i32>} : memref<10368xf32, #tpu.memory_space<vmem>>, vector<16xf32>,
      tpu.vector_store_idx %arg15[%get3A_26], %select_n3A_49 {add = true} : memref<10240xf32, #tpu.memory_space<vmem>>[vector<16xi32>], vector<16xf32>,
      %scan3A_51 = arith.constant 0 : i32
      scf.yield %scan3A_51 : i32
    }
    %scan3A_15 = arith.constant 648 : i32
    %add3A_16 = arith.constant 0 : i32
    %add3A_17 = arith.addi %add3A_16, %mul3A_2 : i32
    "tpu.region"() ({
      %run_scoped3A = tpu.sem_alloc : memref<!tpu.dma_semaphore, #tpu.memory_space<semaphore_mem>>
      %dma_start3A = tpu.memref_slice %arg7[%add3A_17] : memref<331776xf32, #tpu.memory_space<hbm>> -> memref<10368xf32, #tpu.memory_space<hbm>>
      %dma_start3A_20 = tpu.memref_slice %arg7[%add3A_17] : memref<331776xf32, #tpu.memory_space<hbm>> -> memref<10368xf32, #tpu.memory_space<hbm>>
      tpu.enqueue_dma source(%arg11 : memref<10368xf32, #tpu.memory_space<vmem>>) target(%dma_start3A_20 : memref<10368xf32, #tpu.memory_space<hbm>>) target_semaphore(%run_scoped3A : memref<!tpu.dma_semaphore, #tpu.memory_space<semaphore_mem>>)
      %dma_wait3A = tpu.memref_slice %arg7[%add3A_17] : memref<331776xf32, #tpu.memory_space<hbm>> -> memref<10368xf32, #tpu.memory_space<hbm>>
      %dma_wait3A_21 = tpu.memref_slice %arg7[%add3A_17] : memref<331776xf32, #tpu.memory_space<hbm>> -> memref<10368xf32, #tpu.memory_space<hbm>>
      tpu.wait_dma2 semaphore(%run_scoped3A : memref<!tpu.dma_semaphore, #tpu.memory_space<semaphore_mem>>) src(%arg11 : memref<10368xf32, #tpu.memory_space<vmem>>) dst(%dma_wait3A_21 : memref<10368xf32, #tpu.memory_space<hbm>>)
      tpu.yield
    }) : () -> ()
    %add3A_18 = arith.constant 0 : i32
    %add3A_19 = arith.addi %add3A_18, %add3A : i32
    "tpu.region"() ({
      %run_scoped3A = tpu.sem_alloc : memref<!tpu.dma_semaphore, #tpu.memory_space<semaphore_mem>>
      %dma_start3A = arith.constant 0 : i32
      %dma_start3A_20 = tpu.memref_slice %arg8[%add3A_19, %dma_start3A] : memref<32x10240xf32, #tpu.memory_space<hbm>> -> memref<1x10240xf32, #tpu.memory_space<hbm>>
      %dma_start3A_21 = tpu.memref_squeeze %dma_start3A_20 : memref<1x10240xf32, #tpu.memory_space<hbm>> -> memref<10240xf32, #tpu.memory_space<hbm>>
      %dma_start3A_22 = arith.constant 0 : i32
      %dma_start3A_23 = tpu.memref_slice %arg8[%add3A_19, %dma_start3A_22] : memref<32x10240xf32, #tpu.memory_space<hbm>> -> memref<1x10240xf32, #tpu.memory_space<hbm>>
      %dma_start3A_24 = tpu.memref_squeeze %dma_start3A_23 : memref<1x10240xf32, #tpu.memory_space<hbm>> -> memref<10240xf32, #tpu.memory_space<hbm>>
      tpu.enqueue_dma source(%arg15 : memref<10240xf32, #tpu.memory_space<vmem>>) target(%dma_start3A_24 : memref<10240xf32, #tpu.memory_space<hbm>>) target_semaphore(%run_scoped3A : memref<!tpu.dma_semaphore, #tpu.memory_space<semaphore_mem>>)
      %dma_wait3A = arith.constant 0 : i32
      %dma_wait3A_25 = tpu.memref_slice %arg8[%add3A_19, %dma_wait3A] : memref<32x10240xf32, #tpu.memory_space<hbm>> -> memref<1x10240xf32, #tpu.memory_space<hbm>>
      %dma_wait3A_26 = tpu.memref_squeeze %dma_wait3A_25 : memref<1x10240xf32, #tpu.memory_space<hbm>> -> memref<10240xf32, #tpu.memory_space<hbm>>
      %dma_wait3A_27 = arith.constant 0 : i32
      %dma_wait3A_28 = tpu.memref_slice %arg8[%add3A_19, %dma_wait3A_27] : memref<32x10240xf32, #tpu.memory_space<hbm>> -> memref<1x10240xf32, #tpu.memory_space<hbm>>
      %dma_wait3A_29 = tpu.memref_squeeze %dma_wait3A_28 : memref<1x10240xf32, #tpu.memory_space<hbm>> -> memref<10240xf32, #tpu.memory_space<hbm>>
      tpu.wait_dma2 semaphore(%run_scoped3A : memref<!tpu.dma_semaphore, #tpu.memory_space<semaphore_mem>>) src(%arg15 : memref<10240xf32, #tpu.memory_space<vmem>>) dst(%dma_wait3A_29 : memref<10240xf32, #tpu.memory_space<hbm>>)
      tpu.yield
    }) : () -> ()
    return
  }
}

#map = affine_map<(d0, d1) -> (0, 0)>
#map1 = affine_map<(d0, d1) -> (0)>
module attributes {stable_mosaic.version = 14 : i64} {
  func.func @body(%arg0: i32, %arg1: i32, %arg2: memref<20480x128xf32, #tpu.memory_space<hbm>>, %arg3: memref<663552xi32, #tpu.memory_space<hbm>>, %arg4: memref<2592x128xi32, #tpu.memory_space<hbm>>, %arg5: memref<663552xf32, #tpu.memory_space<hbm>>, %arg6: memref<20480x128xf32, #tpu.memory_space<hbm>>, %arg7: memref<128x128xf32, #tpu.memory_space<vmem>>, %arg8: memref<1x128xi32, #tpu.memory_space<vmem>>, %arg9: memref<128xi32, #tpu.memory_space<vmem>>, %arg10: memref<128xf32, #tpu.memory_space<vmem>>, %arg11: memref<10240x128xf32, #tpu.memory_space<vmem_shared>>, %arg12: memref<!tpu.dma_semaphore, #tpu.memory_space<semaphore_mem>>) attributes {dimension_semantics = [#tpu.dimension_semantics<core_parallel>, #tpu.dimension_semantics<subcore_parallel>], iteration_bounds = array<i64: 2, 16>, scalar_prefetch = 0 : i64, scratch_operands = 6 : i64, tpu.core_type = #tpu.core_type<sc_vector_subcore>, window_params = [{transform_indices = #map}, {transform_indices = #map1}, {transform_indices = #map}, {transform_indices = #map1}, {transform_indices = #map}]} {
    %scan3A = arith.constant 0 : i32
    %scan3A_0 = arith.constant 0 : i32
    %scan3A_1 = arith.constant 128 : i32
    %scan3A_2 = arith.addi %scan3A_0, %scan3A_1 : i32
    %scan3A_3 = arith.constant 1 : i32
    %scan3A_4 = scf.for %scan3A_67 = %scan3A_0 to %scan3A_2 step %scan3A_3 iter_args(%scan3A_68 = %scan3A) -> (i32)  : i32 {
      %broadcast_in_dim3A = arith.constant 0.000000e+00 : f32
      %broadcast_in_dim3A_69 = vector.broadcast %broadcast_in_dim3A : f32 to vector<16xf32>
      %swap3A = arith.index_cast %scan3A_67 : i32 to index
      %swap3A_70 = arith.constant 0 : index
      %swap3A_71 = tpu.vector_load %arg7[%swap3A, %swap3A_70] {strides = array<i32>} : memref<128x128xf32, #tpu.memory_space<vmem>>, vector<16xf32>,
      tpu.vector_store %arg7[%swap3A, %swap3A_70], %broadcast_in_dim3A_69 {strides = array<i32>} : memref<128x128xf32, #tpu.memory_space<vmem>>, vector<16xf32>,
      %broadcast_in_dim3A_72 = arith.constant 0.000000e+00 : f32
      %broadcast_in_dim3A_73 = vector.broadcast %broadcast_in_dim3A_72 : f32 to vector<16xf32>
      %swap3A_74 = arith.index_cast %scan3A_67 : i32 to index
      %swap3A_75 = arith.constant 16 : index
      %swap3A_76 = tpu.vector_load %arg7[%swap3A_74, %swap3A_75] {strides = array<i32>} : memref<128x128xf32, #tpu.memory_space<vmem>>, vector<16xf32>,
      tpu.vector_store %arg7[%swap3A_74, %swap3A_75], %broadcast_in_dim3A_73 {strides = array<i32>} : memref<128x128xf32, #tpu.memory_space<vmem>>, vector<16xf32>,
      %broadcast_in_dim3A_77 = arith.constant 0.000000e+00 : f32
      %broadcast_in_dim3A_78 = vector.broadcast %broadcast_in_dim3A_77 : f32 to vector<16xf32>
      %swap3A_79 = arith.index_cast %scan3A_67 : i32 to index
      %swap3A_80 = arith.constant 32 : index
      %swap3A_81 = tpu.vector_load %arg7[%swap3A_79, %swap3A_80] {strides = array<i32>} : memref<128x128xf32, #tpu.memory_space<vmem>>, vector<16xf32>,
      tpu.vector_store %arg7[%swap3A_79, %swap3A_80], %broadcast_in_dim3A_78 {strides = array<i32>} : memref<128x128xf32, #tpu.memory_space<vmem>>, vector<16xf32>,
      %broadcast_in_dim3A_82 = arith.constant 0.000000e+00 : f32
      %broadcast_in_dim3A_83 = vector.broadcast %broadcast_in_dim3A_82 : f32 to vector<16xf32>
      %swap3A_84 = arith.index_cast %scan3A_67 : i32 to index
      %swap3A_85 = arith.constant 48 : index
      %swap3A_86 = tpu.vector_load %arg7[%swap3A_84, %swap3A_85] {strides = array<i32>} : memref<128x128xf32, #tpu.memory_space<vmem>>, vector<16xf32>,
      tpu.vector_store %arg7[%swap3A_84, %swap3A_85], %broadcast_in_dim3A_83 {strides = array<i32>} : memref<128x128xf32, #tpu.memory_space<vmem>>, vector<16xf32>,
      %broadcast_in_dim3A_87 = arith.constant 0.000000e+00 : f32
      %broadcast_in_dim3A_88 = vector.broadcast %broadcast_in_dim3A_87 : f32 to vector<16xf32>
      %swap3A_89 = arith.index_cast %scan3A_67 : i32 to index
      %swap3A_90 = arith.constant 64 : index
      %swap3A_91 = tpu.vector_load %arg7[%swap3A_89, %swap3A_90] {strides = array<i32>} : memref<128x128xf32, #tpu.memory_space<vmem>>, vector<16xf32>,
      tpu.vector_store %arg7[%swap3A_89, %swap3A_90], %broadcast_in_dim3A_88 {strides = array<i32>} : memref<128x128xf32, #tpu.memory_space<vmem>>, vector<16xf32>,
      %broadcast_in_dim3A_92 = arith.constant 0.000000e+00 : f32
      %broadcast_in_dim3A_93 = vector.broadcast %broadcast_in_dim3A_92 : f32 to vector<16xf32>
      %swap3A_94 = arith.index_cast %scan3A_67 : i32 to index
      %swap3A_95 = arith.constant 80 : index
      %swap3A_96 = tpu.vector_load %arg7[%swap3A_94, %swap3A_95] {strides = array<i32>} : memref<128x128xf32, #tpu.memory_space<vmem>>, vector<16xf32>,
      tpu.vector_store %arg7[%swap3A_94, %swap3A_95], %broadcast_in_dim3A_93 {strides = array<i32>} : memref<128x128xf32, #tpu.memory_space<vmem>>, vector<16xf32>,
      %broadcast_in_dim3A_97 = arith.constant 0.000000e+00 : f32
      %broadcast_in_dim3A_98 = vector.broadcast %broadcast_in_dim3A_97 : f32 to vector<16xf32>
      %swap3A_99 = arith.index_cast %scan3A_67 : i32 to index
      %swap3A_100 = arith.constant 96 : index
      %swap3A_101 = tpu.vector_load %arg7[%swap3A_99, %swap3A_100] {strides = array<i32>} : memref<128x128xf32, #tpu.memory_space<vmem>>, vector<16xf32>,
      tpu.vector_store %arg7[%swap3A_99, %swap3A_100], %broadcast_in_dim3A_98 {strides = array<i32>} : memref<128x128xf32, #tpu.memory_space<vmem>>, vector<16xf32>,
      %broadcast_in_dim3A_102 = arith.constant 0.000000e+00 : f32
      %broadcast_in_dim3A_103 = vector.broadcast %broadcast_in_dim3A_102 : f32 to vector<16xf32>
      %swap3A_104 = arith.index_cast %scan3A_67 : i32 to index
      %swap3A_105 = arith.constant 112 : index
      %swap3A_106 = tpu.vector_load %arg7[%swap3A_104, %swap3A_105] {strides = array<i32>} : memref<128x128xf32, #tpu.memory_space<vmem>>, vector<16xf32>,
      tpu.vector_store %arg7[%swap3A_104, %swap3A_105], %broadcast_in_dim3A_103 {strides = array<i32>} : memref<128x128xf32, #tpu.memory_space<vmem>>, vector<16xf32>,
      %scan3A_107 = arith.constant 0 : i32
      scf.yield %scan3A_107 : i32
    }
    %scan3A_5 = arith.constant 128 : i32
    %mul3A = arith.constant 640 : i32
    %mul3A_6 = arith.muli %arg1, %mul3A : i32
    %add3A = arith.constant 0 : i32
    %add3A_7 = arith.addi %mul3A_6, %add3A : i32
    "tpu.region"() ({
      %run_scoped3A = tpu.sem_alloc : memref<!tpu.dma_semaphore, #tpu.memory_space<semaphore_mem>>
      %dma_start3A = arith.constant 0 : i32
      %dma_start3A_67 = tpu.memref_slice %arg11[%add3A_7, %dma_start3A] : memref<10240x128xf32, #tpu.memory_space<vmem_shared>> -> memref<128x128xf32, #tpu.memory_space<vmem_shared>>
      %dma_start3A_68 = arith.constant 0 : i32
      %dma_start3A_69 = tpu.memref_slice %arg11[%add3A_7, %dma_start3A_68] : memref<10240x128xf32, #tpu.memory_space<vmem_shared>> -> memref<128x128xf32, #tpu.memory_space<vmem_shared>>
      tpu.enqueue_dma source(%arg7 : memref<128x128xf32, #tpu.memory_space<vmem>>) target(%dma_start3A_69 : memref<128x128xf32, #tpu.memory_space<vmem_shared>>) target_semaphore(%run_scoped3A : memref<!tpu.dma_semaphore, #tpu.memory_space<semaphore_mem>>)
      %dma_wait3A = arith.constant 0 : i32
      %dma_wait3A_70 = tpu.memref_slice %arg11[%add3A_7, %dma_wait3A] : memref<10240x128xf32, #tpu.memory_space<vmem_shared>> -> memref<128x128xf32, #tpu.memory_space<vmem_shared>>
      %dma_wait3A_71 = arith.constant 0 : i32
      %dma_wait3A_72 = tpu.memref_slice %arg11[%add3A_7, %dma_wait3A_71] : memref<10240x128xf32, #tpu.memory_space<vmem_shared>> -> memref<128x128xf32, #tpu.memory_space<vmem_shared>>
      tpu.wait_dma2 semaphore(%run_scoped3A : memref<!tpu.dma_semaphore, #tpu.memory_space<semaphore_mem>>) src(%arg7 : memref<128x128xf32, #tpu.memory_space<vmem>>) dst(%dma_wait3A_72 : memref<128x128xf32, #tpu.memory_space<vmem_shared>>)
      tpu.yield
    }) : () -> ()
    %mul3A_8 = arith.constant 640 : i32
    %mul3A_9 = arith.muli %arg1, %mul3A_8 : i32
    %add3A_10 = arith.constant 128 : i32
    %add3A_11 = arith.addi %mul3A_9, %add3A_10 : i32
    "tpu.region"() ({
      %run_scoped3A = tpu.sem_alloc : memref<!tpu.dma_semaphore, #tpu.memory_space<semaphore_mem>>
      %dma_start3A = arith.constant 0 : i32
      %dma_start3A_67 = tpu.memref_slice %arg11[%add3A_11, %dma_start3A] : memref<10240x128xf32, #tpu.memory_space<vmem_shared>> -> memref<128x128xf32, #tpu.memory_space<vmem_shared>>
      %dma_start3A_68 = arith.constant 0 : i32
      %dma_start3A_69 = tpu.memref_slice %arg11[%add3A_11, %dma_start3A_68] : memref<10240x128xf32, #tpu.memory_space<vmem_shared>> -> memref<128x128xf32, #tpu.memory_space<vmem_shared>>
      tpu.enqueue_dma source(%arg7 : memref<128x128xf32, #tpu.memory_space<vmem>>) target(%dma_start3A_69 : memref<128x128xf32, #tpu.memory_space<vmem_shared>>) target_semaphore(%run_scoped3A : memref<!tpu.dma_semaphore, #tpu.memory_space<semaphore_mem>>)
      %dma_wait3A = arith.constant 0 : i32
      %dma_wait3A_70 = tpu.memref_slice %arg11[%add3A_11, %dma_wait3A] : memref<10240x128xf32, #tpu.memory_space<vmem_shared>> -> memref<128x128xf32, #tpu.memory_space<vmem_shared>>
      %dma_wait3A_71 = arith.constant 0 : i32
      %dma_wait3A_72 = tpu.memref_slice %arg11[%add3A_11, %dma_wait3A_71] : memref<10240x128xf32, #tpu.memory_space<vmem_shared>> -> memref<128x128xf32, #tpu.memory_space<vmem_shared>>
      tpu.wait_dma2 semaphore(%run_scoped3A : memref<!tpu.dma_semaphore, #tpu.memory_space<semaphore_mem>>) src(%arg7 : memref<128x128xf32, #tpu.memory_space<vmem>>) dst(%dma_wait3A_72 : memref<128x128xf32, #tpu.memory_space<vmem_shared>>)
      tpu.yield
    }) : () -> ()
    %mul3A_12 = arith.constant 640 : i32
    %mul3A_13 = arith.muli %arg1, %mul3A_12 : i32
    %add3A_14 = arith.constant 256 : i32
    %add3A_15 = arith.addi %mul3A_13, %add3A_14 : i32
    "tpu.region"() ({
      %run_scoped3A = tpu.sem_alloc : memref<!tpu.dma_semaphore, #tpu.memory_space<semaphore_mem>>
      %dma_start3A = arith.constant 0 : i32
      %dma_start3A_67 = tpu.memref_slice %arg11[%add3A_15, %dma_start3A] : memref<10240x128xf32, #tpu.memory_space<vmem_shared>> -> memref<128x128xf32, #tpu.memory_space<vmem_shared>>
      %dma_start3A_68 = arith.constant 0 : i32
      %dma_start3A_69 = tpu.memref_slice %arg11[%add3A_15, %dma_start3A_68] : memref<10240x128xf32, #tpu.memory_space<vmem_shared>> -> memref<128x128xf32, #tpu.memory_space<vmem_shared>>
      tpu.enqueue_dma source(%arg7 : memref<128x128xf32, #tpu.memory_space<vmem>>) target(%dma_start3A_69 : memref<128x128xf32, #tpu.memory_space<vmem_shared>>) target_semaphore(%run_scoped3A : memref<!tpu.dma_semaphore, #tpu.memory_space<semaphore_mem>>)
      %dma_wait3A = arith.constant 0 : i32
      %dma_wait3A_70 = tpu.memref_slice %arg11[%add3A_15, %dma_wait3A] : memref<10240x128xf32, #tpu.memory_space<vmem_shared>> -> memref<128x128xf32, #tpu.memory_space<vmem_shared>>
      %dma_wait3A_71 = arith.constant 0 : i32
      %dma_wait3A_72 = tpu.memref_slice %arg11[%add3A_15, %dma_wait3A_71] : memref<10240x128xf32, #tpu.memory_space<vmem_shared>> -> memref<128x128xf32, #tpu.memory_space<vmem_shared>>
      tpu.wait_dma2 semaphore(%run_scoped3A : memref<!tpu.dma_semaphore, #tpu.memory_space<semaphore_mem>>) src(%arg7 : memref<128x128xf32, #tpu.memory_space<vmem>>) dst(%dma_wait3A_72 : memref<128x128xf32, #tpu.memory_space<vmem_shared>>)
      tpu.yield
    }) : () -> ()
    %mul3A_16 = arith.constant 640 : i32
    %mul3A_17 = arith.muli %arg1, %mul3A_16 : i32
    %add3A_18 = arith.constant 384 : i32
    %add3A_19 = arith.addi %mul3A_17, %add3A_18 : i32
    "tpu.region"() ({
      %run_scoped3A = tpu.sem_alloc : memref<!tpu.dma_semaphore, #tpu.memory_space<semaphore_mem>>
      %dma_start3A = arith.constant 0 : i32
      %dma_start3A_67 = tpu.memref_slice %arg11[%add3A_19, %dma_start3A] : memref<10240x128xf32, #tpu.memory_space<vmem_shared>> -> memref<128x128xf32, #tpu.memory_space<vmem_shared>>
      %dma_start3A_68 = arith.constant 0 : i32
      %dma_start3A_69 = tpu.memref_slice %arg11[%add3A_19, %dma_start3A_68] : memref<10240x128xf32, #tpu.memory_space<vmem_shared>> -> memref<128x128xf32, #tpu.memory_space<vmem_shared>>
      tpu.enqueue_dma source(%arg7 : memref<128x128xf32, #tpu.memory_space<vmem>>) target(%dma_start3A_69 : memref<128x128xf32, #tpu.memory_space<vmem_shared>>) target_semaphore(%run_scoped3A : memref<!tpu.dma_semaphore, #tpu.memory_space<semaphore_mem>>)
      %dma_wait3A = arith.constant 0 : i32
      %dma_wait3A_70 = tpu.memref_slice %arg11[%add3A_19, %dma_wait3A] : memref<10240x128xf32, #tpu.memory_space<vmem_shared>> -> memref<128x128xf32, #tpu.memory_space<vmem_shared>>
      %dma_wait3A_71 = arith.constant 0 : i32
      %dma_wait3A_72 = tpu.memref_slice %arg11[%add3A_19, %dma_wait3A_71] : memref<10240x128xf32, #tpu.memory_space<vmem_shared>> -> memref<128x128xf32, #tpu.memory_space<vmem_shared>>
      tpu.wait_dma2 semaphore(%run_scoped3A : memref<!tpu.dma_semaphore, #tpu.memory_space<semaphore_mem>>) src(%arg7 : memref<128x128xf32, #tpu.memory_space<vmem>>) dst(%dma_wait3A_72 : memref<128x128xf32, #tpu.memory_space<vmem_shared>>)
      tpu.yield
    }) : () -> ()
    %mul3A_20 = arith.constant 640 : i32
    %mul3A_21 = arith.muli %arg1, %mul3A_20 : i32
    %add3A_22 = arith.constant 512 : i32
    %add3A_23 = arith.addi %mul3A_21, %add3A_22 : i32
    "tpu.region"() ({
      %run_scoped3A = tpu.sem_alloc : memref<!tpu.dma_semaphore, #tpu.memory_space<semaphore_mem>>
      %dma_start3A = arith.constant 0 : i32
      %dma_start3A_67 = tpu.memref_slice %arg11[%add3A_23, %dma_start3A] : memref<10240x128xf32, #tpu.memory_space<vmem_shared>> -> memref<128x128xf32, #tpu.memory_space<vmem_shared>>
      %dma_start3A_68 = arith.constant 0 : i32
      %dma_start3A_69 = tpu.memref_slice %arg11[%add3A_23, %dma_start3A_68] : memref<10240x128xf32, #tpu.memory_space<vmem_shared>> -> memref<128x128xf32, #tpu.memory_space<vmem_shared>>
      tpu.enqueue_dma source(%arg7 : memref<128x128xf32, #tpu.memory_space<vmem>>) target(%dma_start3A_69 : memref<128x128xf32, #tpu.memory_space<vmem_shared>>) target_semaphore(%run_scoped3A : memref<!tpu.dma_semaphore, #tpu.memory_space<semaphore_mem>>)
      %dma_wait3A = arith.constant 0 : i32
      %dma_wait3A_70 = tpu.memref_slice %arg11[%add3A_23, %dma_wait3A] : memref<10240x128xf32, #tpu.memory_space<vmem_shared>> -> memref<128x128xf32, #tpu.memory_space<vmem_shared>>
      %dma_wait3A_71 = arith.constant 0 : i32
      %dma_wait3A_72 = tpu.memref_slice %arg11[%add3A_23, %dma_wait3A_71] : memref<10240x128xf32, #tpu.memory_space<vmem_shared>> -> memref<128x128xf32, #tpu.memory_space<vmem_shared>>
      tpu.wait_dma2 semaphore(%run_scoped3A : memref<!tpu.dma_semaphore, #tpu.memory_space<semaphore_mem>>) src(%arg7 : memref<128x128xf32, #tpu.memory_space<vmem>>) dst(%dma_wait3A_72 : memref<128x128xf32, #tpu.memory_space<vmem_shared>>)
      tpu.yield
    }) : () -> ()
    %barrier3A = arith.constant 0 : index
    tpu.barrier barrier_id(%barrier3A)
    %scan3A_24 = arith.constant 0 : i32
    %scan3A_25 = arith.constant 0 : i32
    %scan3A_26 = arith.constant 162 : i32
    %scan3A_27 = arith.addi %scan3A_25, %scan3A_26 : i32
    %scan3A_28 = arith.constant 1 : i32
    %scan3A_29 = scf.for %scan3A_67 = %scan3A_25 to %scan3A_27 step %scan3A_28 iter_args(%scan3A_68 = %scan3A_24) -> (i32)  : i32 {
      %mul3A_69 = arith.constant 162 : i32
      %mul3A_70 = arith.muli %arg1, %mul3A_69 : i32
      %add3A_71 = arith.addi %mul3A_70, %scan3A_67 : i32
      %mul3A_72 = arith.constant 128 : i32
      %mul3A_73 = arith.muli %add3A_71, %mul3A_72 : i32
      %mul3A_74 = arith.constant 331776 : i32
      %mul3A_75 = arith.muli %arg0, %mul3A_74 : i32
      %add3A_76 = arith.addi %mul3A_75, %mul3A_73 : i32
      "tpu.region"() ({
        %run_scoped3A_92 = tpu.sem_alloc : memref<!tpu.dma_semaphore, #tpu.memory_space<semaphore_mem>>
        %dma_start3A_93 = tpu.memref_slice %arg3[%add3A_76] : memref<663552xi32, #tpu.memory_space<hbm>> -> memref<128xi32, #tpu.memory_space<hbm>>
        %dma_start3A_94 = tpu.memref_slice %arg3[%add3A_76] : memref<663552xi32, #tpu.memory_space<hbm>> -> memref<128xi32, #tpu.memory_space<hbm>>
        tpu.enqueue_dma source(%dma_start3A_94 : memref<128xi32, #tpu.memory_space<hbm>>) target(%arg9 : memref<128xi32, #tpu.memory_space<vmem>>) target_semaphore(%run_scoped3A_92 : memref<!tpu.dma_semaphore, #tpu.memory_space<semaphore_mem>>)
        %dma_wait3A_95 = tpu.memref_slice %arg3[%add3A_76] : memref<663552xi32, #tpu.memory_space<hbm>> -> memref<128xi32, #tpu.memory_space<hbm>>
        %dma_wait3A_96 = tpu.memref_slice %arg3[%add3A_76] : memref<663552xi32, #tpu.memory_space<hbm>> -> memref<128xi32, #tpu.memory_space<hbm>>
        tpu.wait_dma2 semaphore(%run_scoped3A_92 : memref<!tpu.dma_semaphore, #tpu.memory_space<semaphore_mem>>) src(%dma_wait3A_96 : memref<128xi32, #tpu.memory_space<hbm>>) dst(%arg9 : memref<128xi32, #tpu.memory_space<vmem>>)
        tpu.yield
      }) : () -> ()
      "tpu.region"() ({
        %run_scoped3A_92 = tpu.sem_alloc : memref<!tpu.dma_semaphore, #tpu.memory_space<semaphore_mem>>
        %dma_start3A_93 = arith.constant 0 : i32
        %dma_start3A_94 = tpu.memref_slice %arg4[%add3A_71, %dma_start3A_93] : memref<2592x128xi32, #tpu.memory_space<hbm>> -> memref<1x128xi32, #tpu.memory_space<hbm>>
        %dma_start3A_95 = arith.constant 0 : i32
        %dma_start3A_96 = tpu.memref_slice %arg4[%add3A_71, %dma_start3A_95] : memref<2592x128xi32, #tpu.memory_space<hbm>> -> memref<1x128xi32, #tpu.memory_space<hbm>>
        tpu.enqueue_dma source(%dma_start3A_96 : memref<1x128xi32, #tpu.memory_space<hbm>>) target(%arg8 : memref<1x128xi32, #tpu.memory_space<vmem>>) target_semaphore(%run_scoped3A_92 : memref<!tpu.dma_semaphore, #tpu.memory_space<semaphore_mem>>)
        %dma_wait3A_97 = arith.constant 0 : i32
        %dma_wait3A_98 = tpu.memref_slice %arg4[%add3A_71, %dma_wait3A_97] : memref<2592x128xi32, #tpu.memory_space<hbm>> -> memref<1x128xi32, #tpu.memory_space<hbm>>
        %dma_wait3A_99 = arith.constant 0 : i32
        %dma_wait3A_100 = tpu.memref_slice %arg4[%add3A_71, %dma_wait3A_99] : memref<2592x128xi32, #tpu.memory_space<hbm>> -> memref<1x128xi32, #tpu.memory_space<hbm>>
        tpu.wait_dma2 semaphore(%run_scoped3A_92 : memref<!tpu.dma_semaphore, #tpu.memory_space<semaphore_mem>>) src(%dma_wait3A_100 : memref<1x128xi32, #tpu.memory_space<hbm>>) dst(%arg8 : memref<1x128xi32, #tpu.memory_space<vmem>>)
        tpu.yield
      }) : () -> ()
      %mul3A_77 = arith.constant 331776 : i32
      %mul3A_78 = arith.muli %arg0, %mul3A_77 : i32
      %add3A_79 = arith.addi %mul3A_73, %mul3A_78 : i32
      "tpu.region"() ({
        %run_scoped3A_92 = tpu.sem_alloc : memref<!tpu.dma_semaphore, #tpu.memory_space<semaphore_mem>>
        %dma_start3A_93 = tpu.memref_slice %arg5[%add3A_79] : memref<663552xf32, #tpu.memory_space<hbm>> -> memref<128xf32, #tpu.memory_space<hbm>>
        %dma_start3A_94 = tpu.memref_slice %arg5[%add3A_79] : memref<663552xf32, #tpu.memory_space<hbm>> -> memref<128xf32, #tpu.memory_space<hbm>>
        tpu.enqueue_dma source(%dma_start3A_94 : memref<128xf32, #tpu.memory_space<hbm>>) target(%arg10 : memref<128xf32, #tpu.memory_space<vmem>>) target_semaphore(%run_scoped3A_92 : memref<!tpu.dma_semaphore, #tpu.memory_space<semaphore_mem>>)
        %dma_wait3A_95 = tpu.memref_slice %arg5[%add3A_79] : memref<663552xf32, #tpu.memory_space<hbm>> -> memref<128xf32, #tpu.memory_space<hbm>>
        %dma_wait3A_96 = tpu.memref_slice %arg5[%add3A_79] : memref<663552xf32, #tpu.memory_space<hbm>> -> memref<128xf32, #tpu.memory_space<hbm>>
        tpu.wait_dma2 semaphore(%run_scoped3A_92 : memref<!tpu.dma_semaphore, #tpu.memory_space<semaphore_mem>>) src(%dma_wait3A_96 : memref<128xf32, #tpu.memory_space<hbm>>) dst(%arg10 : memref<128xf32, #tpu.memory_space<vmem>>)
        tpu.yield
      }) : () -> ()
      %dma_start3A = arith.constant 0 : i32
      %dma_start3A_80 = arith.constant 0 : i32
      %dma_start3A_81 = tpu.memref_slice %arg2[%dma_start3A, %dma_start3A_80] : memref<20480x128xf32, #tpu.memory_space<hbm>> -> memref<20480x128xf32, #tpu.memory_space<hbm>>
      tpu.enqueue_indirect_dma source(%dma_start3A_81 : memref<20480x128xf32, #tpu.memory_space<hbm>>) target(%arg7 : memref<128x128xf32, #tpu.memory_space<vmem>>) offsets(%arg9 : memref<128xi32, #tpu.memory_space<vmem>>) semaphore(%arg12 : memref<!tpu.dma_semaphore, #tpu.memory_space<semaphore_mem>>)
      %dma_wait3A = arith.constant 0 : i32
      %dma_wait3A_82 = arith.constant 0 : i32
      %dma_wait3A_83 = tpu.memref_slice %arg2[%dma_wait3A, %dma_wait3A_82] : memref<20480x128xf32, #tpu.memory_space<hbm>> -> memref<20480x128xf32, #tpu.memory_space<hbm>>
      tpu.wait_indirect_dma semaphore(%arg12 : memref<!tpu.dma_semaphore, #tpu.memory_space<semaphore_mem>>) src(%dma_wait3A_83 : memref<20480x128xf32, #tpu.memory_space<hbm>>) dst(%arg7 : memref<128x128xf32, #tpu.memory_space<vmem>>)
      %scan3A_84 = arith.constant 0 : i32
      %scan3A_85 = arith.constant 0 : i32
      %scan3A_86 = arith.constant 8 : i32
      %scan3A_87 = arith.addi %scan3A_85, %scan3A_86 : i32
      %scan3A_88 = arith.constant 1 : i32
      %scan3A_89 = scf.for %scan3A_92 = %scan3A_85 to %scan3A_87 step %scan3A_88 iter_args(%scan3A_93 = %scan3A_84) -> (i32)  : i32 {
        %mul3A_94 = arith.constant 16 : i32
        %mul3A_95 = arith.muli %scan3A_92, %mul3A_94 : i32
        %add3A_96 = arith.constant 0 : i32
        %add3A_97 = arith.addi %mul3A_95, %add3A_96 : i32
        %broadcast_in_dim3A = vector.broadcast %add3A_97 : i32 to vector<16xi32>
        %gather3A = tpu.vector_load_idx %arg10[%broadcast_in_dim3A] : memref<128xf32, #tpu.memory_space<vmem>>[vector<16xi32>], vector<16xf32>,
        %add3A_98 = arith.constant 0 : i32
        %add3A_99 = arith.addi %mul3A_95, %add3A_98 : i32
        %get3A = arith.index_cast %add3A_99 : i32 to index
        %get3A_100 = arith.constant 0 : index
        %get3A_101 = tpu.vector_load %arg7[%get3A, %get3A_100] {strides = array<i32>} : memref<128x128xf32, #tpu.memory_space<vmem>>, vector<16xf32>,
        %mul3A_102 = arith.mulf %get3A_101, %gather3A : vector<16xf32>
        %swap3A = arith.index_cast %add3A_99 : i32 to index
        %swap3A_103 = arith.constant 0 : index
        %swap3A_104 = tpu.vector_load %arg7[%swap3A, %swap3A_103] {strides = array<i32>} : memref<128x128xf32, #tpu.memory_space<vmem>>, vector<16xf32>,
        tpu.vector_store %arg7[%swap3A, %swap3A_103], %mul3A_102 {strides = array<i32>} : memref<128x128xf32, #tpu.memory_space<vmem>>, vector<16xf32>,
        %get3A_105 = arith.index_cast %add3A_99 : i32 to index
        %get3A_106 = arith.constant 16 : index
        %get3A_107 = tpu.vector_load %arg7[%get3A_105, %get3A_106] {strides = array<i32>} : memref<128x128xf32, #tpu.memory_space<vmem>>, vector<16xf32>,
        %mul3A_108 = arith.mulf %get3A_107, %gather3A : vector<16xf32>
        %swap3A_109 = arith.index_cast %add3A_99 : i32 to index
        %swap3A_110 = arith.constant 16 : index
        %swap3A_111 = tpu.vector_load %arg7[%swap3A_109, %swap3A_110] {strides = array<i32>} : memref<128x128xf32, #tpu.memory_space<vmem>>, vector<16xf32>,
        tpu.vector_store %arg7[%swap3A_109, %swap3A_110], %mul3A_108 {strides = array<i32>} : memref<128x128xf32, #tpu.memory_space<vmem>>, vector<16xf32>,
        %get3A_112 = arith.index_cast %add3A_99 : i32 to index
        %get3A_113 = arith.constant 32 : index
        %get3A_114 = tpu.vector_load %arg7[%get3A_112, %get3A_113] {strides = array<i32>} : memref<128x128xf32, #tpu.memory_space<vmem>>, vector<16xf32>,
        %mul3A_115 = arith.mulf %get3A_114, %gather3A : vector<16xf32>
        %swap3A_116 = arith.index_cast %add3A_99 : i32 to index
        %swap3A_117 = arith.constant 32 : index
        %swap3A_118 = tpu.vector_load %arg7[%swap3A_116, %swap3A_117] {strides = array<i32>} : memref<128x128xf32, #tpu.memory_space<vmem>>, vector<16xf32>,
        tpu.vector_store %arg7[%swap3A_116, %swap3A_117], %mul3A_115 {strides = array<i32>} : memref<128x128xf32, #tpu.memory_space<vmem>>, vector<16xf32>,
        %get3A_119 = arith.index_cast %add3A_99 : i32 to index
        %get3A_120 = arith.constant 48 : index
        %get3A_121 = tpu.vector_load %arg7[%get3A_119, %get3A_120] {strides = array<i32>} : memref<128x128xf32, #tpu.memory_space<vmem>>, vector<16xf32>,
        %mul3A_122 = arith.mulf %get3A_121, %gather3A : vector<16xf32>
        %swap3A_123 = arith.index_cast %add3A_99 : i32 to index
        %swap3A_124 = arith.constant 48 : index
        %swap3A_125 = tpu.vector_load %arg7[%swap3A_123, %swap3A_124] {strides = array<i32>} : memref<128x128xf32, #tpu.memory_space<vmem>>, vector<16xf32>,
        tpu.vector_store %arg7[%swap3A_123, %swap3A_124], %mul3A_122 {strides = array<i32>} : memref<128x128xf32, #tpu.memory_space<vmem>>, vector<16xf32>,
        %get3A_126 = arith.index_cast %add3A_99 : i32 to index
        %get3A_127 = arith.constant 64 : index
        %get3A_128 = tpu.vector_load %arg7[%get3A_126, %get3A_127] {strides = array<i32>} : memref<128x128xf32, #tpu.memory_space<vmem>>, vector<16xf32>,
        %mul3A_129 = arith.mulf %get3A_128, %gather3A : vector<16xf32>
        %swap3A_130 = arith.index_cast %add3A_99 : i32 to index
        %swap3A_131 = arith.constant 64 : index
        %swap3A_132 = tpu.vector_load %arg7[%swap3A_130, %swap3A_131] {strides = array<i32>} : memref<128x128xf32, #tpu.memory_space<vmem>>, vector<16xf32>,
        tpu.vector_store %arg7[%swap3A_130, %swap3A_131], %mul3A_129 {strides = array<i32>} : memref<128x128xf32, #tpu.memory_space<vmem>>, vector<16xf32>,
        %get3A_133 = arith.index_cast %add3A_99 : i32 to index
        %get3A_134 = arith.constant 80 : index
        %get3A_135 = tpu.vector_load %arg7[%get3A_133, %get3A_134] {strides = array<i32>} : memref<128x128xf32, #tpu.memory_space<vmem>>, vector<16xf32>,
        %mul3A_136 = arith.mulf %get3A_135, %gather3A : vector<16xf32>
        %swap3A_137 = arith.index_cast %add3A_99 : i32 to index
        %swap3A_138 = arith.constant 80 : index
        %swap3A_139 = tpu.vector_load %arg7[%swap3A_137, %swap3A_138] {strides = array<i32>} : memref<128x128xf32, #tpu.memory_space<vmem>>, vector<16xf32>,
        tpu.vector_store %arg7[%swap3A_137, %swap3A_138], %mul3A_136 {strides = array<i32>} : memref<128x128xf32, #tpu.memory_space<vmem>>, vector<16xf32>,
        %get3A_140 = arith.index_cast %add3A_99 : i32 to index
        %get3A_141 = arith.constant 96 : index
        %get3A_142 = tpu.vector_load %arg7[%get3A_140, %get3A_141] {strides = array<i32>} : memref<128x128xf32, #tpu.memory_space<vmem>>, vector<16xf32>,
        %mul3A_143 = arith.mulf %get3A_142, %gather3A : vector<16xf32>
        %swap3A_144 = arith.index_cast %add3A_99 : i32 to index
        %swap3A_145 = arith.constant 96 : index
        %swap3A_146 = tpu.vector_load %arg7[%swap3A_144, %swap3A_145] {strides = array<i32>} : memref<128x128xf32, #tpu.memory_space<vmem>>, vector<16xf32>,
        tpu.vector_store %arg7[%swap3A_144, %swap3A_145], %mul3A_143 {strides = array<i32>} : memref<128x128xf32, #tpu.memory_space<vmem>>, vector<16xf32>,
        %get3A_147 = arith.index_cast %add3A_99 : i32 to index
        %get3A_148 = arith.constant 112 : index
        %get3A_149 = tpu.vector_load %arg7[%get3A_147, %get3A_148] {strides = array<i32>} : memref<128x128xf32, #tpu.memory_space<vmem>>, vector<16xf32>,
        %mul3A_150 = arith.mulf %get3A_149, %gather3A : vector<16xf32>
        %swap3A_151 = arith.index_cast %add3A_99 : i32 to index
        %swap3A_152 = arith.constant 112 : index
        %swap3A_153 = tpu.vector_load %arg7[%swap3A_151, %swap3A_152] {strides = array<i32>} : memref<128x128xf32, #tpu.memory_space<vmem>>, vector<16xf32>,
        tpu.vector_store %arg7[%swap3A_151, %swap3A_152], %mul3A_150 {strides = array<i32>} : memref<128x128xf32, #tpu.memory_space<vmem>>, vector<16xf32>,
        %add3A_154 = arith.constant 1 : i32
        %add3A_155 = arith.addi %mul3A_95, %add3A_154 : i32
        %broadcast_in_dim3A_156 = vector.broadcast %add3A_155 : i32 to vector<16xi32>
        %gather3A_157 = tpu.vector_load_idx %arg10[%broadcast_in_dim3A_156] : memref<128xf32, #tpu.memory_space<vmem>>[vector<16xi32>], vector<16xf32>,
        %add3A_158 = arith.constant 1 : i32
        %add3A_159 = arith.addi %mul3A_95, %add3A_158 : i32
        %get3A_160 = arith.index_cast %add3A_159 : i32 to index
        %get3A_161 = arith.constant 0 : index
        %get3A_162 = tpu.vector_load %arg7[%get3A_160, %get3A_161] {strides = array<i32>} : memref<128x128xf32, #tpu.memory_space<vmem>>, vector<16xf32>,
        %mul3A_163 = arith.mulf %get3A_162, %gather3A_157 : vector<16xf32>
        %swap3A_164 = arith.index_cast %add3A_159 : i32 to index
        %swap3A_165 = arith.constant 0 : index
        %swap3A_166 = tpu.vector_load %arg7[%swap3A_164, %swap3A_165] {strides = array<i32>} : memref<128x128xf32, #tpu.memory_space<vmem>>, vector<16xf32>,
        tpu.vector_store %arg7[%swap3A_164, %swap3A_165], %mul3A_163 {strides = array<i32>} : memref<128x128xf32, #tpu.memory_space<vmem>>, vector<16xf32>,
        %get3A_167 = arith.index_cast %add3A_159 : i32 to index
        %get3A_168 = arith.constant 16 : index
        %get3A_169 = tpu.vector_load %arg7[%get3A_167, %get3A_168] {strides = array<i32>} : memref<128x128xf32, #tpu.memory_space<vmem>>, vector<16xf32>,
        %mul3A_170 = arith.mulf %get3A_169, %gather3A_157 : vector<16xf32>
        %swap3A_171 = arith.index_cast %add3A_159 : i32 to index
        %swap3A_172 = arith.constant 16 : index
        %swap3A_173 = tpu.vector_load %arg7[%swap3A_171, %swap3A_172] {strides = array<i32>} : memref<128x128xf32, #tpu.memory_space<vmem>>, vector<16xf32>,
        tpu.vector_store %arg7[%swap3A_171, %swap3A_172], %mul3A_170 {strides = array<i32>} : memref<128x128xf32, #tpu.memory_space<vmem>>, vector<16xf32>,
        %get3A_174 = arith.index_cast %add3A_159 : i32 to index
        %get3A_175 = arith.constant 32 : index
        %get3A_176 = tpu.vector_load %arg7[%get3A_174, %get3A_175] {strides = array<i32>} : memref<128x128xf32, #tpu.memory_space<vmem>>, vector<16xf32>,
        %mul3A_177 = arith.mulf %get3A_176, %gather3A_157 : vector<16xf32>
        %swap3A_178 = arith.index_cast %add3A_159 : i32 to index
        %swap3A_179 = arith.constant 32 : index
        %swap3A_180 = tpu.vector_load %arg7[%swap3A_178, %swap3A_179] {strides = array<i32>} : memref<128x128xf32, #tpu.memory_space<vmem>>, vector<16xf32>,
        tpu.vector_store %arg7[%swap3A_178, %swap3A_179], %mul3A_177 {strides = array<i32>} : memref<128x128xf32, #tpu.memory_space<vmem>>, vector<16xf32>,
        %get3A_181 = arith.index_cast %add3A_159 : i32 to index
        %get3A_182 = arith.constant 48 : index
        %get3A_183 = tpu.vector_load %arg7[%get3A_181, %get3A_182] {strides = array<i32>} : memref<128x128xf32, #tpu.memory_space<vmem>>, vector<16xf32>,
        %mul3A_184 = arith.mulf %get3A_183, %gather3A_157 : vector<16xf32>
        %swap3A_185 = arith.index_cast %add3A_159 : i32 to index
        %swap3A_186 = arith.constant 48 : index
        %swap3A_187 = tpu.vector_load %arg7[%swap3A_185, %swap3A_186] {strides = array<i32>} : memref<128x128xf32, #tpu.memory_space<vmem>>, vector<16xf32>,
        tpu.vector_store %arg7[%swap3A_185, %swap3A_186], %mul3A_184 {strides = array<i32>} : memref<128x128xf32, #tpu.memory_space<vmem>>, vector<16xf32>,
        %get3A_188 = arith.index_cast %add3A_159 : i32 to index
        %get3A_189 = arith.constant 64 : index
        %get3A_190 = tpu.vector_load %arg7[%get3A_188, %get3A_189] {strides = array<i32>} : memref<128x128xf32, #tpu.memory_space<vmem>>, vector<16xf32>,
        %mul3A_191 = arith.mulf %get3A_190, %gather3A_157 : vector<16xf32>
        %swap3A_192 = arith.index_cast %add3A_159 : i32 to index
        %swap3A_193 = arith.constant 64 : index
        %swap3A_194 = tpu.vector_load %arg7[%swap3A_192, %swap3A_193] {strides = array<i32>} : memref<128x128xf32, #tpu.memory_space<vmem>>, vector<16xf32>,
        tpu.vector_store %arg7[%swap3A_192, %swap3A_193], %mul3A_191 {strides = array<i32>} : memref<128x128xf32, #tpu.memory_space<vmem>>, vector<16xf32>,
        %get3A_195 = arith.index_cast %add3A_159 : i32 to index
        %get3A_196 = arith.constant 80 : index
        %get3A_197 = tpu.vector_load %arg7[%get3A_195, %get3A_196] {strides = array<i32>} : memref<128x128xf32, #tpu.memory_space<vmem>>, vector<16xf32>,
        %mul3A_198 = arith.mulf %get3A_197, %gather3A_157 : vector<16xf32>
        %swap3A_199 = arith.index_cast %add3A_159 : i32 to index
        %swap3A_200 = arith.constant 80 : index
        %swap3A_201 = tpu.vector_load %arg7[%swap3A_199, %swap3A_200] {strides = array<i32>} : memref<128x128xf32, #tpu.memory_space<vmem>>, vector<16xf32>,
        tpu.vector_store %arg7[%swap3A_199, %swap3A_200], %mul3A_198 {strides = array<i32>} : memref<128x128xf32, #tpu.memory_space<vmem>>, vector<16xf32>,
        %get3A_202 = arith.index_cast %add3A_159 : i32 to index
        %get3A_203 = arith.constant 96 : index
        %get3A_204 = tpu.vector_load %arg7[%get3A_202, %get3A_203] {strides = array<i32>} : memref<128x128xf32, #tpu.memory_space<vmem>>, vector<16xf32>,
        %mul3A_205 = arith.mulf %get3A_204, %gather3A_157 : vector<16xf32>
        %swap3A_206 = arith.index_cast %add3A_159 : i32 to index
        %swap3A_207 = arith.constant 96 : index
        %swap3A_208 = tpu.vector_load %arg7[%swap3A_206, %swap3A_207] {strides = array<i32>} : memref<128x128xf32, #tpu.memory_space<vmem>>, vector<16xf32>,
        tpu.vector_store %arg7[%swap3A_206, %swap3A_207], %mul3A_205 {strides = array<i32>} : memref<128x128xf32, #tpu.memory_space<vmem>>, vector<16xf32>,
        %get3A_209 = arith.index_cast %add3A_159 : i32 to index
        %get3A_210 = arith.constant 112 : index
        %get3A_211 = tpu.vector_load %arg7[%get3A_209, %get3A_210] {strides = array<i32>} : memref<128x128xf32, #tpu.memory_space<vmem>>, vector<16xf32>,
        %mul3A_212 = arith.mulf %get3A_211, %gather3A_157 : vector<16xf32>
        %swap3A_213 = arith.index_cast %add3A_159 : i32 to index
        %swap3A_214 = arith.constant 112 : index
        %swap3A_215 = tpu.vector_load %arg7[%swap3A_213, %swap3A_214] {strides = array<i32>} : memref<128x128xf32, #tpu.memory_space<vmem>>, vector<16xf32>,
        tpu.vector_store %arg7[%swap3A_213, %swap3A_214], %mul3A_212 {strides = array<i32>} : memref<128x128xf32, #tpu.memory_space<vmem>>, vector<16xf32>,
        %add3A_216 = arith.constant 2 : i32
        %add3A_217 = arith.addi %mul3A_95, %add3A_216 : i32
        %broadcast_in_dim3A_218 = vector.broadcast %add3A_217 : i32 to vector<16xi32>
        %gather3A_219 = tpu.vector_load_idx %arg10[%broadcast_in_dim3A_218] : memref<128xf32, #tpu.memory_space<vmem>>[vector<16xi32>], vector<16xf32>,
        %add3A_220 = arith.constant 2 : i32
        %add3A_221 = arith.addi %mul3A_95, %add3A_220 : i32
        %get3A_222 = arith.index_cast %add3A_221 : i32 to index
        %get3A_223 = arith.constant 0 : index
        %get3A_224 = tpu.vector_load %arg7[%get3A_222, %get3A_223] {strides = array<i32>} : memref<128x128xf32, #tpu.memory_space<vmem>>, vector<16xf32>,
        %mul3A_225 = arith.mulf %get3A_224, %gather3A_219 : vector<16xf32>
        %swap3A_226 = arith.index_cast %add3A_221 : i32 to index
        %swap3A_227 = arith.constant 0 : index
        %swap3A_228 = tpu.vector_load %arg7[%swap3A_226, %swap3A_227] {strides = array<i32>} : memref<128x128xf32, #tpu.memory_space<vmem>>, vector<16xf32>,
        tpu.vector_store %arg7[%swap3A_226, %swap3A_227], %mul3A_225 {strides = array<i32>} : memref<128x128xf32, #tpu.memory_space<vmem>>, vector<16xf32>,
        %get3A_229 = arith.index_cast %add3A_221 : i32 to index
        %get3A_230 = arith.constant 16 : index
        %get3A_231 = tpu.vector_load %arg7[%get3A_229, %get3A_230] {strides = array<i32>} : memref<128x128xf32, #tpu.memory_space<vmem>>, vector<16xf32>,
        %mul3A_232 = arith.mulf %get3A_231, %gather3A_219 : vector<16xf32>
        %swap3A_233 = arith.index_cast %add3A_221 : i32 to index
        %swap3A_234 = arith.constant 16 : index
        %swap3A_235 = tpu.vector_load %arg7[%swap3A_233, %swap3A_234] {strides = array<i32>} : memref<128x128xf32, #tpu.memory_space<vmem>>, vector<16xf32>,
        tpu.vector_store %arg7[%swap3A_233, %swap3A_234], %mul3A_232 {strides = array<i32>} : memref<128x128xf32, #tpu.memory_space<vmem>>, vector<16xf32>,
        %get3A_236 = arith.index_cast %add3A_221 : i32 to index
        %get3A_237 = arith.constant 32 : index
        %get3A_238 = tpu.vector_load %arg7[%get3A_236, %get3A_237] {strides = array<i32>} : memref<128x128xf32, #tpu.memory_space<vmem>>, vector<16xf32>,
        %mul3A_239 = arith.mulf %get3A_238, %gather3A_219 : vector<16xf32>
        %swap3A_240 = arith.index_cast %add3A_221 : i32 to index
        %swap3A_241 = arith.constant 32 : index
        %swap3A_242 = tpu.vector_load %arg7[%swap3A_240, %swap3A_241] {strides = array<i32>} : memref<128x128xf32, #tpu.memory_space<vmem>>, vector<16xf32>,
        tpu.vector_store %arg7[%swap3A_240, %swap3A_241], %mul3A_239 {strides = array<i32>} : memref<128x128xf32, #tpu.memory_space<vmem>>, vector<16xf32>,
        %get3A_243 = arith.index_cast %add3A_221 : i32 to index
        %get3A_244 = arith.constant 48 : index
        %get3A_245 = tpu.vector_load %arg7[%get3A_243, %get3A_244] {strides = array<i32>} : memref<128x128xf32, #tpu.memory_space<vmem>>, vector<16xf32>,
        %mul3A_246 = arith.mulf %get3A_245, %gather3A_219 : vector<16xf32>
        %swap3A_247 = arith.index_cast %add3A_221 : i32 to index
        %swap3A_248 = arith.constant 48 : index
        %swap3A_249 = tpu.vector_load %arg7[%swap3A_247, %swap3A_248] {strides = array<i32>} : memref<128x128xf32, #tpu.memory_space<vmem>>, vector<16xf32>,
        tpu.vector_store %arg7[%swap3A_247, %swap3A_248], %mul3A_246 {strides = array<i32>} : memref<128x128xf32, #tpu.memory_space<vmem>>, vector<16xf32>,
        %get3A_250 = arith.index_cast %add3A_221 : i32 to index
        %get3A_251 = arith.constant 64 : index
        %get3A_252 = tpu.vector_load %arg7[%get3A_250, %get3A_251] {strides = array<i32>} : memref<128x128xf32, #tpu.memory_space<vmem>>, vector<16xf32>,
        %mul3A_253 = arith.mulf %get3A_252, %gather3A_219 : vector<16xf32>
        %swap3A_254 = arith.index_cast %add3A_221 : i32 to index
        %swap3A_255 = arith.constant 64 : index
        %swap3A_256 = tpu.vector_load %arg7[%swap3A_254, %swap3A_255] {strides = array<i32>} : memref<128x128xf32, #tpu.memory_space<vmem>>, vector<16xf32>,
        tpu.vector_store %arg7[%swap3A_254, %swap3A_255], %mul3A_253 {strides = array<i32>} : memref<128x128xf32, #tpu.memory_space<vmem>>, vector<16xf32>,
        %get3A_257 = arith.index_cast %add3A_221 : i32 to index
        %get3A_258 = arith.constant 80 : index
        %get3A_259 = tpu.vector_load %arg7[%get3A_257, %get3A_258] {strides = array<i32>} : memref<128x128xf32, #tpu.memory_space<vmem>>, vector<16xf32>,
        %mul3A_260 = arith.mulf %get3A_259, %gather3A_219 : vector<16xf32>
        %swap3A_261 = arith.index_cast %add3A_221 : i32 to index
        %swap3A_262 = arith.constant 80 : index
        %swap3A_263 = tpu.vector_load %arg7[%swap3A_261, %swap3A_262] {strides = array<i32>} : memref<128x128xf32, #tpu.memory_space<vmem>>, vector<16xf32>,
        tpu.vector_store %arg7[%swap3A_261, %swap3A_262], %mul3A_260 {strides = array<i32>} : memref<128x128xf32, #tpu.memory_space<vmem>>, vector<16xf32>,
        %get3A_264 = arith.index_cast %add3A_221 : i32 to index
        %get3A_265 = arith.constant 96 : index
        %get3A_266 = tpu.vector_load %arg7[%get3A_264, %get3A_265] {strides = array<i32>} : memref<128x128xf32, #tpu.memory_space<vmem>>, vector<16xf32>,
        %mul3A_267 = arith.mulf %get3A_266, %gather3A_219 : vector<16xf32>
        %swap3A_268 = arith.index_cast %add3A_221 : i32 to index
        %swap3A_269 = arith.constant 96 : index
        %swap3A_270 = tpu.vector_load %arg7[%swap3A_268, %swap3A_269] {strides = array<i32>} : memref<128x128xf32, #tpu.memory_space<vmem>>, vector<16xf32>,
        tpu.vector_store %arg7[%swap3A_268, %swap3A_269], %mul3A_267 {strides = array<i32>} : memref<128x128xf32, #tpu.memory_space<vmem>>, vector<16xf32>,
        %get3A_271 = arith.index_cast %add3A_221 : i32 to index
        %get3A_272 = arith.constant 112 : index
        %get3A_273 = tpu.vector_load %arg7[%get3A_271, %get3A_272] {strides = array<i32>} : memref<128x128xf32, #tpu.memory_space<vmem>>, vector<16xf32>,
        %mul3A_274 = arith.mulf %get3A_273, %gather3A_219 : vector<16xf32>
        %swap3A_275 = arith.index_cast %add3A_221 : i32 to index
        %swap3A_276 = arith.constant 112 : index
        %swap3A_277 = tpu.vector_load %arg7[%swap3A_275, %swap3A_276] {strides = array<i32>} : memref<128x128xf32, #tpu.memory_space<vmem>>, vector<16xf32>,
        tpu.vector_store %arg7[%swap3A_275, %swap3A_276], %mul3A_274 {strides = array<i32>} : memref<128x128xf32, #tpu.memory_space<vmem>>, vector<16xf32>,
        %add3A_278 = arith.constant 3 : i32
        %add3A_279 = arith.addi %mul3A_95, %add3A_278 : i32
        %broadcast_in_dim3A_280 = vector.broadcast %add3A_279 : i32 to vector<16xi32>
        %gather3A_281 = tpu.vector_load_idx %arg10[%broadcast_in_dim3A_280] : memref<128xf32, #tpu.memory_space<vmem>>[vector<16xi32>], vector<16xf32>,
        %add3A_282 = arith.constant 3 : i32
        %add3A_283 = arith.addi %mul3A_95, %add3A_282 : i32
        %get3A_284 = arith.index_cast %add3A_283 : i32 to index
        %get3A_285 = arith.constant 0 : index
        %get3A_286 = tpu.vector_load %arg7[%get3A_284, %get3A_285] {strides = array<i32>} : memref<128x128xf32, #tpu.memory_space<vmem>>, vector<16xf32>,
        %mul3A_287 = arith.mulf %get3A_286, %gather3A_281 : vector<16xf32>
        %swap3A_288 = arith.index_cast %add3A_283 : i32 to index
        %swap3A_289 = arith.constant 0 : index
        %swap3A_290 = tpu.vector_load %arg7[%swap3A_288, %swap3A_289] {strides = array<i32>} : memref<128x128xf32, #tpu.memory_space<vmem>>, vector<16xf32>,
        tpu.vector_store %arg7[%swap3A_288, %swap3A_289], %mul3A_287 {strides = array<i32>} : memref<128x128xf32, #tpu.memory_space<vmem>>, vector<16xf32>,
        %get3A_291 = arith.index_cast %add3A_283 : i32 to index
        %get3A_292 = arith.constant 16 : index
        %get3A_293 = tpu.vector_load %arg7[%get3A_291, %get3A_292] {strides = array<i32>} : memref<128x128xf32, #tpu.memory_space<vmem>>, vector<16xf32>,
        %mul3A_294 = arith.mulf %get3A_293, %gather3A_281 : vector<16xf32>
        %swap3A_295 = arith.index_cast %add3A_283 : i32 to index
        %swap3A_296 = arith.constant 16 : index
        %swap3A_297 = tpu.vector_load %arg7[%swap3A_295, %swap3A_296] {strides = array<i32>} : memref<128x128xf32, #tpu.memory_space<vmem>>, vector<16xf32>,
        tpu.vector_store %arg7[%swap3A_295, %swap3A_296], %mul3A_294 {strides = array<i32>} : memref<128x128xf32, #tpu.memory_space<vmem>>, vector<16xf32>,
        %get3A_298 = arith.index_cast %add3A_283 : i32 to index
        %get3A_299 = arith.constant 32 : index
        %get3A_300 = tpu.vector_load %arg7[%get3A_298, %get3A_299] {strides = array<i32>} : memref<128x128xf32, #tpu.memory_space<vmem>>, vector<16xf32>,
        %mul3A_301 = arith.mulf %get3A_300, %gather3A_281 : vector<16xf32>
        %swap3A_302 = arith.index_cast %add3A_283 : i32 to index
        %swap3A_303 = arith.constant 32 : index
        %swap3A_304 = tpu.vector_load %arg7[%swap3A_302, %swap3A_303] {strides = array<i32>} : memref<128x128xf32, #tpu.memory_space<vmem>>, vector<16xf32>,
        tpu.vector_store %arg7[%swap3A_302, %swap3A_303], %mul3A_301 {strides = array<i32>} : memref<128x128xf32, #tpu.memory_space<vmem>>, vector<16xf32>,
        %get3A_305 = arith.index_cast %add3A_283 : i32 to index
        %get3A_306 = arith.constant 48 : index
        %get3A_307 = tpu.vector_load %arg7[%get3A_305, %get3A_306] {strides = array<i32>} : memref<128x128xf32, #tpu.memory_space<vmem>>, vector<16xf32>,
        %mul3A_308 = arith.mulf %get3A_307, %gather3A_281 : vector<16xf32>
        %swap3A_309 = arith.index_cast %add3A_283 : i32 to index
        %swap3A_310 = arith.constant 48 : index
        %swap3A_311 = tpu.vector_load %arg7[%swap3A_309, %swap3A_310] {strides = array<i32>} : memref<128x128xf32, #tpu.memory_space<vmem>>, vector<16xf32>,
        tpu.vector_store %arg7[%swap3A_309, %swap3A_310], %mul3A_308 {strides = array<i32>} : memref<128x128xf32, #tpu.memory_space<vmem>>, vector<16xf32>,
        %get3A_312 = arith.index_cast %add3A_283 : i32 to index
        %get3A_313 = arith.constant 64 : index
        %get3A_314 = tpu.vector_load %arg7[%get3A_312, %get3A_313] {strides = array<i32>} : memref<128x128xf32, #tpu.memory_space<vmem>>, vector<16xf32>,
        %mul3A_315 = arith.mulf %get3A_314, %gather3A_281 : vector<16xf32>
        %swap3A_316 = arith.index_cast %add3A_283 : i32 to index
        %swap3A_317 = arith.constant 64 : index
        %swap3A_318 = tpu.vector_load %arg7[%swap3A_316, %swap3A_317] {strides = array<i32>} : memref<128x128xf32, #tpu.memory_space<vmem>>, vector<16xf32>,
        tpu.vector_store %arg7[%swap3A_316, %swap3A_317], %mul3A_315 {strides = array<i32>} : memref<128x128xf32, #tpu.memory_space<vmem>>, vector<16xf32>,
        %get3A_319 = arith.index_cast %add3A_283 : i32 to index
        %get3A_320 = arith.constant 80 : index
        %get3A_321 = tpu.vector_load %arg7[%get3A_319, %get3A_320] {strides = array<i32>} : memref<128x128xf32, #tpu.memory_space<vmem>>, vector<16xf32>,
        %mul3A_322 = arith.mulf %get3A_321, %gather3A_281 : vector<16xf32>
        %swap3A_323 = arith.index_cast %add3A_283 : i32 to index
        %swap3A_324 = arith.constant 80 : index
        %swap3A_325 = tpu.vector_load %arg7[%swap3A_323, %swap3A_324] {strides = array<i32>} : memref<128x128xf32, #tpu.memory_space<vmem>>, vector<16xf32>,
        tpu.vector_store %arg7[%swap3A_323, %swap3A_324], %mul3A_322 {strides = array<i32>} : memref<128x128xf32, #tpu.memory_space<vmem>>, vector<16xf32>,
        %get3A_326 = arith.index_cast %add3A_283 : i32 to index
        %get3A_327 = arith.constant 96 : index
        %get3A_328 = tpu.vector_load %arg7[%get3A_326, %get3A_327] {strides = array<i32>} : memref<128x128xf32, #tpu.memory_space<vmem>>, vector<16xf32>,
        %mul3A_329 = arith.mulf %get3A_328, %gather3A_281 : vector<16xf32>
        %swap3A_330 = arith.index_cast %add3A_283 : i32 to index
        %swap3A_331 = arith.constant 96 : index
        %swap3A_332 = tpu.vector_load %arg7[%swap3A_330, %swap3A_331] {strides = array<i32>} : memref<128x128xf32, #tpu.memory_space<vmem>>, vector<16xf32>,
        tpu.vector_store %arg7[%swap3A_330, %swap3A_331], %mul3A_329 {strides = array<i32>} : memref<128x128xf32, #tpu.memory_space<vmem>>, vector<16xf32>,
        %get3A_333 = arith.index_cast %add3A_283 : i32 to index
        %get3A_334 = arith.constant 112 : index
        %get3A_335 = tpu.vector_load %arg7[%get3A_333, %get3A_334] {strides = array<i32>} : memref<128x128xf32, #tpu.memory_space<vmem>>, vector<16xf32>,
        %mul3A_336 = arith.mulf %get3A_335, %gather3A_281 : vector<16xf32>
        %swap3A_337 = arith.index_cast %add3A_283 : i32 to index
        %swap3A_338 = arith.constant 112 : index
        %swap3A_339 = tpu.vector_load %arg7[%swap3A_337, %swap3A_338] {strides = array<i32>} : memref<128x128xf32, #tpu.memory_space<vmem>>, vector<16xf32>,
        tpu.vector_store %arg7[%swap3A_337, %swap3A_338], %mul3A_336 {strides = array<i32>} : memref<128x128xf32, #tpu.memory_space<vmem>>, vector<16xf32>,
        %add3A_340 = arith.constant 4 : i32
        %add3A_341 = arith.addi %mul3A_95, %add3A_340 : i32
        %broadcast_in_dim3A_342 = vector.broadcast %add3A_341 : i32 to vector<16xi32>
        %gather3A_343 = tpu.vector_load_idx %arg10[%broadcast_in_dim3A_342] : memref<128xf32, #tpu.memory_space<vmem>>[vector<16xi32>], vector<16xf32>,
        %add3A_344 = arith.constant 4 : i32
        %add3A_345 = arith.addi %mul3A_95, %add3A_344 : i32
        %get3A_346 = arith.index_cast %add3A_345 : i32 to index
        %get3A_347 = arith.constant 0 : index
        %get3A_348 = tpu.vector_load %arg7[%get3A_346, %get3A_347] {strides = array<i32>} : memref<128x128xf32, #tpu.memory_space<vmem>>, vector<16xf32>,
        %mul3A_349 = arith.mulf %get3A_348, %gather3A_343 : vector<16xf32>
        %swap3A_350 = arith.index_cast %add3A_345 : i32 to index
        %swap3A_351 = arith.constant 0 : index
        %swap3A_352 = tpu.vector_load %arg7[%swap3A_350, %swap3A_351] {strides = array<i32>} : memref<128x128xf32, #tpu.memory_space<vmem>>, vector<16xf32>,
        tpu.vector_store %arg7[%swap3A_350, %swap3A_351], %mul3A_349 {strides = array<i32>} : memref<128x128xf32, #tpu.memory_space<vmem>>, vector<16xf32>,
        %get3A_353 = arith.index_cast %add3A_345 : i32 to index
        %get3A_354 = arith.constant 16 : index
        %get3A_355 = tpu.vector_load %arg7[%get3A_353, %get3A_354] {strides = array<i32>} : memref<128x128xf32, #tpu.memory_space<vmem>>, vector<16xf32>,
        %mul3A_356 = arith.mulf %get3A_355, %gather3A_343 : vector<16xf32>
        %swap3A_357 = arith.index_cast %add3A_345 : i32 to index
        %swap3A_358 = arith.constant 16 : index
        %swap3A_359 = tpu.vector_load %arg7[%swap3A_357, %swap3A_358] {strides = array<i32>} : memref<128x128xf32, #tpu.memory_space<vmem>>, vector<16xf32>,
        tpu.vector_store %arg7[%swap3A_357, %swap3A_358], %mul3A_356 {strides = array<i32>} : memref<128x128xf32, #tpu.memory_space<vmem>>, vector<16xf32>,
        %get3A_360 = arith.index_cast %add3A_345 : i32 to index
        %get3A_361 = arith.constant 32 : index
        %get3A_362 = tpu.vector_load %arg7[%get3A_360, %get3A_361] {strides = array<i32>} : memref<128x128xf32, #tpu.memory_space<vmem>>, vector<16xf32>,
        %mul3A_363 = arith.mulf %get3A_362, %gather3A_343 : vector<16xf32>
        %swap3A_364 = arith.index_cast %add3A_345 : i32 to index
        %swap3A_365 = arith.constant 32 : index
        %swap3A_366 = tpu.vector_load %arg7[%swap3A_364, %swap3A_365] {strides = array<i32>} : memref<128x128xf32, #tpu.memory_space<vmem>>, vector<16xf32>,
        tpu.vector_store %arg7[%swap3A_364, %swap3A_365], %mul3A_363 {strides = array<i32>} : memref<128x128xf32, #tpu.memory_space<vmem>>, vector<16xf32>,
        %get3A_367 = arith.index_cast %add3A_345 : i32 to index
        %get3A_368 = arith.constant 48 : index
        %get3A_369 = tpu.vector_load %arg7[%get3A_367, %get3A_368] {strides = array<i32>} : memref<128x128xf32, #tpu.memory_space<vmem>>, vector<16xf32>,
        %mul3A_370 = arith.mulf %get3A_369, %gather3A_343 : vector<16xf32>
        %swap3A_371 = arith.index_cast %add3A_345 : i32 to index
        %swap3A_372 = arith.constant 48 : index
        %swap3A_373 = tpu.vector_load %arg7[%swap3A_371, %swap3A_372] {strides = array<i32>} : memref<128x128xf32, #tpu.memory_space<vmem>>, vector<16xf32>,
        tpu.vector_store %arg7[%swap3A_371, %swap3A_372], %mul3A_370 {strides = array<i32>} : memref<128x128xf32, #tpu.memory_space<vmem>>, vector<16xf32>,
        %get3A_374 = arith.index_cast %add3A_345 : i32 to index
        %get3A_375 = arith.constant 64 : index
        %get3A_376 = tpu.vector_load %arg7[%get3A_374, %get3A_375] {strides = array<i32>} : memref<128x128xf32, #tpu.memory_space<vmem>>, vector<16xf32>,
        %mul3A_377 = arith.mulf %get3A_376, %gather3A_343 : vector<16xf32>
        %swap3A_378 = arith.index_cast %add3A_345 : i32 to index
        %swap3A_379 = arith.constant 64 : index
        %swap3A_380 = tpu.vector_load %arg7[%swap3A_378, %swap3A_379] {strides = array<i32>} : memref<128x128xf32, #tpu.memory_space<vmem>>, vector<16xf32>,
        tpu.vector_store %arg7[%swap3A_378, %swap3A_379], %mul3A_377 {strides = array<i32>} : memref<128x128xf32, #tpu.memory_space<vmem>>, vector<16xf32>,
        %get3A_381 = arith.index_cast %add3A_345 : i32 to index
        %get3A_382 = arith.constant 80 : index
        %get3A_383 = tpu.vector_load %arg7[%get3A_381, %get3A_382] {strides = array<i32>} : memref<128x128xf32, #tpu.memory_space<vmem>>, vector<16xf32>,
        %mul3A_384 = arith.mulf %get3A_383, %gather3A_343 : vector<16xf32>
        %swap3A_385 = arith.index_cast %add3A_345 : i32 to index
        %swap3A_386 = arith.constant 80 : index
        %swap3A_387 = tpu.vector_load %arg7[%swap3A_385, %swap3A_386] {strides = array<i32>} : memref<128x128xf32, #tpu.memory_space<vmem>>, vector<16xf32>,
        tpu.vector_store %arg7[%swap3A_385, %swap3A_386], %mul3A_384 {strides = array<i32>} : memref<128x128xf32, #tpu.memory_space<vmem>>, vector<16xf32>,
        %get3A_388 = arith.index_cast %add3A_345 : i32 to index
        %get3A_389 = arith.constant 96 : index
        %get3A_390 = tpu.vector_load %arg7[%get3A_388, %get3A_389] {strides = array<i32>} : memref<128x128xf32, #tpu.memory_space<vmem>>, vector<16xf32>,
        %mul3A_391 = arith.mulf %get3A_390, %gather3A_343 : vector<16xf32>
        %swap3A_392 = arith.index_cast %add3A_345 : i32 to index
        %swap3A_393 = arith.constant 96 : index
        %swap3A_394 = tpu.vector_load %arg7[%swap3A_392, %swap3A_393] {strides = array<i32>} : memref<128x128xf32, #tpu.memory_space<vmem>>, vector<16xf32>,
        tpu.vector_store %arg7[%swap3A_392, %swap3A_393], %mul3A_391 {strides = array<i32>} : memref<128x128xf32, #tpu.memory_space<vmem>>, vector<16xf32>,
        %get3A_395 = arith.index_cast %add3A_345 : i32 to index
        %get3A_396 = arith.constant 112 : index
        %get3A_397 = tpu.vector_load %arg7[%get3A_395, %get3A_396] {strides = array<i32>} : memref<128x128xf32, #tpu.memory_space<vmem>>, vector<16xf32>,
        %mul3A_398 = arith.mulf %get3A_397, %gather3A_343 : vector<16xf32>
        %swap3A_399 = arith.index_cast %add3A_345 : i32 to index
        %swap3A_400 = arith.constant 112 : index
        %swap3A_401 = tpu.vector_load %arg7[%swap3A_399, %swap3A_400] {strides = array<i32>} : memref<128x128xf32, #tpu.memory_space<vmem>>, vector<16xf32>,
        tpu.vector_store %arg7[%swap3A_399, %swap3A_400], %mul3A_398 {strides = array<i32>} : memref<128x128xf32, #tpu.memory_space<vmem>>, vector<16xf32>,
        %add3A_402 = arith.constant 5 : i32
        %add3A_403 = arith.addi %mul3A_95, %add3A_402 : i32
        %broadcast_in_dim3A_404 = vector.broadcast %add3A_403 : i32 to vector<16xi32>
        %gather3A_405 = tpu.vector_load_idx %arg10[%broadcast_in_dim3A_404] : memref<128xf32, #tpu.memory_space<vmem>>[vector<16xi32>], vector<16xf32>,
        %add3A_406 = arith.constant 5 : i32
        %add3A_407 = arith.addi %mul3A_95, %add3A_406 : i32
        %get3A_408 = arith.index_cast %add3A_407 : i32 to index
        %get3A_409 = arith.constant 0 : index
        %get3A_410 = tpu.vector_load %arg7[%get3A_408, %get3A_409] {strides = array<i32>} : memref<128x128xf32, #tpu.memory_space<vmem>>, vector<16xf32>,
        %mul3A_411 = arith.mulf %get3A_410, %gather3A_405 : vector<16xf32>
        %swap3A_412 = arith.index_cast %add3A_407 : i32 to index
        %swap3A_413 = arith.constant 0 : index
        %swap3A_414 = tpu.vector_load %arg7[%swap3A_412, %swap3A_413] {strides = array<i32>} : memref<128x128xf32, #tpu.memory_space<vmem>>, vector<16xf32>,
        tpu.vector_store %arg7[%swap3A_412, %swap3A_413], %mul3A_411 {strides = array<i32>} : memref<128x128xf32, #tpu.memory_space<vmem>>, vector<16xf32>,
        %get3A_415 = arith.index_cast %add3A_407 : i32 to index
        %get3A_416 = arith.constant 16 : index
        %get3A_417 = tpu.vector_load %arg7[%get3A_415, %get3A_416] {strides = array<i32>} : memref<128x128xf32, #tpu.memory_space<vmem>>, vector<16xf32>,
        %mul3A_418 = arith.mulf %get3A_417, %gather3A_405 : vector<16xf32>
        %swap3A_419 = arith.index_cast %add3A_407 : i32 to index
        %swap3A_420 = arith.constant 16 : index
        %swap3A_421 = tpu.vector_load %arg7[%swap3A_419, %swap3A_420] {strides = array<i32>} : memref<128x128xf32, #tpu.memory_space<vmem>>, vector<16xf32>,
        tpu.vector_store %arg7[%swap3A_419, %swap3A_420], %mul3A_418 {strides = array<i32>} : memref<128x128xf32, #tpu.memory_space<vmem>>, vector<16xf32>,
        %get3A_422 = arith.index_cast %add3A_407 : i32 to index
        %get3A_423 = arith.constant 32 : index
        %get3A_424 = tpu.vector_load %arg7[%get3A_422, %get3A_423] {strides = array<i32>} : memref<128x128xf32, #tpu.memory_space<vmem>>, vector<16xf32>,
        %mul3A_425 = arith.mulf %get3A_424, %gather3A_405 : vector<16xf32>
        %swap3A_426 = arith.index_cast %add3A_407 : i32 to index
        %swap3A_427 = arith.constant 32 : index
        %swap3A_428 = tpu.vector_load %arg7[%swap3A_426, %swap3A_427] {strides = array<i32>} : memref<128x128xf32, #tpu.memory_space<vmem>>, vector<16xf32>,
        tpu.vector_store %arg7[%swap3A_426, %swap3A_427], %mul3A_425 {strides = array<i32>} : memref<128x128xf32, #tpu.memory_space<vmem>>, vector<16xf32>,
        %get3A_429 = arith.index_cast %add3A_407 : i32 to index
        %get3A_430 = arith.constant 48 : index
        %get3A_431 = tpu.vector_load %arg7[%get3A_429, %get3A_430] {strides = array<i32>} : memref<128x128xf32, #tpu.memory_space<vmem>>, vector<16xf32>,
        %mul3A_432 = arith.mulf %get3A_431, %gather3A_405 : vector<16xf32>
        %swap3A_433 = arith.index_cast %add3A_407 : i32 to index
        %swap3A_434 = arith.constant 48 : index
        %swap3A_435 = tpu.vector_load %arg7[%swap3A_433, %swap3A_434] {strides = array<i32>} : memref<128x128xf32, #tpu.memory_space<vmem>>, vector<16xf32>,
        tpu.vector_store %arg7[%swap3A_433, %swap3A_434], %mul3A_432 {strides = array<i32>} : memref<128x128xf32, #tpu.memory_space<vmem>>, vector<16xf32>,
        %get3A_436 = arith.index_cast %add3A_407 : i32 to index
        %get3A_437 = arith.constant 64 : index
        %get3A_438 = tpu.vector_load %arg7[%get3A_436, %get3A_437] {strides = array<i32>} : memref<128x128xf32, #tpu.memory_space<vmem>>, vector<16xf32>,
        %mul3A_439 = arith.mulf %get3A_438, %gather3A_405 : vector<16xf32>
        %swap3A_440 = arith.index_cast %add3A_407 : i32 to index
        %swap3A_441 = arith.constant 64 : index
        %swap3A_442 = tpu.vector_load %arg7[%swap3A_440, %swap3A_441] {strides = array<i32>} : memref<128x128xf32, #tpu.memory_space<vmem>>, vector<16xf32>,
        tpu.vector_store %arg7[%swap3A_440, %swap3A_441], %mul3A_439 {strides = array<i32>} : memref<128x128xf32, #tpu.memory_space<vmem>>, vector<16xf32>,
        %get3A_443 = arith.index_cast %add3A_407 : i32 to index
        %get3A_444 = arith.constant 80 : index
        %get3A_445 = tpu.vector_load %arg7[%get3A_443, %get3A_444] {strides = array<i32>} : memref<128x128xf32, #tpu.memory_space<vmem>>, vector<16xf32>,
        %mul3A_446 = arith.mulf %get3A_445, %gather3A_405 : vector<16xf32>
        %swap3A_447 = arith.index_cast %add3A_407 : i32 to index
        %swap3A_448 = arith.constant 80 : index
        %swap3A_449 = tpu.vector_load %arg7[%swap3A_447, %swap3A_448] {strides = array<i32>} : memref<128x128xf32, #tpu.memory_space<vmem>>, vector<16xf32>,
        tpu.vector_store %arg7[%swap3A_447, %swap3A_448], %mul3A_446 {strides = array<i32>} : memref<128x128xf32, #tpu.memory_space<vmem>>, vector<16xf32>,
        %get3A_450 = arith.index_cast %add3A_407 : i32 to index
        %get3A_451 = arith.constant 96 : index
        %get3A_452 = tpu.vector_load %arg7[%get3A_450, %get3A_451] {strides = array<i32>} : memref<128x128xf32, #tpu.memory_space<vmem>>, vector<16xf32>,
        %mul3A_453 = arith.mulf %get3A_452, %gather3A_405 : vector<16xf32>
        %swap3A_454 = arith.index_cast %add3A_407 : i32 to index
        %swap3A_455 = arith.constant 96 : index
        %swap3A_456 = tpu.vector_load %arg7[%swap3A_454, %swap3A_455] {strides = array<i32>} : memref<128x128xf32, #tpu.memory_space<vmem>>, vector<16xf32>,
        tpu.vector_store %arg7[%swap3A_454, %swap3A_455], %mul3A_453 {strides = array<i32>} : memref<128x128xf32, #tpu.memory_space<vmem>>, vector<16xf32>,
        %get3A_457 = arith.index_cast %add3A_407 : i32 to index
        %get3A_458 = arith.constant 112 : index
        %get3A_459 = tpu.vector_load %arg7[%get3A_457, %get3A_458] {strides = array<i32>} : memref<128x128xf32, #tpu.memory_space<vmem>>, vector<16xf32>,
        %mul3A_460 = arith.mulf %get3A_459, %gather3A_405 : vector<16xf32>
        %swap3A_461 = arith.index_cast %add3A_407 : i32 to index
        %swap3A_462 = arith.constant 112 : index
        %swap3A_463 = tpu.vector_load %arg7[%swap3A_461, %swap3A_462] {strides = array<i32>} : memref<128x128xf32, #tpu.memory_space<vmem>>, vector<16xf32>,
        tpu.vector_store %arg7[%swap3A_461, %swap3A_462], %mul3A_460 {strides = array<i32>} : memref<128x128xf32, #tpu.memory_space<vmem>>, vector<16xf32>,
        %add3A_464 = arith.constant 6 : i32
        %add3A_465 = arith.addi %mul3A_95, %add3A_464 : i32
        %broadcast_in_dim3A_466 = vector.broadcast %add3A_465 : i32 to vector<16xi32>
        %gather3A_467 = tpu.vector_load_idx %arg10[%broadcast_in_dim3A_466] : memref<128xf32, #tpu.memory_space<vmem>>[vector<16xi32>], vector<16xf32>,
        %add3A_468 = arith.constant 6 : i32
        %add3A_469 = arith.addi %mul3A_95, %add3A_468 : i32
        %get3A_470 = arith.index_cast %add3A_469 : i32 to index
        %get3A_471 = arith.constant 0 : index
        %get3A_472 = tpu.vector_load %arg7[%get3A_470, %get3A_471] {strides = array<i32>} : memref<128x128xf32, #tpu.memory_space<vmem>>, vector<16xf32>,
        %mul3A_473 = arith.mulf %get3A_472, %gather3A_467 : vector<16xf32>
        %swap3A_474 = arith.index_cast %add3A_469 : i32 to index
        %swap3A_475 = arith.constant 0 : index
        %swap3A_476 = tpu.vector_load %arg7[%swap3A_474, %swap3A_475] {strides = array<i32>} : memref<128x128xf32, #tpu.memory_space<vmem>>, vector<16xf32>,
        tpu.vector_store %arg7[%swap3A_474, %swap3A_475], %mul3A_473 {strides = array<i32>} : memref<128x128xf32, #tpu.memory_space<vmem>>, vector<16xf32>,
        %get3A_477 = arith.index_cast %add3A_469 : i32 to index
        %get3A_478 = arith.constant 16 : index
        %get3A_479 = tpu.vector_load %arg7[%get3A_477, %get3A_478] {strides = array<i32>} : memref<128x128xf32, #tpu.memory_space<vmem>>, vector<16xf32>,
        %mul3A_480 = arith.mulf %get3A_479, %gather3A_467 : vector<16xf32>
        %swap3A_481 = arith.index_cast %add3A_469 : i32 to index
        %swap3A_482 = arith.constant 16 : index
        %swap3A_483 = tpu.vector_load %arg7[%swap3A_481, %swap3A_482] {strides = array<i32>} : memref<128x128xf32, #tpu.memory_space<vmem>>, vector<16xf32>,
        tpu.vector_store %arg7[%swap3A_481, %swap3A_482], %mul3A_480 {strides = array<i32>} : memref<128x128xf32, #tpu.memory_space<vmem>>, vector<16xf32>,
        %get3A_484 = arith.index_cast %add3A_469 : i32 to index
        %get3A_485 = arith.constant 32 : index
        %get3A_486 = tpu.vector_load %arg7[%get3A_484, %get3A_485] {strides = array<i32>} : memref<128x128xf32, #tpu.memory_space<vmem>>, vector<16xf32>,
        %mul3A_487 = arith.mulf %get3A_486, %gather3A_467 : vector<16xf32>
        %swap3A_488 = arith.index_cast %add3A_469 : i32 to index
        %swap3A_489 = arith.constant 32 : index
        %swap3A_490 = tpu.vector_load %arg7[%swap3A_488, %swap3A_489] {strides = array<i32>} : memref<128x128xf32, #tpu.memory_space<vmem>>, vector<16xf32>,
        tpu.vector_store %arg7[%swap3A_488, %swap3A_489], %mul3A_487 {strides = array<i32>} : memref<128x128xf32, #tpu.memory_space<vmem>>, vector<16xf32>,
        %get3A_491 = arith.index_cast %add3A_469 : i32 to index
        %get3A_492 = arith.constant 48 : index
        %get3A_493 = tpu.vector_load %arg7[%get3A_491, %get3A_492] {strides = array<i32>} : memref<128x128xf32, #tpu.memory_space<vmem>>, vector<16xf32>,
        %mul3A_494 = arith.mulf %get3A_493, %gather3A_467 : vector<16xf32>
        %swap3A_495 = arith.index_cast %add3A_469 : i32 to index
        %swap3A_496 = arith.constant 48 : index
        %swap3A_497 = tpu.vector_load %arg7[%swap3A_495, %swap3A_496] {strides = array<i32>} : memref<128x128xf32, #tpu.memory_space<vmem>>, vector<16xf32>,
        tpu.vector_store %arg7[%swap3A_495, %swap3A_496], %mul3A_494 {strides = array<i32>} : memref<128x128xf32, #tpu.memory_space<vmem>>, vector<16xf32>,
        %get3A_498 = arith.index_cast %add3A_469 : i32 to index
        %get3A_499 = arith.constant 64 : index
        %get3A_500 = tpu.vector_load %arg7[%get3A_498, %get3A_499] {strides = array<i32>} : memref<128x128xf32, #tpu.memory_space<vmem>>, vector<16xf32>,
        %mul3A_501 = arith.mulf %get3A_500, %gather3A_467 : vector<16xf32>
        %swap3A_502 = arith.index_cast %add3A_469 : i32 to index
        %swap3A_503 = arith.constant 64 : index
        %swap3A_504 = tpu.vector_load %arg7[%swap3A_502, %swap3A_503] {strides = array<i32>} : memref<128x128xf32, #tpu.memory_space<vmem>>, vector<16xf32>,
        tpu.vector_store %arg7[%swap3A_502, %swap3A_503], %mul3A_501 {strides = array<i32>} : memref<128x128xf32, #tpu.memory_space<vmem>>, vector<16xf32>,
        %get3A_505 = arith.index_cast %add3A_469 : i32 to index
        %get3A_506 = arith.constant 80 : index
        %get3A_507 = tpu.vector_load %arg7[%get3A_505, %get3A_506] {strides = array<i32>} : memref<128x128xf32, #tpu.memory_space<vmem>>, vector<16xf32>,
        %mul3A_508 = arith.mulf %get3A_507, %gather3A_467 : vector<16xf32>
        %swap3A_509 = arith.index_cast %add3A_469 : i32 to index
        %swap3A_510 = arith.constant 80 : index
        %swap3A_511 = tpu.vector_load %arg7[%swap3A_509, %swap3A_510] {strides = array<i32>} : memref<128x128xf32, #tpu.memory_space<vmem>>, vector<16xf32>,
        tpu.vector_store %arg7[%swap3A_509, %swap3A_510], %mul3A_508 {strides = array<i32>} : memref<128x128xf32, #tpu.memory_space<vmem>>, vector<16xf32>,
        %get3A_512 = arith.index_cast %add3A_469 : i32 to index
        %get3A_513 = arith.constant 96 : index
        %get3A_514 = tpu.vector_load %arg7[%get3A_512, %get3A_513] {strides = array<i32>} : memref<128x128xf32, #tpu.memory_space<vmem>>, vector<16xf32>,
        %mul3A_515 = arith.mulf %get3A_514, %gather3A_467 : vector<16xf32>
        %swap3A_516 = arith.index_cast %add3A_469 : i32 to index
        %swap3A_517 = arith.constant 96 : index
        %swap3A_518 = tpu.vector_load %arg7[%swap3A_516, %swap3A_517] {strides = array<i32>} : memref<128x128xf32, #tpu.memory_space<vmem>>, vector<16xf32>,
        tpu.vector_store %arg7[%swap3A_516, %swap3A_517], %mul3A_515 {strides = array<i32>} : memref<128x128xf32, #tpu.memory_space<vmem>>, vector<16xf32>,
        %get3A_519 = arith.index_cast %add3A_469 : i32 to index
        %get3A_520 = arith.constant 112 : index
        %get3A_521 = tpu.vector_load %arg7[%get3A_519, %get3A_520] {strides = array<i32>} : memref<128x128xf32, #tpu.memory_space<vmem>>, vector<16xf32>,
        %mul3A_522 = arith.mulf %get3A_521, %gather3A_467 : vector<16xf32>
        %swap3A_523 = arith.index_cast %add3A_469 : i32 to index
        %swap3A_524 = arith.constant 112 : index
        %swap3A_525 = tpu.vector_load %arg7[%swap3A_523, %swap3A_524] {strides = array<i32>} : memref<128x128xf32, #tpu.memory_space<vmem>>, vector<16xf32>,
        tpu.vector_store %arg7[%swap3A_523, %swap3A_524], %mul3A_522 {strides = array<i32>} : memref<128x128xf32, #tpu.memory_space<vmem>>, vector<16xf32>,
        %add3A_526 = arith.constant 7 : i32
        %add3A_527 = arith.addi %mul3A_95, %add3A_526 : i32
        %broadcast_in_dim3A_528 = vector.broadcast %add3A_527 : i32 to vector<16xi32>
        %gather3A_529 = tpu.vector_load_idx %arg10[%broadcast_in_dim3A_528] : memref<128xf32, #tpu.memory_space<vmem>>[vector<16xi32>], vector<16xf32>,
        %add3A_530 = arith.constant 7 : i32
        %add3A_531 = arith.addi %mul3A_95, %add3A_530 : i32
        %get3A_532 = arith.index_cast %add3A_531 : i32 to index
        %get3A_533 = arith.constant 0 : index
        %get3A_534 = tpu.vector_load %arg7[%get3A_532, %get3A_533] {strides = array<i32>} : memref<128x128xf32, #tpu.memory_space<vmem>>, vector<16xf32>,
        %mul3A_535 = arith.mulf %get3A_534, %gather3A_529 : vector<16xf32>
        %swap3A_536 = arith.index_cast %add3A_531 : i32 to index
        %swap3A_537 = arith.constant 0 : index
        %swap3A_538 = tpu.vector_load %arg7[%swap3A_536, %swap3A_537] {strides = array<i32>} : memref<128x128xf32, #tpu.memory_space<vmem>>, vector<16xf32>,
        tpu.vector_store %arg7[%swap3A_536, %swap3A_537], %mul3A_535 {strides = array<i32>} : memref<128x128xf32, #tpu.memory_space<vmem>>, vector<16xf32>,
        %get3A_539 = arith.index_cast %add3A_531 : i32 to index
        %get3A_540 = arith.constant 16 : index
        %get3A_541 = tpu.vector_load %arg7[%get3A_539, %get3A_540] {strides = array<i32>} : memref<128x128xf32, #tpu.memory_space<vmem>>, vector<16xf32>,
        %mul3A_542 = arith.mulf %get3A_541, %gather3A_529 : vector<16xf32>
        %swap3A_543 = arith.index_cast %add3A_531 : i32 to index
        %swap3A_544 = arith.constant 16 : index
        %swap3A_545 = tpu.vector_load %arg7[%swap3A_543, %swap3A_544] {strides = array<i32>} : memref<128x128xf32, #tpu.memory_space<vmem>>, vector<16xf32>,
        tpu.vector_store %arg7[%swap3A_543, %swap3A_544], %mul3A_542 {strides = array<i32>} : memref<128x128xf32, #tpu.memory_space<vmem>>, vector<16xf32>,
        %get3A_546 = arith.index_cast %add3A_531 : i32 to index
        %get3A_547 = arith.constant 32 : index
        %get3A_548 = tpu.vector_load %arg7[%get3A_546, %get3A_547] {strides = array<i32>} : memref<128x128xf32, #tpu.memory_space<vmem>>, vector<16xf32>,
        %mul3A_549 = arith.mulf %get3A_548, %gather3A_529 : vector<16xf32>
        %swap3A_550 = arith.index_cast %add3A_531 : i32 to index
        %swap3A_551 = arith.constant 32 : index
        %swap3A_552 = tpu.vector_load %arg7[%swap3A_550, %swap3A_551] {strides = array<i32>} : memref<128x128xf32, #tpu.memory_space<vmem>>, vector<16xf32>,
        tpu.vector_store %arg7[%swap3A_550, %swap3A_551], %mul3A_549 {strides = array<i32>} : memref<128x128xf32, #tpu.memory_space<vmem>>, vector<16xf32>,
        %get3A_553 = arith.index_cast %add3A_531 : i32 to index
        %get3A_554 = arith.constant 48 : index
        %get3A_555 = tpu.vector_load %arg7[%get3A_553, %get3A_554] {strides = array<i32>} : memref<128x128xf32, #tpu.memory_space<vmem>>, vector<16xf32>,
        %mul3A_556 = arith.mulf %get3A_555, %gather3A_529 : vector<16xf32>
        %swap3A_557 = arith.index_cast %add3A_531 : i32 to index
        %swap3A_558 = arith.constant 48 : index
        %swap3A_559 = tpu.vector_load %arg7[%swap3A_557, %swap3A_558] {strides = array<i32>} : memref<128x128xf32, #tpu.memory_space<vmem>>, vector<16xf32>,
        tpu.vector_store %arg7[%swap3A_557, %swap3A_558], %mul3A_556 {strides = array<i32>} : memref<128x128xf32, #tpu.memory_space<vmem>>, vector<16xf32>,
        %get3A_560 = arith.index_cast %add3A_531 : i32 to index
        %get3A_561 = arith.constant 64 : index
        %get3A_562 = tpu.vector_load %arg7[%get3A_560, %get3A_561] {strides = array<i32>} : memref<128x128xf32, #tpu.memory_space<vmem>>, vector<16xf32>,
        %mul3A_563 = arith.mulf %get3A_562, %gather3A_529 : vector<16xf32>
        %swap3A_564 = arith.index_cast %add3A_531 : i32 to index
        %swap3A_565 = arith.constant 64 : index
        %swap3A_566 = tpu.vector_load %arg7[%swap3A_564, %swap3A_565] {strides = array<i32>} : memref<128x128xf32, #tpu.memory_space<vmem>>, vector<16xf32>,
        tpu.vector_store %arg7[%swap3A_564, %swap3A_565], %mul3A_563 {strides = array<i32>} : memref<128x128xf32, #tpu.memory_space<vmem>>, vector<16xf32>,
        %get3A_567 = arith.index_cast %add3A_531 : i32 to index
        %get3A_568 = arith.constant 80 : index
        %get3A_569 = tpu.vector_load %arg7[%get3A_567, %get3A_568] {strides = array<i32>} : memref<128x128xf32, #tpu.memory_space<vmem>>, vector<16xf32>,
        %mul3A_570 = arith.mulf %get3A_569, %gather3A_529 : vector<16xf32>
        %swap3A_571 = arith.index_cast %add3A_531 : i32 to index
        %swap3A_572 = arith.constant 80 : index
        %swap3A_573 = tpu.vector_load %arg7[%swap3A_571, %swap3A_572] {strides = array<i32>} : memref<128x128xf32, #tpu.memory_space<vmem>>, vector<16xf32>,
        tpu.vector_store %arg7[%swap3A_571, %swap3A_572], %mul3A_570 {strides = array<i32>} : memref<128x128xf32, #tpu.memory_space<vmem>>, vector<16xf32>,
        %get3A_574 = arith.index_cast %add3A_531 : i32 to index
        %get3A_575 = arith.constant 96 : index
        %get3A_576 = tpu.vector_load %arg7[%get3A_574, %get3A_575] {strides = array<i32>} : memref<128x128xf32, #tpu.memory_space<vmem>>, vector<16xf32>,
        %mul3A_577 = arith.mulf %get3A_576, %gather3A_529 : vector<16xf32>
        %swap3A_578 = arith.index_cast %add3A_531 : i32 to index
        %swap3A_579 = arith.constant 96 : index
        %swap3A_580 = tpu.vector_load %arg7[%swap3A_578, %swap3A_579] {strides = array<i32>} : memref<128x128xf32, #tpu.memory_space<vmem>>, vector<16xf32>,
        tpu.vector_store %arg7[%swap3A_578, %swap3A_579], %mul3A_577 {strides = array<i32>} : memref<128x128xf32, #tpu.memory_space<vmem>>, vector<16xf32>,
        %get3A_581 = arith.index_cast %add3A_531 : i32 to index
        %get3A_582 = arith.constant 112 : index
        %get3A_583 = tpu.vector_load %arg7[%get3A_581, %get3A_582] {strides = array<i32>} : memref<128x128xf32, #tpu.memory_space<vmem>>, vector<16xf32>,
        %mul3A_584 = arith.mulf %get3A_583, %gather3A_529 : vector<16xf32>
        %swap3A_585 = arith.index_cast %add3A_531 : i32 to index
        %swap3A_586 = arith.constant 112 : index
        %swap3A_587 = tpu.vector_load %arg7[%swap3A_585, %swap3A_586] {strides = array<i32>} : memref<128x128xf32, #tpu.memory_space<vmem>>, vector<16xf32>,
        tpu.vector_store %arg7[%swap3A_585, %swap3A_586], %mul3A_584 {strides = array<i32>} : memref<128x128xf32, #tpu.memory_space<vmem>>, vector<16xf32>,
        %add3A_588 = arith.constant 8 : i32
        %add3A_589 = arith.addi %mul3A_95, %add3A_588 : i32
        %broadcast_in_dim3A_590 = vector.broadcast %add3A_589 : i32 to vector<16xi32>
        %gather3A_591 = tpu.vector_load_idx %arg10[%broadcast_in_dim3A_590] : memref<128xf32, #tpu.memory_space<vmem>>[vector<16xi32>], vector<16xf32>,
        %add3A_592 = arith.constant 8 : i32
        %add3A_593 = arith.addi %mul3A_95, %add3A_592 : i32
        %get3A_594 = arith.index_cast %add3A_593 : i32 to index
        %get3A_595 = arith.constant 0 : index
        %get3A_596 = tpu.vector_load %arg7[%get3A_594, %get3A_595] {strides = array<i32>} : memref<128x128xf32, #tpu.memory_space<vmem>>, vector<16xf32>,
        %mul3A_597 = arith.mulf %get3A_596, %gather3A_591 : vector<16xf32>
        %swap3A_598 = arith.index_cast %add3A_593 : i32 to index
        %swap3A_599 = arith.constant 0 : index
        %swap3A_600 = tpu.vector_load %arg7[%swap3A_598, %swap3A_599] {strides = array<i32>} : memref<128x128xf32, #tpu.memory_space<vmem>>, vector<16xf32>,
        tpu.vector_store %arg7[%swap3A_598, %swap3A_599], %mul3A_597 {strides = array<i32>} : memref<128x128xf32, #tpu.memory_space<vmem>>, vector<16xf32>,
        %get3A_601 = arith.index_cast %add3A_593 : i32 to index
        %get3A_602 = arith.constant 16 : index
        %get3A_603 = tpu.vector_load %arg7[%get3A_601, %get3A_602] {strides = array<i32>} : memref<128x128xf32, #tpu.memory_space<vmem>>, vector<16xf32>,
        %mul3A_604 = arith.mulf %get3A_603, %gather3A_591 : vector<16xf32>
        %swap3A_605 = arith.index_cast %add3A_593 : i32 to index
        %swap3A_606 = arith.constant 16 : index
        %swap3A_607 = tpu.vector_load %arg7[%swap3A_605, %swap3A_606] {strides = array<i32>} : memref<128x128xf32, #tpu.memory_space<vmem>>, vector<16xf32>,
        tpu.vector_store %arg7[%swap3A_605, %swap3A_606], %mul3A_604 {strides = array<i32>} : memref<128x128xf32, #tpu.memory_space<vmem>>, vector<16xf32>,
        %get3A_608 = arith.index_cast %add3A_593 : i32 to index
        %get3A_609 = arith.constant 32 : index
        %get3A_610 = tpu.vector_load %arg7[%get3A_608, %get3A_609] {strides = array<i32>} : memref<128x128xf32, #tpu.memory_space<vmem>>, vector<16xf32>,
        %mul3A_611 = arith.mulf %get3A_610, %gather3A_591 : vector<16xf32>
        %swap3A_612 = arith.index_cast %add3A_593 : i32 to index
        %swap3A_613 = arith.constant 32 : index
        %swap3A_614 = tpu.vector_load %arg7[%swap3A_612, %swap3A_613] {strides = array<i32>} : memref<128x128xf32, #tpu.memory_space<vmem>>, vector<16xf32>,
        tpu.vector_store %arg7[%swap3A_612, %swap3A_613], %mul3A_611 {strides = array<i32>} : memref<128x128xf32, #tpu.memory_space<vmem>>, vector<16xf32>,
        %get3A_615 = arith.index_cast %add3A_593 : i32 to index
        %get3A_616 = arith.constant 48 : index
        %get3A_617 = tpu.vector_load %arg7[%get3A_615, %get3A_616] {strides = array<i32>} : memref<128x128xf32, #tpu.memory_space<vmem>>, vector<16xf32>,
        %mul3A_618 = arith.mulf %get3A_617, %gather3A_591 : vector<16xf32>
        %swap3A_619 = arith.index_cast %add3A_593 : i32 to index
        %swap3A_620 = arith.constant 48 : index
        %swap3A_621 = tpu.vector_load %arg7[%swap3A_619, %swap3A_620] {strides = array<i32>} : memref<128x128xf32, #tpu.memory_space<vmem>>, vector<16xf32>,
        tpu.vector_store %arg7[%swap3A_619, %swap3A_620], %mul3A_618 {strides = array<i32>} : memref<128x128xf32, #tpu.memory_space<vmem>>, vector<16xf32>,
        %get3A_622 = arith.index_cast %add3A_593 : i32 to index
        %get3A_623 = arith.constant 64 : index
        %get3A_624 = tpu.vector_load %arg7[%get3A_622, %get3A_623] {strides = array<i32>} : memref<128x128xf32, #tpu.memory_space<vmem>>, vector<16xf32>,
        %mul3A_625 = arith.mulf %get3A_624, %gather3A_591 : vector<16xf32>
        %swap3A_626 = arith.index_cast %add3A_593 : i32 to index
        %swap3A_627 = arith.constant 64 : index
        %swap3A_628 = tpu.vector_load %arg7[%swap3A_626, %swap3A_627] {strides = array<i32>} : memref<128x128xf32, #tpu.memory_space<vmem>>, vector<16xf32>,
        tpu.vector_store %arg7[%swap3A_626, %swap3A_627], %mul3A_625 {strides = array<i32>} : memref<128x128xf32, #tpu.memory_space<vmem>>, vector<16xf32>,
        %get3A_629 = arith.index_cast %add3A_593 : i32 to index
        %get3A_630 = arith.constant 80 : index
        %get3A_631 = tpu.vector_load %arg7[%get3A_629, %get3A_630] {strides = array<i32>} : memref<128x128xf32, #tpu.memory_space<vmem>>, vector<16xf32>,
        %mul3A_632 = arith.mulf %get3A_631, %gather3A_591 : vector<16xf32>
        %swap3A_633 = arith.index_cast %add3A_593 : i32 to index
        %swap3A_634 = arith.constant 80 : index
        %swap3A_635 = tpu.vector_load %arg7[%swap3A_633, %swap3A_634] {strides = array<i32>} : memref<128x128xf32, #tpu.memory_space<vmem>>, vector<16xf32>,
        tpu.vector_store %arg7[%swap3A_633, %swap3A_634], %mul3A_632 {strides = array<i32>} : memref<128x128xf32, #tpu.memory_space<vmem>>, vector<16xf32>,
        %get3A_636 = arith.index_cast %add3A_593 : i32 to index
        %get3A_637 = arith.constant 96 : index
        %get3A_638 = tpu.vector_load %arg7[%get3A_636, %get3A_637] {strides = array<i32>} : memref<128x128xf32, #tpu.memory_space<vmem>>, vector<16xf32>,
        %mul3A_639 = arith.mulf %get3A_638, %gather3A_591 : vector<16xf32>
        %swap3A_640 = arith.index_cast %add3A_593 : i32 to index
        %swap3A_641 = arith.constant 96 : index
        %swap3A_642 = tpu.vector_load %arg7[%swap3A_640, %swap3A_641] {strides = array<i32>} : memref<128x128xf32, #tpu.memory_space<vmem>>, vector<16xf32>,
        tpu.vector_store %arg7[%swap3A_640, %swap3A_641], %mul3A_639 {strides = array<i32>} : memref<128x128xf32, #tpu.memory_space<vmem>>, vector<16xf32>,
        %get3A_643 = arith.index_cast %add3A_593 : i32 to index
        %get3A_644 = arith.constant 112 : index
        %get3A_645 = tpu.vector_load %arg7[%get3A_643, %get3A_644] {strides = array<i32>} : memref<128x128xf32, #tpu.memory_space<vmem>>, vector<16xf32>,
        %mul3A_646 = arith.mulf %get3A_645, %gather3A_591 : vector<16xf32>
        %swap3A_647 = arith.index_cast %add3A_593 : i32 to index
        %swap3A_648 = arith.constant 112 : index
        %swap3A_649 = tpu.vector_load %arg7[%swap3A_647, %swap3A_648] {strides = array<i32>} : memref<128x128xf32, #tpu.memory_space<vmem>>, vector<16xf32>,
        tpu.vector_store %arg7[%swap3A_647, %swap3A_648], %mul3A_646 {strides = array<i32>} : memref<128x128xf32, #tpu.memory_space<vmem>>, vector<16xf32>,
        %add3A_650 = arith.constant 9 : i32
        %add3A_651 = arith.addi %mul3A_95, %add3A_650 : i32
        %broadcast_in_dim3A_652 = vector.broadcast %add3A_651 : i32 to vector<16xi32>
        %gather3A_653 = tpu.vector_load_idx %arg10[%broadcast_in_dim3A_652] : memref<128xf32, #tpu.memory_space<vmem>>[vector<16xi32>], vector<16xf32>,
        %add3A_654 = arith.constant 9 : i32
        %add3A_655 = arith.addi %mul3A_95, %add3A_654 : i32
        %get3A_656 = arith.index_cast %add3A_655 : i32 to index
        %get3A_657 = arith.constant 0 : index
        %get3A_658 = tpu.vector_load %arg7[%get3A_656, %get3A_657] {strides = array<i32>} : memref<128x128xf32, #tpu.memory_space<vmem>>, vector<16xf32>,
        %mul3A_659 = arith.mulf %get3A_658, %gather3A_653 : vector<16xf32>
        %swap3A_660 = arith.index_cast %add3A_655 : i32 to index
        %swap3A_661 = arith.constant 0 : index
        %swap3A_662 = tpu.vector_load %arg7[%swap3A_660, %swap3A_661] {strides = array<i32>} : memref<128x128xf32, #tpu.memory_space<vmem>>, vector<16xf32>,
        tpu.vector_store %arg7[%swap3A_660, %swap3A_661], %mul3A_659 {strides = array<i32>} : memref<128x128xf32, #tpu.memory_space<vmem>>, vector<16xf32>,
        %get3A_663 = arith.index_cast %add3A_655 : i32 to index
        %get3A_664 = arith.constant 16 : index
        %get3A_665 = tpu.vector_load %arg7[%get3A_663, %get3A_664] {strides = array<i32>} : memref<128x128xf32, #tpu.memory_space<vmem>>, vector<16xf32>,
        %mul3A_666 = arith.mulf %get3A_665, %gather3A_653 : vector<16xf32>
        %swap3A_667 = arith.index_cast %add3A_655 : i32 to index
        %swap3A_668 = arith.constant 16 : index
        %swap3A_669 = tpu.vector_load %arg7[%swap3A_667, %swap3A_668] {strides = array<i32>} : memref<128x128xf32, #tpu.memory_space<vmem>>, vector<16xf32>,
        tpu.vector_store %arg7[%swap3A_667, %swap3A_668], %mul3A_666 {strides = array<i32>} : memref<128x128xf32, #tpu.memory_space<vmem>>, vector<16xf32>,
        %get3A_670 = arith.index_cast %add3A_655 : i32 to index
        %get3A_671 = arith.constant 32 : index
        %get3A_672 = tpu.vector_load %arg7[%get3A_670, %get3A_671] {strides = array<i32>} : memref<128x128xf32, #tpu.memory_space<vmem>>, vector<16xf32>,
        %mul3A_673 = arith.mulf %get3A_672, %gather3A_653 : vector<16xf32>
        %swap3A_674 = arith.index_cast %add3A_655 : i32 to index
        %swap3A_675 = arith.constant 32 : index
        %swap3A_676 = tpu.vector_load %arg7[%swap3A_674, %swap3A_675] {strides = array<i32>} : memref<128x128xf32, #tpu.memory_space<vmem>>, vector<16xf32>,
        tpu.vector_store %arg7[%swap3A_674, %swap3A_675], %mul3A_673 {strides = array<i32>} : memref<128x128xf32, #tpu.memory_space<vmem>>, vector<16xf32>,
        %get3A_677 = arith.index_cast %add3A_655 : i32 to index
        %get3A_678 = arith.constant 48 : index
        %get3A_679 = tpu.vector_load %arg7[%get3A_677, %get3A_678] {strides = array<i32>} : memref<128x128xf32, #tpu.memory_space<vmem>>, vector<16xf32>,
        %mul3A_680 = arith.mulf %get3A_679, %gather3A_653 : vector<16xf32>
        %swap3A_681 = arith.index_cast %add3A_655 : i32 to index
        %swap3A_682 = arith.constant 48 : index
        %swap3A_683 = tpu.vector_load %arg7[%swap3A_681, %swap3A_682] {strides = array<i32>} : memref<128x128xf32, #tpu.memory_space<vmem>>, vector<16xf32>,
        tpu.vector_store %arg7[%swap3A_681, %swap3A_682], %mul3A_680 {strides = array<i32>} : memref<128x128xf32, #tpu.memory_space<vmem>>, vector<16xf32>,
        %get3A_684 = arith.index_cast %add3A_655 : i32 to index
        %get3A_685 = arith.constant 64 : index
        %get3A_686 = tpu.vector_load %arg7[%get3A_684, %get3A_685] {strides = array<i32>} : memref<128x128xf32, #tpu.memory_space<vmem>>, vector<16xf32>,
        %mul3A_687 = arith.mulf %get3A_686, %gather3A_653 : vector<16xf32>
        %swap3A_688 = arith.index_cast %add3A_655 : i32 to index
        %swap3A_689 = arith.constant 64 : index
        %swap3A_690 = tpu.vector_load %arg7[%swap3A_688, %swap3A_689] {strides = array<i32>} : memref<128x128xf32, #tpu.memory_space<vmem>>, vector<16xf32>,
        tpu.vector_store %arg7[%swap3A_688, %swap3A_689], %mul3A_687 {strides = array<i32>} : memref<128x128xf32, #tpu.memory_space<vmem>>, vector<16xf32>,
        %get3A_691 = arith.index_cast %add3A_655 : i32 to index
        %get3A_692 = arith.constant 80 : index
        %get3A_693 = tpu.vector_load %arg7[%get3A_691, %get3A_692] {strides = array<i32>} : memref<128x128xf32, #tpu.memory_space<vmem>>, vector<16xf32>,
        %mul3A_694 = arith.mulf %get3A_693, %gather3A_653 : vector<16xf32>
        %swap3A_695 = arith.index_cast %add3A_655 : i32 to index
        %swap3A_696 = arith.constant 80 : index
        %swap3A_697 = tpu.vector_load %arg7[%swap3A_695, %swap3A_696] {strides = array<i32>} : memref<128x128xf32, #tpu.memory_space<vmem>>, vector<16xf32>,
        tpu.vector_store %arg7[%swap3A_695, %swap3A_696], %mul3A_694 {strides = array<i32>} : memref<128x128xf32, #tpu.memory_space<vmem>>, vector<16xf32>,
        %get3A_698 = arith.index_cast %add3A_655 : i32 to index
        %get3A_699 = arith.constant 96 : index
        %get3A_700 = tpu.vector_load %arg7[%get3A_698, %get3A_699] {strides = array<i32>} : memref<128x128xf32, #tpu.memory_space<vmem>>, vector<16xf32>,
        %mul3A_701 = arith.mulf %get3A_700, %gather3A_653 : vector<16xf32>
        %swap3A_702 = arith.index_cast %add3A_655 : i32 to index
        %swap3A_703 = arith.constant 96 : index
        %swap3A_704 = tpu.vector_load %arg7[%swap3A_702, %swap3A_703] {strides = array<i32>} : memref<128x128xf32, #tpu.memory_space<vmem>>, vector<16xf32>,
        tpu.vector_store %arg7[%swap3A_702, %swap3A_703], %mul3A_701 {strides = array<i32>} : memref<128x128xf32, #tpu.memory_space<vmem>>, vector<16xf32>,
        %get3A_705 = arith.index_cast %add3A_655 : i32 to index
        %get3A_706 = arith.constant 112 : index
        %get3A_707 = tpu.vector_load %arg7[%get3A_705, %get3A_706] {strides = array<i32>} : memref<128x128xf32, #tpu.memory_space<vmem>>, vector<16xf32>,
        %mul3A_708 = arith.mulf %get3A_707, %gather3A_653 : vector<16xf32>
        %swap3A_709 = arith.index_cast %add3A_655 : i32 to index
        %swap3A_710 = arith.constant 112 : index
        %swap3A_711 = tpu.vector_load %arg7[%swap3A_709, %swap3A_710] {strides = array<i32>} : memref<128x128xf32, #tpu.memory_space<vmem>>, vector<16xf32>,
        tpu.vector_store %arg7[%swap3A_709, %swap3A_710], %mul3A_708 {strides = array<i32>} : memref<128x128xf32, #tpu.memory_space<vmem>>, vector<16xf32>,
        %add3A_712 = arith.constant 10 : i32
        %add3A_713 = arith.addi %mul3A_95, %add3A_712 : i32
        %broadcast_in_dim3A_714 = vector.broadcast %add3A_713 : i32 to vector<16xi32>
        %gather3A_715 = tpu.vector_load_idx %arg10[%broadcast_in_dim3A_714] : memref<128xf32, #tpu.memory_space<vmem>>[vector<16xi32>], vector<16xf32>,
        %add3A_716 = arith.constant 10 : i32
        %add3A_717 = arith.addi %mul3A_95, %add3A_716 : i32
        %get3A_718 = arith.index_cast %add3A_717 : i32 to index
        %get3A_719 = arith.constant 0 : index
        %get3A_720 = tpu.vector_load %arg7[%get3A_718, %get3A_719] {strides = array<i32>} : memref<128x128xf32, #tpu.memory_space<vmem>>, vector<16xf32>,
        %mul3A_721 = arith.mulf %get3A_720, %gather3A_715 : vector<16xf32>
        %swap3A_722 = arith.index_cast %add3A_717 : i32 to index
        %swap3A_723 = arith.constant 0 : index
        %swap3A_724 = tpu.vector_load %arg7[%swap3A_722, %swap3A_723] {strides = array<i32>} : memref<128x128xf32, #tpu.memory_space<vmem>>, vector<16xf32>,
        tpu.vector_store %arg7[%swap3A_722, %swap3A_723], %mul3A_721 {strides = array<i32>} : memref<128x128xf32, #tpu.memory_space<vmem>>, vector<16xf32>,
        %get3A_725 = arith.index_cast %add3A_717 : i32 to index
        %get3A_726 = arith.constant 16 : index
        %get3A_727 = tpu.vector_load %arg7[%get3A_725, %get3A_726] {strides = array<i32>} : memref<128x128xf32, #tpu.memory_space<vmem>>, vector<16xf32>,
        %mul3A_728 = arith.mulf %get3A_727, %gather3A_715 : vector<16xf32>
        %swap3A_729 = arith.index_cast %add3A_717 : i32 to index
        %swap3A_730 = arith.constant 16 : index
        %swap3A_731 = tpu.vector_load %arg7[%swap3A_729, %swap3A_730] {strides = array<i32>} : memref<128x128xf32, #tpu.memory_space<vmem>>, vector<16xf32>,
        tpu.vector_store %arg7[%swap3A_729, %swap3A_730], %mul3A_728 {strides = array<i32>} : memref<128x128xf32, #tpu.memory_space<vmem>>, vector<16xf32>,
        %get3A_732 = arith.index_cast %add3A_717 : i32 to index
        %get3A_733 = arith.constant 32 : index
        %get3A_734 = tpu.vector_load %arg7[%get3A_732, %get3A_733] {strides = array<i32>} : memref<128x128xf32, #tpu.memory_space<vmem>>, vector<16xf32>,
        %mul3A_735 = arith.mulf %get3A_734, %gather3A_715 : vector<16xf32>
        %swap3A_736 = arith.index_cast %add3A_717 : i32 to index
        %swap3A_737 = arith.constant 32 : index
        %swap3A_738 = tpu.vector_load %arg7[%swap3A_736, %swap3A_737] {strides = array<i32>} : memref<128x128xf32, #tpu.memory_space<vmem>>, vector<16xf32>,
        tpu.vector_store %arg7[%swap3A_736, %swap3A_737], %mul3A_735 {strides = array<i32>} : memref<128x128xf32, #tpu.memory_space<vmem>>, vector<16xf32>,
        %get3A_739 = arith.index_cast %add3A_717 : i32 to index
        %get3A_740 = arith.constant 48 : index
        %get3A_741 = tpu.vector_load %arg7[%get3A_739, %get3A_740] {strides = array<i32>} : memref<128x128xf32, #tpu.memory_space<vmem>>, vector<16xf32>,
        %mul3A_742 = arith.mulf %get3A_741, %gather3A_715 : vector<16xf32>
        %swap3A_743 = arith.index_cast %add3A_717 : i32 to index
        %swap3A_744 = arith.constant 48 : index
        %swap3A_745 = tpu.vector_load %arg7[%swap3A_743, %swap3A_744] {strides = array<i32>} : memref<128x128xf32, #tpu.memory_space<vmem>>, vector<16xf32>,
        tpu.vector_store %arg7[%swap3A_743, %swap3A_744], %mul3A_742 {strides = array<i32>} : memref<128x128xf32, #tpu.memory_space<vmem>>, vector<16xf32>,
        %get3A_746 = arith.index_cast %add3A_717 : i32 to index
        %get3A_747 = arith.constant 64 : index
        %get3A_748 = tpu.vector_load %arg7[%get3A_746, %get3A_747] {strides = array<i32>} : memref<128x128xf32, #tpu.memory_space<vmem>>, vector<16xf32>,
        %mul3A_749 = arith.mulf %get3A_748, %gather3A_715 : vector<16xf32>
        %swap3A_750 = arith.index_cast %add3A_717 : i32 to index
        %swap3A_751 = arith.constant 64 : index
        %swap3A_752 = tpu.vector_load %arg7[%swap3A_750, %swap3A_751] {strides = array<i32>} : memref<128x128xf32, #tpu.memory_space<vmem>>, vector<16xf32>,
        tpu.vector_store %arg7[%swap3A_750, %swap3A_751], %mul3A_749 {strides = array<i32>} : memref<128x128xf32, #tpu.memory_space<vmem>>, vector<16xf32>,
        %get3A_753 = arith.index_cast %add3A_717 : i32 to index
        %get3A_754 = arith.constant 80 : index
        %get3A_755 = tpu.vector_load %arg7[%get3A_753, %get3A_754] {strides = array<i32>} : memref<128x128xf32, #tpu.memory_space<vmem>>, vector<16xf32>,
        %mul3A_756 = arith.mulf %get3A_755, %gather3A_715 : vector<16xf32>
        %swap3A_757 = arith.index_cast %add3A_717 : i32 to index
        %swap3A_758 = arith.constant 80 : index
        %swap3A_759 = tpu.vector_load %arg7[%swap3A_757, %swap3A_758] {strides = array<i32>} : memref<128x128xf32, #tpu.memory_space<vmem>>, vector<16xf32>,
        tpu.vector_store %arg7[%swap3A_757, %swap3A_758], %mul3A_756 {strides = array<i32>} : memref<128x128xf32, #tpu.memory_space<vmem>>, vector<16xf32>,
        %get3A_760 = arith.index_cast %add3A_717 : i32 to index
        %get3A_761 = arith.constant 96 : index
        %get3A_762 = tpu.vector_load %arg7[%get3A_760, %get3A_761] {strides = array<i32>} : memref<128x128xf32, #tpu.memory_space<vmem>>, vector<16xf32>,
        %mul3A_763 = arith.mulf %get3A_762, %gather3A_715 : vector<16xf32>
        %swap3A_764 = arith.index_cast %add3A_717 : i32 to index
        %swap3A_765 = arith.constant 96 : index
        %swap3A_766 = tpu.vector_load %arg7[%swap3A_764, %swap3A_765] {strides = array<i32>} : memref<128x128xf32, #tpu.memory_space<vmem>>, vector<16xf32>,
        tpu.vector_store %arg7[%swap3A_764, %swap3A_765], %mul3A_763 {strides = array<i32>} : memref<128x128xf32, #tpu.memory_space<vmem>>, vector<16xf32>,
        %get3A_767 = arith.index_cast %add3A_717 : i32 to index
        %get3A_768 = arith.constant 112 : index
        %get3A_769 = tpu.vector_load %arg7[%get3A_767, %get3A_768] {strides = array<i32>} : memref<128x128xf32, #tpu.memory_space<vmem>>, vector<16xf32>,
        %mul3A_770 = arith.mulf %get3A_769, %gather3A_715 : vector<16xf32>
        %swap3A_771 = arith.index_cast %add3A_717 : i32 to index
        %swap3A_772 = arith.constant 112 : index
        %swap3A_773 = tpu.vector_load %arg7[%swap3A_771, %swap3A_772] {strides = array<i32>} : memref<128x128xf32, #tpu.memory_space<vmem>>, vector<16xf32>,
        tpu.vector_store %arg7[%swap3A_771, %swap3A_772], %mul3A_770 {strides = array<i32>} : memref<128x128xf32, #tpu.memory_space<vmem>>, vector<16xf32>,
        %add3A_774 = arith.constant 11 : i32
        %add3A_775 = arith.addi %mul3A_95, %add3A_774 : i32
        %broadcast_in_dim3A_776 = vector.broadcast %add3A_775 : i32 to vector<16xi32>
        %gather3A_777 = tpu.vector_load_idx %arg10[%broadcast_in_dim3A_776] : memref<128xf32, #tpu.memory_space<vmem>>[vector<16xi32>], vector<16xf32>,
        %add3A_778 = arith.constant 11 : i32
        %add3A_779 = arith.addi %mul3A_95, %add3A_778 : i32
        %get3A_780 = arith.index_cast %add3A_779 : i32 to index
        %get3A_781 = arith.constant 0 : index
        %get3A_782 = tpu.vector_load %arg7[%get3A_780, %get3A_781] {strides = array<i32>} : memref<128x128xf32, #tpu.memory_space<vmem>>, vector<16xf32>,
        %mul3A_783 = arith.mulf %get3A_782, %gather3A_777 : vector<16xf32>
        %swap3A_784 = arith.index_cast %add3A_779 : i32 to index
        %swap3A_785 = arith.constant 0 : index
        %swap3A_786 = tpu.vector_load %arg7[%swap3A_784, %swap3A_785] {strides = array<i32>} : memref<128x128xf32, #tpu.memory_space<vmem>>, vector<16xf32>,
        tpu.vector_store %arg7[%swap3A_784, %swap3A_785], %mul3A_783 {strides = array<i32>} : memref<128x128xf32, #tpu.memory_space<vmem>>, vector<16xf32>,
        %get3A_787 = arith.index_cast %add3A_779 : i32 to index
        %get3A_788 = arith.constant 16 : index
        %get3A_789 = tpu.vector_load %arg7[%get3A_787, %get3A_788] {strides = array<i32>} : memref<128x128xf32, #tpu.memory_space<vmem>>, vector<16xf32>,
        %mul3A_790 = arith.mulf %get3A_789, %gather3A_777 : vector<16xf32>
        %swap3A_791 = arith.index_cast %add3A_779 : i32 to index
        %swap3A_792 = arith.constant 16 : index
        %swap3A_793 = tpu.vector_load %arg7[%swap3A_791, %swap3A_792] {strides = array<i32>} : memref<128x128xf32, #tpu.memory_space<vmem>>, vector<16xf32>,
        tpu.vector_store %arg7[%swap3A_791, %swap3A_792], %mul3A_790 {strides = array<i32>} : memref<128x128xf32, #tpu.memory_space<vmem>>, vector<16xf32>,
        %get3A_794 = arith.index_cast %add3A_779 : i32 to index
        %get3A_795 = arith.constant 32 : index
        %get3A_796 = tpu.vector_load %arg7[%get3A_794, %get3A_795] {strides = array<i32>} : memref<128x128xf32, #tpu.memory_space<vmem>>, vector<16xf32>,
        %mul3A_797 = arith.mulf %get3A_796, %gather3A_777 : vector<16xf32>
        %swap3A_798 = arith.index_cast %add3A_779 : i32 to index
        %swap3A_799 = arith.constant 32 : index
        %swap3A_800 = tpu.vector_load %arg7[%swap3A_798, %swap3A_799] {strides = array<i32>} : memref<128x128xf32, #tpu.memory_space<vmem>>, vector<16xf32>,
        tpu.vector_store %arg7[%swap3A_798, %swap3A_799], %mul3A_797 {strides = array<i32>} : memref<128x128xf32, #tpu.memory_space<vmem>>, vector<16xf32>,
        %get3A_801 = arith.index_cast %add3A_779 : i32 to index
        %get3A_802 = arith.constant 48 : index
        %get3A_803 = tpu.vector_load %arg7[%get3A_801, %get3A_802] {strides = array<i32>} : memref<128x128xf32, #tpu.memory_space<vmem>>, vector<16xf32>,
        %mul3A_804 = arith.mulf %get3A_803, %gather3A_777 : vector<16xf32>
        %swap3A_805 = arith.index_cast %add3A_779 : i32 to index
        %swap3A_806 = arith.constant 48 : index
        %swap3A_807 = tpu.vector_load %arg7[%swap3A_805, %swap3A_806] {strides = array<i32>} : memref<128x128xf32, #tpu.memory_space<vmem>>, vector<16xf32>,
        tpu.vector_store %arg7[%swap3A_805, %swap3A_806], %mul3A_804 {strides = array<i32>} : memref<128x128xf32, #tpu.memory_space<vmem>>, vector<16xf32>,
        %get3A_808 = arith.index_cast %add3A_779 : i32 to index
        %get3A_809 = arith.constant 64 : index
        %get3A_810 = tpu.vector_load %arg7[%get3A_808, %get3A_809] {strides = array<i32>} : memref<128x128xf32, #tpu.memory_space<vmem>>, vector<16xf32>,
        %mul3A_811 = arith.mulf %get3A_810, %gather3A_777 : vector<16xf32>
        %swap3A_812 = arith.index_cast %add3A_779 : i32 to index
        %swap3A_813 = arith.constant 64 : index
        %swap3A_814 = tpu.vector_load %arg7[%swap3A_812, %swap3A_813] {strides = array<i32>} : memref<128x128xf32, #tpu.memory_space<vmem>>, vector<16xf32>,
        tpu.vector_store %arg7[%swap3A_812, %swap3A_813], %mul3A_811 {strides = array<i32>} : memref<128x128xf32, #tpu.memory_space<vmem>>, vector<16xf32>,
        %get3A_815 = arith.index_cast %add3A_779 : i32 to index
        %get3A_816 = arith.constant 80 : index
        %get3A_817 = tpu.vector_load %arg7[%get3A_815, %get3A_816] {strides = array<i32>} : memref<128x128xf32, #tpu.memory_space<vmem>>, vector<16xf32>,
        %mul3A_818 = arith.mulf %get3A_817, %gather3A_777 : vector<16xf32>
        %swap3A_819 = arith.index_cast %add3A_779 : i32 to index
        %swap3A_820 = arith.constant 80 : index
        %swap3A_821 = tpu.vector_load %arg7[%swap3A_819, %swap3A_820] {strides = array<i32>} : memref<128x128xf32, #tpu.memory_space<vmem>>, vector<16xf32>,
        tpu.vector_store %arg7[%swap3A_819, %swap3A_820], %mul3A_818 {strides = array<i32>} : memref<128x128xf32, #tpu.memory_space<vmem>>, vector<16xf32>,
        %get3A_822 = arith.index_cast %add3A_779 : i32 to index
        %get3A_823 = arith.constant 96 : index
        %get3A_824 = tpu.vector_load %arg7[%get3A_822, %get3A_823] {strides = array<i32>} : memref<128x128xf32, #tpu.memory_space<vmem>>, vector<16xf32>,
        %mul3A_825 = arith.mulf %get3A_824, %gather3A_777 : vector<16xf32>
        %swap3A_826 = arith.index_cast %add3A_779 : i32 to index
        %swap3A_827 = arith.constant 96 : index
        %swap3A_828 = tpu.vector_load %arg7[%swap3A_826, %swap3A_827] {strides = array<i32>} : memref<128x128xf32, #tpu.memory_space<vmem>>, vector<16xf32>,
        tpu.vector_store %arg7[%swap3A_826, %swap3A_827], %mul3A_825 {strides = array<i32>} : memref<128x128xf32, #tpu.memory_space<vmem>>, vector<16xf32>,
        %get3A_829 = arith.index_cast %add3A_779 : i32 to index
        %get3A_830 = arith.constant 112 : index
        %get3A_831 = tpu.vector_load %arg7[%get3A_829, %get3A_830] {strides = array<i32>} : memref<128x128xf32, #tpu.memory_space<vmem>>, vector<16xf32>,
        %mul3A_832 = arith.mulf %get3A_831, %gather3A_777 : vector<16xf32>
        %swap3A_833 = arith.index_cast %add3A_779 : i32 to index
        %swap3A_834 = arith.constant 112 : index
        %swap3A_835 = tpu.vector_load %arg7[%swap3A_833, %swap3A_834] {strides = array<i32>} : memref<128x128xf32, #tpu.memory_space<vmem>>, vector<16xf32>,
        tpu.vector_store %arg7[%swap3A_833, %swap3A_834], %mul3A_832 {strides = array<i32>} : memref<128x128xf32, #tpu.memory_space<vmem>>, vector<16xf32>,
        %add3A_836 = arith.constant 12 : i32
        %add3A_837 = arith.addi %mul3A_95, %add3A_836 : i32
        %broadcast_in_dim3A_838 = vector.broadcast %add3A_837 : i32 to vector<16xi32>
        %gather3A_839 = tpu.vector_load_idx %arg10[%broadcast_in_dim3A_838] : memref<128xf32, #tpu.memory_space<vmem>>[vector<16xi32>], vector<16xf32>,
        %add3A_840 = arith.constant 12 : i32
        %add3A_841 = arith.addi %mul3A_95, %add3A_840 : i32
        %get3A_842 = arith.index_cast %add3A_841 : i32 to index
        %get3A_843 = arith.constant 0 : index
        %get3A_844 = tpu.vector_load %arg7[%get3A_842, %get3A_843] {strides = array<i32>} : memref<128x128xf32, #tpu.memory_space<vmem>>, vector<16xf32>,
        %mul3A_845 = arith.mulf %get3A_844, %gather3A_839 : vector<16xf32>
        %swap3A_846 = arith.index_cast %add3A_841 : i32 to index
        %swap3A_847 = arith.constant 0 : index
        %swap3A_848 = tpu.vector_load %arg7[%swap3A_846, %swap3A_847] {strides = array<i32>} : memref<128x128xf32, #tpu.memory_space<vmem>>, vector<16xf32>,
        tpu.vector_store %arg7[%swap3A_846, %swap3A_847], %mul3A_845 {strides = array<i32>} : memref<128x128xf32, #tpu.memory_space<vmem>>, vector<16xf32>,
        %get3A_849 = arith.index_cast %add3A_841 : i32 to index
        %get3A_850 = arith.constant 16 : index
        %get3A_851 = tpu.vector_load %arg7[%get3A_849, %get3A_850] {strides = array<i32>} : memref<128x128xf32, #tpu.memory_space<vmem>>, vector<16xf32>,
        %mul3A_852 = arith.mulf %get3A_851, %gather3A_839 : vector<16xf32>
        %swap3A_853 = arith.index_cast %add3A_841 : i32 to index
        %swap3A_854 = arith.constant 16 : index
        %swap3A_855 = tpu.vector_load %arg7[%swap3A_853, %swap3A_854] {strides = array<i32>} : memref<128x128xf32, #tpu.memory_space<vmem>>, vector<16xf32>,
        tpu.vector_store %arg7[%swap3A_853, %swap3A_854], %mul3A_852 {strides = array<i32>} : memref<128x128xf32, #tpu.memory_space<vmem>>, vector<16xf32>,
        %get3A_856 = arith.index_cast %add3A_841 : i32 to index
        %get3A_857 = arith.constant 32 : index
        %get3A_858 = tpu.vector_load %arg7[%get3A_856, %get3A_857] {strides = array<i32>} : memref<128x128xf32, #tpu.memory_space<vmem>>, vector<16xf32>,
        %mul3A_859 = arith.mulf %get3A_858, %gather3A_839 : vector<16xf32>
        %swap3A_860 = arith.index_cast %add3A_841 : i32 to index
        %swap3A_861 = arith.constant 32 : index
        %swap3A_862 = tpu.vector_load %arg7[%swap3A_860, %swap3A_861] {strides = array<i32>} : memref<128x128xf32, #tpu.memory_space<vmem>>, vector<16xf32>,
        tpu.vector_store %arg7[%swap3A_860, %swap3A_861], %mul3A_859 {strides = array<i32>} : memref<128x128xf32, #tpu.memory_space<vmem>>, vector<16xf32>,
        %get3A_863 = arith.index_cast %add3A_841 : i32 to index
        %get3A_864 = arith.constant 48 : index
        %get3A_865 = tpu.vector_load %arg7[%get3A_863, %get3A_864] {strides = array<i32>} : memref<128x128xf32, #tpu.memory_space<vmem>>, vector<16xf32>,
        %mul3A_866 = arith.mulf %get3A_865, %gather3A_839 : vector<16xf32>
        %swap3A_867 = arith.index_cast %add3A_841 : i32 to index
        %swap3A_868 = arith.constant 48 : index
        %swap3A_869 = tpu.vector_load %arg7[%swap3A_867, %swap3A_868] {strides = array<i32>} : memref<128x128xf32, #tpu.memory_space<vmem>>, vector<16xf32>,
        tpu.vector_store %arg7[%swap3A_867, %swap3A_868], %mul3A_866 {strides = array<i32>} : memref<128x128xf32, #tpu.memory_space<vmem>>, vector<16xf32>,
        %get3A_870 = arith.index_cast %add3A_841 : i32 to index
        %get3A_871 = arith.constant 64 : index
        %get3A_872 = tpu.vector_load %arg7[%get3A_870, %get3A_871] {strides = array<i32>} : memref<128x128xf32, #tpu.memory_space<vmem>>, vector<16xf32>,
        %mul3A_873 = arith.mulf %get3A_872, %gather3A_839 : vector<16xf32>
        %swap3A_874 = arith.index_cast %add3A_841 : i32 to index
        %swap3A_875 = arith.constant 64 : index
        %swap3A_876 = tpu.vector_load %arg7[%swap3A_874, %swap3A_875] {strides = array<i32>} : memref<128x128xf32, #tpu.memory_space<vmem>>, vector<16xf32>,
        tpu.vector_store %arg7[%swap3A_874, %swap3A_875], %mul3A_873 {strides = array<i32>} : memref<128x128xf32, #tpu.memory_space<vmem>>, vector<16xf32>,
        %get3A_877 = arith.index_cast %add3A_841 : i32 to index
        %get3A_878 = arith.constant 80 : index
        %get3A_879 = tpu.vector_load %arg7[%get3A_877, %get3A_878] {strides = array<i32>} : memref<128x128xf32, #tpu.memory_space<vmem>>, vector<16xf32>,
        %mul3A_880 = arith.mulf %get3A_879, %gather3A_839 : vector<16xf32>
        %swap3A_881 = arith.index_cast %add3A_841 : i32 to index
        %swap3A_882 = arith.constant 80 : index
        %swap3A_883 = tpu.vector_load %arg7[%swap3A_881, %swap3A_882] {strides = array<i32>} : memref<128x128xf32, #tpu.memory_space<vmem>>, vector<16xf32>,
        tpu.vector_store %arg7[%swap3A_881, %swap3A_882], %mul3A_880 {strides = array<i32>} : memref<128x128xf32, #tpu.memory_space<vmem>>, vector<16xf32>,
        %get3A_884 = arith.index_cast %add3A_841 : i32 to index
        %get3A_885 = arith.constant 96 : index
        %get3A_886 = tpu.vector_load %arg7[%get3A_884, %get3A_885] {strides = array<i32>} : memref<128x128xf32, #tpu.memory_space<vmem>>, vector<16xf32>,
        %mul3A_887 = arith.mulf %get3A_886, %gather3A_839 : vector<16xf32>
        %swap3A_888 = arith.index_cast %add3A_841 : i32 to index
        %swap3A_889 = arith.constant 96 : index
        %swap3A_890 = tpu.vector_load %arg7[%swap3A_888, %swap3A_889] {strides = array<i32>} : memref<128x128xf32, #tpu.memory_space<vmem>>, vector<16xf32>,
        tpu.vector_store %arg7[%swap3A_888, %swap3A_889], %mul3A_887 {strides = array<i32>} : memref<128x128xf32, #tpu.memory_space<vmem>>, vector<16xf32>,
        %get3A_891 = arith.index_cast %add3A_841 : i32 to index
        %get3A_892 = arith.constant 112 : index
        %get3A_893 = tpu.vector_load %arg7[%get3A_891, %get3A_892] {strides = array<i32>} : memref<128x128xf32, #tpu.memory_space<vmem>>, vector<16xf32>,
        %mul3A_894 = arith.mulf %get3A_893, %gather3A_839 : vector<16xf32>
        %swap3A_895 = arith.index_cast %add3A_841 : i32 to index
        %swap3A_896 = arith.constant 112 : index
        %swap3A_897 = tpu.vector_load %arg7[%swap3A_895, %swap3A_896] {strides = array<i32>} : memref<128x128xf32, #tpu.memory_space<vmem>>, vector<16xf32>,
        tpu.vector_store %arg7[%swap3A_895, %swap3A_896], %mul3A_894 {strides = array<i32>} : memref<128x128xf32, #tpu.memory_space<vmem>>, vector<16xf32>,
        %add3A_898 = arith.constant 13 : i32
        %add3A_899 = arith.addi %mul3A_95, %add3A_898 : i32
        %broadcast_in_dim3A_900 = vector.broadcast %add3A_899 : i32 to vector<16xi32>
        %gather3A_901 = tpu.vector_load_idx %arg10[%broadcast_in_dim3A_900] : memref<128xf32, #tpu.memory_space<vmem>>[vector<16xi32>], vector<16xf32>,
        %add3A_902 = arith.constant 13 : i32
        %add3A_903 = arith.addi %mul3A_95, %add3A_902 : i32
        %get3A_904 = arith.index_cast %add3A_903 : i32 to index
        %get3A_905 = arith.constant 0 : index
        %get3A_906 = tpu.vector_load %arg7[%get3A_904, %get3A_905] {strides = array<i32>} : memref<128x128xf32, #tpu.memory_space<vmem>>, vector<16xf32>,
        %mul3A_907 = arith.mulf %get3A_906, %gather3A_901 : vector<16xf32>
        %swap3A_908 = arith.index_cast %add3A_903 : i32 to index
        %swap3A_909 = arith.constant 0 : index
        %swap3A_910 = tpu.vector_load %arg7[%swap3A_908, %swap3A_909] {strides = array<i32>} : memref<128x128xf32, #tpu.memory_space<vmem>>, vector<16xf32>,
        tpu.vector_store %arg7[%swap3A_908, %swap3A_909], %mul3A_907 {strides = array<i32>} : memref<128x128xf32, #tpu.memory_space<vmem>>, vector<16xf32>,
        %get3A_911 = arith.index_cast %add3A_903 : i32 to index
        %get3A_912 = arith.constant 16 : index
        %get3A_913 = tpu.vector_load %arg7[%get3A_911, %get3A_912] {strides = array<i32>} : memref<128x128xf32, #tpu.memory_space<vmem>>, vector<16xf32>,
        %mul3A_914 = arith.mulf %get3A_913, %gather3A_901 : vector<16xf32>
        %swap3A_915 = arith.index_cast %add3A_903 : i32 to index
        %swap3A_916 = arith.constant 16 : index
        %swap3A_917 = tpu.vector_load %arg7[%swap3A_915, %swap3A_916] {strides = array<i32>} : memref<128x128xf32, #tpu.memory_space<vmem>>, vector<16xf32>,
        tpu.vector_store %arg7[%swap3A_915, %swap3A_916], %mul3A_914 {strides = array<i32>} : memref<128x128xf32, #tpu.memory_space<vmem>>, vector<16xf32>,
        %get3A_918 = arith.index_cast %add3A_903 : i32 to index
        %get3A_919 = arith.constant 32 : index
        %get3A_920 = tpu.vector_load %arg7[%get3A_918, %get3A_919] {strides = array<i32>} : memref<128x128xf32, #tpu.memory_space<vmem>>, vector<16xf32>,
        %mul3A_921 = arith.mulf %get3A_920, %gather3A_901 : vector<16xf32>
        %swap3A_922 = arith.index_cast %add3A_903 : i32 to index
        %swap3A_923 = arith.constant 32 : index
        %swap3A_924 = tpu.vector_load %arg7[%swap3A_922, %swap3A_923] {strides = array<i32>} : memref<128x128xf32, #tpu.memory_space<vmem>>, vector<16xf32>,
        tpu.vector_store %arg7[%swap3A_922, %swap3A_923], %mul3A_921 {strides = array<i32>} : memref<128x128xf32, #tpu.memory_space<vmem>>, vector<16xf32>,
        %get3A_925 = arith.index_cast %add3A_903 : i32 to index
        %get3A_926 = arith.constant 48 : index
        %get3A_927 = tpu.vector_load %arg7[%get3A_925, %get3A_926] {strides = array<i32>} : memref<128x128xf32, #tpu.memory_space<vmem>>, vector<16xf32>,
        %mul3A_928 = arith.mulf %get3A_927, %gather3A_901 : vector<16xf32>
        %swap3A_929 = arith.index_cast %add3A_903 : i32 to index
        %swap3A_930 = arith.constant 48 : index
        %swap3A_931 = tpu.vector_load %arg7[%swap3A_929, %swap3A_930] {strides = array<i32>} : memref<128x128xf32, #tpu.memory_space<vmem>>, vector<16xf32>,
        tpu.vector_store %arg7[%swap3A_929, %swap3A_930], %mul3A_928 {strides = array<i32>} : memref<128x128xf32, #tpu.memory_space<vmem>>, vector<16xf32>,
        %get3A_932 = arith.index_cast %add3A_903 : i32 to index
        %get3A_933 = arith.constant 64 : index
        %get3A_934 = tpu.vector_load %arg7[%get3A_932, %get3A_933] {strides = array<i32>} : memref<128x128xf32, #tpu.memory_space<vmem>>, vector<16xf32>,
        %mul3A_935 = arith.mulf %get3A_934, %gather3A_901 : vector<16xf32>
        %swap3A_936 = arith.index_cast %add3A_903 : i32 to index
        %swap3A_937 = arith.constant 64 : index
        %swap3A_938 = tpu.vector_load %arg7[%swap3A_936, %swap3A_937] {strides = array<i32>} : memref<128x128xf32, #tpu.memory_space<vmem>>, vector<16xf32>,
        tpu.vector_store %arg7[%swap3A_936, %swap3A_937], %mul3A_935 {strides = array<i32>} : memref<128x128xf32, #tpu.memory_space<vmem>>, vector<16xf32>,
        %get3A_939 = arith.index_cast %add3A_903 : i32 to index
        %get3A_940 = arith.constant 80 : index
        %get3A_941 = tpu.vector_load %arg7[%get3A_939, %get3A_940] {strides = array<i32>} : memref<128x128xf32, #tpu.memory_space<vmem>>, vector<16xf32>,
        %mul3A_942 = arith.mulf %get3A_941, %gather3A_901 : vector<16xf32>
        %swap3A_943 = arith.index_cast %add3A_903 : i32 to index
        %swap3A_944 = arith.constant 80 : index
        %swap3A_945 = tpu.vector_load %arg7[%swap3A_943, %swap3A_944] {strides = array<i32>} : memref<128x128xf32, #tpu.memory_space<vmem>>, vector<16xf32>,
        tpu.vector_store %arg7[%swap3A_943, %swap3A_944], %mul3A_942 {strides = array<i32>} : memref<128x128xf32, #tpu.memory_space<vmem>>, vector<16xf32>,
        %get3A_946 = arith.index_cast %add3A_903 : i32 to index
        %get3A_947 = arith.constant 96 : index
        %get3A_948 = tpu.vector_load %arg7[%get3A_946, %get3A_947] {strides = array<i32>} : memref<128x128xf32, #tpu.memory_space<vmem>>, vector<16xf32>,
        %mul3A_949 = arith.mulf %get3A_948, %gather3A_901 : vector<16xf32>
        %swap3A_950 = arith.index_cast %add3A_903 : i32 to index
        %swap3A_951 = arith.constant 96 : index
        %swap3A_952 = tpu.vector_load %arg7[%swap3A_950, %swap3A_951] {strides = array<i32>} : memref<128x128xf32, #tpu.memory_space<vmem>>, vector<16xf32>,
        tpu.vector_store %arg7[%swap3A_950, %swap3A_951], %mul3A_949 {strides = array<i32>} : memref<128x128xf32, #tpu.memory_space<vmem>>, vector<16xf32>,
        %get3A_953 = arith.index_cast %add3A_903 : i32 to index
        %get3A_954 = arith.constant 112 : index
        %get3A_955 = tpu.vector_load %arg7[%get3A_953, %get3A_954] {strides = array<i32>} : memref<128x128xf32, #tpu.memory_space<vmem>>, vector<16xf32>,
        %mul3A_956 = arith.mulf %get3A_955, %gather3A_901 : vector<16xf32>
        %swap3A_957 = arith.index_cast %add3A_903 : i32 to index
        %swap3A_958 = arith.constant 112 : index
        %swap3A_959 = tpu.vector_load %arg7[%swap3A_957, %swap3A_958] {strides = array<i32>} : memref<128x128xf32, #tpu.memory_space<vmem>>, vector<16xf32>,
        tpu.vector_store %arg7[%swap3A_957, %swap3A_958], %mul3A_956 {strides = array<i32>} : memref<128x128xf32, #tpu.memory_space<vmem>>, vector<16xf32>,
        %add3A_960 = arith.constant 14 : i32
        %add3A_961 = arith.addi %mul3A_95, %add3A_960 : i32
        %broadcast_in_dim3A_962 = vector.broadcast %add3A_961 : i32 to vector<16xi32>
        %gather3A_963 = tpu.vector_load_idx %arg10[%broadcast_in_dim3A_962] : memref<128xf32, #tpu.memory_space<vmem>>[vector<16xi32>], vector<16xf32>,
        %add3A_964 = arith.constant 14 : i32
        %add3A_965 = arith.addi %mul3A_95, %add3A_964 : i32
        %get3A_966 = arith.index_cast %add3A_965 : i32 to index
        %get3A_967 = arith.constant 0 : index
        %get3A_968 = tpu.vector_load %arg7[%get3A_966, %get3A_967] {strides = array<i32>} : memref<128x128xf32, #tpu.memory_space<vmem>>, vector<16xf32>,
        %mul3A_969 = arith.mulf %get3A_968, %gather3A_963 : vector<16xf32>
        %swap3A_970 = arith.index_cast %add3A_965 : i32 to index
        %swap3A_971 = arith.constant 0 : index
        %swap3A_972 = tpu.vector_load %arg7[%swap3A_970, %swap3A_971] {strides = array<i32>} : memref<128x128xf32, #tpu.memory_space<vmem>>, vector<16xf32>,
        tpu.vector_store %arg7[%swap3A_970, %swap3A_971], %mul3A_969 {strides = array<i32>} : memref<128x128xf32, #tpu.memory_space<vmem>>, vector<16xf32>,
        %get3A_973 = arith.index_cast %add3A_965 : i32 to index
        %get3A_974 = arith.constant 16 : index
        %get3A_975 = tpu.vector_load %arg7[%get3A_973, %get3A_974] {strides = array<i32>} : memref<128x128xf32, #tpu.memory_space<vmem>>, vector<16xf32>,
        %mul3A_976 = arith.mulf %get3A_975, %gather3A_963 : vector<16xf32>
        %swap3A_977 = arith.index_cast %add3A_965 : i32 to index
        %swap3A_978 = arith.constant 16 : index
        %swap3A_979 = tpu.vector_load %arg7[%swap3A_977, %swap3A_978] {strides = array<i32>} : memref<128x128xf32, #tpu.memory_space<vmem>>, vector<16xf32>,
        tpu.vector_store %arg7[%swap3A_977, %swap3A_978], %mul3A_976 {strides = array<i32>} : memref<128x128xf32, #tpu.memory_space<vmem>>, vector<16xf32>,
        %get3A_980 = arith.index_cast %add3A_965 : i32 to index
        %get3A_981 = arith.constant 32 : index
        %get3A_982 = tpu.vector_load %arg7[%get3A_980, %get3A_981] {strides = array<i32>} : memref<128x128xf32, #tpu.memory_space<vmem>>, vector<16xf32>,
        %mul3A_983 = arith.mulf %get3A_982, %gather3A_963 : vector<16xf32>
        %swap3A_984 = arith.index_cast %add3A_965 : i32 to index
        %swap3A_985 = arith.constant 32 : index
        %swap3A_986 = tpu.vector_load %arg7[%swap3A_984, %swap3A_985] {strides = array<i32>} : memref<128x128xf32, #tpu.memory_space<vmem>>, vector<16xf32>,
        tpu.vector_store %arg7[%swap3A_984, %swap3A_985], %mul3A_983 {strides = array<i32>} : memref<128x128xf32, #tpu.memory_space<vmem>>, vector<16xf32>,
        %get3A_987 = arith.index_cast %add3A_965 : i32 to index
        %get3A_988 = arith.constant 48 : index
        %get3A_989 = tpu.vector_load %arg7[%get3A_987, %get3A_988] {strides = array<i32>} : memref<128x128xf32, #tpu.memory_space<vmem>>, vector<16xf32>,
        %mul3A_990 = arith.mulf %get3A_989, %gather3A_963 : vector<16xf32>
        %swap3A_991 = arith.index_cast %add3A_965 : i32 to index
        %swap3A_992 = arith.constant 48 : index
        %swap3A_993 = tpu.vector_load %arg7[%swap3A_991, %swap3A_992] {strides = array<i32>} : memref<128x128xf32, #tpu.memory_space<vmem>>, vector<16xf32>,
        tpu.vector_store %arg7[%swap3A_991, %swap3A_992], %mul3A_990 {strides = array<i32>} : memref<128x128xf32, #tpu.memory_space<vmem>>, vector<16xf32>,
        %get3A_994 = arith.index_cast %add3A_965 : i32 to index
        %get3A_995 = arith.constant 64 : index
        %get3A_996 = tpu.vector_load %arg7[%get3A_994, %get3A_995] {strides = array<i32>} : memref<128x128xf32, #tpu.memory_space<vmem>>, vector<16xf32>,
        %mul3A_997 = arith.mulf %get3A_996, %gather3A_963 : vector<16xf32>
        %swap3A_998 = arith.index_cast %add3A_965 : i32 to index
        %swap3A_999 = arith.constant 64 : index
        %swap3A_1000 = tpu.vector_load %arg7[%swap3A_998, %swap3A_999] {strides = array<i32>} : memref<128x128xf32, #tpu.memory_space<vmem>>, vector<16xf32>,
        tpu.vector_store %arg7[%swap3A_998, %swap3A_999], %mul3A_997 {strides = array<i32>} : memref<128x128xf32, #tpu.memory_space<vmem>>, vector<16xf32>,
        %get3A_1001 = arith.index_cast %add3A_965 : i32 to index
        %get3A_1002 = arith.constant 80 : index
        %get3A_1003 = tpu.vector_load %arg7[%get3A_1001, %get3A_1002] {strides = array<i32>} : memref<128x128xf32, #tpu.memory_space<vmem>>, vector<16xf32>,
        %mul3A_1004 = arith.mulf %get3A_1003, %gather3A_963 : vector<16xf32>
        %swap3A_1005 = arith.index_cast %add3A_965 : i32 to index
        %swap3A_1006 = arith.constant 80 : index
        %swap3A_1007 = tpu.vector_load %arg7[%swap3A_1005, %swap3A_1006] {strides = array<i32>} : memref<128x128xf32, #tpu.memory_space<vmem>>, vector<16xf32>,
        tpu.vector_store %arg7[%swap3A_1005, %swap3A_1006], %mul3A_1004 {strides = array<i32>} : memref<128x128xf32, #tpu.memory_space<vmem>>, vector<16xf32>,
        %get3A_1008 = arith.index_cast %add3A_965 : i32 to index
        %get3A_1009 = arith.constant 96 : index
        %get3A_1010 = tpu.vector_load %arg7[%get3A_1008, %get3A_1009] {strides = array<i32>} : memref<128x128xf32, #tpu.memory_space<vmem>>, vector<16xf32>,
        %mul3A_1011 = arith.mulf %get3A_1010, %gather3A_963 : vector<16xf32>
        %swap3A_1012 = arith.index_cast %add3A_965 : i32 to index
        %swap3A_1013 = arith.constant 96 : index
        %swap3A_1014 = tpu.vector_load %arg7[%swap3A_1012, %swap3A_1013] {strides = array<i32>} : memref<128x128xf32, #tpu.memory_space<vmem>>, vector<16xf32>,
        tpu.vector_store %arg7[%swap3A_1012, %swap3A_1013], %mul3A_1011 {strides = array<i32>} : memref<128x128xf32, #tpu.memory_space<vmem>>, vector<16xf32>,
        %get3A_1015 = arith.index_cast %add3A_965 : i32 to index
        %get3A_1016 = arith.constant 112 : index
        %get3A_1017 = tpu.vector_load %arg7[%get3A_1015, %get3A_1016] {strides = array<i32>} : memref<128x128xf32, #tpu.memory_space<vmem>>, vector<16xf32>,
        %mul3A_1018 = arith.mulf %get3A_1017, %gather3A_963 : vector<16xf32>
        %swap3A_1019 = arith.index_cast %add3A_965 : i32 to index
        %swap3A_1020 = arith.constant 112 : index
        %swap3A_1021 = tpu.vector_load %arg7[%swap3A_1019, %swap3A_1020] {strides = array<i32>} : memref<128x128xf32, #tpu.memory_space<vmem>>, vector<16xf32>,
        tpu.vector_store %arg7[%swap3A_1019, %swap3A_1020], %mul3A_1018 {strides = array<i32>} : memref<128x128xf32, #tpu.memory_space<vmem>>, vector<16xf32>,
        %add3A_1022 = arith.constant 15 : i32
        %add3A_1023 = arith.addi %mul3A_95, %add3A_1022 : i32
        %broadcast_in_dim3A_1024 = vector.broadcast %add3A_1023 : i32 to vector<16xi32>
        %gather3A_1025 = tpu.vector_load_idx %arg10[%broadcast_in_dim3A_1024] : memref<128xf32, #tpu.memory_space<vmem>>[vector<16xi32>], vector<16xf32>,
        %add3A_1026 = arith.constant 15 : i32
        %add3A_1027 = arith.addi %mul3A_95, %add3A_1026 : i32
        %get3A_1028 = arith.index_cast %add3A_1027 : i32 to index
        %get3A_1029 = arith.constant 0 : index
        %get3A_1030 = tpu.vector_load %arg7[%get3A_1028, %get3A_1029] {strides = array<i32>} : memref<128x128xf32, #tpu.memory_space<vmem>>, vector<16xf32>,
        %mul3A_1031 = arith.mulf %get3A_1030, %gather3A_1025 : vector<16xf32>
        %swap3A_1032 = arith.index_cast %add3A_1027 : i32 to index
        %swap3A_1033 = arith.constant 0 : index
        %swap3A_1034 = tpu.vector_load %arg7[%swap3A_1032, %swap3A_1033] {strides = array<i32>} : memref<128x128xf32, #tpu.memory_space<vmem>>, vector<16xf32>,
        tpu.vector_store %arg7[%swap3A_1032, %swap3A_1033], %mul3A_1031 {strides = array<i32>} : memref<128x128xf32, #tpu.memory_space<vmem>>, vector<16xf32>,
        %get3A_1035 = arith.index_cast %add3A_1027 : i32 to index
        %get3A_1036 = arith.constant 16 : index
        %get3A_1037 = tpu.vector_load %arg7[%get3A_1035, %get3A_1036] {strides = array<i32>} : memref<128x128xf32, #tpu.memory_space<vmem>>, vector<16xf32>,
        %mul3A_1038 = arith.mulf %get3A_1037, %gather3A_1025 : vector<16xf32>
        %swap3A_1039 = arith.index_cast %add3A_1027 : i32 to index
        %swap3A_1040 = arith.constant 16 : index
        %swap3A_1041 = tpu.vector_load %arg7[%swap3A_1039, %swap3A_1040] {strides = array<i32>} : memref<128x128xf32, #tpu.memory_space<vmem>>, vector<16xf32>,
        tpu.vector_store %arg7[%swap3A_1039, %swap3A_1040], %mul3A_1038 {strides = array<i32>} : memref<128x128xf32, #tpu.memory_space<vmem>>, vector<16xf32>,
        %get3A_1042 = arith.index_cast %add3A_1027 : i32 to index
        %get3A_1043 = arith.constant 32 : index
        %get3A_1044 = tpu.vector_load %arg7[%get3A_1042, %get3A_1043] {strides = array<i32>} : memref<128x128xf32, #tpu.memory_space<vmem>>, vector<16xf32>,
        %mul3A_1045 = arith.mulf %get3A_1044, %gather3A_1025 : vector<16xf32>
        %swap3A_1046 = arith.index_cast %add3A_1027 : i32 to index
        %swap3A_1047 = arith.constant 32 : index
        %swap3A_1048 = tpu.vector_load %arg7[%swap3A_1046, %swap3A_1047] {strides = array<i32>} : memref<128x128xf32, #tpu.memory_space<vmem>>, vector<16xf32>,
        tpu.vector_store %arg7[%swap3A_1046, %swap3A_1047], %mul3A_1045 {strides = array<i32>} : memref<128x128xf32, #tpu.memory_space<vmem>>, vector<16xf32>,
        %get3A_1049 = arith.index_cast %add3A_1027 : i32 to index
        %get3A_1050 = arith.constant 48 : index
        %get3A_1051 = tpu.vector_load %arg7[%get3A_1049, %get3A_1050] {strides = array<i32>} : memref<128x128xf32, #tpu.memory_space<vmem>>, vector<16xf32>,
        %mul3A_1052 = arith.mulf %get3A_1051, %gather3A_1025 : vector<16xf32>
        %swap3A_1053 = arith.index_cast %add3A_1027 : i32 to index
        %swap3A_1054 = arith.constant 48 : index
        %swap3A_1055 = tpu.vector_load %arg7[%swap3A_1053, %swap3A_1054] {strides = array<i32>} : memref<128x128xf32, #tpu.memory_space<vmem>>, vector<16xf32>,
        tpu.vector_store %arg7[%swap3A_1053, %swap3A_1054], %mul3A_1052 {strides = array<i32>} : memref<128x128xf32, #tpu.memory_space<vmem>>, vector<16xf32>,
        %get3A_1056 = arith.index_cast %add3A_1027 : i32 to index
        %get3A_1057 = arith.constant 64 : index
        %get3A_1058 = tpu.vector_load %arg7[%get3A_1056, %get3A_1057] {strides = array<i32>} : memref<128x128xf32, #tpu.memory_space<vmem>>, vector<16xf32>,
        %mul3A_1059 = arith.mulf %get3A_1058, %gather3A_1025 : vector<16xf32>
        %swap3A_1060 = arith.index_cast %add3A_1027 : i32 to index
        %swap3A_1061 = arith.constant 64 : index
        %swap3A_1062 = tpu.vector_load %arg7[%swap3A_1060, %swap3A_1061] {strides = array<i32>} : memref<128x128xf32, #tpu.memory_space<vmem>>, vector<16xf32>,
        tpu.vector_store %arg7[%swap3A_1060, %swap3A_1061], %mul3A_1059 {strides = array<i32>} : memref<128x128xf32, #tpu.memory_space<vmem>>, vector<16xf32>,
        %get3A_1063 = arith.index_cast %add3A_1027 : i32 to index
        %get3A_1064 = arith.constant 80 : index
        %get3A_1065 = tpu.vector_load %arg7[%get3A_1063, %get3A_1064] {strides = array<i32>} : memref<128x128xf32, #tpu.memory_space<vmem>>, vector<16xf32>,
        %mul3A_1066 = arith.mulf %get3A_1065, %gather3A_1025 : vector<16xf32>
        %swap3A_1067 = arith.index_cast %add3A_1027 : i32 to index
        %swap3A_1068 = arith.constant 80 : index
        %swap3A_1069 = tpu.vector_load %arg7[%swap3A_1067, %swap3A_1068] {strides = array<i32>} : memref<128x128xf32, #tpu.memory_space<vmem>>, vector<16xf32>,
        tpu.vector_store %arg7[%swap3A_1067, %swap3A_1068], %mul3A_1066 {strides = array<i32>} : memref<128x128xf32, #tpu.memory_space<vmem>>, vector<16xf32>,
        %get3A_1070 = arith.index_cast %add3A_1027 : i32 to index
        %get3A_1071 = arith.constant 96 : index
        %get3A_1072 = tpu.vector_load %arg7[%get3A_1070, %get3A_1071] {strides = array<i32>} : memref<128x128xf32, #tpu.memory_space<vmem>>, vector<16xf32>,
        %mul3A_1073 = arith.mulf %get3A_1072, %gather3A_1025 : vector<16xf32>
        %swap3A_1074 = arith.index_cast %add3A_1027 : i32 to index
        %swap3A_1075 = arith.constant 96 : index
        %swap3A_1076 = tpu.vector_load %arg7[%swap3A_1074, %swap3A_1075] {strides = array<i32>} : memref<128x128xf32, #tpu.memory_space<vmem>>, vector<16xf32>,
        tpu.vector_store %arg7[%swap3A_1074, %swap3A_1075], %mul3A_1073 {strides = array<i32>} : memref<128x128xf32, #tpu.memory_space<vmem>>, vector<16xf32>,
        %get3A_1077 = arith.index_cast %add3A_1027 : i32 to index
        %get3A_1078 = arith.constant 112 : index
        %get3A_1079 = tpu.vector_load %arg7[%get3A_1077, %get3A_1078] {strides = array<i32>} : memref<128x128xf32, #tpu.memory_space<vmem>>, vector<16xf32>,
        %mul3A_1080 = arith.mulf %get3A_1079, %gather3A_1025 : vector<16xf32>
        %swap3A_1081 = arith.index_cast %add3A_1027 : i32 to index
        %swap3A_1082 = arith.constant 112 : index
        %swap3A_1083 = tpu.vector_load %arg7[%swap3A_1081, %swap3A_1082] {strides = array<i32>} : memref<128x128xf32, #tpu.memory_space<vmem>>, vector<16xf32>,
        tpu.vector_store %arg7[%swap3A_1081, %swap3A_1082], %mul3A_1080 {strides = array<i32>} : memref<128x128xf32, #tpu.memory_space<vmem>>, vector<16xf32>,
        %scan3A_1084 = arith.constant 0 : i32
        scf.yield %scan3A_1084 : i32
      }
      %scan3A_90 = arith.constant 8 : i32
      %run_scoped3A = arith.constant 0 : i32
      "tpu.region"() ({
        %run_scoped3A_92 = tpu.sem_alloc : memref<!tpu.dma_semaphore, #tpu.memory_space<semaphore_mem>>
        %dma_start3A_93 = arith.constant 0 : i32
        %dma_start3A_94 = tpu.memref_slice %arg8[%run_scoped3A, %dma_start3A_93] : memref<1x128xi32, #tpu.memory_space<vmem>> -> memref<1x128xi32, #tpu.memory_space<vmem>>
        %dma_start3A_95 = tpu.memref_squeeze %dma_start3A_94 : memref<1x128xi32, #tpu.memory_space<vmem>> -> memref<128xi32, #tpu.memory_space<vmem>>
        %dma_start3A_96 = arith.constant 0 : i32
        %dma_start3A_97 = arith.constant 0 : i32
        %dma_start3A_98 = tpu.memref_slice %arg11[%dma_start3A_96, %dma_start3A_97] : memref<10240x128xf32, #tpu.memory_space<vmem_shared>> -> memref<10240x128xf32, #tpu.memory_space<vmem_shared>>
        tpu.enqueue_indirect_dma source(%arg7 : memref<128x128xf32, #tpu.memory_space<vmem>>) target(%dma_start3A_98 : memref<10240x128xf32, #tpu.memory_space<vmem_shared>>) offsets(%dma_start3A_95 : memref<128xi32, #tpu.memory_space<vmem>>) semaphore(%run_scoped3A_92 : memref<!tpu.dma_semaphore, #tpu.memory_space<semaphore_mem>>) {add = true}
        %dma_wait3A_99 = arith.constant 0 : i32
        %dma_wait3A_100 = tpu.memref_slice %arg8[%run_scoped3A, %dma_wait3A_99] : memref<1x128xi32, #tpu.memory_space<vmem>> -> memref<1x128xi32, #tpu.memory_space<vmem>>
        %dma_wait3A_101 = tpu.memref_squeeze %dma_wait3A_100 : memref<1x128xi32, #tpu.memory_space<vmem>> -> memref<128xi32, #tpu.memory_space<vmem>>
        %dma_wait3A_102 = arith.constant 0 : i32
        %dma_wait3A_103 = arith.constant 0 : i32
        %dma_wait3A_104 = tpu.memref_slice %arg11[%dma_wait3A_102, %dma_wait3A_103] : memref<10240x128xf32, #tpu.memory_space<vmem_shared>> -> memref<10240x128xf32, #tpu.memory_space<vmem_shared>>
        tpu.wait_indirect_dma semaphore(%run_scoped3A_92 : memref<!tpu.dma_semaphore, #tpu.memory_space<semaphore_mem>>) src(%arg7 : memref<128x128xf32, #tpu.memory_space<vmem>>) dst(%dma_wait3A_104 : memref<10240x128xf32, #tpu.memory_space<vmem_shared>>)
        tpu.yield
      }) : () -> ()
      %scan3A_91 = arith.constant 0 : i32
      scf.yield %scan3A_91 : i32
    }
    %scan3A_30 = arith.constant 162 : i32
    %barrier3A_31 = arith.constant 0 : index
    tpu.barrier barrier_id(%barrier3A_31)
    %mul3A_32 = arith.constant 640 : i32
    %mul3A_33 = arith.muli %arg1, %mul3A_32 : i32
    %add3A_34 = arith.constant 0 : i32
    %add3A_35 = arith.addi %mul3A_33, %add3A_34 : i32
    "tpu.region"() ({
      %run_scoped3A = tpu.sem_alloc : memref<!tpu.dma_semaphore, #tpu.memory_space<semaphore_mem>>
      %dma_start3A = arith.constant 0 : i32
      %dma_start3A_67 = tpu.memref_slice %arg11[%add3A_35, %dma_start3A] : memref<10240x128xf32, #tpu.memory_space<vmem_shared>> -> memref<128x128xf32, #tpu.memory_space<vmem_shared>>
      %dma_start3A_68 = arith.constant 0 : i32
      %dma_start3A_69 = tpu.memref_slice %arg11[%add3A_35, %dma_start3A_68] : memref<10240x128xf32, #tpu.memory_space<vmem_shared>> -> memref<128x128xf32, #tpu.memory_space<vmem_shared>>
      tpu.enqueue_dma source(%dma_start3A_69 : memref<128x128xf32, #tpu.memory_space<vmem_shared>>) target(%arg7 : memref<128x128xf32, #tpu.memory_space<vmem>>) target_semaphore(%run_scoped3A : memref<!tpu.dma_semaphore, #tpu.memory_space<semaphore_mem>>)
      %dma_wait3A = arith.constant 0 : i32
      %dma_wait3A_70 = tpu.memref_slice %arg11[%add3A_35, %dma_wait3A] : memref<10240x128xf32, #tpu.memory_space<vmem_shared>> -> memref<128x128xf32, #tpu.memory_space<vmem_shared>>
      %dma_wait3A_71 = arith.constant 0 : i32
      %dma_wait3A_72 = tpu.memref_slice %arg11[%add3A_35, %dma_wait3A_71] : memref<10240x128xf32, #tpu.memory_space<vmem_shared>> -> memref<128x128xf32, #tpu.memory_space<vmem_shared>>
      tpu.wait_dma2 semaphore(%run_scoped3A : memref<!tpu.dma_semaphore, #tpu.memory_space<semaphore_mem>>) src(%dma_wait3A_72 : memref<128x128xf32, #tpu.memory_space<vmem_shared>>) dst(%arg7 : memref<128x128xf32, #tpu.memory_space<vmem>>)
      tpu.yield
    }) : () -> ()
    %mul3A_36 = arith.constant 10240 : i32
    %mul3A_37 = arith.muli %arg0, %mul3A_36 : i32
    %add3A_38 = arith.addi %mul3A_37, %add3A_35 : i32
    "tpu.region"() ({
      %run_scoped3A = tpu.sem_alloc : memref<!tpu.dma_semaphore, #tpu.memory_space<semaphore_mem>>
      %dma_start3A = arith.constant 0 : i32
      %dma_start3A_67 = tpu.memref_slice %arg6[%add3A_38, %dma_start3A] : memref<20480x128xf32, #tpu.memory_space<hbm>> -> memref<128x128xf32, #tpu.memory_space<hbm>>
      %dma_start3A_68 = arith.constant 0 : i32
      %dma_start3A_69 = tpu.memref_slice %arg6[%add3A_38, %dma_start3A_68] : memref<20480x128xf32, #tpu.memory_space<hbm>> -> memref<128x128xf32, #tpu.memory_space<hbm>>
      tpu.enqueue_dma source(%arg7 : memref<128x128xf32, #tpu.memory_space<vmem>>) target(%dma_start3A_69 : memref<128x128xf32, #tpu.memory_space<hbm>>) target_semaphore(%run_scoped3A : memref<!tpu.dma_semaphore, #tpu.memory_space<semaphore_mem>>)
      %dma_wait3A = arith.constant 0 : i32
      %dma_wait3A_70 = tpu.memref_slice %arg6[%add3A_38, %dma_wait3A] : memref<20480x128xf32, #tpu.memory_space<hbm>> -> memref<128x128xf32, #tpu.memory_space<hbm>>
      %dma_wait3A_71 = arith.constant 0 : i32
      %dma_wait3A_72 = tpu.memref_slice %arg6[%add3A_38, %dma_wait3A_71] : memref<20480x128xf32, #tpu.memory_space<hbm>> -> memref<128x128xf32, #tpu.memory_space<hbm>>
      tpu.wait_dma2 semaphore(%run_scoped3A : memref<!tpu.dma_semaphore, #tpu.memory_space<semaphore_mem>>) src(%arg7 : memref<128x128xf32, #tpu.memory_space<vmem>>) dst(%dma_wait3A_72 : memref<128x128xf32, #tpu.memory_space<hbm>>)
      tpu.yield
    }) : () -> ()
    %mul3A_39 = arith.constant 640 : i32
    %mul3A_40 = arith.muli %arg1, %mul3A_39 : i32
    %add3A_41 = arith.constant 128 : i32
    %add3A_42 = arith.addi %mul3A_40, %add3A_41 : i32
    "tpu.region"() ({
      %run_scoped3A = tpu.sem_alloc : memref<!tpu.dma_semaphore, #tpu.memory_space<semaphore_mem>>
      %dma_start3A = arith.constant 0 : i32
      %dma_start3A_67 = tpu.memref_slice %arg11[%add3A_42, %dma_start3A] : memref<10240x128xf32, #tpu.memory_space<vmem_shared>> -> memref<128x128xf32, #tpu.memory_space<vmem_shared>>
      %dma_start3A_68 = arith.constant 0 : i32
      %dma_start3A_69 = tpu.memref_slice %arg11[%add3A_42, %dma_start3A_68] : memref<10240x128xf32, #tpu.memory_space<vmem_shared>> -> memref<128x128xf32, #tpu.memory_space<vmem_shared>>
      tpu.enqueue_dma source(%dma_start3A_69 : memref<128x128xf32, #tpu.memory_space<vmem_shared>>) target(%arg7 : memref<128x128xf32, #tpu.memory_space<vmem>>) target_semaphore(%run_scoped3A : memref<!tpu.dma_semaphore, #tpu.memory_space<semaphore_mem>>)
      %dma_wait3A = arith.constant 0 : i32
      %dma_wait3A_70 = tpu.memref_slice %arg11[%add3A_42, %dma_wait3A] : memref<10240x128xf32, #tpu.memory_space<vmem_shared>> -> memref<128x128xf32, #tpu.memory_space<vmem_shared>>
      %dma_wait3A_71 = arith.constant 0 : i32
      %dma_wait3A_72 = tpu.memref_slice %arg11[%add3A_42, %dma_wait3A_71] : memref<10240x128xf32, #tpu.memory_space<vmem_shared>> -> memref<128x128xf32, #tpu.memory_space<vmem_shared>>
      tpu.wait_dma2 semaphore(%run_scoped3A : memref<!tpu.dma_semaphore, #tpu.memory_space<semaphore_mem>>) src(%dma_wait3A_72 : memref<128x128xf32, #tpu.memory_space<vmem_shared>>) dst(%arg7 : memref<128x128xf32, #tpu.memory_space<vmem>>)
      tpu.yield
    }) : () -> ()
    %mul3A_43 = arith.constant 10240 : i32
    %mul3A_44 = arith.muli %arg0, %mul3A_43 : i32
    %add3A_45 = arith.addi %mul3A_44, %add3A_42 : i32
    "tpu.region"() ({
      %run_scoped3A = tpu.sem_alloc : memref<!tpu.dma_semaphore, #tpu.memory_space<semaphore_mem>>
      %dma_start3A = arith.constant 0 : i32
      %dma_start3A_67 = tpu.memref_slice %arg6[%add3A_45, %dma_start3A] : memref<20480x128xf32, #tpu.memory_space<hbm>> -> memref<128x128xf32, #tpu.memory_space<hbm>>
      %dma_start3A_68 = arith.constant 0 : i32
      %dma_start3A_69 = tpu.memref_slice %arg6[%add3A_45, %dma_start3A_68] : memref<20480x128xf32, #tpu.memory_space<hbm>> -> memref<128x128xf32, #tpu.memory_space<hbm>>
      tpu.enqueue_dma source(%arg7 : memref<128x128xf32, #tpu.memory_space<vmem>>) target(%dma_start3A_69 : memref<128x128xf32, #tpu.memory_space<hbm>>) target_semaphore(%run_scoped3A : memref<!tpu.dma_semaphore, #tpu.memory_space<semaphore_mem>>)
      %dma_wait3A = arith.constant 0 : i32
      %dma_wait3A_70 = tpu.memref_slice %arg6[%add3A_45, %dma_wait3A] : memref<20480x128xf32, #tpu.memory_space<hbm>> -> memref<128x128xf32, #tpu.memory_space<hbm>>
      %dma_wait3A_71 = arith.constant 0 : i32
      %dma_wait3A_72 = tpu.memref_slice %arg6[%add3A_45, %dma_wait3A_71] : memref<20480x128xf32, #tpu.memory_space<hbm>> -> memref<128x128xf32, #tpu.memory_space<hbm>>
      tpu.wait_dma2 semaphore(%run_scoped3A : memref<!tpu.dma_semaphore, #tpu.memory_space<semaphore_mem>>) src(%arg7 : memref<128x128xf32, #tpu.memory_space<vmem>>) dst(%dma_wait3A_72 : memref<128x128xf32, #tpu.memory_space<hbm>>)
      tpu.yield
    }) : () -> ()
    %mul3A_46 = arith.constant 640 : i32
    %mul3A_47 = arith.muli %arg1, %mul3A_46 : i32
    %add3A_48 = arith.constant 256 : i32
    %add3A_49 = arith.addi %mul3A_47, %add3A_48 : i32
    "tpu.region"() ({
      %run_scoped3A = tpu.sem_alloc : memref<!tpu.dma_semaphore, #tpu.memory_space<semaphore_mem>>
      %dma_start3A = arith.constant 0 : i32
      %dma_start3A_67 = tpu.memref_slice %arg11[%add3A_49, %dma_start3A] : memref<10240x128xf32, #tpu.memory_space<vmem_shared>> -> memref<128x128xf32, #tpu.memory_space<vmem_shared>>
      %dma_start3A_68 = arith.constant 0 : i32
      %dma_start3A_69 = tpu.memref_slice %arg11[%add3A_49, %dma_start3A_68] : memref<10240x128xf32, #tpu.memory_space<vmem_shared>> -> memref<128x128xf32, #tpu.memory_space<vmem_shared>>
      tpu.enqueue_dma source(%dma_start3A_69 : memref<128x128xf32, #tpu.memory_space<vmem_shared>>) target(%arg7 : memref<128x128xf32, #tpu.memory_space<vmem>>) target_semaphore(%run_scoped3A : memref<!tpu.dma_semaphore, #tpu.memory_space<semaphore_mem>>)
      %dma_wait3A = arith.constant 0 : i32
      %dma_wait3A_70 = tpu.memref_slice %arg11[%add3A_49, %dma_wait3A] : memref<10240x128xf32, #tpu.memory_space<vmem_shared>> -> memref<128x128xf32, #tpu.memory_space<vmem_shared>>
      %dma_wait3A_71 = arith.constant 0 : i32
      %dma_wait3A_72 = tpu.memref_slice %arg11[%add3A_49, %dma_wait3A_71] : memref<10240x128xf32, #tpu.memory_space<vmem_shared>> -> memref<128x128xf32, #tpu.memory_space<vmem_shared>>
      tpu.wait_dma2 semaphore(%run_scoped3A : memref<!tpu.dma_semaphore, #tpu.memory_space<semaphore_mem>>) src(%dma_wait3A_72 : memref<128x128xf32, #tpu.memory_space<vmem_shared>>) dst(%arg7 : memref<128x128xf32, #tpu.memory_space<vmem>>)
      tpu.yield
    }) : () -> ()
    %mul3A_50 = arith.constant 10240 : i32
    %mul3A_51 = arith.muli %arg0, %mul3A_50 : i32
    %add3A_52 = arith.addi %mul3A_51, %add3A_49 : i32
    "tpu.region"() ({
      %run_scoped3A = tpu.sem_alloc : memref<!tpu.dma_semaphore, #tpu.memory_space<semaphore_mem>>
      %dma_start3A = arith.constant 0 : i32
      %dma_start3A_67 = tpu.memref_slice %arg6[%add3A_52, %dma_start3A] : memref<20480x128xf32, #tpu.memory_space<hbm>> -> memref<128x128xf32, #tpu.memory_space<hbm>>
      %dma_start3A_68 = arith.constant 0 : i32
      %dma_start3A_69 = tpu.memref_slice %arg6[%add3A_52, %dma_start3A_68] : memref<20480x128xf32, #tpu.memory_space<hbm>> -> memref<128x128xf32, #tpu.memory_space<hbm>>
      tpu.enqueue_dma source(%arg7 : memref<128x128xf32, #tpu.memory_space<vmem>>) target(%dma_start3A_69 : memref<128x128xf32, #tpu.memory_space<hbm>>) target_semaphore(%run_scoped3A : memref<!tpu.dma_semaphore, #tpu.memory_space<semaphore_mem>>)
      %dma_wait3A = arith.constant 0 : i32
      %dma_wait3A_70 = tpu.memref_slice %arg6[%add3A_52, %dma_wait3A] : memref<20480x128xf32, #tpu.memory_space<hbm>> -> memref<128x128xf32, #tpu.memory_space<hbm>>
      %dma_wait3A_71 = arith.constant 0 : i32
      %dma_wait3A_72 = tpu.memref_slice %arg6[%add3A_52, %dma_wait3A_71] : memref<20480x128xf32, #tpu.memory_space<hbm>> -> memref<128x128xf32, #tpu.memory_space<hbm>>
      tpu.wait_dma2 semaphore(%run_scoped3A : memref<!tpu.dma_semaphore, #tpu.memory_space<semaphore_mem>>) src(%arg7 : memref<128x128xf32, #tpu.memory_space<vmem>>) dst(%dma_wait3A_72 : memref<128x128xf32, #tpu.memory_space<hbm>>)
      tpu.yield
    }) : () -> ()
    %mul3A_53 = arith.constant 640 : i32
    %mul3A_54 = arith.muli %arg1, %mul3A_53 : i32
    %add3A_55 = arith.constant 384 : i32
    %add3A_56 = arith.addi %mul3A_54, %add3A_55 : i32
    "tpu.region"() ({
      %run_scoped3A = tpu.sem_alloc : memref<!tpu.dma_semaphore, #tpu.memory_space<semaphore_mem>>
      %dma_start3A = arith.constant 0 : i32
      %dma_start3A_67 = tpu.memref_slice %arg11[%add3A_56, %dma_start3A] : memref<10240x128xf32, #tpu.memory_space<vmem_shared>> -> memref<128x128xf32, #tpu.memory_space<vmem_shared>>
      %dma_start3A_68 = arith.constant 0 : i32
      %dma_start3A_69 = tpu.memref_slice %arg11[%add3A_56, %dma_start3A_68] : memref<10240x128xf32, #tpu.memory_space<vmem_shared>> -> memref<128x128xf32, #tpu.memory_space<vmem_shared>>
      tpu.enqueue_dma source(%dma_start3A_69 : memref<128x128xf32, #tpu.memory_space<vmem_shared>>) target(%arg7 : memref<128x128xf32, #tpu.memory_space<vmem>>) target_semaphore(%run_scoped3A : memref<!tpu.dma_semaphore, #tpu.memory_space<semaphore_mem>>)
      %dma_wait3A = arith.constant 0 : i32
      %dma_wait3A_70 = tpu.memref_slice %arg11[%add3A_56, %dma_wait3A] : memref<10240x128xf32, #tpu.memory_space<vmem_shared>> -> memref<128x128xf32, #tpu.memory_space<vmem_shared>>
      %dma_wait3A_71 = arith.constant 0 : i32
      %dma_wait3A_72 = tpu.memref_slice %arg11[%add3A_56, %dma_wait3A_71] : memref<10240x128xf32, #tpu.memory_space<vmem_shared>> -> memref<128x128xf32, #tpu.memory_space<vmem_shared>>
      tpu.wait_dma2 semaphore(%run_scoped3A : memref<!tpu.dma_semaphore, #tpu.memory_space<semaphore_mem>>) src(%dma_wait3A_72 : memref<128x128xf32, #tpu.memory_space<vmem_shared>>) dst(%arg7 : memref<128x128xf32, #tpu.memory_space<vmem>>)
      tpu.yield
    }) : () -> ()
    %mul3A_57 = arith.constant 10240 : i32
    %mul3A_58 = arith.muli %arg0, %mul3A_57 : i32
    %add3A_59 = arith.addi %mul3A_58, %add3A_56 : i32
    "tpu.region"() ({
      %run_scoped3A = tpu.sem_alloc : memref<!tpu.dma_semaphore, #tpu.memory_space<semaphore_mem>>
      %dma_start3A = arith.constant 0 : i32
      %dma_start3A_67 = tpu.memref_slice %arg6[%add3A_59, %dma_start3A] : memref<20480x128xf32, #tpu.memory_space<hbm>> -> memref<128x128xf32, #tpu.memory_space<hbm>>
      %dma_start3A_68 = arith.constant 0 : i32
      %dma_start3A_69 = tpu.memref_slice %arg6[%add3A_59, %dma_start3A_68] : memref<20480x128xf32, #tpu.memory_space<hbm>> -> memref<128x128xf32, #tpu.memory_space<hbm>>
      tpu.enqueue_dma source(%arg7 : memref<128x128xf32, #tpu.memory_space<vmem>>) target(%dma_start3A_69 : memref<128x128xf32, #tpu.memory_space<hbm>>) target_semaphore(%run_scoped3A : memref<!tpu.dma_semaphore, #tpu.memory_space<semaphore_mem>>)
      %dma_wait3A = arith.constant 0 : i32
      %dma_wait3A_70 = tpu.memref_slice %arg6[%add3A_59, %dma_wait3A] : memref<20480x128xf32, #tpu.memory_space<hbm>> -> memref<128x128xf32, #tpu.memory_space<hbm>>
      %dma_wait3A_71 = arith.constant 0 : i32
      %dma_wait3A_72 = tpu.memref_slice %arg6[%add3A_59, %dma_wait3A_71] : memref<20480x128xf32, #tpu.memory_space<hbm>> -> memref<128x128xf32, #tpu.memory_space<hbm>>
      tpu.wait_dma2 semaphore(%run_scoped3A : memref<!tpu.dma_semaphore, #tpu.memory_space<semaphore_mem>>) src(%arg7 : memref<128x128xf32, #tpu.memory_space<vmem>>) dst(%dma_wait3A_72 : memref<128x128xf32, #tpu.memory_space<hbm>>)
      tpu.yield
    }) : () -> ()
    %mul3A_60 = arith.constant 640 : i32
    %mul3A_61 = arith.muli %arg1, %mul3A_60 : i32
    %add3A_62 = arith.constant 512 : i32
    %add3A_63 = arith.addi %mul3A_61, %add3A_62 : i32
    "tpu.region"() ({
      %run_scoped3A = tpu.sem_alloc : memref<!tpu.dma_semaphore, #tpu.memory_space<semaphore_mem>>
      %dma_start3A = arith.constant 0 : i32
      %dma_start3A_67 = tpu.memref_slice %arg11[%add3A_63, %dma_start3A] : memref<10240x128xf32, #tpu.memory_space<vmem_shared>> -> memref<128x128xf32, #tpu.memory_space<vmem_shared>>
      %dma_start3A_68 = arith.constant 0 : i32
      %dma_start3A_69 = tpu.memref_slice %arg11[%add3A_63, %dma_start3A_68] : memref<10240x128xf32, #tpu.memory_space<vmem_shared>> -> memref<128x128xf32, #tpu.memory_space<vmem_shared>>
      tpu.enqueue_dma source(%dma_start3A_69 : memref<128x128xf32, #tpu.memory_space<vmem_shared>>) target(%arg7 : memref<128x128xf32, #tpu.memory_space<vmem>>) target_semaphore(%run_scoped3A : memref<!tpu.dma_semaphore, #tpu.memory_space<semaphore_mem>>)
      %dma_wait3A = arith.constant 0 : i32
      %dma_wait3A_70 = tpu.memref_slice %arg11[%add3A_63, %dma_wait3A] : memref<10240x128xf32, #tpu.memory_space<vmem_shared>> -> memref<128x128xf32, #tpu.memory_space<vmem_shared>>
      %dma_wait3A_71 = arith.constant 0 : i32
      %dma_wait3A_72 = tpu.memref_slice %arg11[%add3A_63, %dma_wait3A_71] : memref<10240x128xf32, #tpu.memory_space<vmem_shared>> -> memref<128x128xf32, #tpu.memory_space<vmem_shared>>
      tpu.wait_dma2 semaphore(%run_scoped3A : memref<!tpu.dma_semaphore, #tpu.memory_space<semaphore_mem>>) src(%dma_wait3A_72 : memref<128x128xf32, #tpu.memory_space<vmem_shared>>) dst(%arg7 : memref<128x128xf32, #tpu.memory_space<vmem>>)
      tpu.yield
    }) : () -> ()
    %mul3A_64 = arith.constant 10240 : i32
    %mul3A_65 = arith.muli %arg0, %mul3A_64 : i32
    %add3A_66 = arith.addi %mul3A_65, %add3A_63 : i32
    "tpu.region"() ({
      %run_scoped3A = tpu.sem_alloc : memref<!tpu.dma_semaphore, #tpu.memory_space<semaphore_mem>>
      %dma_start3A = arith.constant 0 : i32
      %dma_start3A_67 = tpu.memref_slice %arg6[%add3A_66, %dma_start3A] : memref<20480x128xf32, #tpu.memory_space<hbm>> -> memref<128x128xf32, #tpu.memory_space<hbm>>
      %dma_start3A_68 = arith.constant 0 : i32
      %dma_start3A_69 = tpu.memref_slice %arg6[%add3A_66, %dma_start3A_68] : memref<20480x128xf32, #tpu.memory_space<hbm>> -> memref<128x128xf32, #tpu.memory_space<hbm>>
      tpu.enqueue_dma source(%arg7 : memref<128x128xf32, #tpu.memory_space<vmem>>) target(%dma_start3A_69 : memref<128x128xf32, #tpu.memory_space<hbm>>) target_semaphore(%run_scoped3A : memref<!tpu.dma_semaphore, #tpu.memory_space<semaphore_mem>>)
      %dma_wait3A = arith.constant 0 : i32
      %dma_wait3A_70 = tpu.memref_slice %arg6[%add3A_66, %dma_wait3A] : memref<20480x128xf32, #tpu.memory_space<hbm>> -> memref<128x128xf32, #tpu.memory_space<hbm>>
      %dma_wait3A_71 = arith.constant 0 : i32
      %dma_wait3A_72 = tpu.memref_slice %arg6[%add3A_66, %dma_wait3A_71] : memref<20480x128xf32, #tpu.memory_space<hbm>> -> memref<128x128xf32, #tpu.memory_space<hbm>>
      tpu.wait_dma2 semaphore(%run_scoped3A : memref<!tpu.dma_semaphore, #tpu.memory_space<semaphore_mem>>) src(%arg7 : memref<128x128xf32, #tpu.memory_space<vmem>>) dst(%dma_wait3A_72 : memref<128x128xf32, #tpu.memory_space<hbm>>)
      tpu.yield
    }) : () -> ()
    return
  }
}

#map = affine_map<(d0, d1) -> (0)>
#map1 = affine_map<(d0, d1) -> (0, 0)>
module attributes {stable_mosaic.version = 14 : i64} {
  func.func @body(%arg0: i32, %arg1: i32, %arg2: memref<331776xi32, #tpu.memory_space<hbm>>, %arg3: memref<331776xi32, #tpu.memory_space<hbm>>, %arg4: memref<10240xf32, #tpu.memory_space<hbm>>, %arg5: memref<10240xf32, #tpu.memory_space<hbm>>, %arg6: memref<16xf32, #tpu.memory_space<hbm>>, %arg7: memref<10240xf32, #tpu.memory_space<hbm>>, %arg8: memref<10240xf32, #tpu.memory_space<hbm>>, %arg9: memref<16xf32, #tpu.memory_space<hbm>>, %arg10: memref<663552xf32, #tpu.memory_space<hbm>>, %arg11: memref<64x10240xf32, #tpu.memory_space<hbm>>, %arg12: memref<10368xi32, #tpu.memory_space<vmem>>, %arg13: memref<10368xi32, #tpu.memory_space<vmem>>, %arg14: memref<10368xf32, #tpu.memory_space<vmem>>, %arg15: memref<10368xf32, #tpu.memory_space<vmem>>, %arg16: memref<10240xf32, #tpu.memory_space<vmem>>, %arg17: memref<10240xf32, #tpu.memory_space<vmem>>, %arg18: memref<10240xf32, #tpu.memory_space<vmem>>, %arg19: memref<10240xf32, #tpu.memory_space<vmem>>, %arg20: memref<16xf32, #tpu.memory_space<vmem>>, %arg21: memref<16xf32, #tpu.memory_space<vmem>>, %arg22: memref<10240xf32, #tpu.memory_space<vmem>>, %arg23: memref<10240xf32, #tpu.memory_space<vmem>>) attributes {dimension_semantics = [#tpu.dimension_semantics<core_parallel>, #tpu.dimension_semantics<subcore_parallel>], iteration_bounds = array<i64: 2, 16>, scalar_prefetch = 0 : i64, scratch_operands = 12 : i64, tpu.core_type = #tpu.core_type<sc_vector_subcore>, window_params = [{transform_indices = #map}, {transform_indices = #map}, {transform_indices = #map}, {transform_indices = #map}, {transform_indices = #map}, {transform_indices = #map}, {transform_indices = #map}, {transform_indices = #map}, {transform_indices = #map}, {transform_indices = #map1}]} {
    %mul3A = arith.constant 16 : i32
    %mul3A_0 = arith.muli %arg0, %mul3A : i32
    %add3A = arith.addi %mul3A_0, %arg1 : i32
    %mul3A_1 = arith.constant 10368 : i32
    %mul3A_2 = arith.muli %add3A, %mul3A_1 : i32
    "tpu.region"() ({
      %run_scoped3A = tpu.sem_alloc : memref<!tpu.dma_semaphore, #tpu.memory_space<semaphore_mem>>
      %dma_start3A = tpu.memref_slice %arg2[%mul3A_2] : memref<331776xi32, #tpu.memory_space<hbm>> -> memref<10368xi32, #tpu.memory_space<hbm>>
      %dma_start3A_24 = tpu.memref_slice %arg2[%mul3A_2] : memref<331776xi32, #tpu.memory_space<hbm>> -> memref<10368xi32, #tpu.memory_space<hbm>>
      tpu.enqueue_dma source(%dma_start3A_24 : memref<10368xi32, #tpu.memory_space<hbm>>) target(%arg12 : memref<10368xi32, #tpu.memory_space<vmem>>) target_semaphore(%run_scoped3A : memref<!tpu.dma_semaphore, #tpu.memory_space<semaphore_mem>>)
      %dma_wait3A = tpu.memref_slice %arg2[%mul3A_2] : memref<331776xi32, #tpu.memory_space<hbm>> -> memref<10368xi32, #tpu.memory_space<hbm>>
      %dma_wait3A_25 = tpu.memref_slice %arg2[%mul3A_2] : memref<331776xi32, #tpu.memory_space<hbm>> -> memref<10368xi32, #tpu.memory_space<hbm>>
      tpu.wait_dma2 semaphore(%run_scoped3A : memref<!tpu.dma_semaphore, #tpu.memory_space<semaphore_mem>>) src(%dma_wait3A_25 : memref<10368xi32, #tpu.memory_space<hbm>>) dst(%arg12 : memref<10368xi32, #tpu.memory_space<vmem>>)
      tpu.yield
    }) : () -> ()
    "tpu.region"() ({
      %run_scoped3A = tpu.sem_alloc : memref<!tpu.dma_semaphore, #tpu.memory_space<semaphore_mem>>
      %dma_start3A = tpu.memref_slice %arg3[%mul3A_2] : memref<331776xi32, #tpu.memory_space<hbm>> -> memref<10368xi32, #tpu.memory_space<hbm>>
      %dma_start3A_24 = tpu.memref_slice %arg3[%mul3A_2] : memref<331776xi32, #tpu.memory_space<hbm>> -> memref<10368xi32, #tpu.memory_space<hbm>>
      tpu.enqueue_dma source(%dma_start3A_24 : memref<10368xi32, #tpu.memory_space<hbm>>) target(%arg13 : memref<10368xi32, #tpu.memory_space<vmem>>) target_semaphore(%run_scoped3A : memref<!tpu.dma_semaphore, #tpu.memory_space<semaphore_mem>>)
      %dma_wait3A = tpu.memref_slice %arg3[%mul3A_2] : memref<331776xi32, #tpu.memory_space<hbm>> -> memref<10368xi32, #tpu.memory_space<hbm>>
      %dma_wait3A_25 = tpu.memref_slice %arg3[%mul3A_2] : memref<331776xi32, #tpu.memory_space<hbm>> -> memref<10368xi32, #tpu.memory_space<hbm>>
      tpu.wait_dma2 semaphore(%run_scoped3A : memref<!tpu.dma_semaphore, #tpu.memory_space<semaphore_mem>>) src(%dma_wait3A_25 : memref<10368xi32, #tpu.memory_space<hbm>>) dst(%arg13 : memref<10368xi32, #tpu.memory_space<vmem>>)
      tpu.yield
    }) : () -> ()
    "tpu.region"() ({
      %run_scoped3A = tpu.sem_alloc : memref<!tpu.dma_semaphore, #tpu.memory_space<semaphore_mem>>
      tpu.enqueue_dma source(%arg4 : memref<10240xf32, #tpu.memory_space<hbm>>) target(%arg16 : memref<10240xf32, #tpu.memory_space<vmem>>) target_semaphore(%run_scoped3A : memref<!tpu.dma_semaphore, #tpu.memory_space<semaphore_mem>>)
      tpu.wait_dma2 semaphore(%run_scoped3A : memref<!tpu.dma_semaphore, #tpu.memory_space<semaphore_mem>>) src(%arg4 : memref<10240xf32, #tpu.memory_space<hbm>>) dst(%arg16 : memref<10240xf32, #tpu.memory_space<vmem>>)
      tpu.yield
    }) : () -> ()
    "tpu.region"() ({
      %run_scoped3A = tpu.sem_alloc : memref<!tpu.dma_semaphore, #tpu.memory_space<semaphore_mem>>
      tpu.enqueue_dma source(%arg5 : memref<10240xf32, #tpu.memory_space<hbm>>) target(%arg17 : memref<10240xf32, #tpu.memory_space<vmem>>) target_semaphore(%run_scoped3A : memref<!tpu.dma_semaphore, #tpu.memory_space<semaphore_mem>>)
      tpu.wait_dma2 semaphore(%run_scoped3A : memref<!tpu.dma_semaphore, #tpu.memory_space<semaphore_mem>>) src(%arg5 : memref<10240xf32, #tpu.memory_space<hbm>>) dst(%arg17 : memref<10240xf32, #tpu.memory_space<vmem>>)
      tpu.yield
    }) : () -> ()
    "tpu.region"() ({
      %run_scoped3A = tpu.sem_alloc : memref<!tpu.dma_semaphore, #tpu.memory_space<semaphore_mem>>
      tpu.enqueue_dma source(%arg6 : memref<16xf32, #tpu.memory_space<hbm>>) target(%arg20 : memref<16xf32, #tpu.memory_space<vmem>>) target_semaphore(%run_scoped3A : memref<!tpu.dma_semaphore, #tpu.memory_space<semaphore_mem>>)
      tpu.wait_dma2 semaphore(%run_scoped3A : memref<!tpu.dma_semaphore, #tpu.memory_space<semaphore_mem>>) src(%arg6 : memref<16xf32, #tpu.memory_space<hbm>>) dst(%arg20 : memref<16xf32, #tpu.memory_space<vmem>>)
      tpu.yield
    }) : () -> ()
    "tpu.region"() ({
      %run_scoped3A = tpu.sem_alloc : memref<!tpu.dma_semaphore, #tpu.memory_space<semaphore_mem>>
      tpu.enqueue_dma source(%arg7 : memref<10240xf32, #tpu.memory_space<hbm>>) target(%arg18 : memref<10240xf32, #tpu.memory_space<vmem>>) target_semaphore(%run_scoped3A : memref<!tpu.dma_semaphore, #tpu.memory_space<semaphore_mem>>)
      tpu.wait_dma2 semaphore(%run_scoped3A : memref<!tpu.dma_semaphore, #tpu.memory_space<semaphore_mem>>) src(%arg7 : memref<10240xf32, #tpu.memory_space<hbm>>) dst(%arg18 : memref<10240xf32, #tpu.memory_space<vmem>>)
      tpu.yield
    }) : () -> ()
    "tpu.region"() ({
      %run_scoped3A = tpu.sem_alloc : memref<!tpu.dma_semaphore, #tpu.memory_space<semaphore_mem>>
      tpu.enqueue_dma source(%arg8 : memref<10240xf32, #tpu.memory_space<hbm>>) target(%arg19 : memref<10240xf32, #tpu.memory_space<vmem>>) target_semaphore(%run_scoped3A : memref<!tpu.dma_semaphore, #tpu.memory_space<semaphore_mem>>)
      tpu.wait_dma2 semaphore(%run_scoped3A : memref<!tpu.dma_semaphore, #tpu.memory_space<semaphore_mem>>) src(%arg8 : memref<10240xf32, #tpu.memory_space<hbm>>) dst(%arg19 : memref<10240xf32, #tpu.memory_space<vmem>>)
      tpu.yield
    }) : () -> ()
    "tpu.region"() ({
      %run_scoped3A = tpu.sem_alloc : memref<!tpu.dma_semaphore, #tpu.memory_space<semaphore_mem>>
      tpu.enqueue_dma source(%arg9 : memref<16xf32, #tpu.memory_space<hbm>>) target(%arg21 : memref<16xf32, #tpu.memory_space<vmem>>) target_semaphore(%run_scoped3A : memref<!tpu.dma_semaphore, #tpu.memory_space<semaphore_mem>>)
      tpu.wait_dma2 semaphore(%run_scoped3A : memref<!tpu.dma_semaphore, #tpu.memory_space<semaphore_mem>>) src(%arg9 : memref<16xf32, #tpu.memory_space<hbm>>) dst(%arg21 : memref<16xf32, #tpu.memory_space<vmem>>)
      tpu.yield
    }) : () -> ()
    %scan3A = arith.constant 0 : i32
    %scan3A_3 = arith.constant 0 : i32
    %scan3A_4 = arith.constant 640 : i32
    %scan3A_5 = arith.addi %scan3A_3, %scan3A_4 : i32
    %scan3A_6 = arith.constant 1 : i32
    %scan3A_7 = scf.for %scan3A_24 = %scan3A_3 to %scan3A_5 step %scan3A_6 iter_args(%scan3A_25 = %scan3A) -> (i32)  : i32 {
      %broadcast_in_dim3A = arith.constant 0.000000e+00 : f32
      %broadcast_in_dim3A_26 = vector.broadcast %broadcast_in_dim3A : f32 to vector<16xf32>
      %mul3A_27 = arith.constant 16 : i32
      %mul3A_28 = arith.muli %scan3A_24, %mul3A_27 : i32
      %swap3A = arith.index_cast %mul3A_28 : i32 to index
      %swap3A_29 = tpu.vector_load %arg22[%swap3A] {strides = array<i32>} : memref<10240xf32, #tpu.memory_space<vmem>>, vector<16xf32>,
      tpu.vector_store %arg22[%swap3A], %broadcast_in_dim3A_26 {strides = array<i32>} : memref<10240xf32, #tpu.memory_space<vmem>>, vector<16xf32>,
      %broadcast_in_dim3A_30 = arith.constant 0.000000e+00 : f32
      %broadcast_in_dim3A_31 = vector.broadcast %broadcast_in_dim3A_30 : f32 to vector<16xf32>
      %mul3A_32 = arith.constant 16 : i32
      %mul3A_33 = arith.muli %scan3A_24, %mul3A_32 : i32
      %swap3A_34 = arith.index_cast %mul3A_33 : i32 to index
      %swap3A_35 = tpu.vector_load %arg23[%swap3A_34] {strides = array<i32>} : memref<10240xf32, #tpu.memory_space<vmem>>, vector<16xf32>,
      tpu.vector_store %arg23[%swap3A_34], %broadcast_in_dim3A_31 {strides = array<i32>} : memref<10240xf32, #tpu.memory_space<vmem>>, vector<16xf32>,
      %scan3A_36 = arith.constant 0 : i32
      scf.yield %scan3A_36 : i32
    }
    %scan3A_8 = arith.constant 640 : i32
    %iota3A = tpu.iota {dimensions = array<i32: 0>} : vector<16xi32>
    %scan3A_9 = arith.constant 0 : i32
    %scan3A_10 = arith.constant 0 : i32
    %scan3A_11 = arith.constant 648 : i32
    %scan3A_12 = arith.addi %scan3A_10, %scan3A_11 : i32
    %scan3A_13 = arith.constant 1 : i32
    %scan3A_14 = scf.for %scan3A_24 = %scan3A_10 to %scan3A_12 step %scan3A_13 iter_args(%scan3A_25 = %scan3A_9) -> (i32)  : i32 {
      %mul3A_26 = arith.constant 16 : i32
      %mul3A_27 = arith.muli %scan3A_24, %mul3A_26 : i32
      %get3A = arith.index_cast %mul3A_27 : i32 to index
      %get3A_28 = tpu.vector_load %arg12[%get3A] {strides = array<i32>} : memref<10368xi32, #tpu.memory_space<vmem>>, vector<16xi32>,
      %get3A_29 = arith.index_cast %mul3A_27 : i32 to index
      %get3A_30 = tpu.vector_load %arg13[%get3A_29] {strides = array<i32>} : memref<10368xi32, #tpu.memory_space<vmem>>, vector<16xi32>,
      %add3A_31 = arith.addi %mul3A_2, %mul3A_27 : i32
      %add3A_32 = vector.broadcast %add3A_31 : i32 to vector<16xi32>
      %add3A_33 = arith.addi %add3A_32, %iota3A : vector<16xi32>
      %lt3A = arith.constant 330000 : i32
      %lt3A_34 = vector.broadcast %lt3A : i32 to vector<16xi32>
      %lt3A_35 = arith.cmpi slt, %add3A_33, %lt3A_34 : vector<16xi32>
      %gather3A = tpu.vector_load_idx %arg16[%get3A_28] : memref<10240xf32, #tpu.memory_space<vmem>>[vector<16xi32>], vector<16xf32>,
      %gather3A_36 = tpu.vector_load_idx %arg17[%get3A_30] : memref<10240xf32, #tpu.memory_space<vmem>>[vector<16xi32>], vector<16xf32>,
      %get3A_37 = arith.constant 0 : index
      %get3A_38 = tpu.vector_load %arg20[%get3A_37] {strides = array<i32>} : memref<16xf32, #tpu.memory_space<vmem>>, vector<16xf32>,
      %add3A_39 = arith.addf %gather3A, %gather3A_36 : vector<16xf32>
      %ge3A = arith.constant 0.000000e+00 : f32
      %ge3A_40 = vector.broadcast %ge3A : f32 to vector<16xf32>
      %ge3A_41 = arith.cmpf oge, %add3A_39, %ge3A_40 : vector<16xf32>
      %mul3A_42 = arith.constant 2.000000e-01 : f32
      %mul3A_43 = vector.broadcast %mul3A_42 : f32 to vector<16xf32>
      %mul3A_44 = arith.mulf %mul3A_43, %add3A_39 : vector<16xf32>
      %select_n3A = arith.select %ge3A_41, %add3A_39, %mul3A_44 : vector<16xi1>, vector<16xf32>
      %add3A_45 = arith.addf %gather3A_36, %get3A_38 : vector<16xf32>
      %ge3A_46 = arith.constant 0.000000e+00 : f32
      %ge3A_47 = vector.broadcast %ge3A_46 : f32 to vector<16xf32>
      %ge3A_48 = arith.cmpf oge, %add3A_45, %ge3A_47 : vector<16xf32>
      %mul3A_49 = arith.constant 2.000000e-01 : f32
      %mul3A_50 = vector.broadcast %mul3A_49 : f32 to vector<16xf32>
      %mul3A_51 = arith.mulf %mul3A_50, %add3A_45 : vector<16xf32>
      %select_n3A_52 = arith.select %ge3A_48, %add3A_45, %mul3A_51 : vector<16xi1>, vector<16xf32>
      %sub3A = arith.subf %select_n3A, %select_n3A_52 : vector<16xf32>
      %exp3A = math.exp %sub3A : vector<16xf32>
      %jit3A = arith.constant 0.000000e+00 : f32
      %broadcast_in_dim3A = vector.broadcast %jit3A : f32 to vector<16xf32>
      %select_n3A_53 = arith.select %lt3A_35, %exp3A, %broadcast_in_dim3A : vector<16xi1>, vector<16xf32>
      %swap3A = arith.index_cast %mul3A_27 : i32 to index
      %swap3A_54 = tpu.vector_load %arg14[%swap3A] {strides = array<i32>} : memref<10368xf32, #tpu.memory_space<vmem>>, vector<16xf32>,
      tpu.vector_store %arg14[%swap3A], %select_n3A_53 {strides = array<i32>} : memref<10368xf32, #tpu.memory_space<vmem>>, vector<16xf32>,
      tpu.vector_store_idx %arg22[%get3A_30], %select_n3A_53 {add = true} : memref<10240xf32, #tpu.memory_space<vmem>>[vector<16xi32>], vector<16xf32>,
      %gather3A_55 = tpu.vector_load_idx %arg18[%get3A_28] : memref<10240xf32, #tpu.memory_space<vmem>>[vector<16xi32>], vector<16xf32>,
      %gather3A_56 = tpu.vector_load_idx %arg19[%get3A_30] : memref<10240xf32, #tpu.memory_space<vmem>>[vector<16xi32>], vector<16xf32>,
      %get3A_57 = arith.constant 0 : index
      %get3A_58 = tpu.vector_load %arg21[%get3A_57] {strides = array<i32>} : memref<16xf32, #tpu.memory_space<vmem>>, vector<16xf32>,
      %add3A_59 = arith.addf %gather3A_55, %gather3A_56 : vector<16xf32>
      %ge3A_60 = arith.constant 0.000000e+00 : f32
      %ge3A_61 = vector.broadcast %ge3A_60 : f32 to vector<16xf32>
      %ge3A_62 = arith.cmpf oge, %add3A_59, %ge3A_61 : vector<16xf32>
      %mul3A_63 = arith.constant 2.000000e-01 : f32
      %mul3A_64 = vector.broadcast %mul3A_63 : f32 to vector<16xf32>
      %mul3A_65 = arith.mulf %mul3A_64, %add3A_59 : vector<16xf32>
      %select_n3A_66 = arith.select %ge3A_62, %add3A_59, %mul3A_65 : vector<16xi1>, vector<16xf32>
      %add3A_67 = arith.addf %gather3A_56, %get3A_58 : vector<16xf32>
      %ge3A_68 = arith.constant 0.000000e+00 : f32
      %ge3A_69 = vector.broadcast %ge3A_68 : f32 to vector<16xf32>
      %ge3A_70 = arith.cmpf oge, %add3A_67, %ge3A_69 : vector<16xf32>
      %mul3A_71 = arith.constant 2.000000e-01 : f32
      %mul3A_72 = vector.broadcast %mul3A_71 : f32 to vector<16xf32>
      %mul3A_73 = arith.mulf %mul3A_72, %add3A_67 : vector<16xf32>
      %select_n3A_74 = arith.select %ge3A_70, %add3A_67, %mul3A_73 : vector<16xi1>, vector<16xf32>
      %sub3A_75 = arith.subf %select_n3A_66, %select_n3A_74 : vector<16xf32>
      %exp3A_76 = math.exp %sub3A_75 : vector<16xf32>
      %jit3A_77 = arith.constant 0.000000e+00 : f32
      %broadcast_in_dim3A_78 = vector.broadcast %jit3A_77 : f32 to vector<16xf32>
      %select_n3A_79 = arith.select %lt3A_35, %exp3A_76, %broadcast_in_dim3A_78 : vector<16xi1>, vector<16xf32>
      %swap3A_80 = arith.index_cast %mul3A_27 : i32 to index
      %swap3A_81 = tpu.vector_load %arg15[%swap3A_80] {strides = array<i32>} : memref<10368xf32, #tpu.memory_space<vmem>>, vector<16xf32>,
      tpu.vector_store %arg15[%swap3A_80], %select_n3A_79 {strides = array<i32>} : memref<10368xf32, #tpu.memory_space<vmem>>, vector<16xf32>,
      tpu.vector_store_idx %arg23[%get3A_30], %select_n3A_79 {add = true} : memref<10240xf32, #tpu.memory_space<vmem>>[vector<16xi32>], vector<16xf32>,
      %scan3A_82 = arith.constant 0 : i32
      scf.yield %scan3A_82 : i32
    }
    %scan3A_15 = arith.constant 648 : i32
    %add3A_16 = arith.constant 0 : i32
    %add3A_17 = arith.addi %add3A_16, %mul3A_2 : i32
    "tpu.region"() ({
      %run_scoped3A = tpu.sem_alloc : memref<!tpu.dma_semaphore, #tpu.memory_space<semaphore_mem>>
      %dma_start3A = tpu.memref_slice %arg10[%add3A_17] : memref<663552xf32, #tpu.memory_space<hbm>> -> memref<10368xf32, #tpu.memory_space<hbm>>
      %dma_start3A_24 = tpu.memref_slice %arg10[%add3A_17] : memref<663552xf32, #tpu.memory_space<hbm>> -> memref<10368xf32, #tpu.memory_space<hbm>>
      tpu.enqueue_dma source(%arg14 : memref<10368xf32, #tpu.memory_space<vmem>>) target(%dma_start3A_24 : memref<10368xf32, #tpu.memory_space<hbm>>) target_semaphore(%run_scoped3A : memref<!tpu.dma_semaphore, #tpu.memory_space<semaphore_mem>>)
      %dma_wait3A = tpu.memref_slice %arg10[%add3A_17] : memref<663552xf32, #tpu.memory_space<hbm>> -> memref<10368xf32, #tpu.memory_space<hbm>>
      %dma_wait3A_25 = tpu.memref_slice %arg10[%add3A_17] : memref<663552xf32, #tpu.memory_space<hbm>> -> memref<10368xf32, #tpu.memory_space<hbm>>
      tpu.wait_dma2 semaphore(%run_scoped3A : memref<!tpu.dma_semaphore, #tpu.memory_space<semaphore_mem>>) src(%arg14 : memref<10368xf32, #tpu.memory_space<vmem>>) dst(%dma_wait3A_25 : memref<10368xf32, #tpu.memory_space<hbm>>)
      tpu.yield
    }) : () -> ()
    %add3A_18 = arith.constant 0 : i32
    %add3A_19 = arith.addi %add3A_18, %add3A : i32
    "tpu.region"() ({
      %run_scoped3A = tpu.sem_alloc : memref<!tpu.dma_semaphore, #tpu.memory_space<semaphore_mem>>
      %dma_start3A = arith.constant 0 : i32
      %dma_start3A_24 = tpu.memref_slice %arg11[%add3A_19, %dma_start3A] : memref<64x10240xf32, #tpu.memory_space<hbm>> -> memref<1x10240xf32, #tpu.memory_space<hbm>>
      %dma_start3A_25 = tpu.memref_squeeze %dma_start3A_24 : memref<1x10240xf32, #tpu.memory_space<hbm>> -> memref<10240xf32, #tpu.memory_space<hbm>>
      %dma_start3A_26 = arith.constant 0 : i32
      %dma_start3A_27 = tpu.memref_slice %arg11[%add3A_19, %dma_start3A_26] : memref<64x10240xf32, #tpu.memory_space<hbm>> -> memref<1x10240xf32, #tpu.memory_space<hbm>>
      %dma_start3A_28 = tpu.memref_squeeze %dma_start3A_27 : memref<1x10240xf32, #tpu.memory_space<hbm>> -> memref<10240xf32, #tpu.memory_space<hbm>>
      tpu.enqueue_dma source(%arg22 : memref<10240xf32, #tpu.memory_space<vmem>>) target(%dma_start3A_28 : memref<10240xf32, #tpu.memory_space<hbm>>) target_semaphore(%run_scoped3A : memref<!tpu.dma_semaphore, #tpu.memory_space<semaphore_mem>>)
      %dma_wait3A = arith.constant 0 : i32
      %dma_wait3A_29 = tpu.memref_slice %arg11[%add3A_19, %dma_wait3A] : memref<64x10240xf32, #tpu.memory_space<hbm>> -> memref<1x10240xf32, #tpu.memory_space<hbm>>
      %dma_wait3A_30 = tpu.memref_squeeze %dma_wait3A_29 : memref<1x10240xf32, #tpu.memory_space<hbm>> -> memref<10240xf32, #tpu.memory_space<hbm>>
      %dma_wait3A_31 = arith.constant 0 : i32
      %dma_wait3A_32 = tpu.memref_slice %arg11[%add3A_19, %dma_wait3A_31] : memref<64x10240xf32, #tpu.memory_space<hbm>> -> memref<1x10240xf32, #tpu.memory_space<hbm>>
      %dma_wait3A_33 = tpu.memref_squeeze %dma_wait3A_32 : memref<1x10240xf32, #tpu.memory_space<hbm>> -> memref<10240xf32, #tpu.memory_space<hbm>>
      tpu.wait_dma2 semaphore(%run_scoped3A : memref<!tpu.dma_semaphore, #tpu.memory_space<semaphore_mem>>) src(%arg22 : memref<10240xf32, #tpu.memory_space<vmem>>) dst(%dma_wait3A_33 : memref<10240xf32, #tpu.memory_space<hbm>>)
      tpu.yield
    }) : () -> ()
    %add3A_20 = arith.constant 331776 : i32
    %add3A_21 = arith.addi %add3A_20, %mul3A_2 : i32
    "tpu.region"() ({
      %run_scoped3A = tpu.sem_alloc : memref<!tpu.dma_semaphore, #tpu.memory_space<semaphore_mem>>
      %dma_start3A = tpu.memref_slice %arg10[%add3A_21] : memref<663552xf32, #tpu.memory_space<hbm>> -> memref<10368xf32, #tpu.memory_space<hbm>>
      %dma_start3A_24 = tpu.memref_slice %arg10[%add3A_21] : memref<663552xf32, #tpu.memory_space<hbm>> -> memref<10368xf32, #tpu.memory_space<hbm>>
      tpu.enqueue_dma source(%arg15 : memref<10368xf32, #tpu.memory_space<vmem>>) target(%dma_start3A_24 : memref<10368xf32, #tpu.memory_space<hbm>>) target_semaphore(%run_scoped3A : memref<!tpu.dma_semaphore, #tpu.memory_space<semaphore_mem>>)
      %dma_wait3A = tpu.memref_slice %arg10[%add3A_21] : memref<663552xf32, #tpu.memory_space<hbm>> -> memref<10368xf32, #tpu.memory_space<hbm>>
      %dma_wait3A_25 = tpu.memref_slice %arg10[%add3A_21] : memref<663552xf32, #tpu.memory_space<hbm>> -> memref<10368xf32, #tpu.memory_space<hbm>>
      tpu.wait_dma2 semaphore(%run_scoped3A : memref<!tpu.dma_semaphore, #tpu.memory_space<semaphore_mem>>) src(%arg15 : memref<10368xf32, #tpu.memory_space<vmem>>) dst(%dma_wait3A_25 : memref<10368xf32, #tpu.memory_space<hbm>>)
      tpu.yield
    }) : () -> ()
    %add3A_22 = arith.constant 32 : i32
    %add3A_23 = arith.addi %add3A_22, %add3A : i32
    "tpu.region"() ({
      %run_scoped3A = tpu.sem_alloc : memref<!tpu.dma_semaphore, #tpu.memory_space<semaphore_mem>>
      %dma_start3A = arith.constant 0 : i32
      %dma_start3A_24 = tpu.memref_slice %arg11[%add3A_23, %dma_start3A] : memref<64x10240xf32, #tpu.memory_space<hbm>> -> memref<1x10240xf32, #tpu.memory_space<hbm>>
      %dma_start3A_25 = tpu.memref_squeeze %dma_start3A_24 : memref<1x10240xf32, #tpu.memory_space<hbm>> -> memref<10240xf32, #tpu.memory_space<hbm>>
      %dma_start3A_26 = arith.constant 0 : i32
      %dma_start3A_27 = tpu.memref_slice %arg11[%add3A_23, %dma_start3A_26] : memref<64x10240xf32, #tpu.memory_space<hbm>> -> memref<1x10240xf32, #tpu.memory_space<hbm>>
      %dma_start3A_28 = tpu.memref_squeeze %dma_start3A_27 : memref<1x10240xf32, #tpu.memory_space<hbm>> -> memref<10240xf32, #tpu.memory_space<hbm>>
      tpu.enqueue_dma source(%arg23 : memref<10240xf32, #tpu.memory_space<vmem>>) target(%dma_start3A_28 : memref<10240xf32, #tpu.memory_space<hbm>>) target_semaphore(%run_scoped3A : memref<!tpu.dma_semaphore, #tpu.memory_space<semaphore_mem>>)
      %dma_wait3A = arith.constant 0 : i32
      %dma_wait3A_29 = tpu.memref_slice %arg11[%add3A_23, %dma_wait3A] : memref<64x10240xf32, #tpu.memory_space<hbm>> -> memref<1x10240xf32, #tpu.memory_space<hbm>>
      %dma_wait3A_30 = tpu.memref_squeeze %dma_wait3A_29 : memref<1x10240xf32, #tpu.memory_space<hbm>> -> memref<10240xf32, #tpu.memory_space<hbm>>
      %dma_wait3A_31 = arith.constant 0 : i32
      %dma_wait3A_32 = tpu.memref_slice %arg11[%add3A_23, %dma_wait3A_31] : memref<64x10240xf32, #tpu.memory_space<hbm>> -> memref<1x10240xf32, #tpu.memory_space<hbm>>
      %dma_wait3A_33 = tpu.memref_squeeze %dma_wait3A_32 : memref<1x10240xf32, #tpu.memory_space<hbm>> -> memref<10240xf32, #tpu.memory_space<hbm>>
      tpu.wait_dma2 semaphore(%run_scoped3A : memref<!tpu.dma_semaphore, #tpu.memory_space<semaphore_mem>>) src(%arg23 : memref<10240xf32, #tpu.memory_space<vmem>>) dst(%dma_wait3A_33 : memref<10240xf32, #tpu.memory_space<hbm>>)
      tpu.yield
    }) : () -> ()
    return
  }
}

#map = affine_map<(d0, d1) -> (0, 0)>
#map1 = affine_map<(d0, d1) -> (0)>
module attributes {stable_mosaic.version = 14 : i64} {
  func.func @body(%arg0: i32, %arg1: i32, %arg2: memref<20480x128xf32, #tpu.memory_space<hbm>>, %arg3: memref<663552xi32, #tpu.memory_space<hbm>>, %arg4: memref<2592x128xi32, #tpu.memory_space<hbm>>, %arg5: memref<331776xf32, #tpu.memory_space<hbm>>, %arg6: memref<20480x128xf32, #tpu.memory_space<hbm>>, %arg7: memref<128x128xf32, #tpu.memory_space<vmem>>, %arg8: memref<1x128xi32, #tpu.memory_space<vmem>>, %arg9: memref<128xi32, #tpu.memory_space<vmem>>, %arg10: memref<128xf32, #tpu.memory_space<vmem>>, %arg11: memref<10240x128xf32, #tpu.memory_space<vmem_shared>>, %arg12: memref<!tpu.dma_semaphore, #tpu.memory_space<semaphore_mem>>) attributes {dimension_semantics = [#tpu.dimension_semantics<core_parallel>, #tpu.dimension_semantics<subcore_parallel>], iteration_bounds = array<i64: 2, 16>, scalar_prefetch = 0 : i64, scratch_operands = 6 : i64, tpu.core_type = #tpu.core_type<sc_vector_subcore>, window_params = [{transform_indices = #map}, {transform_indices = #map1}, {transform_indices = #map}, {transform_indices = #map1}, {transform_indices = #map}]} {
    %scan3A = arith.constant 0 : i32
    %scan3A_0 = arith.constant 0 : i32
    %scan3A_1 = arith.constant 128 : i32
    %scan3A_2 = arith.addi %scan3A_0, %scan3A_1 : i32
    %scan3A_3 = arith.constant 1 : i32
    %scan3A_4 = scf.for %scan3A_67 = %scan3A_0 to %scan3A_2 step %scan3A_3 iter_args(%scan3A_68 = %scan3A) -> (i32)  : i32 {
      %broadcast_in_dim3A = arith.constant 0.000000e+00 : f32
      %broadcast_in_dim3A_69 = vector.broadcast %broadcast_in_dim3A : f32 to vector<16xf32>
      %swap3A = arith.index_cast %scan3A_67 : i32 to index
      %swap3A_70 = arith.constant 0 : index
      %swap3A_71 = tpu.vector_load %arg7[%swap3A, %swap3A_70] {strides = array<i32>} : memref<128x128xf32, #tpu.memory_space<vmem>>, vector<16xf32>,
      tpu.vector_store %arg7[%swap3A, %swap3A_70], %broadcast_in_dim3A_69 {strides = array<i32>} : memref<128x128xf32, #tpu.memory_space<vmem>>, vector<16xf32>,
      %broadcast_in_dim3A_72 = arith.constant 0.000000e+00 : f32
      %broadcast_in_dim3A_73 = vector.broadcast %broadcast_in_dim3A_72 : f32 to vector<16xf32>
      %swap3A_74 = arith.index_cast %scan3A_67 : i32 to index
      %swap3A_75 = arith.constant 16 : index
      %swap3A_76 = tpu.vector_load %arg7[%swap3A_74, %swap3A_75] {strides = array<i32>} : memref<128x128xf32, #tpu.memory_space<vmem>>, vector<16xf32>,
      tpu.vector_store %arg7[%swap3A_74, %swap3A_75], %broadcast_in_dim3A_73 {strides = array<i32>} : memref<128x128xf32, #tpu.memory_space<vmem>>, vector<16xf32>,
      %broadcast_in_dim3A_77 = arith.constant 0.000000e+00 : f32
      %broadcast_in_dim3A_78 = vector.broadcast %broadcast_in_dim3A_77 : f32 to vector<16xf32>
      %swap3A_79 = arith.index_cast %scan3A_67 : i32 to index
      %swap3A_80 = arith.constant 32 : index
      %swap3A_81 = tpu.vector_load %arg7[%swap3A_79, %swap3A_80] {strides = array<i32>} : memref<128x128xf32, #tpu.memory_space<vmem>>, vector<16xf32>,
      tpu.vector_store %arg7[%swap3A_79, %swap3A_80], %broadcast_in_dim3A_78 {strides = array<i32>} : memref<128x128xf32, #tpu.memory_space<vmem>>, vector<16xf32>,
      %broadcast_in_dim3A_82 = arith.constant 0.000000e+00 : f32
      %broadcast_in_dim3A_83 = vector.broadcast %broadcast_in_dim3A_82 : f32 to vector<16xf32>
      %swap3A_84 = arith.index_cast %scan3A_67 : i32 to index
      %swap3A_85 = arith.constant 48 : index
      %swap3A_86 = tpu.vector_load %arg7[%swap3A_84, %swap3A_85] {strides = array<i32>} : memref<128x128xf32, #tpu.memory_space<vmem>>, vector<16xf32>,
      tpu.vector_store %arg7[%swap3A_84, %swap3A_85], %broadcast_in_dim3A_83 {strides = array<i32>} : memref<128x128xf32, #tpu.memory_space<vmem>>, vector<16xf32>,
      %broadcast_in_dim3A_87 = arith.constant 0.000000e+00 : f32
      %broadcast_in_dim3A_88 = vector.broadcast %broadcast_in_dim3A_87 : f32 to vector<16xf32>
      %swap3A_89 = arith.index_cast %scan3A_67 : i32 to index
      %swap3A_90 = arith.constant 64 : index
      %swap3A_91 = tpu.vector_load %arg7[%swap3A_89, %swap3A_90] {strides = array<i32>} : memref<128x128xf32, #tpu.memory_space<vmem>>, vector<16xf32>,
      tpu.vector_store %arg7[%swap3A_89, %swap3A_90], %broadcast_in_dim3A_88 {strides = array<i32>} : memref<128x128xf32, #tpu.memory_space<vmem>>, vector<16xf32>,
      %broadcast_in_dim3A_92 = arith.constant 0.000000e+00 : f32
      %broadcast_in_dim3A_93 = vector.broadcast %broadcast_in_dim3A_92 : f32 to vector<16xf32>
      %swap3A_94 = arith.index_cast %scan3A_67 : i32 to index
      %swap3A_95 = arith.constant 80 : index
      %swap3A_96 = tpu.vector_load %arg7[%swap3A_94, %swap3A_95] {strides = array<i32>} : memref<128x128xf32, #tpu.memory_space<vmem>>, vector<16xf32>,
      tpu.vector_store %arg7[%swap3A_94, %swap3A_95], %broadcast_in_dim3A_93 {strides = array<i32>} : memref<128x128xf32, #tpu.memory_space<vmem>>, vector<16xf32>,
      %broadcast_in_dim3A_97 = arith.constant 0.000000e+00 : f32
      %broadcast_in_dim3A_98 = vector.broadcast %broadcast_in_dim3A_97 : f32 to vector<16xf32>
      %swap3A_99 = arith.index_cast %scan3A_67 : i32 to index
      %swap3A_100 = arith.constant 96 : index
      %swap3A_101 = tpu.vector_load %arg7[%swap3A_99, %swap3A_100] {strides = array<i32>} : memref<128x128xf32, #tpu.memory_space<vmem>>, vector<16xf32>,
      tpu.vector_store %arg7[%swap3A_99, %swap3A_100], %broadcast_in_dim3A_98 {strides = array<i32>} : memref<128x128xf32, #tpu.memory_space<vmem>>, vector<16xf32>,
      %broadcast_in_dim3A_102 = arith.constant 0.000000e+00 : f32
      %broadcast_in_dim3A_103 = vector.broadcast %broadcast_in_dim3A_102 : f32 to vector<16xf32>
      %swap3A_104 = arith.index_cast %scan3A_67 : i32 to index
      %swap3A_105 = arith.constant 112 : index
      %swap3A_106 = tpu.vector_load %arg7[%swap3A_104, %swap3A_105] {strides = array<i32>} : memref<128x128xf32, #tpu.memory_space<vmem>>, vector<16xf32>,
      tpu.vector_store %arg7[%swap3A_104, %swap3A_105], %broadcast_in_dim3A_103 {strides = array<i32>} : memref<128x128xf32, #tpu.memory_space<vmem>>, vector<16xf32>,
      %scan3A_107 = arith.constant 0 : i32
      scf.yield %scan3A_107 : i32
    }
    %scan3A_5 = arith.constant 128 : i32
    %mul3A = arith.constant 640 : i32
    %mul3A_6 = arith.muli %arg1, %mul3A : i32
    %add3A = arith.constant 0 : i32
    %add3A_7 = arith.addi %mul3A_6, %add3A : i32
    "tpu.region"() ({
      %run_scoped3A = tpu.sem_alloc : memref<!tpu.dma_semaphore, #tpu.memory_space<semaphore_mem>>
      %dma_start3A = arith.constant 0 : i32
      %dma_start3A_67 = tpu.memref_slice %arg11[%add3A_7, %dma_start3A] : memref<10240x128xf32, #tpu.memory_space<vmem_shared>> -> memref<128x128xf32, #tpu.memory_space<vmem_shared>>
      %dma_start3A_68 = arith.constant 0 : i32
      %dma_start3A_69 = tpu.memref_slice %arg11[%add3A_7, %dma_start3A_68] : memref<10240x128xf32, #tpu.memory_space<vmem_shared>> -> memref<128x128xf32, #tpu.memory_space<vmem_shared>>
      tpu.enqueue_dma source(%arg7 : memref<128x128xf32, #tpu.memory_space<vmem>>) target(%dma_start3A_69 : memref<128x128xf32, #tpu.memory_space<vmem_shared>>) target_semaphore(%run_scoped3A : memref<!tpu.dma_semaphore, #tpu.memory_space<semaphore_mem>>)
      %dma_wait3A = arith.constant 0 : i32
      %dma_wait3A_70 = tpu.memref_slice %arg11[%add3A_7, %dma_wait3A] : memref<10240x128xf32, #tpu.memory_space<vmem_shared>> -> memref<128x128xf32, #tpu.memory_space<vmem_shared>>
      %dma_wait3A_71 = arith.constant 0 : i32
      %dma_wait3A_72 = tpu.memref_slice %arg11[%add3A_7, %dma_wait3A_71] : memref<10240x128xf32, #tpu.memory_space<vmem_shared>> -> memref<128x128xf32, #tpu.memory_space<vmem_shared>>
      tpu.wait_dma2 semaphore(%run_scoped3A : memref<!tpu.dma_semaphore, #tpu.memory_space<semaphore_mem>>) src(%arg7 : memref<128x128xf32, #tpu.memory_space<vmem>>) dst(%dma_wait3A_72 : memref<128x128xf32, #tpu.memory_space<vmem_shared>>)
      tpu.yield
    }) : () -> ()
    %mul3A_8 = arith.constant 640 : i32
    %mul3A_9 = arith.muli %arg1, %mul3A_8 : i32
    %add3A_10 = arith.constant 128 : i32
    %add3A_11 = arith.addi %mul3A_9, %add3A_10 : i32
    "tpu.region"() ({
      %run_scoped3A = tpu.sem_alloc : memref<!tpu.dma_semaphore, #tpu.memory_space<semaphore_mem>>
      %dma_start3A = arith.constant 0 : i32
      %dma_start3A_67 = tpu.memref_slice %arg11[%add3A_11, %dma_start3A] : memref<10240x128xf32, #tpu.memory_space<vmem_shared>> -> memref<128x128xf32, #tpu.memory_space<vmem_shared>>
      %dma_start3A_68 = arith.constant 0 : i32
      %dma_start3A_69 = tpu.memref_slice %arg11[%add3A_11, %dma_start3A_68] : memref<10240x128xf32, #tpu.memory_space<vmem_shared>> -> memref<128x128xf32, #tpu.memory_space<vmem_shared>>
      tpu.enqueue_dma source(%arg7 : memref<128x128xf32, #tpu.memory_space<vmem>>) target(%dma_start3A_69 : memref<128x128xf32, #tpu.memory_space<vmem_shared>>) target_semaphore(%run_scoped3A : memref<!tpu.dma_semaphore, #tpu.memory_space<semaphore_mem>>)
      %dma_wait3A = arith.constant 0 : i32
      %dma_wait3A_70 = tpu.memref_slice %arg11[%add3A_11, %dma_wait3A] : memref<10240x128xf32, #tpu.memory_space<vmem_shared>> -> memref<128x128xf32, #tpu.memory_space<vmem_shared>>
      %dma_wait3A_71 = arith.constant 0 : i32
      %dma_wait3A_72 = tpu.memref_slice %arg11[%add3A_11, %dma_wait3A_71] : memref<10240x128xf32, #tpu.memory_space<vmem_shared>> -> memref<128x128xf32, #tpu.memory_space<vmem_shared>>
      tpu.wait_dma2 semaphore(%run_scoped3A : memref<!tpu.dma_semaphore, #tpu.memory_space<semaphore_mem>>) src(%arg7 : memref<128x128xf32, #tpu.memory_space<vmem>>) dst(%dma_wait3A_72 : memref<128x128xf32, #tpu.memory_space<vmem_shared>>)
      tpu.yield
    }) : () -> ()
    %mul3A_12 = arith.constant 640 : i32
    %mul3A_13 = arith.muli %arg1, %mul3A_12 : i32
    %add3A_14 = arith.constant 256 : i32
    %add3A_15 = arith.addi %mul3A_13, %add3A_14 : i32
    "tpu.region"() ({
      %run_scoped3A = tpu.sem_alloc : memref<!tpu.dma_semaphore, #tpu.memory_space<semaphore_mem>>
      %dma_start3A = arith.constant 0 : i32
      %dma_start3A_67 = tpu.memref_slice %arg11[%add3A_15, %dma_start3A] : memref<10240x128xf32, #tpu.memory_space<vmem_shared>> -> memref<128x128xf32, #tpu.memory_space<vmem_shared>>
      %dma_start3A_68 = arith.constant 0 : i32
      %dma_start3A_69 = tpu.memref_slice %arg11[%add3A_15, %dma_start3A_68] : memref<10240x128xf32, #tpu.memory_space<vmem_shared>> -> memref<128x128xf32, #tpu.memory_space<vmem_shared>>
      tpu.enqueue_dma source(%arg7 : memref<128x128xf32, #tpu.memory_space<vmem>>) target(%dma_start3A_69 : memref<128x128xf32, #tpu.memory_space<vmem_shared>>) target_semaphore(%run_scoped3A : memref<!tpu.dma_semaphore, #tpu.memory_space<semaphore_mem>>)
      %dma_wait3A = arith.constant 0 : i32
      %dma_wait3A_70 = tpu.memref_slice %arg11[%add3A_15, %dma_wait3A] : memref<10240x128xf32, #tpu.memory_space<vmem_shared>> -> memref<128x128xf32, #tpu.memory_space<vmem_shared>>
      %dma_wait3A_71 = arith.constant 0 : i32
      %dma_wait3A_72 = tpu.memref_slice %arg11[%add3A_15, %dma_wait3A_71] : memref<10240x128xf32, #tpu.memory_space<vmem_shared>> -> memref<128x128xf32, #tpu.memory_space<vmem_shared>>
      tpu.wait_dma2 semaphore(%run_scoped3A : memref<!tpu.dma_semaphore, #tpu.memory_space<semaphore_mem>>) src(%arg7 : memref<128x128xf32, #tpu.memory_space<vmem>>) dst(%dma_wait3A_72 : memref<128x128xf32, #tpu.memory_space<vmem_shared>>)
      tpu.yield
    }) : () -> ()
    %mul3A_16 = arith.constant 640 : i32
    %mul3A_17 = arith.muli %arg1, %mul3A_16 : i32
    %add3A_18 = arith.constant 384 : i32
    %add3A_19 = arith.addi %mul3A_17, %add3A_18 : i32
    "tpu.region"() ({
      %run_scoped3A = tpu.sem_alloc : memref<!tpu.dma_semaphore, #tpu.memory_space<semaphore_mem>>
      %dma_start3A = arith.constant 0 : i32
      %dma_start3A_67 = tpu.memref_slice %arg11[%add3A_19, %dma_start3A] : memref<10240x128xf32, #tpu.memory_space<vmem_shared>> -> memref<128x128xf32, #tpu.memory_space<vmem_shared>>
      %dma_start3A_68 = arith.constant 0 : i32
      %dma_start3A_69 = tpu.memref_slice %arg11[%add3A_19, %dma_start3A_68] : memref<10240x128xf32, #tpu.memory_space<vmem_shared>> -> memref<128x128xf32, #tpu.memory_space<vmem_shared>>
      tpu.enqueue_dma source(%arg7 : memref<128x128xf32, #tpu.memory_space<vmem>>) target(%dma_start3A_69 : memref<128x128xf32, #tpu.memory_space<vmem_shared>>) target_semaphore(%run_scoped3A : memref<!tpu.dma_semaphore, #tpu.memory_space<semaphore_mem>>)
      %dma_wait3A = arith.constant 0 : i32
      %dma_wait3A_70 = tpu.memref_slice %arg11[%add3A_19, %dma_wait3A] : memref<10240x128xf32, #tpu.memory_space<vmem_shared>> -> memref<128x128xf32, #tpu.memory_space<vmem_shared>>
      %dma_wait3A_71 = arith.constant 0 : i32
      %dma_wait3A_72 = tpu.memref_slice %arg11[%add3A_19, %dma_wait3A_71] : memref<10240x128xf32, #tpu.memory_space<vmem_shared>> -> memref<128x128xf32, #tpu.memory_space<vmem_shared>>
      tpu.wait_dma2 semaphore(%run_scoped3A : memref<!tpu.dma_semaphore, #tpu.memory_space<semaphore_mem>>) src(%arg7 : memref<128x128xf32, #tpu.memory_space<vmem>>) dst(%dma_wait3A_72 : memref<128x128xf32, #tpu.memory_space<vmem_shared>>)
      tpu.yield
    }) : () -> ()
    %mul3A_20 = arith.constant 640 : i32
    %mul3A_21 = arith.muli %arg1, %mul3A_20 : i32
    %add3A_22 = arith.constant 512 : i32
    %add3A_23 = arith.addi %mul3A_21, %add3A_22 : i32
    "tpu.region"() ({
      %run_scoped3A = tpu.sem_alloc : memref<!tpu.dma_semaphore, #tpu.memory_space<semaphore_mem>>
      %dma_start3A = arith.constant 0 : i32
      %dma_start3A_67 = tpu.memref_slice %arg11[%add3A_23, %dma_start3A] : memref<10240x128xf32, #tpu.memory_space<vmem_shared>> -> memref<128x128xf32, #tpu.memory_space<vmem_shared>>
      %dma_start3A_68 = arith.constant 0 : i32
      %dma_start3A_69 = tpu.memref_slice %arg11[%add3A_23, %dma_start3A_68] : memref<10240x128xf32, #tpu.memory_space<vmem_shared>> -> memref<128x128xf32, #tpu.memory_space<vmem_shared>>
      tpu.enqueue_dma source(%arg7 : memref<128x128xf32, #tpu.memory_space<vmem>>) target(%dma_start3A_69 : memref<128x128xf32, #tpu.memory_space<vmem_shared>>) target_semaphore(%run_scoped3A : memref<!tpu.dma_semaphore, #tpu.memory_space<semaphore_mem>>)
      %dma_wait3A = arith.constant 0 : i32
      %dma_wait3A_70 = tpu.memref_slice %arg11[%add3A_23, %dma_wait3A] : memref<10240x128xf32, #tpu.memory_space<vmem_shared>> -> memref<128x128xf32, #tpu.memory_space<vmem_shared>>
      %dma_wait3A_71 = arith.constant 0 : i32
      %dma_wait3A_72 = tpu.memref_slice %arg11[%add3A_23, %dma_wait3A_71] : memref<10240x128xf32, #tpu.memory_space<vmem_shared>> -> memref<128x128xf32, #tpu.memory_space<vmem_shared>>
      tpu.wait_dma2 semaphore(%run_scoped3A : memref<!tpu.dma_semaphore, #tpu.memory_space<semaphore_mem>>) src(%arg7 : memref<128x128xf32, #tpu.memory_space<vmem>>) dst(%dma_wait3A_72 : memref<128x128xf32, #tpu.memory_space<vmem_shared>>)
      tpu.yield
    }) : () -> ()
    %barrier3A = arith.constant 0 : index
    tpu.barrier barrier_id(%barrier3A)
    %scan3A_24 = arith.constant 0 : i32
    %scan3A_25 = arith.constant 0 : i32
    %scan3A_26 = arith.constant 162 : i32
    %scan3A_27 = arith.addi %scan3A_25, %scan3A_26 : i32
    %scan3A_28 = arith.constant 1 : i32
    %scan3A_29 = scf.for %scan3A_67 = %scan3A_25 to %scan3A_27 step %scan3A_28 iter_args(%scan3A_68 = %scan3A_24) -> (i32)  : i32 {
      %mul3A_69 = arith.constant 162 : i32
      %mul3A_70 = arith.muli %arg1, %mul3A_69 : i32
      %add3A_71 = arith.addi %mul3A_70, %scan3A_67 : i32
      %mul3A_72 = arith.constant 128 : i32
      %mul3A_73 = arith.muli %add3A_71, %mul3A_72 : i32
      %mul3A_74 = arith.constant 331776 : i32
      %mul3A_75 = arith.muli %arg0, %mul3A_74 : i32
      %add3A_76 = arith.addi %mul3A_75, %mul3A_73 : i32
      "tpu.region"() ({
        %run_scoped3A_89 = tpu.sem_alloc : memref<!tpu.dma_semaphore, #tpu.memory_space<semaphore_mem>>
        %dma_start3A_90 = tpu.memref_slice %arg3[%add3A_76] : memref<663552xi32, #tpu.memory_space<hbm>> -> memref<128xi32, #tpu.memory_space<hbm>>
        %dma_start3A_91 = tpu.memref_slice %arg3[%add3A_76] : memref<663552xi32, #tpu.memory_space<hbm>> -> memref<128xi32, #tpu.memory_space<hbm>>
        tpu.enqueue_dma source(%dma_start3A_91 : memref<128xi32, #tpu.memory_space<hbm>>) target(%arg9 : memref<128xi32, #tpu.memory_space<vmem>>) target_semaphore(%run_scoped3A_89 : memref<!tpu.dma_semaphore, #tpu.memory_space<semaphore_mem>>)
        %dma_wait3A_92 = tpu.memref_slice %arg3[%add3A_76] : memref<663552xi32, #tpu.memory_space<hbm>> -> memref<128xi32, #tpu.memory_space<hbm>>
        %dma_wait3A_93 = tpu.memref_slice %arg3[%add3A_76] : memref<663552xi32, #tpu.memory_space<hbm>> -> memref<128xi32, #tpu.memory_space<hbm>>
        tpu.wait_dma2 semaphore(%run_scoped3A_89 : memref<!tpu.dma_semaphore, #tpu.memory_space<semaphore_mem>>) src(%dma_wait3A_93 : memref<128xi32, #tpu.memory_space<hbm>>) dst(%arg9 : memref<128xi32, #tpu.memory_space<vmem>>)
        tpu.yield
      }) : () -> ()
      "tpu.region"() ({
        %run_scoped3A_89 = tpu.sem_alloc : memref<!tpu.dma_semaphore, #tpu.memory_space<semaphore_mem>>
        %dma_start3A_90 = arith.constant 0 : i32
        %dma_start3A_91 = tpu.memref_slice %arg4[%add3A_71, %dma_start3A_90] : memref<2592x128xi32, #tpu.memory_space<hbm>> -> memref<1x128xi32, #tpu.memory_space<hbm>>
        %dma_start3A_92 = arith.constant 0 : i32
        %dma_start3A_93 = tpu.memref_slice %arg4[%add3A_71, %dma_start3A_92] : memref<2592x128xi32, #tpu.memory_space<hbm>> -> memref<1x128xi32, #tpu.memory_space<hbm>>
        tpu.enqueue_dma source(%dma_start3A_93 : memref<1x128xi32, #tpu.memory_space<hbm>>) target(%arg8 : memref<1x128xi32, #tpu.memory_space<vmem>>) target_semaphore(%run_scoped3A_89 : memref<!tpu.dma_semaphore, #tpu.memory_space<semaphore_mem>>)
        %dma_wait3A_94 = arith.constant 0 : i32
        %dma_wait3A_95 = tpu.memref_slice %arg4[%add3A_71, %dma_wait3A_94] : memref<2592x128xi32, #tpu.memory_space<hbm>> -> memref<1x128xi32, #tpu.memory_space<hbm>>
        %dma_wait3A_96 = arith.constant 0 : i32
        %dma_wait3A_97 = tpu.memref_slice %arg4[%add3A_71, %dma_wait3A_96] : memref<2592x128xi32, #tpu.memory_space<hbm>> -> memref<1x128xi32, #tpu.memory_space<hbm>>
        tpu.wait_dma2 semaphore(%run_scoped3A_89 : memref<!tpu.dma_semaphore, #tpu.memory_space<semaphore_mem>>) src(%dma_wait3A_97 : memref<1x128xi32, #tpu.memory_space<hbm>>) dst(%arg8 : memref<1x128xi32, #tpu.memory_space<vmem>>)
        tpu.yield
      }) : () -> ()
      "tpu.region"() ({
        %run_scoped3A_89 = tpu.sem_alloc : memref<!tpu.dma_semaphore, #tpu.memory_space<semaphore_mem>>
        %dma_start3A_90 = tpu.memref_slice %arg5[%mul3A_73] : memref<331776xf32, #tpu.memory_space<hbm>> -> memref<128xf32, #tpu.memory_space<hbm>>
        %dma_start3A_91 = tpu.memref_slice %arg5[%mul3A_73] : memref<331776xf32, #tpu.memory_space<hbm>> -> memref<128xf32, #tpu.memory_space<hbm>>
        tpu.enqueue_dma source(%dma_start3A_91 : memref<128xf32, #tpu.memory_space<hbm>>) target(%arg10 : memref<128xf32, #tpu.memory_space<vmem>>) target_semaphore(%run_scoped3A_89 : memref<!tpu.dma_semaphore, #tpu.memory_space<semaphore_mem>>)
        %dma_wait3A_92 = tpu.memref_slice %arg5[%mul3A_73] : memref<331776xf32, #tpu.memory_space<hbm>> -> memref<128xf32, #tpu.memory_space<hbm>>
        %dma_wait3A_93 = tpu.memref_slice %arg5[%mul3A_73] : memref<331776xf32, #tpu.memory_space<hbm>> -> memref<128xf32, #tpu.memory_space<hbm>>
        tpu.wait_dma2 semaphore(%run_scoped3A_89 : memref<!tpu.dma_semaphore, #tpu.memory_space<semaphore_mem>>) src(%dma_wait3A_93 : memref<128xf32, #tpu.memory_space<hbm>>) dst(%arg10 : memref<128xf32, #tpu.memory_space<vmem>>)
        tpu.yield
      }) : () -> ()
      %dma_start3A = arith.constant 0 : i32
      %dma_start3A_77 = arith.constant 0 : i32
      %dma_start3A_78 = tpu.memref_slice %arg2[%dma_start3A, %dma_start3A_77] : memref<20480x128xf32, #tpu.memory_space<hbm>> -> memref<20480x128xf32, #tpu.memory_space<hbm>>
      tpu.enqueue_indirect_dma source(%dma_start3A_78 : memref<20480x128xf32, #tpu.memory_space<hbm>>) target(%arg7 : memref<128x128xf32, #tpu.memory_space<vmem>>) offsets(%arg9 : memref<128xi32, #tpu.memory_space<vmem>>) semaphore(%arg12 : memref<!tpu.dma_semaphore, #tpu.memory_space<semaphore_mem>>)
      %dma_wait3A = arith.constant 0 : i32
      %dma_wait3A_79 = arith.constant 0 : i32
      %dma_wait3A_80 = tpu.memref_slice %arg2[%dma_wait3A, %dma_wait3A_79] : memref<20480x128xf32, #tpu.memory_space<hbm>> -> memref<20480x128xf32, #tpu.memory_space<hbm>>
      tpu.wait_indirect_dma semaphore(%arg12 : memref<!tpu.dma_semaphore, #tpu.memory_space<semaphore_mem>>) src(%dma_wait3A_80 : memref<20480x128xf32, #tpu.memory_space<hbm>>) dst(%arg7 : memref<128x128xf32, #tpu.memory_space<vmem>>)
      %scan3A_81 = arith.constant 0 : i32
      %scan3A_82 = arith.constant 0 : i32
      %scan3A_83 = arith.constant 8 : i32
      %scan3A_84 = arith.addi %scan3A_82, %scan3A_83 : i32
      %scan3A_85 = arith.constant 1 : i32
      %scan3A_86 = scf.for %scan3A_89 = %scan3A_82 to %scan3A_84 step %scan3A_85 iter_args(%scan3A_90 = %scan3A_81) -> (i32)  : i32 {
        %mul3A_91 = arith.constant 16 : i32
        %mul3A_92 = arith.muli %scan3A_89, %mul3A_91 : i32
        %add3A_93 = arith.constant 0 : i32
        %add3A_94 = arith.addi %mul3A_92, %add3A_93 : i32
        %broadcast_in_dim3A = vector.broadcast %add3A_94 : i32 to vector<16xi32>
        %gather3A = tpu.vector_load_idx %arg10[%broadcast_in_dim3A] : memref<128xf32, #tpu.memory_space<vmem>>[vector<16xi32>], vector<16xf32>,
        %add3A_95 = arith.constant 0 : i32
        %add3A_96 = arith.addi %mul3A_92, %add3A_95 : i32
        %get3A = arith.index_cast %add3A_96 : i32 to index
        %get3A_97 = arith.constant 0 : index
        %get3A_98 = tpu.vector_load %arg7[%get3A, %get3A_97] {strides = array<i32>} : memref<128x128xf32, #tpu.memory_space<vmem>>, vector<16xf32>,
        %mul3A_99 = arith.mulf %get3A_98, %gather3A : vector<16xf32>
        %swap3A = arith.index_cast %add3A_96 : i32 to index
        %swap3A_100 = arith.constant 0 : index
        %swap3A_101 = tpu.vector_load %arg7[%swap3A, %swap3A_100] {strides = array<i32>} : memref<128x128xf32, #tpu.memory_space<vmem>>, vector<16xf32>,
        tpu.vector_store %arg7[%swap3A, %swap3A_100], %mul3A_99 {strides = array<i32>} : memref<128x128xf32, #tpu.memory_space<vmem>>, vector<16xf32>,
        %get3A_102 = arith.index_cast %add3A_96 : i32 to index
        %get3A_103 = arith.constant 16 : index
        %get3A_104 = tpu.vector_load %arg7[%get3A_102, %get3A_103] {strides = array<i32>} : memref<128x128xf32, #tpu.memory_space<vmem>>, vector<16xf32>,
        %mul3A_105 = arith.mulf %get3A_104, %gather3A : vector<16xf32>
        %swap3A_106 = arith.index_cast %add3A_96 : i32 to index
        %swap3A_107 = arith.constant 16 : index
        %swap3A_108 = tpu.vector_load %arg7[%swap3A_106, %swap3A_107] {strides = array<i32>} : memref<128x128xf32, #tpu.memory_space<vmem>>, vector<16xf32>,
        tpu.vector_store %arg7[%swap3A_106, %swap3A_107], %mul3A_105 {strides = array<i32>} : memref<128x128xf32, #tpu.memory_space<vmem>>, vector<16xf32>,
        %get3A_109 = arith.index_cast %add3A_96 : i32 to index
        %get3A_110 = arith.constant 32 : index
        %get3A_111 = tpu.vector_load %arg7[%get3A_109, %get3A_110] {strides = array<i32>} : memref<128x128xf32, #tpu.memory_space<vmem>>, vector<16xf32>,
        %mul3A_112 = arith.mulf %get3A_111, %gather3A : vector<16xf32>
        %swap3A_113 = arith.index_cast %add3A_96 : i32 to index
        %swap3A_114 = arith.constant 32 : index
        %swap3A_115 = tpu.vector_load %arg7[%swap3A_113, %swap3A_114] {strides = array<i32>} : memref<128x128xf32, #tpu.memory_space<vmem>>, vector<16xf32>,
        tpu.vector_store %arg7[%swap3A_113, %swap3A_114], %mul3A_112 {strides = array<i32>} : memref<128x128xf32, #tpu.memory_space<vmem>>, vector<16xf32>,
        %get3A_116 = arith.index_cast %add3A_96 : i32 to index
        %get3A_117 = arith.constant 48 : index
        %get3A_118 = tpu.vector_load %arg7[%get3A_116, %get3A_117] {strides = array<i32>} : memref<128x128xf32, #tpu.memory_space<vmem>>, vector<16xf32>,
        %mul3A_119 = arith.mulf %get3A_118, %gather3A : vector<16xf32>
        %swap3A_120 = arith.index_cast %add3A_96 : i32 to index
        %swap3A_121 = arith.constant 48 : index
        %swap3A_122 = tpu.vector_load %arg7[%swap3A_120, %swap3A_121] {strides = array<i32>} : memref<128x128xf32, #tpu.memory_space<vmem>>, vector<16xf32>,
        tpu.vector_store %arg7[%swap3A_120, %swap3A_121], %mul3A_119 {strides = array<i32>} : memref<128x128xf32, #tpu.memory_space<vmem>>, vector<16xf32>,
        %get3A_123 = arith.index_cast %add3A_96 : i32 to index
        %get3A_124 = arith.constant 64 : index
        %get3A_125 = tpu.vector_load %arg7[%get3A_123, %get3A_124] {strides = array<i32>} : memref<128x128xf32, #tpu.memory_space<vmem>>, vector<16xf32>,
        %mul3A_126 = arith.mulf %get3A_125, %gather3A : vector<16xf32>
        %swap3A_127 = arith.index_cast %add3A_96 : i32 to index
        %swap3A_128 = arith.constant 64 : index
        %swap3A_129 = tpu.vector_load %arg7[%swap3A_127, %swap3A_128] {strides = array<i32>} : memref<128x128xf32, #tpu.memory_space<vmem>>, vector<16xf32>,
        tpu.vector_store %arg7[%swap3A_127, %swap3A_128], %mul3A_126 {strides = array<i32>} : memref<128x128xf32, #tpu.memory_space<vmem>>, vector<16xf32>,
        %get3A_130 = arith.index_cast %add3A_96 : i32 to index
        %get3A_131 = arith.constant 80 : index
        %get3A_132 = tpu.vector_load %arg7[%get3A_130, %get3A_131] {strides = array<i32>} : memref<128x128xf32, #tpu.memory_space<vmem>>, vector<16xf32>,
        %mul3A_133 = arith.mulf %get3A_132, %gather3A : vector<16xf32>
        %swap3A_134 = arith.index_cast %add3A_96 : i32 to index
        %swap3A_135 = arith.constant 80 : index
        %swap3A_136 = tpu.vector_load %arg7[%swap3A_134, %swap3A_135] {strides = array<i32>} : memref<128x128xf32, #tpu.memory_space<vmem>>, vector<16xf32>,
        tpu.vector_store %arg7[%swap3A_134, %swap3A_135], %mul3A_133 {strides = array<i32>} : memref<128x128xf32, #tpu.memory_space<vmem>>, vector<16xf32>,
        %get3A_137 = arith.index_cast %add3A_96 : i32 to index
        %get3A_138 = arith.constant 96 : index
        %get3A_139 = tpu.vector_load %arg7[%get3A_137, %get3A_138] {strides = array<i32>} : memref<128x128xf32, #tpu.memory_space<vmem>>, vector<16xf32>,
        %mul3A_140 = arith.mulf %get3A_139, %gather3A : vector<16xf32>
        %swap3A_141 = arith.index_cast %add3A_96 : i32 to index
        %swap3A_142 = arith.constant 96 : index
        %swap3A_143 = tpu.vector_load %arg7[%swap3A_141, %swap3A_142] {strides = array<i32>} : memref<128x128xf32, #tpu.memory_space<vmem>>, vector<16xf32>,
        tpu.vector_store %arg7[%swap3A_141, %swap3A_142], %mul3A_140 {strides = array<i32>} : memref<128x128xf32, #tpu.memory_space<vmem>>, vector<16xf32>,
        %get3A_144 = arith.index_cast %add3A_96 : i32 to index
        %get3A_145 = arith.constant 112 : index
        %get3A_146 = tpu.vector_load %arg7[%get3A_144, %get3A_145] {strides = array<i32>} : memref<128x128xf32, #tpu.memory_space<vmem>>, vector<16xf32>,
        %mul3A_147 = arith.mulf %get3A_146, %gather3A : vector<16xf32>
        %swap3A_148 = arith.index_cast %add3A_96 : i32 to index
        %swap3A_149 = arith.constant 112 : index
        %swap3A_150 = tpu.vector_load %arg7[%swap3A_148, %swap3A_149] {strides = array<i32>} : memref<128x128xf32, #tpu.memory_space<vmem>>, vector<16xf32>,
        tpu.vector_store %arg7[%swap3A_148, %swap3A_149], %mul3A_147 {strides = array<i32>} : memref<128x128xf32, #tpu.memory_space<vmem>>, vector<16xf32>,
        %add3A_151 = arith.constant 1 : i32
        %add3A_152 = arith.addi %mul3A_92, %add3A_151 : i32
        %broadcast_in_dim3A_153 = vector.broadcast %add3A_152 : i32 to vector<16xi32>
        %gather3A_154 = tpu.vector_load_idx %arg10[%broadcast_in_dim3A_153] : memref<128xf32, #tpu.memory_space<vmem>>[vector<16xi32>], vector<16xf32>,
        %add3A_155 = arith.constant 1 : i32
        %add3A_156 = arith.addi %mul3A_92, %add3A_155 : i32
        %get3A_157 = arith.index_cast %add3A_156 : i32 to index
        %get3A_158 = arith.constant 0 : index
        %get3A_159 = tpu.vector_load %arg7[%get3A_157, %get3A_158] {strides = array<i32>} : memref<128x128xf32, #tpu.memory_space<vmem>>, vector<16xf32>,
        %mul3A_160 = arith.mulf %get3A_159, %gather3A_154 : vector<16xf32>
        %swap3A_161 = arith.index_cast %add3A_156 : i32 to index
        %swap3A_162 = arith.constant 0 : index
        %swap3A_163 = tpu.vector_load %arg7[%swap3A_161, %swap3A_162] {strides = array<i32>} : memref<128x128xf32, #tpu.memory_space<vmem>>, vector<16xf32>,
        tpu.vector_store %arg7[%swap3A_161, %swap3A_162], %mul3A_160 {strides = array<i32>} : memref<128x128xf32, #tpu.memory_space<vmem>>, vector<16xf32>,
        %get3A_164 = arith.index_cast %add3A_156 : i32 to index
        %get3A_165 = arith.constant 16 : index
        %get3A_166 = tpu.vector_load %arg7[%get3A_164, %get3A_165] {strides = array<i32>} : memref<128x128xf32, #tpu.memory_space<vmem>>, vector<16xf32>,
        %mul3A_167 = arith.mulf %get3A_166, %gather3A_154 : vector<16xf32>
        %swap3A_168 = arith.index_cast %add3A_156 : i32 to index
        %swap3A_169 = arith.constant 16 : index
        %swap3A_170 = tpu.vector_load %arg7[%swap3A_168, %swap3A_169] {strides = array<i32>} : memref<128x128xf32, #tpu.memory_space<vmem>>, vector<16xf32>,
        tpu.vector_store %arg7[%swap3A_168, %swap3A_169], %mul3A_167 {strides = array<i32>} : memref<128x128xf32, #tpu.memory_space<vmem>>, vector<16xf32>,
        %get3A_171 = arith.index_cast %add3A_156 : i32 to index
        %get3A_172 = arith.constant 32 : index
        %get3A_173 = tpu.vector_load %arg7[%get3A_171, %get3A_172] {strides = array<i32>} : memref<128x128xf32, #tpu.memory_space<vmem>>, vector<16xf32>,
        %mul3A_174 = arith.mulf %get3A_173, %gather3A_154 : vector<16xf32>
        %swap3A_175 = arith.index_cast %add3A_156 : i32 to index
        %swap3A_176 = arith.constant 32 : index
        %swap3A_177 = tpu.vector_load %arg7[%swap3A_175, %swap3A_176] {strides = array<i32>} : memref<128x128xf32, #tpu.memory_space<vmem>>, vector<16xf32>,
        tpu.vector_store %arg7[%swap3A_175, %swap3A_176], %mul3A_174 {strides = array<i32>} : memref<128x128xf32, #tpu.memory_space<vmem>>, vector<16xf32>,
        %get3A_178 = arith.index_cast %add3A_156 : i32 to index
        %get3A_179 = arith.constant 48 : index
        %get3A_180 = tpu.vector_load %arg7[%get3A_178, %get3A_179] {strides = array<i32>} : memref<128x128xf32, #tpu.memory_space<vmem>>, vector<16xf32>,
        %mul3A_181 = arith.mulf %get3A_180, %gather3A_154 : vector<16xf32>
        %swap3A_182 = arith.index_cast %add3A_156 : i32 to index
        %swap3A_183 = arith.constant 48 : index
        %swap3A_184 = tpu.vector_load %arg7[%swap3A_182, %swap3A_183] {strides = array<i32>} : memref<128x128xf32, #tpu.memory_space<vmem>>, vector<16xf32>,
        tpu.vector_store %arg7[%swap3A_182, %swap3A_183], %mul3A_181 {strides = array<i32>} : memref<128x128xf32, #tpu.memory_space<vmem>>, vector<16xf32>,
        %get3A_185 = arith.index_cast %add3A_156 : i32 to index
        %get3A_186 = arith.constant 64 : index
        %get3A_187 = tpu.vector_load %arg7[%get3A_185, %get3A_186] {strides = array<i32>} : memref<128x128xf32, #tpu.memory_space<vmem>>, vector<16xf32>,
        %mul3A_188 = arith.mulf %get3A_187, %gather3A_154 : vector<16xf32>
        %swap3A_189 = arith.index_cast %add3A_156 : i32 to index
        %swap3A_190 = arith.constant 64 : index
        %swap3A_191 = tpu.vector_load %arg7[%swap3A_189, %swap3A_190] {strides = array<i32>} : memref<128x128xf32, #tpu.memory_space<vmem>>, vector<16xf32>,
        tpu.vector_store %arg7[%swap3A_189, %swap3A_190], %mul3A_188 {strides = array<i32>} : memref<128x128xf32, #tpu.memory_space<vmem>>, vector<16xf32>,
        %get3A_192 = arith.index_cast %add3A_156 : i32 to index
        %get3A_193 = arith.constant 80 : index
        %get3A_194 = tpu.vector_load %arg7[%get3A_192, %get3A_193] {strides = array<i32>} : memref<128x128xf32, #tpu.memory_space<vmem>>, vector<16xf32>,
        %mul3A_195 = arith.mulf %get3A_194, %gather3A_154 : vector<16xf32>
        %swap3A_196 = arith.index_cast %add3A_156 : i32 to index
        %swap3A_197 = arith.constant 80 : index
        %swap3A_198 = tpu.vector_load %arg7[%swap3A_196, %swap3A_197] {strides = array<i32>} : memref<128x128xf32, #tpu.memory_space<vmem>>, vector<16xf32>,
        tpu.vector_store %arg7[%swap3A_196, %swap3A_197], %mul3A_195 {strides = array<i32>} : memref<128x128xf32, #tpu.memory_space<vmem>>, vector<16xf32>,
        %get3A_199 = arith.index_cast %add3A_156 : i32 to index
        %get3A_200 = arith.constant 96 : index
        %get3A_201 = tpu.vector_load %arg7[%get3A_199, %get3A_200] {strides = array<i32>} : memref<128x128xf32, #tpu.memory_space<vmem>>, vector<16xf32>,
        %mul3A_202 = arith.mulf %get3A_201, %gather3A_154 : vector<16xf32>
        %swap3A_203 = arith.index_cast %add3A_156 : i32 to index
        %swap3A_204 = arith.constant 96 : index
        %swap3A_205 = tpu.vector_load %arg7[%swap3A_203, %swap3A_204] {strides = array<i32>} : memref<128x128xf32, #tpu.memory_space<vmem>>, vector<16xf32>,
        tpu.vector_store %arg7[%swap3A_203, %swap3A_204], %mul3A_202 {strides = array<i32>} : memref<128x128xf32, #tpu.memory_space<vmem>>, vector<16xf32>,
        %get3A_206 = arith.index_cast %add3A_156 : i32 to index
        %get3A_207 = arith.constant 112 : index
        %get3A_208 = tpu.vector_load %arg7[%get3A_206, %get3A_207] {strides = array<i32>} : memref<128x128xf32, #tpu.memory_space<vmem>>, vector<16xf32>,
        %mul3A_209 = arith.mulf %get3A_208, %gather3A_154 : vector<16xf32>
        %swap3A_210 = arith.index_cast %add3A_156 : i32 to index
        %swap3A_211 = arith.constant 112 : index
        %swap3A_212 = tpu.vector_load %arg7[%swap3A_210, %swap3A_211] {strides = array<i32>} : memref<128x128xf32, #tpu.memory_space<vmem>>, vector<16xf32>,
        tpu.vector_store %arg7[%swap3A_210, %swap3A_211], %mul3A_209 {strides = array<i32>} : memref<128x128xf32, #tpu.memory_space<vmem>>, vector<16xf32>,
        %add3A_213 = arith.constant 2 : i32
        %add3A_214 = arith.addi %mul3A_92, %add3A_213 : i32
        %broadcast_in_dim3A_215 = vector.broadcast %add3A_214 : i32 to vector<16xi32>
        %gather3A_216 = tpu.vector_load_idx %arg10[%broadcast_in_dim3A_215] : memref<128xf32, #tpu.memory_space<vmem>>[vector<16xi32>], vector<16xf32>,
        %add3A_217 = arith.constant 2 : i32
        %add3A_218 = arith.addi %mul3A_92, %add3A_217 : i32
        %get3A_219 = arith.index_cast %add3A_218 : i32 to index
        %get3A_220 = arith.constant 0 : index
        %get3A_221 = tpu.vector_load %arg7[%get3A_219, %get3A_220] {strides = array<i32>} : memref<128x128xf32, #tpu.memory_space<vmem>>, vector<16xf32>,
        %mul3A_222 = arith.mulf %get3A_221, %gather3A_216 : vector<16xf32>
        %swap3A_223 = arith.index_cast %add3A_218 : i32 to index
        %swap3A_224 = arith.constant 0 : index
        %swap3A_225 = tpu.vector_load %arg7[%swap3A_223, %swap3A_224] {strides = array<i32>} : memref<128x128xf32, #tpu.memory_space<vmem>>, vector<16xf32>,
        tpu.vector_store %arg7[%swap3A_223, %swap3A_224], %mul3A_222 {strides = array<i32>} : memref<128x128xf32, #tpu.memory_space<vmem>>, vector<16xf32>,
        %get3A_226 = arith.index_cast %add3A_218 : i32 to index
        %get3A_227 = arith.constant 16 : index
        %get3A_228 = tpu.vector_load %arg7[%get3A_226, %get3A_227] {strides = array<i32>} : memref<128x128xf32, #tpu.memory_space<vmem>>, vector<16xf32>,
        %mul3A_229 = arith.mulf %get3A_228, %gather3A_216 : vector<16xf32>
        %swap3A_230 = arith.index_cast %add3A_218 : i32 to index
        %swap3A_231 = arith.constant 16 : index
        %swap3A_232 = tpu.vector_load %arg7[%swap3A_230, %swap3A_231] {strides = array<i32>} : memref<128x128xf32, #tpu.memory_space<vmem>>, vector<16xf32>,
        tpu.vector_store %arg7[%swap3A_230, %swap3A_231], %mul3A_229 {strides = array<i32>} : memref<128x128xf32, #tpu.memory_space<vmem>>, vector<16xf32>,
        %get3A_233 = arith.index_cast %add3A_218 : i32 to index
        %get3A_234 = arith.constant 32 : index
        %get3A_235 = tpu.vector_load %arg7[%get3A_233, %get3A_234] {strides = array<i32>} : memref<128x128xf32, #tpu.memory_space<vmem>>, vector<16xf32>,
        %mul3A_236 = arith.mulf %get3A_235, %gather3A_216 : vector<16xf32>
        %swap3A_237 = arith.index_cast %add3A_218 : i32 to index
        %swap3A_238 = arith.constant 32 : index
        %swap3A_239 = tpu.vector_load %arg7[%swap3A_237, %swap3A_238] {strides = array<i32>} : memref<128x128xf32, #tpu.memory_space<vmem>>, vector<16xf32>,
        tpu.vector_store %arg7[%swap3A_237, %swap3A_238], %mul3A_236 {strides = array<i32>} : memref<128x128xf32, #tpu.memory_space<vmem>>, vector<16xf32>,
        %get3A_240 = arith.index_cast %add3A_218 : i32 to index
        %get3A_241 = arith.constant 48 : index
        %get3A_242 = tpu.vector_load %arg7[%get3A_240, %get3A_241] {strides = array<i32>} : memref<128x128xf32, #tpu.memory_space<vmem>>, vector<16xf32>,
        %mul3A_243 = arith.mulf %get3A_242, %gather3A_216 : vector<16xf32>
        %swap3A_244 = arith.index_cast %add3A_218 : i32 to index
        %swap3A_245 = arith.constant 48 : index
        %swap3A_246 = tpu.vector_load %arg7[%swap3A_244, %swap3A_245] {strides = array<i32>} : memref<128x128xf32, #tpu.memory_space<vmem>>, vector<16xf32>,
        tpu.vector_store %arg7[%swap3A_244, %swap3A_245], %mul3A_243 {strides = array<i32>} : memref<128x128xf32, #tpu.memory_space<vmem>>, vector<16xf32>,
        %get3A_247 = arith.index_cast %add3A_218 : i32 to index
        %get3A_248 = arith.constant 64 : index
        %get3A_249 = tpu.vector_load %arg7[%get3A_247, %get3A_248] {strides = array<i32>} : memref<128x128xf32, #tpu.memory_space<vmem>>, vector<16xf32>,
        %mul3A_250 = arith.mulf %get3A_249, %gather3A_216 : vector<16xf32>
        %swap3A_251 = arith.index_cast %add3A_218 : i32 to index
        %swap3A_252 = arith.constant 64 : index
        %swap3A_253 = tpu.vector_load %arg7[%swap3A_251, %swap3A_252] {strides = array<i32>} : memref<128x128xf32, #tpu.memory_space<vmem>>, vector<16xf32>,
        tpu.vector_store %arg7[%swap3A_251, %swap3A_252], %mul3A_250 {strides = array<i32>} : memref<128x128xf32, #tpu.memory_space<vmem>>, vector<16xf32>,
        %get3A_254 = arith.index_cast %add3A_218 : i32 to index
        %get3A_255 = arith.constant 80 : index
        %get3A_256 = tpu.vector_load %arg7[%get3A_254, %get3A_255] {strides = array<i32>} : memref<128x128xf32, #tpu.memory_space<vmem>>, vector<16xf32>,
        %mul3A_257 = arith.mulf %get3A_256, %gather3A_216 : vector<16xf32>
        %swap3A_258 = arith.index_cast %add3A_218 : i32 to index
        %swap3A_259 = arith.constant 80 : index
        %swap3A_260 = tpu.vector_load %arg7[%swap3A_258, %swap3A_259] {strides = array<i32>} : memref<128x128xf32, #tpu.memory_space<vmem>>, vector<16xf32>,
        tpu.vector_store %arg7[%swap3A_258, %swap3A_259], %mul3A_257 {strides = array<i32>} : memref<128x128xf32, #tpu.memory_space<vmem>>, vector<16xf32>,
        %get3A_261 = arith.index_cast %add3A_218 : i32 to index
        %get3A_262 = arith.constant 96 : index
        %get3A_263 = tpu.vector_load %arg7[%get3A_261, %get3A_262] {strides = array<i32>} : memref<128x128xf32, #tpu.memory_space<vmem>>, vector<16xf32>,
        %mul3A_264 = arith.mulf %get3A_263, %gather3A_216 : vector<16xf32>
        %swap3A_265 = arith.index_cast %add3A_218 : i32 to index
        %swap3A_266 = arith.constant 96 : index
        %swap3A_267 = tpu.vector_load %arg7[%swap3A_265, %swap3A_266] {strides = array<i32>} : memref<128x128xf32, #tpu.memory_space<vmem>>, vector<16xf32>,
        tpu.vector_store %arg7[%swap3A_265, %swap3A_266], %mul3A_264 {strides = array<i32>} : memref<128x128xf32, #tpu.memory_space<vmem>>, vector<16xf32>,
        %get3A_268 = arith.index_cast %add3A_218 : i32 to index
        %get3A_269 = arith.constant 112 : index
        %get3A_270 = tpu.vector_load %arg7[%get3A_268, %get3A_269] {strides = array<i32>} : memref<128x128xf32, #tpu.memory_space<vmem>>, vector<16xf32>,
        %mul3A_271 = arith.mulf %get3A_270, %gather3A_216 : vector<16xf32>
        %swap3A_272 = arith.index_cast %add3A_218 : i32 to index
        %swap3A_273 = arith.constant 112 : index
        %swap3A_274 = tpu.vector_load %arg7[%swap3A_272, %swap3A_273] {strides = array<i32>} : memref<128x128xf32, #tpu.memory_space<vmem>>, vector<16xf32>,
        tpu.vector_store %arg7[%swap3A_272, %swap3A_273], %mul3A_271 {strides = array<i32>} : memref<128x128xf32, #tpu.memory_space<vmem>>, vector<16xf32>,
        %add3A_275 = arith.constant 3 : i32
        %add3A_276 = arith.addi %mul3A_92, %add3A_275 : i32
        %broadcast_in_dim3A_277 = vector.broadcast %add3A_276 : i32 to vector<16xi32>
        %gather3A_278 = tpu.vector_load_idx %arg10[%broadcast_in_dim3A_277] : memref<128xf32, #tpu.memory_space<vmem>>[vector<16xi32>], vector<16xf32>,
        %add3A_279 = arith.constant 3 : i32
        %add3A_280 = arith.addi %mul3A_92, %add3A_279 : i32
        %get3A_281 = arith.index_cast %add3A_280 : i32 to index
        %get3A_282 = arith.constant 0 : index
        %get3A_283 = tpu.vector_load %arg7[%get3A_281, %get3A_282] {strides = array<i32>} : memref<128x128xf32, #tpu.memory_space<vmem>>, vector<16xf32>,
        %mul3A_284 = arith.mulf %get3A_283, %gather3A_278 : vector<16xf32>
        %swap3A_285 = arith.index_cast %add3A_280 : i32 to index
        %swap3A_286 = arith.constant 0 : index
        %swap3A_287 = tpu.vector_load %arg7[%swap3A_285, %swap3A_286] {strides = array<i32>} : memref<128x128xf32, #tpu.memory_space<vmem>>, vector<16xf32>,
        tpu.vector_store %arg7[%swap3A_285, %swap3A_286], %mul3A_284 {strides = array<i32>} : memref<128x128xf32, #tpu.memory_space<vmem>>, vector<16xf32>,
        %get3A_288 = arith.index_cast %add3A_280 : i32 to index
        %get3A_289 = arith.constant 16 : index
        %get3A_290 = tpu.vector_load %arg7[%get3A_288, %get3A_289] {strides = array<i32>} : memref<128x128xf32, #tpu.memory_space<vmem>>, vector<16xf32>,
        %mul3A_291 = arith.mulf %get3A_290, %gather3A_278 : vector<16xf32>
        %swap3A_292 = arith.index_cast %add3A_280 : i32 to index
        %swap3A_293 = arith.constant 16 : index
        %swap3A_294 = tpu.vector_load %arg7[%swap3A_292, %swap3A_293] {strides = array<i32>} : memref<128x128xf32, #tpu.memory_space<vmem>>, vector<16xf32>,
        tpu.vector_store %arg7[%swap3A_292, %swap3A_293], %mul3A_291 {strides = array<i32>} : memref<128x128xf32, #tpu.memory_space<vmem>>, vector<16xf32>,
        %get3A_295 = arith.index_cast %add3A_280 : i32 to index
        %get3A_296 = arith.constant 32 : index
        %get3A_297 = tpu.vector_load %arg7[%get3A_295, %get3A_296] {strides = array<i32>} : memref<128x128xf32, #tpu.memory_space<vmem>>, vector<16xf32>,
        %mul3A_298 = arith.mulf %get3A_297, %gather3A_278 : vector<16xf32>
        %swap3A_299 = arith.index_cast %add3A_280 : i32 to index
        %swap3A_300 = arith.constant 32 : index
        %swap3A_301 = tpu.vector_load %arg7[%swap3A_299, %swap3A_300] {strides = array<i32>} : memref<128x128xf32, #tpu.memory_space<vmem>>, vector<16xf32>,
        tpu.vector_store %arg7[%swap3A_299, %swap3A_300], %mul3A_298 {strides = array<i32>} : memref<128x128xf32, #tpu.memory_space<vmem>>, vector<16xf32>,
        %get3A_302 = arith.index_cast %add3A_280 : i32 to index
        %get3A_303 = arith.constant 48 : index
        %get3A_304 = tpu.vector_load %arg7[%get3A_302, %get3A_303] {strides = array<i32>} : memref<128x128xf32, #tpu.memory_space<vmem>>, vector<16xf32>,
        %mul3A_305 = arith.mulf %get3A_304, %gather3A_278 : vector<16xf32>
        %swap3A_306 = arith.index_cast %add3A_280 : i32 to index
        %swap3A_307 = arith.constant 48 : index
        %swap3A_308 = tpu.vector_load %arg7[%swap3A_306, %swap3A_307] {strides = array<i32>} : memref<128x128xf32, #tpu.memory_space<vmem>>, vector<16xf32>,
        tpu.vector_store %arg7[%swap3A_306, %swap3A_307], %mul3A_305 {strides = array<i32>} : memref<128x128xf32, #tpu.memory_space<vmem>>, vector<16xf32>,
        %get3A_309 = arith.index_cast %add3A_280 : i32 to index
        %get3A_310 = arith.constant 64 : index
        %get3A_311 = tpu.vector_load %arg7[%get3A_309, %get3A_310] {strides = array<i32>} : memref<128x128xf32, #tpu.memory_space<vmem>>, vector<16xf32>,
        %mul3A_312 = arith.mulf %get3A_311, %gather3A_278 : vector<16xf32>
        %swap3A_313 = arith.index_cast %add3A_280 : i32 to index
        %swap3A_314 = arith.constant 64 : index
        %swap3A_315 = tpu.vector_load %arg7[%swap3A_313, %swap3A_314] {strides = array<i32>} : memref<128x128xf32, #tpu.memory_space<vmem>>, vector<16xf32>,
        tpu.vector_store %arg7[%swap3A_313, %swap3A_314], %mul3A_312 {strides = array<i32>} : memref<128x128xf32, #tpu.memory_space<vmem>>, vector<16xf32>,
        %get3A_316 = arith.index_cast %add3A_280 : i32 to index
        %get3A_317 = arith.constant 80 : index
        %get3A_318 = tpu.vector_load %arg7[%get3A_316, %get3A_317] {strides = array<i32>} : memref<128x128xf32, #tpu.memory_space<vmem>>, vector<16xf32>,
        %mul3A_319 = arith.mulf %get3A_318, %gather3A_278 : vector<16xf32>
        %swap3A_320 = arith.index_cast %add3A_280 : i32 to index
        %swap3A_321 = arith.constant 80 : index
        %swap3A_322 = tpu.vector_load %arg7[%swap3A_320, %swap3A_321] {strides = array<i32>} : memref<128x128xf32, #tpu.memory_space<vmem>>, vector<16xf32>,
        tpu.vector_store %arg7[%swap3A_320, %swap3A_321], %mul3A_319 {strides = array<i32>} : memref<128x128xf32, #tpu.memory_space<vmem>>, vector<16xf32>,
        %get3A_323 = arith.index_cast %add3A_280 : i32 to index
        %get3A_324 = arith.constant 96 : index
        %get3A_325 = tpu.vector_load %arg7[%get3A_323, %get3A_324] {strides = array<i32>} : memref<128x128xf32, #tpu.memory_space<vmem>>, vector<16xf32>,
        %mul3A_326 = arith.mulf %get3A_325, %gather3A_278 : vector<16xf32>
        %swap3A_327 = arith.index_cast %add3A_280 : i32 to index
        %swap3A_328 = arith.constant 96 : index
        %swap3A_329 = tpu.vector_load %arg7[%swap3A_327, %swap3A_328] {strides = array<i32>} : memref<128x128xf32, #tpu.memory_space<vmem>>, vector<16xf32>,
        tpu.vector_store %arg7[%swap3A_327, %swap3A_328], %mul3A_326 {strides = array<i32>} : memref<128x128xf32, #tpu.memory_space<vmem>>, vector<16xf32>,
        %get3A_330 = arith.index_cast %add3A_280 : i32 to index
        %get3A_331 = arith.constant 112 : index
        %get3A_332 = tpu.vector_load %arg7[%get3A_330, %get3A_331] {strides = array<i32>} : memref<128x128xf32, #tpu.memory_space<vmem>>, vector<16xf32>,
        %mul3A_333 = arith.mulf %get3A_332, %gather3A_278 : vector<16xf32>
        %swap3A_334 = arith.index_cast %add3A_280 : i32 to index
        %swap3A_335 = arith.constant 112 : index
        %swap3A_336 = tpu.vector_load %arg7[%swap3A_334, %swap3A_335] {strides = array<i32>} : memref<128x128xf32, #tpu.memory_space<vmem>>, vector<16xf32>,
        tpu.vector_store %arg7[%swap3A_334, %swap3A_335], %mul3A_333 {strides = array<i32>} : memref<128x128xf32, #tpu.memory_space<vmem>>, vector<16xf32>,
        %add3A_337 = arith.constant 4 : i32
        %add3A_338 = arith.addi %mul3A_92, %add3A_337 : i32
        %broadcast_in_dim3A_339 = vector.broadcast %add3A_338 : i32 to vector<16xi32>
        %gather3A_340 = tpu.vector_load_idx %arg10[%broadcast_in_dim3A_339] : memref<128xf32, #tpu.memory_space<vmem>>[vector<16xi32>], vector<16xf32>,
        %add3A_341 = arith.constant 4 : i32
        %add3A_342 = arith.addi %mul3A_92, %add3A_341 : i32
        %get3A_343 = arith.index_cast %add3A_342 : i32 to index
        %get3A_344 = arith.constant 0 : index
        %get3A_345 = tpu.vector_load %arg7[%get3A_343, %get3A_344] {strides = array<i32>} : memref<128x128xf32, #tpu.memory_space<vmem>>, vector<16xf32>,
        %mul3A_346 = arith.mulf %get3A_345, %gather3A_340 : vector<16xf32>
        %swap3A_347 = arith.index_cast %add3A_342 : i32 to index
        %swap3A_348 = arith.constant 0 : index
        %swap3A_349 = tpu.vector_load %arg7[%swap3A_347, %swap3A_348] {strides = array<i32>} : memref<128x128xf32, #tpu.memory_space<vmem>>, vector<16xf32>,
        tpu.vector_store %arg7[%swap3A_347, %swap3A_348], %mul3A_346 {strides = array<i32>} : memref<128x128xf32, #tpu.memory_space<vmem>>, vector<16xf32>,
        %get3A_350 = arith.index_cast %add3A_342 : i32 to index
        %get3A_351 = arith.constant 16 : index
        %get3A_352 = tpu.vector_load %arg7[%get3A_350, %get3A_351] {strides = array<i32>} : memref<128x128xf32, #tpu.memory_space<vmem>>, vector<16xf32>,
        %mul3A_353 = arith.mulf %get3A_352, %gather3A_340 : vector<16xf32>
        %swap3A_354 = arith.index_cast %add3A_342 : i32 to index
        %swap3A_355 = arith.constant 16 : index
        %swap3A_356 = tpu.vector_load %arg7[%swap3A_354, %swap3A_355] {strides = array<i32>} : memref<128x128xf32, #tpu.memory_space<vmem>>, vector<16xf32>,
        tpu.vector_store %arg7[%swap3A_354, %swap3A_355], %mul3A_353 {strides = array<i32>} : memref<128x128xf32, #tpu.memory_space<vmem>>, vector<16xf32>,
        %get3A_357 = arith.index_cast %add3A_342 : i32 to index
        %get3A_358 = arith.constant 32 : index
        %get3A_359 = tpu.vector_load %arg7[%get3A_357, %get3A_358] {strides = array<i32>} : memref<128x128xf32, #tpu.memory_space<vmem>>, vector<16xf32>,
        %mul3A_360 = arith.mulf %get3A_359, %gather3A_340 : vector<16xf32>
        %swap3A_361 = arith.index_cast %add3A_342 : i32 to index
        %swap3A_362 = arith.constant 32 : index
        %swap3A_363 = tpu.vector_load %arg7[%swap3A_361, %swap3A_362] {strides = array<i32>} : memref<128x128xf32, #tpu.memory_space<vmem>>, vector<16xf32>,
        tpu.vector_store %arg7[%swap3A_361, %swap3A_362], %mul3A_360 {strides = array<i32>} : memref<128x128xf32, #tpu.memory_space<vmem>>, vector<16xf32>,
        %get3A_364 = arith.index_cast %add3A_342 : i32 to index
        %get3A_365 = arith.constant 48 : index
        %get3A_366 = tpu.vector_load %arg7[%get3A_364, %get3A_365] {strides = array<i32>} : memref<128x128xf32, #tpu.memory_space<vmem>>, vector<16xf32>,
        %mul3A_367 = arith.mulf %get3A_366, %gather3A_340 : vector<16xf32>
        %swap3A_368 = arith.index_cast %add3A_342 : i32 to index
        %swap3A_369 = arith.constant 48 : index
        %swap3A_370 = tpu.vector_load %arg7[%swap3A_368, %swap3A_369] {strides = array<i32>} : memref<128x128xf32, #tpu.memory_space<vmem>>, vector<16xf32>,
        tpu.vector_store %arg7[%swap3A_368, %swap3A_369], %mul3A_367 {strides = array<i32>} : memref<128x128xf32, #tpu.memory_space<vmem>>, vector<16xf32>,
        %get3A_371 = arith.index_cast %add3A_342 : i32 to index
        %get3A_372 = arith.constant 64 : index
        %get3A_373 = tpu.vector_load %arg7[%get3A_371, %get3A_372] {strides = array<i32>} : memref<128x128xf32, #tpu.memory_space<vmem>>, vector<16xf32>,
        %mul3A_374 = arith.mulf %get3A_373, %gather3A_340 : vector<16xf32>
        %swap3A_375 = arith.index_cast %add3A_342 : i32 to index
        %swap3A_376 = arith.constant 64 : index
        %swap3A_377 = tpu.vector_load %arg7[%swap3A_375, %swap3A_376] {strides = array<i32>} : memref<128x128xf32, #tpu.memory_space<vmem>>, vector<16xf32>,
        tpu.vector_store %arg7[%swap3A_375, %swap3A_376], %mul3A_374 {strides = array<i32>} : memref<128x128xf32, #tpu.memory_space<vmem>>, vector<16xf32>,
        %get3A_378 = arith.index_cast %add3A_342 : i32 to index
        %get3A_379 = arith.constant 80 : index
        %get3A_380 = tpu.vector_load %arg7[%get3A_378, %get3A_379] {strides = array<i32>} : memref<128x128xf32, #tpu.memory_space<vmem>>, vector<16xf32>,
        %mul3A_381 = arith.mulf %get3A_380, %gather3A_340 : vector<16xf32>
        %swap3A_382 = arith.index_cast %add3A_342 : i32 to index
        %swap3A_383 = arith.constant 80 : index
        %swap3A_384 = tpu.vector_load %arg7[%swap3A_382, %swap3A_383] {strides = array<i32>} : memref<128x128xf32, #tpu.memory_space<vmem>>, vector<16xf32>,
        tpu.vector_store %arg7[%swap3A_382, %swap3A_383], %mul3A_381 {strides = array<i32>} : memref<128x128xf32, #tpu.memory_space<vmem>>, vector<16xf32>,
        %get3A_385 = arith.index_cast %add3A_342 : i32 to index
        %get3A_386 = arith.constant 96 : index
        %get3A_387 = tpu.vector_load %arg7[%get3A_385, %get3A_386] {strides = array<i32>} : memref<128x128xf32, #tpu.memory_space<vmem>>, vector<16xf32>,
        %mul3A_388 = arith.mulf %get3A_387, %gather3A_340 : vector<16xf32>
        %swap3A_389 = arith.index_cast %add3A_342 : i32 to index
        %swap3A_390 = arith.constant 96 : index
        %swap3A_391 = tpu.vector_load %arg7[%swap3A_389, %swap3A_390] {strides = array<i32>} : memref<128x128xf32, #tpu.memory_space<vmem>>, vector<16xf32>,
        tpu.vector_store %arg7[%swap3A_389, %swap3A_390], %mul3A_388 {strides = array<i32>} : memref<128x128xf32, #tpu.memory_space<vmem>>, vector<16xf32>,
        %get3A_392 = arith.index_cast %add3A_342 : i32 to index
        %get3A_393 = arith.constant 112 : index
        %get3A_394 = tpu.vector_load %arg7[%get3A_392, %get3A_393] {strides = array<i32>} : memref<128x128xf32, #tpu.memory_space<vmem>>, vector<16xf32>,
        %mul3A_395 = arith.mulf %get3A_394, %gather3A_340 : vector<16xf32>
        %swap3A_396 = arith.index_cast %add3A_342 : i32 to index
        %swap3A_397 = arith.constant 112 : index
        %swap3A_398 = tpu.vector_load %arg7[%swap3A_396, %swap3A_397] {strides = array<i32>} : memref<128x128xf32, #tpu.memory_space<vmem>>, vector<16xf32>,
        tpu.vector_store %arg7[%swap3A_396, %swap3A_397], %mul3A_395 {strides = array<i32>} : memref<128x128xf32, #tpu.memory_space<vmem>>, vector<16xf32>,
        %add3A_399 = arith.constant 5 : i32
        %add3A_400 = arith.addi %mul3A_92, %add3A_399 : i32
        %broadcast_in_dim3A_401 = vector.broadcast %add3A_400 : i32 to vector<16xi32>
        %gather3A_402 = tpu.vector_load_idx %arg10[%broadcast_in_dim3A_401] : memref<128xf32, #tpu.memory_space<vmem>>[vector<16xi32>], vector<16xf32>,
        %add3A_403 = arith.constant 5 : i32
        %add3A_404 = arith.addi %mul3A_92, %add3A_403 : i32
        %get3A_405 = arith.index_cast %add3A_404 : i32 to index
        %get3A_406 = arith.constant 0 : index
        %get3A_407 = tpu.vector_load %arg7[%get3A_405, %get3A_406] {strides = array<i32>} : memref<128x128xf32, #tpu.memory_space<vmem>>, vector<16xf32>,
        %mul3A_408 = arith.mulf %get3A_407, %gather3A_402 : vector<16xf32>
        %swap3A_409 = arith.index_cast %add3A_404 : i32 to index
        %swap3A_410 = arith.constant 0 : index
        %swap3A_411 = tpu.vector_load %arg7[%swap3A_409, %swap3A_410] {strides = array<i32>} : memref<128x128xf32, #tpu.memory_space<vmem>>, vector<16xf32>,
        tpu.vector_store %arg7[%swap3A_409, %swap3A_410], %mul3A_408 {strides = array<i32>} : memref<128x128xf32, #tpu.memory_space<vmem>>, vector<16xf32>,
        %get3A_412 = arith.index_cast %add3A_404 : i32 to index
        %get3A_413 = arith.constant 16 : index
        %get3A_414 = tpu.vector_load %arg7[%get3A_412, %get3A_413] {strides = array<i32>} : memref<128x128xf32, #tpu.memory_space<vmem>>, vector<16xf32>,
        %mul3A_415 = arith.mulf %get3A_414, %gather3A_402 : vector<16xf32>
        %swap3A_416 = arith.index_cast %add3A_404 : i32 to index
        %swap3A_417 = arith.constant 16 : index
        %swap3A_418 = tpu.vector_load %arg7[%swap3A_416, %swap3A_417] {strides = array<i32>} : memref<128x128xf32, #tpu.memory_space<vmem>>, vector<16xf32>,
        tpu.vector_store %arg7[%swap3A_416, %swap3A_417], %mul3A_415 {strides = array<i32>} : memref<128x128xf32, #tpu.memory_space<vmem>>, vector<16xf32>,
        %get3A_419 = arith.index_cast %add3A_404 : i32 to index
        %get3A_420 = arith.constant 32 : index
        %get3A_421 = tpu.vector_load %arg7[%get3A_419, %get3A_420] {strides = array<i32>} : memref<128x128xf32, #tpu.memory_space<vmem>>, vector<16xf32>,
        %mul3A_422 = arith.mulf %get3A_421, %gather3A_402 : vector<16xf32>
        %swap3A_423 = arith.index_cast %add3A_404 : i32 to index
        %swap3A_424 = arith.constant 32 : index
        %swap3A_425 = tpu.vector_load %arg7[%swap3A_423, %swap3A_424] {strides = array<i32>} : memref<128x128xf32, #tpu.memory_space<vmem>>, vector<16xf32>,
        tpu.vector_store %arg7[%swap3A_423, %swap3A_424], %mul3A_422 {strides = array<i32>} : memref<128x128xf32, #tpu.memory_space<vmem>>, vector<16xf32>,
        %get3A_426 = arith.index_cast %add3A_404 : i32 to index
        %get3A_427 = arith.constant 48 : index
        %get3A_428 = tpu.vector_load %arg7[%get3A_426, %get3A_427] {strides = array<i32>} : memref<128x128xf32, #tpu.memory_space<vmem>>, vector<16xf32>,
        %mul3A_429 = arith.mulf %get3A_428, %gather3A_402 : vector<16xf32>
        %swap3A_430 = arith.index_cast %add3A_404 : i32 to index
        %swap3A_431 = arith.constant 48 : index
        %swap3A_432 = tpu.vector_load %arg7[%swap3A_430, %swap3A_431] {strides = array<i32>} : memref<128x128xf32, #tpu.memory_space<vmem>>, vector<16xf32>,
        tpu.vector_store %arg7[%swap3A_430, %swap3A_431], %mul3A_429 {strides = array<i32>} : memref<128x128xf32, #tpu.memory_space<vmem>>, vector<16xf32>,
        %get3A_433 = arith.index_cast %add3A_404 : i32 to index
        %get3A_434 = arith.constant 64 : index
        %get3A_435 = tpu.vector_load %arg7[%get3A_433, %get3A_434] {strides = array<i32>} : memref<128x128xf32, #tpu.memory_space<vmem>>, vector<16xf32>,
        %mul3A_436 = arith.mulf %get3A_435, %gather3A_402 : vector<16xf32>
        %swap3A_437 = arith.index_cast %add3A_404 : i32 to index
        %swap3A_438 = arith.constant 64 : index
        %swap3A_439 = tpu.vector_load %arg7[%swap3A_437, %swap3A_438] {strides = array<i32>} : memref<128x128xf32, #tpu.memory_space<vmem>>, vector<16xf32>,
        tpu.vector_store %arg7[%swap3A_437, %swap3A_438], %mul3A_436 {strides = array<i32>} : memref<128x128xf32, #tpu.memory_space<vmem>>, vector<16xf32>,
        %get3A_440 = arith.index_cast %add3A_404 : i32 to index
        %get3A_441 = arith.constant 80 : index
        %get3A_442 = tpu.vector_load %arg7[%get3A_440, %get3A_441] {strides = array<i32>} : memref<128x128xf32, #tpu.memory_space<vmem>>, vector<16xf32>,
        %mul3A_443 = arith.mulf %get3A_442, %gather3A_402 : vector<16xf32>
        %swap3A_444 = arith.index_cast %add3A_404 : i32 to index
        %swap3A_445 = arith.constant 80 : index
        %swap3A_446 = tpu.vector_load %arg7[%swap3A_444, %swap3A_445] {strides = array<i32>} : memref<128x128xf32, #tpu.memory_space<vmem>>, vector<16xf32>,
        tpu.vector_store %arg7[%swap3A_444, %swap3A_445], %mul3A_443 {strides = array<i32>} : memref<128x128xf32, #tpu.memory_space<vmem>>, vector<16xf32>,
        %get3A_447 = arith.index_cast %add3A_404 : i32 to index
        %get3A_448 = arith.constant 96 : index
        %get3A_449 = tpu.vector_load %arg7[%get3A_447, %get3A_448] {strides = array<i32>} : memref<128x128xf32, #tpu.memory_space<vmem>>, vector<16xf32>,
        %mul3A_450 = arith.mulf %get3A_449, %gather3A_402 : vector<16xf32>
        %swap3A_451 = arith.index_cast %add3A_404 : i32 to index
        %swap3A_452 = arith.constant 96 : index
        %swap3A_453 = tpu.vector_load %arg7[%swap3A_451, %swap3A_452] {strides = array<i32>} : memref<128x128xf32, #tpu.memory_space<vmem>>, vector<16xf32>,
        tpu.vector_store %arg7[%swap3A_451, %swap3A_452], %mul3A_450 {strides = array<i32>} : memref<128x128xf32, #tpu.memory_space<vmem>>, vector<16xf32>,
        %get3A_454 = arith.index_cast %add3A_404 : i32 to index
        %get3A_455 = arith.constant 112 : index
        %get3A_456 = tpu.vector_load %arg7[%get3A_454, %get3A_455] {strides = array<i32>} : memref<128x128xf32, #tpu.memory_space<vmem>>, vector<16xf32>,
        %mul3A_457 = arith.mulf %get3A_456, %gather3A_402 : vector<16xf32>
        %swap3A_458 = arith.index_cast %add3A_404 : i32 to index
        %swap3A_459 = arith.constant 112 : index
        %swap3A_460 = tpu.vector_load %arg7[%swap3A_458, %swap3A_459] {strides = array<i32>} : memref<128x128xf32, #tpu.memory_space<vmem>>, vector<16xf32>,
        tpu.vector_store %arg7[%swap3A_458, %swap3A_459], %mul3A_457 {strides = array<i32>} : memref<128x128xf32, #tpu.memory_space<vmem>>, vector<16xf32>,
        %add3A_461 = arith.constant 6 : i32
        %add3A_462 = arith.addi %mul3A_92, %add3A_461 : i32
        %broadcast_in_dim3A_463 = vector.broadcast %add3A_462 : i32 to vector<16xi32>
        %gather3A_464 = tpu.vector_load_idx %arg10[%broadcast_in_dim3A_463] : memref<128xf32, #tpu.memory_space<vmem>>[vector<16xi32>], vector<16xf32>,
        %add3A_465 = arith.constant 6 : i32
        %add3A_466 = arith.addi %mul3A_92, %add3A_465 : i32
        %get3A_467 = arith.index_cast %add3A_466 : i32 to index
        %get3A_468 = arith.constant 0 : index
        %get3A_469 = tpu.vector_load %arg7[%get3A_467, %get3A_468] {strides = array<i32>} : memref<128x128xf32, #tpu.memory_space<vmem>>, vector<16xf32>,
        %mul3A_470 = arith.mulf %get3A_469, %gather3A_464 : vector<16xf32>
        %swap3A_471 = arith.index_cast %add3A_466 : i32 to index
        %swap3A_472 = arith.constant 0 : index
        %swap3A_473 = tpu.vector_load %arg7[%swap3A_471, %swap3A_472] {strides = array<i32>} : memref<128x128xf32, #tpu.memory_space<vmem>>, vector<16xf32>,
        tpu.vector_store %arg7[%swap3A_471, %swap3A_472], %mul3A_470 {strides = array<i32>} : memref<128x128xf32, #tpu.memory_space<vmem>>, vector<16xf32>,
        %get3A_474 = arith.index_cast %add3A_466 : i32 to index
        %get3A_475 = arith.constant 16 : index
        %get3A_476 = tpu.vector_load %arg7[%get3A_474, %get3A_475] {strides = array<i32>} : memref<128x128xf32, #tpu.memory_space<vmem>>, vector<16xf32>,
        %mul3A_477 = arith.mulf %get3A_476, %gather3A_464 : vector<16xf32>
        %swap3A_478 = arith.index_cast %add3A_466 : i32 to index
        %swap3A_479 = arith.constant 16 : index
        %swap3A_480 = tpu.vector_load %arg7[%swap3A_478, %swap3A_479] {strides = array<i32>} : memref<128x128xf32, #tpu.memory_space<vmem>>, vector<16xf32>,
        tpu.vector_store %arg7[%swap3A_478, %swap3A_479], %mul3A_477 {strides = array<i32>} : memref<128x128xf32, #tpu.memory_space<vmem>>, vector<16xf32>,
        %get3A_481 = arith.index_cast %add3A_466 : i32 to index
        %get3A_482 = arith.constant 32 : index
        %get3A_483 = tpu.vector_load %arg7[%get3A_481, %get3A_482] {strides = array<i32>} : memref<128x128xf32, #tpu.memory_space<vmem>>, vector<16xf32>,
        %mul3A_484 = arith.mulf %get3A_483, %gather3A_464 : vector<16xf32>
        %swap3A_485 = arith.index_cast %add3A_466 : i32 to index
        %swap3A_486 = arith.constant 32 : index
        %swap3A_487 = tpu.vector_load %arg7[%swap3A_485, %swap3A_486] {strides = array<i32>} : memref<128x128xf32, #tpu.memory_space<vmem>>, vector<16xf32>,
        tpu.vector_store %arg7[%swap3A_485, %swap3A_486], %mul3A_484 {strides = array<i32>} : memref<128x128xf32, #tpu.memory_space<vmem>>, vector<16xf32>,
        %get3A_488 = arith.index_cast %add3A_466 : i32 to index
        %get3A_489 = arith.constant 48 : index
        %get3A_490 = tpu.vector_load %arg7[%get3A_488, %get3A_489] {strides = array<i32>} : memref<128x128xf32, #tpu.memory_space<vmem>>, vector<16xf32>,
        %mul3A_491 = arith.mulf %get3A_490, %gather3A_464 : vector<16xf32>
        %swap3A_492 = arith.index_cast %add3A_466 : i32 to index
        %swap3A_493 = arith.constant 48 : index
        %swap3A_494 = tpu.vector_load %arg7[%swap3A_492, %swap3A_493] {strides = array<i32>} : memref<128x128xf32, #tpu.memory_space<vmem>>, vector<16xf32>,
        tpu.vector_store %arg7[%swap3A_492, %swap3A_493], %mul3A_491 {strides = array<i32>} : memref<128x128xf32, #tpu.memory_space<vmem>>, vector<16xf32>,
        %get3A_495 = arith.index_cast %add3A_466 : i32 to index
        %get3A_496 = arith.constant 64 : index
        %get3A_497 = tpu.vector_load %arg7[%get3A_495, %get3A_496] {strides = array<i32>} : memref<128x128xf32, #tpu.memory_space<vmem>>, vector<16xf32>,
        %mul3A_498 = arith.mulf %get3A_497, %gather3A_464 : vector<16xf32>
        %swap3A_499 = arith.index_cast %add3A_466 : i32 to index
        %swap3A_500 = arith.constant 64 : index
        %swap3A_501 = tpu.vector_load %arg7[%swap3A_499, %swap3A_500] {strides = array<i32>} : memref<128x128xf32, #tpu.memory_space<vmem>>, vector<16xf32>,
        tpu.vector_store %arg7[%swap3A_499, %swap3A_500], %mul3A_498 {strides = array<i32>} : memref<128x128xf32, #tpu.memory_space<vmem>>, vector<16xf32>,
        %get3A_502 = arith.index_cast %add3A_466 : i32 to index
        %get3A_503 = arith.constant 80 : index
        %get3A_504 = tpu.vector_load %arg7[%get3A_502, %get3A_503] {strides = array<i32>} : memref<128x128xf32, #tpu.memory_space<vmem>>, vector<16xf32>,
        %mul3A_505 = arith.mulf %get3A_504, %gather3A_464 : vector<16xf32>
        %swap3A_506 = arith.index_cast %add3A_466 : i32 to index
        %swap3A_507 = arith.constant 80 : index
        %swap3A_508 = tpu.vector_load %arg7[%swap3A_506, %swap3A_507] {strides = array<i32>} : memref<128x128xf32, #tpu.memory_space<vmem>>, vector<16xf32>,
        tpu.vector_store %arg7[%swap3A_506, %swap3A_507], %mul3A_505 {strides = array<i32>} : memref<128x128xf32, #tpu.memory_space<vmem>>, vector<16xf32>,
        %get3A_509 = arith.index_cast %add3A_466 : i32 to index
        %get3A_510 = arith.constant 96 : index
        %get3A_511 = tpu.vector_load %arg7[%get3A_509, %get3A_510] {strides = array<i32>} : memref<128x128xf32, #tpu.memory_space<vmem>>, vector<16xf32>,
        %mul3A_512 = arith.mulf %get3A_511, %gather3A_464 : vector<16xf32>
        %swap3A_513 = arith.index_cast %add3A_466 : i32 to index
        %swap3A_514 = arith.constant 96 : index
        %swap3A_515 = tpu.vector_load %arg7[%swap3A_513, %swap3A_514] {strides = array<i32>} : memref<128x128xf32, #tpu.memory_space<vmem>>, vector<16xf32>,
        tpu.vector_store %arg7[%swap3A_513, %swap3A_514], %mul3A_512 {strides = array<i32>} : memref<128x128xf32, #tpu.memory_space<vmem>>, vector<16xf32>,
        %get3A_516 = arith.index_cast %add3A_466 : i32 to index
        %get3A_517 = arith.constant 112 : index
        %get3A_518 = tpu.vector_load %arg7[%get3A_516, %get3A_517] {strides = array<i32>} : memref<128x128xf32, #tpu.memory_space<vmem>>, vector<16xf32>,
        %mul3A_519 = arith.mulf %get3A_518, %gather3A_464 : vector<16xf32>
        %swap3A_520 = arith.index_cast %add3A_466 : i32 to index
        %swap3A_521 = arith.constant 112 : index
        %swap3A_522 = tpu.vector_load %arg7[%swap3A_520, %swap3A_521] {strides = array<i32>} : memref<128x128xf32, #tpu.memory_space<vmem>>, vector<16xf32>,
        tpu.vector_store %arg7[%swap3A_520, %swap3A_521], %mul3A_519 {strides = array<i32>} : memref<128x128xf32, #tpu.memory_space<vmem>>, vector<16xf32>,
        %add3A_523 = arith.constant 7 : i32
        %add3A_524 = arith.addi %mul3A_92, %add3A_523 : i32
        %broadcast_in_dim3A_525 = vector.broadcast %add3A_524 : i32 to vector<16xi32>
        %gather3A_526 = tpu.vector_load_idx %arg10[%broadcast_in_dim3A_525] : memref<128xf32, #tpu.memory_space<vmem>>[vector<16xi32>], vector<16xf32>,
        %add3A_527 = arith.constant 7 : i32
        %add3A_528 = arith.addi %mul3A_92, %add3A_527 : i32
        %get3A_529 = arith.index_cast %add3A_528 : i32 to index
        %get3A_530 = arith.constant 0 : index
        %get3A_531 = tpu.vector_load %arg7[%get3A_529, %get3A_530] {strides = array<i32>} : memref<128x128xf32, #tpu.memory_space<vmem>>, vector<16xf32>,
        %mul3A_532 = arith.mulf %get3A_531, %gather3A_526 : vector<16xf32>
        %swap3A_533 = arith.index_cast %add3A_528 : i32 to index
        %swap3A_534 = arith.constant 0 : index
        %swap3A_535 = tpu.vector_load %arg7[%swap3A_533, %swap3A_534] {strides = array<i32>} : memref<128x128xf32, #tpu.memory_space<vmem>>, vector<16xf32>,
        tpu.vector_store %arg7[%swap3A_533, %swap3A_534], %mul3A_532 {strides = array<i32>} : memref<128x128xf32, #tpu.memory_space<vmem>>, vector<16xf32>,
        %get3A_536 = arith.index_cast %add3A_528 : i32 to index
        %get3A_537 = arith.constant 16 : index
        %get3A_538 = tpu.vector_load %arg7[%get3A_536, %get3A_537] {strides = array<i32>} : memref<128x128xf32, #tpu.memory_space<vmem>>, vector<16xf32>,
        %mul3A_539 = arith.mulf %get3A_538, %gather3A_526 : vector<16xf32>
        %swap3A_540 = arith.index_cast %add3A_528 : i32 to index
        %swap3A_541 = arith.constant 16 : index
        %swap3A_542 = tpu.vector_load %arg7[%swap3A_540, %swap3A_541] {strides = array<i32>} : memref<128x128xf32, #tpu.memory_space<vmem>>, vector<16xf32>,
        tpu.vector_store %arg7[%swap3A_540, %swap3A_541], %mul3A_539 {strides = array<i32>} : memref<128x128xf32, #tpu.memory_space<vmem>>, vector<16xf32>,
        %get3A_543 = arith.index_cast %add3A_528 : i32 to index
        %get3A_544 = arith.constant 32 : index
        %get3A_545 = tpu.vector_load %arg7[%get3A_543, %get3A_544] {strides = array<i32>} : memref<128x128xf32, #tpu.memory_space<vmem>>, vector<16xf32>,
        %mul3A_546 = arith.mulf %get3A_545, %gather3A_526 : vector<16xf32>
        %swap3A_547 = arith.index_cast %add3A_528 : i32 to index
        %swap3A_548 = arith.constant 32 : index
        %swap3A_549 = tpu.vector_load %arg7[%swap3A_547, %swap3A_548] {strides = array<i32>} : memref<128x128xf32, #tpu.memory_space<vmem>>, vector<16xf32>,
        tpu.vector_store %arg7[%swap3A_547, %swap3A_548], %mul3A_546 {strides = array<i32>} : memref<128x128xf32, #tpu.memory_space<vmem>>, vector<16xf32>,
        %get3A_550 = arith.index_cast %add3A_528 : i32 to index
        %get3A_551 = arith.constant 48 : index
        %get3A_552 = tpu.vector_load %arg7[%get3A_550, %get3A_551] {strides = array<i32>} : memref<128x128xf32, #tpu.memory_space<vmem>>, vector<16xf32>,
        %mul3A_553 = arith.mulf %get3A_552, %gather3A_526 : vector<16xf32>
        %swap3A_554 = arith.index_cast %add3A_528 : i32 to index
        %swap3A_555 = arith.constant 48 : index
        %swap3A_556 = tpu.vector_load %arg7[%swap3A_554, %swap3A_555] {strides = array<i32>} : memref<128x128xf32, #tpu.memory_space<vmem>>, vector<16xf32>,
        tpu.vector_store %arg7[%swap3A_554, %swap3A_555], %mul3A_553 {strides = array<i32>} : memref<128x128xf32, #tpu.memory_space<vmem>>, vector<16xf32>,
        %get3A_557 = arith.index_cast %add3A_528 : i32 to index
        %get3A_558 = arith.constant 64 : index
        %get3A_559 = tpu.vector_load %arg7[%get3A_557, %get3A_558] {strides = array<i32>} : memref<128x128xf32, #tpu.memory_space<vmem>>, vector<16xf32>,
        %mul3A_560 = arith.mulf %get3A_559, %gather3A_526 : vector<16xf32>
        %swap3A_561 = arith.index_cast %add3A_528 : i32 to index
        %swap3A_562 = arith.constant 64 : index
        %swap3A_563 = tpu.vector_load %arg7[%swap3A_561, %swap3A_562] {strides = array<i32>} : memref<128x128xf32, #tpu.memory_space<vmem>>, vector<16xf32>,
        tpu.vector_store %arg7[%swap3A_561, %swap3A_562], %mul3A_560 {strides = array<i32>} : memref<128x128xf32, #tpu.memory_space<vmem>>, vector<16xf32>,
        %get3A_564 = arith.index_cast %add3A_528 : i32 to index
        %get3A_565 = arith.constant 80 : index
        %get3A_566 = tpu.vector_load %arg7[%get3A_564, %get3A_565] {strides = array<i32>} : memref<128x128xf32, #tpu.memory_space<vmem>>, vector<16xf32>,
        %mul3A_567 = arith.mulf %get3A_566, %gather3A_526 : vector<16xf32>
        %swap3A_568 = arith.index_cast %add3A_528 : i32 to index
        %swap3A_569 = arith.constant 80 : index
        %swap3A_570 = tpu.vector_load %arg7[%swap3A_568, %swap3A_569] {strides = array<i32>} : memref<128x128xf32, #tpu.memory_space<vmem>>, vector<16xf32>,
        tpu.vector_store %arg7[%swap3A_568, %swap3A_569], %mul3A_567 {strides = array<i32>} : memref<128x128xf32, #tpu.memory_space<vmem>>, vector<16xf32>,
        %get3A_571 = arith.index_cast %add3A_528 : i32 to index
        %get3A_572 = arith.constant 96 : index
        %get3A_573 = tpu.vector_load %arg7[%get3A_571, %get3A_572] {strides = array<i32>} : memref<128x128xf32, #tpu.memory_space<vmem>>, vector<16xf32>,
        %mul3A_574 = arith.mulf %get3A_573, %gather3A_526 : vector<16xf32>
        %swap3A_575 = arith.index_cast %add3A_528 : i32 to index
        %swap3A_576 = arith.constant 96 : index
        %swap3A_577 = tpu.vector_load %arg7[%swap3A_575, %swap3A_576] {strides = array<i32>} : memref<128x128xf32, #tpu.memory_space<vmem>>, vector<16xf32>,
        tpu.vector_store %arg7[%swap3A_575, %swap3A_576], %mul3A_574 {strides = array<i32>} : memref<128x128xf32, #tpu.memory_space<vmem>>, vector<16xf32>,
        %get3A_578 = arith.index_cast %add3A_528 : i32 to index
        %get3A_579 = arith.constant 112 : index
        %get3A_580 = tpu.vector_load %arg7[%get3A_578, %get3A_579] {strides = array<i32>} : memref<128x128xf32, #tpu.memory_space<vmem>>, vector<16xf32>,
        %mul3A_581 = arith.mulf %get3A_580, %gather3A_526 : vector<16xf32>
        %swap3A_582 = arith.index_cast %add3A_528 : i32 to index
        %swap3A_583 = arith.constant 112 : index
        %swap3A_584 = tpu.vector_load %arg7[%swap3A_582, %swap3A_583] {strides = array<i32>} : memref<128x128xf32, #tpu.memory_space<vmem>>, vector<16xf32>,
        tpu.vector_store %arg7[%swap3A_582, %swap3A_583], %mul3A_581 {strides = array<i32>} : memref<128x128xf32, #tpu.memory_space<vmem>>, vector<16xf32>,
        %add3A_585 = arith.constant 8 : i32
        %add3A_586 = arith.addi %mul3A_92, %add3A_585 : i32
        %broadcast_in_dim3A_587 = vector.broadcast %add3A_586 : i32 to vector<16xi32>
        %gather3A_588 = tpu.vector_load_idx %arg10[%broadcast_in_dim3A_587] : memref<128xf32, #tpu.memory_space<vmem>>[vector<16xi32>], vector<16xf32>,
        %add3A_589 = arith.constant 8 : i32
        %add3A_590 = arith.addi %mul3A_92, %add3A_589 : i32
        %get3A_591 = arith.index_cast %add3A_590 : i32 to index
        %get3A_592 = arith.constant 0 : index
        %get3A_593 = tpu.vector_load %arg7[%get3A_591, %get3A_592] {strides = array<i32>} : memref<128x128xf32, #tpu.memory_space<vmem>>, vector<16xf32>,
        %mul3A_594 = arith.mulf %get3A_593, %gather3A_588 : vector<16xf32>
        %swap3A_595 = arith.index_cast %add3A_590 : i32 to index
        %swap3A_596 = arith.constant 0 : index
        %swap3A_597 = tpu.vector_load %arg7[%swap3A_595, %swap3A_596] {strides = array<i32>} : memref<128x128xf32, #tpu.memory_space<vmem>>, vector<16xf32>,
        tpu.vector_store %arg7[%swap3A_595, %swap3A_596], %mul3A_594 {strides = array<i32>} : memref<128x128xf32, #tpu.memory_space<vmem>>, vector<16xf32>,
        %get3A_598 = arith.index_cast %add3A_590 : i32 to index
        %get3A_599 = arith.constant 16 : index
        %get3A_600 = tpu.vector_load %arg7[%get3A_598, %get3A_599] {strides = array<i32>} : memref<128x128xf32, #tpu.memory_space<vmem>>, vector<16xf32>,
        %mul3A_601 = arith.mulf %get3A_600, %gather3A_588 : vector<16xf32>
        %swap3A_602 = arith.index_cast %add3A_590 : i32 to index
        %swap3A_603 = arith.constant 16 : index
        %swap3A_604 = tpu.vector_load %arg7[%swap3A_602, %swap3A_603] {strides = array<i32>} : memref<128x128xf32, #tpu.memory_space<vmem>>, vector<16xf32>,
        tpu.vector_store %arg7[%swap3A_602, %swap3A_603], %mul3A_601 {strides = array<i32>} : memref<128x128xf32, #tpu.memory_space<vmem>>, vector<16xf32>,
        %get3A_605 = arith.index_cast %add3A_590 : i32 to index
        %get3A_606 = arith.constant 32 : index
        %get3A_607 = tpu.vector_load %arg7[%get3A_605, %get3A_606] {strides = array<i32>} : memref<128x128xf32, #tpu.memory_space<vmem>>, vector<16xf32>,
        %mul3A_608 = arith.mulf %get3A_607, %gather3A_588 : vector<16xf32>
        %swap3A_609 = arith.index_cast %add3A_590 : i32 to index
        %swap3A_610 = arith.constant 32 : index
        %swap3A_611 = tpu.vector_load %arg7[%swap3A_609, %swap3A_610] {strides = array<i32>} : memref<128x128xf32, #tpu.memory_space<vmem>>, vector<16xf32>,
        tpu.vector_store %arg7[%swap3A_609, %swap3A_610], %mul3A_608 {strides = array<i32>} : memref<128x128xf32, #tpu.memory_space<vmem>>, vector<16xf32>,
        %get3A_612 = arith.index_cast %add3A_590 : i32 to index
        %get3A_613 = arith.constant 48 : index
        %get3A_614 = tpu.vector_load %arg7[%get3A_612, %get3A_613] {strides = array<i32>} : memref<128x128xf32, #tpu.memory_space<vmem>>, vector<16xf32>,
        %mul3A_615 = arith.mulf %get3A_614, %gather3A_588 : vector<16xf32>
        %swap3A_616 = arith.index_cast %add3A_590 : i32 to index
        %swap3A_617 = arith.constant 48 : index
        %swap3A_618 = tpu.vector_load %arg7[%swap3A_616, %swap3A_617] {strides = array<i32>} : memref<128x128xf32, #tpu.memory_space<vmem>>, vector<16xf32>,
        tpu.vector_store %arg7[%swap3A_616, %swap3A_617], %mul3A_615 {strides = array<i32>} : memref<128x128xf32, #tpu.memory_space<vmem>>, vector<16xf32>,
        %get3A_619 = arith.index_cast %add3A_590 : i32 to index
        %get3A_620 = arith.constant 64 : index
        %get3A_621 = tpu.vector_load %arg7[%get3A_619, %get3A_620] {strides = array<i32>} : memref<128x128xf32, #tpu.memory_space<vmem>>, vector<16xf32>,
        %mul3A_622 = arith.mulf %get3A_621, %gather3A_588 : vector<16xf32>
        %swap3A_623 = arith.index_cast %add3A_590 : i32 to index
        %swap3A_624 = arith.constant 64 : index
        %swap3A_625 = tpu.vector_load %arg7[%swap3A_623, %swap3A_624] {strides = array<i32>} : memref<128x128xf32, #tpu.memory_space<vmem>>, vector<16xf32>,
        tpu.vector_store %arg7[%swap3A_623, %swap3A_624], %mul3A_622 {strides = array<i32>} : memref<128x128xf32, #tpu.memory_space<vmem>>, vector<16xf32>,
        %get3A_626 = arith.index_cast %add3A_590 : i32 to index
        %get3A_627 = arith.constant 80 : index
        %get3A_628 = tpu.vector_load %arg7[%get3A_626, %get3A_627] {strides = array<i32>} : memref<128x128xf32, #tpu.memory_space<vmem>>, vector<16xf32>,
        %mul3A_629 = arith.mulf %get3A_628, %gather3A_588 : vector<16xf32>
        %swap3A_630 = arith.index_cast %add3A_590 : i32 to index
        %swap3A_631 = arith.constant 80 : index
        %swap3A_632 = tpu.vector_load %arg7[%swap3A_630, %swap3A_631] {strides = array<i32>} : memref<128x128xf32, #tpu.memory_space<vmem>>, vector<16xf32>,
        tpu.vector_store %arg7[%swap3A_630, %swap3A_631], %mul3A_629 {strides = array<i32>} : memref<128x128xf32, #tpu.memory_space<vmem>>, vector<16xf32>,
        %get3A_633 = arith.index_cast %add3A_590 : i32 to index
        %get3A_634 = arith.constant 96 : index
        %get3A_635 = tpu.vector_load %arg7[%get3A_633, %get3A_634] {strides = array<i32>} : memref<128x128xf32, #tpu.memory_space<vmem>>, vector<16xf32>,
        %mul3A_636 = arith.mulf %get3A_635, %gather3A_588 : vector<16xf32>
        %swap3A_637 = arith.index_cast %add3A_590 : i32 to index
        %swap3A_638 = arith.constant 96 : index
        %swap3A_639 = tpu.vector_load %arg7[%swap3A_637, %swap3A_638] {strides = array<i32>} : memref<128x128xf32, #tpu.memory_space<vmem>>, vector<16xf32>,
        tpu.vector_store %arg7[%swap3A_637, %swap3A_638], %mul3A_636 {strides = array<i32>} : memref<128x128xf32, #tpu.memory_space<vmem>>, vector<16xf32>,
        %get3A_640 = arith.index_cast %add3A_590 : i32 to index
        %get3A_641 = arith.constant 112 : index
        %get3A_642 = tpu.vector_load %arg7[%get3A_640, %get3A_641] {strides = array<i32>} : memref<128x128xf32, #tpu.memory_space<vmem>>, vector<16xf32>,
        %mul3A_643 = arith.mulf %get3A_642, %gather3A_588 : vector<16xf32>
        %swap3A_644 = arith.index_cast %add3A_590 : i32 to index
        %swap3A_645 = arith.constant 112 : index
        %swap3A_646 = tpu.vector_load %arg7[%swap3A_644, %swap3A_645] {strides = array<i32>} : memref<128x128xf32, #tpu.memory_space<vmem>>, vector<16xf32>,
        tpu.vector_store %arg7[%swap3A_644, %swap3A_645], %mul3A_643 {strides = array<i32>} : memref<128x128xf32, #tpu.memory_space<vmem>>, vector<16xf32>,
        %add3A_647 = arith.constant 9 : i32
        %add3A_648 = arith.addi %mul3A_92, %add3A_647 : i32
        %broadcast_in_dim3A_649 = vector.broadcast %add3A_648 : i32 to vector<16xi32>
        %gather3A_650 = tpu.vector_load_idx %arg10[%broadcast_in_dim3A_649] : memref<128xf32, #tpu.memory_space<vmem>>[vector<16xi32>], vector<16xf32>,
        %add3A_651 = arith.constant 9 : i32
        %add3A_652 = arith.addi %mul3A_92, %add3A_651 : i32
        %get3A_653 = arith.index_cast %add3A_652 : i32 to index
        %get3A_654 = arith.constant 0 : index
        %get3A_655 = tpu.vector_load %arg7[%get3A_653, %get3A_654] {strides = array<i32>} : memref<128x128xf32, #tpu.memory_space<vmem>>, vector<16xf32>,
        %mul3A_656 = arith.mulf %get3A_655, %gather3A_650 : vector<16xf32>
        %swap3A_657 = arith.index_cast %add3A_652 : i32 to index
        %swap3A_658 = arith.constant 0 : index
        %swap3A_659 = tpu.vector_load %arg7[%swap3A_657, %swap3A_658] {strides = array<i32>} : memref<128x128xf32, #tpu.memory_space<vmem>>, vector<16xf32>,
        tpu.vector_store %arg7[%swap3A_657, %swap3A_658], %mul3A_656 {strides = array<i32>} : memref<128x128xf32, #tpu.memory_space<vmem>>, vector<16xf32>,
        %get3A_660 = arith.index_cast %add3A_652 : i32 to index
        %get3A_661 = arith.constant 16 : index
        %get3A_662 = tpu.vector_load %arg7[%get3A_660, %get3A_661] {strides = array<i32>} : memref<128x128xf32, #tpu.memory_space<vmem>>, vector<16xf32>,
        %mul3A_663 = arith.mulf %get3A_662, %gather3A_650 : vector<16xf32>
        %swap3A_664 = arith.index_cast %add3A_652 : i32 to index
        %swap3A_665 = arith.constant 16 : index
        %swap3A_666 = tpu.vector_load %arg7[%swap3A_664, %swap3A_665] {strides = array<i32>} : memref<128x128xf32, #tpu.memory_space<vmem>>, vector<16xf32>,
        tpu.vector_store %arg7[%swap3A_664, %swap3A_665], %mul3A_663 {strides = array<i32>} : memref<128x128xf32, #tpu.memory_space<vmem>>, vector<16xf32>,
        %get3A_667 = arith.index_cast %add3A_652 : i32 to index
        %get3A_668 = arith.constant 32 : index
        %get3A_669 = tpu.vector_load %arg7[%get3A_667, %get3A_668] {strides = array<i32>} : memref<128x128xf32, #tpu.memory_space<vmem>>, vector<16xf32>,
        %mul3A_670 = arith.mulf %get3A_669, %gather3A_650 : vector<16xf32>
        %swap3A_671 = arith.index_cast %add3A_652 : i32 to index
        %swap3A_672 = arith.constant 32 : index
        %swap3A_673 = tpu.vector_load %arg7[%swap3A_671, %swap3A_672] {strides = array<i32>} : memref<128x128xf32, #tpu.memory_space<vmem>>, vector<16xf32>,
        tpu.vector_store %arg7[%swap3A_671, %swap3A_672], %mul3A_670 {strides = array<i32>} : memref<128x128xf32, #tpu.memory_space<vmem>>, vector<16xf32>,
        %get3A_674 = arith.index_cast %add3A_652 : i32 to index
        %get3A_675 = arith.constant 48 : index
        %get3A_676 = tpu.vector_load %arg7[%get3A_674, %get3A_675] {strides = array<i32>} : memref<128x128xf32, #tpu.memory_space<vmem>>, vector<16xf32>,
        %mul3A_677 = arith.mulf %get3A_676, %gather3A_650 : vector<16xf32>
        %swap3A_678 = arith.index_cast %add3A_652 : i32 to index
        %swap3A_679 = arith.constant 48 : index
        %swap3A_680 = tpu.vector_load %arg7[%swap3A_678, %swap3A_679] {strides = array<i32>} : memref<128x128xf32, #tpu.memory_space<vmem>>, vector<16xf32>,
        tpu.vector_store %arg7[%swap3A_678, %swap3A_679], %mul3A_677 {strides = array<i32>} : memref<128x128xf32, #tpu.memory_space<vmem>>, vector<16xf32>,
        %get3A_681 = arith.index_cast %add3A_652 : i32 to index
        %get3A_682 = arith.constant 64 : index
        %get3A_683 = tpu.vector_load %arg7[%get3A_681, %get3A_682] {strides = array<i32>} : memref<128x128xf32, #tpu.memory_space<vmem>>, vector<16xf32>,
        %mul3A_684 = arith.mulf %get3A_683, %gather3A_650 : vector<16xf32>
        %swap3A_685 = arith.index_cast %add3A_652 : i32 to index
        %swap3A_686 = arith.constant 64 : index
        %swap3A_687 = tpu.vector_load %arg7[%swap3A_685, %swap3A_686] {strides = array<i32>} : memref<128x128xf32, #tpu.memory_space<vmem>>, vector<16xf32>,
        tpu.vector_store %arg7[%swap3A_685, %swap3A_686], %mul3A_684 {strides = array<i32>} : memref<128x128xf32, #tpu.memory_space<vmem>>, vector<16xf32>,
        %get3A_688 = arith.index_cast %add3A_652 : i32 to index
        %get3A_689 = arith.constant 80 : index
        %get3A_690 = tpu.vector_load %arg7[%get3A_688, %get3A_689] {strides = array<i32>} : memref<128x128xf32, #tpu.memory_space<vmem>>, vector<16xf32>,
        %mul3A_691 = arith.mulf %get3A_690, %gather3A_650 : vector<16xf32>
        %swap3A_692 = arith.index_cast %add3A_652 : i32 to index
        %swap3A_693 = arith.constant 80 : index
        %swap3A_694 = tpu.vector_load %arg7[%swap3A_692, %swap3A_693] {strides = array<i32>} : memref<128x128xf32, #tpu.memory_space<vmem>>, vector<16xf32>,
        tpu.vector_store %arg7[%swap3A_692, %swap3A_693], %mul3A_691 {strides = array<i32>} : memref<128x128xf32, #tpu.memory_space<vmem>>, vector<16xf32>,
        %get3A_695 = arith.index_cast %add3A_652 : i32 to index
        %get3A_696 = arith.constant 96 : index
        %get3A_697 = tpu.vector_load %arg7[%get3A_695, %get3A_696] {strides = array<i32>} : memref<128x128xf32, #tpu.memory_space<vmem>>, vector<16xf32>,
        %mul3A_698 = arith.mulf %get3A_697, %gather3A_650 : vector<16xf32>
        %swap3A_699 = arith.index_cast %add3A_652 : i32 to index
        %swap3A_700 = arith.constant 96 : index
        %swap3A_701 = tpu.vector_load %arg7[%swap3A_699, %swap3A_700] {strides = array<i32>} : memref<128x128xf32, #tpu.memory_space<vmem>>, vector<16xf32>,
        tpu.vector_store %arg7[%swap3A_699, %swap3A_700], %mul3A_698 {strides = array<i32>} : memref<128x128xf32, #tpu.memory_space<vmem>>, vector<16xf32>,
        %get3A_702 = arith.index_cast %add3A_652 : i32 to index
        %get3A_703 = arith.constant 112 : index
        %get3A_704 = tpu.vector_load %arg7[%get3A_702, %get3A_703] {strides = array<i32>} : memref<128x128xf32, #tpu.memory_space<vmem>>, vector<16xf32>,
        %mul3A_705 = arith.mulf %get3A_704, %gather3A_650 : vector<16xf32>
        %swap3A_706 = arith.index_cast %add3A_652 : i32 to index
        %swap3A_707 = arith.constant 112 : index
        %swap3A_708 = tpu.vector_load %arg7[%swap3A_706, %swap3A_707] {strides = array<i32>} : memref<128x128xf32, #tpu.memory_space<vmem>>, vector<16xf32>,
        tpu.vector_store %arg7[%swap3A_706, %swap3A_707], %mul3A_705 {strides = array<i32>} : memref<128x128xf32, #tpu.memory_space<vmem>>, vector<16xf32>,
        %add3A_709 = arith.constant 10 : i32
        %add3A_710 = arith.addi %mul3A_92, %add3A_709 : i32
        %broadcast_in_dim3A_711 = vector.broadcast %add3A_710 : i32 to vector<16xi32>
        %gather3A_712 = tpu.vector_load_idx %arg10[%broadcast_in_dim3A_711] : memref<128xf32, #tpu.memory_space<vmem>>[vector<16xi32>], vector<16xf32>,
        %add3A_713 = arith.constant 10 : i32
        %add3A_714 = arith.addi %mul3A_92, %add3A_713 : i32
        %get3A_715 = arith.index_cast %add3A_714 : i32 to index
        %get3A_716 = arith.constant 0 : index
        %get3A_717 = tpu.vector_load %arg7[%get3A_715, %get3A_716] {strides = array<i32>} : memref<128x128xf32, #tpu.memory_space<vmem>>, vector<16xf32>,
        %mul3A_718 = arith.mulf %get3A_717, %gather3A_712 : vector<16xf32>
        %swap3A_719 = arith.index_cast %add3A_714 : i32 to index
        %swap3A_720 = arith.constant 0 : index
        %swap3A_721 = tpu.vector_load %arg7[%swap3A_719, %swap3A_720] {strides = array<i32>} : memref<128x128xf32, #tpu.memory_space<vmem>>, vector<16xf32>,
        tpu.vector_store %arg7[%swap3A_719, %swap3A_720], %mul3A_718 {strides = array<i32>} : memref<128x128xf32, #tpu.memory_space<vmem>>, vector<16xf32>,
        %get3A_722 = arith.index_cast %add3A_714 : i32 to index
        %get3A_723 = arith.constant 16 : index
        %get3A_724 = tpu.vector_load %arg7[%get3A_722, %get3A_723] {strides = array<i32>} : memref<128x128xf32, #tpu.memory_space<vmem>>, vector<16xf32>,
        %mul3A_725 = arith.mulf %get3A_724, %gather3A_712 : vector<16xf32>
        %swap3A_726 = arith.index_cast %add3A_714 : i32 to index
        %swap3A_727 = arith.constant 16 : index
        %swap3A_728 = tpu.vector_load %arg7[%swap3A_726, %swap3A_727] {strides = array<i32>} : memref<128x128xf32, #tpu.memory_space<vmem>>, vector<16xf32>,
        tpu.vector_store %arg7[%swap3A_726, %swap3A_727], %mul3A_725 {strides = array<i32>} : memref<128x128xf32, #tpu.memory_space<vmem>>, vector<16xf32>,
        %get3A_729 = arith.index_cast %add3A_714 : i32 to index
        %get3A_730 = arith.constant 32 : index
        %get3A_731 = tpu.vector_load %arg7[%get3A_729, %get3A_730] {strides = array<i32>} : memref<128x128xf32, #tpu.memory_space<vmem>>, vector<16xf32>,
        %mul3A_732 = arith.mulf %get3A_731, %gather3A_712 : vector<16xf32>
        %swap3A_733 = arith.index_cast %add3A_714 : i32 to index
        %swap3A_734 = arith.constant 32 : index
        %swap3A_735 = tpu.vector_load %arg7[%swap3A_733, %swap3A_734] {strides = array<i32>} : memref<128x128xf32, #tpu.memory_space<vmem>>, vector<16xf32>,
        tpu.vector_store %arg7[%swap3A_733, %swap3A_734], %mul3A_732 {strides = array<i32>} : memref<128x128xf32, #tpu.memory_space<vmem>>, vector<16xf32>,
        %get3A_736 = arith.index_cast %add3A_714 : i32 to index
        %get3A_737 = arith.constant 48 : index
        %get3A_738 = tpu.vector_load %arg7[%get3A_736, %get3A_737] {strides = array<i32>} : memref<128x128xf32, #tpu.memory_space<vmem>>, vector<16xf32>,
        %mul3A_739 = arith.mulf %get3A_738, %gather3A_712 : vector<16xf32>
        %swap3A_740 = arith.index_cast %add3A_714 : i32 to index
        %swap3A_741 = arith.constant 48 : index
        %swap3A_742 = tpu.vector_load %arg7[%swap3A_740, %swap3A_741] {strides = array<i32>} : memref<128x128xf32, #tpu.memory_space<vmem>>, vector<16xf32>,
        tpu.vector_store %arg7[%swap3A_740, %swap3A_741], %mul3A_739 {strides = array<i32>} : memref<128x128xf32, #tpu.memory_space<vmem>>, vector<16xf32>,
        %get3A_743 = arith.index_cast %add3A_714 : i32 to index
        %get3A_744 = arith.constant 64 : index
        %get3A_745 = tpu.vector_load %arg7[%get3A_743, %get3A_744] {strides = array<i32>} : memref<128x128xf32, #tpu.memory_space<vmem>>, vector<16xf32>,
        %mul3A_746 = arith.mulf %get3A_745, %gather3A_712 : vector<16xf32>
        %swap3A_747 = arith.index_cast %add3A_714 : i32 to index
        %swap3A_748 = arith.constant 64 : index
        %swap3A_749 = tpu.vector_load %arg7[%swap3A_747, %swap3A_748] {strides = array<i32>} : memref<128x128xf32, #tpu.memory_space<vmem>>, vector<16xf32>,
        tpu.vector_store %arg7[%swap3A_747, %swap3A_748], %mul3A_746 {strides = array<i32>} : memref<128x128xf32, #tpu.memory_space<vmem>>, vector<16xf32>,
        %get3A_750 = arith.index_cast %add3A_714 : i32 to index
        %get3A_751 = arith.constant 80 : index
        %get3A_752 = tpu.vector_load %arg7[%get3A_750, %get3A_751] {strides = array<i32>} : memref<128x128xf32, #tpu.memory_space<vmem>>, vector<16xf32>,
        %mul3A_753 = arith.mulf %get3A_752, %gather3A_712 : vector<16xf32>
        %swap3A_754 = arith.index_cast %add3A_714 : i32 to index
        %swap3A_755 = arith.constant 80 : index
        %swap3A_756 = tpu.vector_load %arg7[%swap3A_754, %swap3A_755] {strides = array<i32>} : memref<128x128xf32, #tpu.memory_space<vmem>>, vector<16xf32>,
        tpu.vector_store %arg7[%swap3A_754, %swap3A_755], %mul3A_753 {strides = array<i32>} : memref<128x128xf32, #tpu.memory_space<vmem>>, vector<16xf32>,
        %get3A_757 = arith.index_cast %add3A_714 : i32 to index
        %get3A_758 = arith.constant 96 : index
        %get3A_759 = tpu.vector_load %arg7[%get3A_757, %get3A_758] {strides = array<i32>} : memref<128x128xf32, #tpu.memory_space<vmem>>, vector<16xf32>,
        %mul3A_760 = arith.mulf %get3A_759, %gather3A_712 : vector<16xf32>
        %swap3A_761 = arith.index_cast %add3A_714 : i32 to index
        %swap3A_762 = arith.constant 96 : index
        %swap3A_763 = tpu.vector_load %arg7[%swap3A_761, %swap3A_762] {strides = array<i32>} : memref<128x128xf32, #tpu.memory_space<vmem>>, vector<16xf32>,
        tpu.vector_store %arg7[%swap3A_761, %swap3A_762], %mul3A_760 {strides = array<i32>} : memref<128x128xf32, #tpu.memory_space<vmem>>, vector<16xf32>,
        %get3A_764 = arith.index_cast %add3A_714 : i32 to index
        %get3A_765 = arith.constant 112 : index
        %get3A_766 = tpu.vector_load %arg7[%get3A_764, %get3A_765] {strides = array<i32>} : memref<128x128xf32, #tpu.memory_space<vmem>>, vector<16xf32>,
        %mul3A_767 = arith.mulf %get3A_766, %gather3A_712 : vector<16xf32>
        %swap3A_768 = arith.index_cast %add3A_714 : i32 to index
        %swap3A_769 = arith.constant 112 : index
        %swap3A_770 = tpu.vector_load %arg7[%swap3A_768, %swap3A_769] {strides = array<i32>} : memref<128x128xf32, #tpu.memory_space<vmem>>, vector<16xf32>,
        tpu.vector_store %arg7[%swap3A_768, %swap3A_769], %mul3A_767 {strides = array<i32>} : memref<128x128xf32, #tpu.memory_space<vmem>>, vector<16xf32>,
        %add3A_771 = arith.constant 11 : i32
        %add3A_772 = arith.addi %mul3A_92, %add3A_771 : i32
        %broadcast_in_dim3A_773 = vector.broadcast %add3A_772 : i32 to vector<16xi32>
        %gather3A_774 = tpu.vector_load_idx %arg10[%broadcast_in_dim3A_773] : memref<128xf32, #tpu.memory_space<vmem>>[vector<16xi32>], vector<16xf32>,
        %add3A_775 = arith.constant 11 : i32
        %add3A_776 = arith.addi %mul3A_92, %add3A_775 : i32
        %get3A_777 = arith.index_cast %add3A_776 : i32 to index
        %get3A_778 = arith.constant 0 : index
        %get3A_779 = tpu.vector_load %arg7[%get3A_777, %get3A_778] {strides = array<i32>} : memref<128x128xf32, #tpu.memory_space<vmem>>, vector<16xf32>,
        %mul3A_780 = arith.mulf %get3A_779, %gather3A_774 : vector<16xf32>
        %swap3A_781 = arith.index_cast %add3A_776 : i32 to index
        %swap3A_782 = arith.constant 0 : index
        %swap3A_783 = tpu.vector_load %arg7[%swap3A_781, %swap3A_782] {strides = array<i32>} : memref<128x128xf32, #tpu.memory_space<vmem>>, vector<16xf32>,
        tpu.vector_store %arg7[%swap3A_781, %swap3A_782], %mul3A_780 {strides = array<i32>} : memref<128x128xf32, #tpu.memory_space<vmem>>, vector<16xf32>,
        %get3A_784 = arith.index_cast %add3A_776 : i32 to index
        %get3A_785 = arith.constant 16 : index
        %get3A_786 = tpu.vector_load %arg7[%get3A_784, %get3A_785] {strides = array<i32>} : memref<128x128xf32, #tpu.memory_space<vmem>>, vector<16xf32>,
        %mul3A_787 = arith.mulf %get3A_786, %gather3A_774 : vector<16xf32>
        %swap3A_788 = arith.index_cast %add3A_776 : i32 to index
        %swap3A_789 = arith.constant 16 : index
        %swap3A_790 = tpu.vector_load %arg7[%swap3A_788, %swap3A_789] {strides = array<i32>} : memref<128x128xf32, #tpu.memory_space<vmem>>, vector<16xf32>,
        tpu.vector_store %arg7[%swap3A_788, %swap3A_789], %mul3A_787 {strides = array<i32>} : memref<128x128xf32, #tpu.memory_space<vmem>>, vector<16xf32>,
        %get3A_791 = arith.index_cast %add3A_776 : i32 to index
        %get3A_792 = arith.constant 32 : index
        %get3A_793 = tpu.vector_load %arg7[%get3A_791, %get3A_792] {strides = array<i32>} : memref<128x128xf32, #tpu.memory_space<vmem>>, vector<16xf32>,
        %mul3A_794 = arith.mulf %get3A_793, %gather3A_774 : vector<16xf32>
        %swap3A_795 = arith.index_cast %add3A_776 : i32 to index
        %swap3A_796 = arith.constant 32 : index
        %swap3A_797 = tpu.vector_load %arg7[%swap3A_795, %swap3A_796] {strides = array<i32>} : memref<128x128xf32, #tpu.memory_space<vmem>>, vector<16xf32>,
        tpu.vector_store %arg7[%swap3A_795, %swap3A_796], %mul3A_794 {strides = array<i32>} : memref<128x128xf32, #tpu.memory_space<vmem>>, vector<16xf32>,
        %get3A_798 = arith.index_cast %add3A_776 : i32 to index
        %get3A_799 = arith.constant 48 : index
        %get3A_800 = tpu.vector_load %arg7[%get3A_798, %get3A_799] {strides = array<i32>} : memref<128x128xf32, #tpu.memory_space<vmem>>, vector<16xf32>,
        %mul3A_801 = arith.mulf %get3A_800, %gather3A_774 : vector<16xf32>
        %swap3A_802 = arith.index_cast %add3A_776 : i32 to index
        %swap3A_803 = arith.constant 48 : index
        %swap3A_804 = tpu.vector_load %arg7[%swap3A_802, %swap3A_803] {strides = array<i32>} : memref<128x128xf32, #tpu.memory_space<vmem>>, vector<16xf32>,
        tpu.vector_store %arg7[%swap3A_802, %swap3A_803], %mul3A_801 {strides = array<i32>} : memref<128x128xf32, #tpu.memory_space<vmem>>, vector<16xf32>,
        %get3A_805 = arith.index_cast %add3A_776 : i32 to index
        %get3A_806 = arith.constant 64 : index
        %get3A_807 = tpu.vector_load %arg7[%get3A_805, %get3A_806] {strides = array<i32>} : memref<128x128xf32, #tpu.memory_space<vmem>>, vector<16xf32>,
        %mul3A_808 = arith.mulf %get3A_807, %gather3A_774 : vector<16xf32>
        %swap3A_809 = arith.index_cast %add3A_776 : i32 to index
        %swap3A_810 = arith.constant 64 : index
        %swap3A_811 = tpu.vector_load %arg7[%swap3A_809, %swap3A_810] {strides = array<i32>} : memref<128x128xf32, #tpu.memory_space<vmem>>, vector<16xf32>,
        tpu.vector_store %arg7[%swap3A_809, %swap3A_810], %mul3A_808 {strides = array<i32>} : memref<128x128xf32, #tpu.memory_space<vmem>>, vector<16xf32>,
        %get3A_812 = arith.index_cast %add3A_776 : i32 to index
        %get3A_813 = arith.constant 80 : index
        %get3A_814 = tpu.vector_load %arg7[%get3A_812, %get3A_813] {strides = array<i32>} : memref<128x128xf32, #tpu.memory_space<vmem>>, vector<16xf32>,
        %mul3A_815 = arith.mulf %get3A_814, %gather3A_774 : vector<16xf32>
        %swap3A_816 = arith.index_cast %add3A_776 : i32 to index
        %swap3A_817 = arith.constant 80 : index
        %swap3A_818 = tpu.vector_load %arg7[%swap3A_816, %swap3A_817] {strides = array<i32>} : memref<128x128xf32, #tpu.memory_space<vmem>>, vector<16xf32>,
        tpu.vector_store %arg7[%swap3A_816, %swap3A_817], %mul3A_815 {strides = array<i32>} : memref<128x128xf32, #tpu.memory_space<vmem>>, vector<16xf32>,
        %get3A_819 = arith.index_cast %add3A_776 : i32 to index
        %get3A_820 = arith.constant 96 : index
        %get3A_821 = tpu.vector_load %arg7[%get3A_819, %get3A_820] {strides = array<i32>} : memref<128x128xf32, #tpu.memory_space<vmem>>, vector<16xf32>,
        %mul3A_822 = arith.mulf %get3A_821, %gather3A_774 : vector<16xf32>
        %swap3A_823 = arith.index_cast %add3A_776 : i32 to index
        %swap3A_824 = arith.constant 96 : index
        %swap3A_825 = tpu.vector_load %arg7[%swap3A_823, %swap3A_824] {strides = array<i32>} : memref<128x128xf32, #tpu.memory_space<vmem>>, vector<16xf32>,
        tpu.vector_store %arg7[%swap3A_823, %swap3A_824], %mul3A_822 {strides = array<i32>} : memref<128x128xf32, #tpu.memory_space<vmem>>, vector<16xf32>,
        %get3A_826 = arith.index_cast %add3A_776 : i32 to index
        %get3A_827 = arith.constant 112 : index
        %get3A_828 = tpu.vector_load %arg7[%get3A_826, %get3A_827] {strides = array<i32>} : memref<128x128xf32, #tpu.memory_space<vmem>>, vector<16xf32>,
        %mul3A_829 = arith.mulf %get3A_828, %gather3A_774 : vector<16xf32>
        %swap3A_830 = arith.index_cast %add3A_776 : i32 to index
        %swap3A_831 = arith.constant 112 : index
        %swap3A_832 = tpu.vector_load %arg7[%swap3A_830, %swap3A_831] {strides = array<i32>} : memref<128x128xf32, #tpu.memory_space<vmem>>, vector<16xf32>,
        tpu.vector_store %arg7[%swap3A_830, %swap3A_831], %mul3A_829 {strides = array<i32>} : memref<128x128xf32, #tpu.memory_space<vmem>>, vector<16xf32>,
        %add3A_833 = arith.constant 12 : i32
        %add3A_834 = arith.addi %mul3A_92, %add3A_833 : i32
        %broadcast_in_dim3A_835 = vector.broadcast %add3A_834 : i32 to vector<16xi32>
        %gather3A_836 = tpu.vector_load_idx %arg10[%broadcast_in_dim3A_835] : memref<128xf32, #tpu.memory_space<vmem>>[vector<16xi32>], vector<16xf32>,
        %add3A_837 = arith.constant 12 : i32
        %add3A_838 = arith.addi %mul3A_92, %add3A_837 : i32
        %get3A_839 = arith.index_cast %add3A_838 : i32 to index
        %get3A_840 = arith.constant 0 : index
        %get3A_841 = tpu.vector_load %arg7[%get3A_839, %get3A_840] {strides = array<i32>} : memref<128x128xf32, #tpu.memory_space<vmem>>, vector<16xf32>,
        %mul3A_842 = arith.mulf %get3A_841, %gather3A_836 : vector<16xf32>
        %swap3A_843 = arith.index_cast %add3A_838 : i32 to index
        %swap3A_844 = arith.constant 0 : index
        %swap3A_845 = tpu.vector_load %arg7[%swap3A_843, %swap3A_844] {strides = array<i32>} : memref<128x128xf32, #tpu.memory_space<vmem>>, vector<16xf32>,
        tpu.vector_store %arg7[%swap3A_843, %swap3A_844], %mul3A_842 {strides = array<i32>} : memref<128x128xf32, #tpu.memory_space<vmem>>, vector<16xf32>,
        %get3A_846 = arith.index_cast %add3A_838 : i32 to index
        %get3A_847 = arith.constant 16 : index
        %get3A_848 = tpu.vector_load %arg7[%get3A_846, %get3A_847] {strides = array<i32>} : memref<128x128xf32, #tpu.memory_space<vmem>>, vector<16xf32>,
        %mul3A_849 = arith.mulf %get3A_848, %gather3A_836 : vector<16xf32>
        %swap3A_850 = arith.index_cast %add3A_838 : i32 to index
        %swap3A_851 = arith.constant 16 : index
        %swap3A_852 = tpu.vector_load %arg7[%swap3A_850, %swap3A_851] {strides = array<i32>} : memref<128x128xf32, #tpu.memory_space<vmem>>, vector<16xf32>,
        tpu.vector_store %arg7[%swap3A_850, %swap3A_851], %mul3A_849 {strides = array<i32>} : memref<128x128xf32, #tpu.memory_space<vmem>>, vector<16xf32>,
        %get3A_853 = arith.index_cast %add3A_838 : i32 to index
        %get3A_854 = arith.constant 32 : index
        %get3A_855 = tpu.vector_load %arg7[%get3A_853, %get3A_854] {strides = array<i32>} : memref<128x128xf32, #tpu.memory_space<vmem>>, vector<16xf32>,
        %mul3A_856 = arith.mulf %get3A_855, %gather3A_836 : vector<16xf32>
        %swap3A_857 = arith.index_cast %add3A_838 : i32 to index
        %swap3A_858 = arith.constant 32 : index
        %swap3A_859 = tpu.vector_load %arg7[%swap3A_857, %swap3A_858] {strides = array<i32>} : memref<128x128xf32, #tpu.memory_space<vmem>>, vector<16xf32>,
        tpu.vector_store %arg7[%swap3A_857, %swap3A_858], %mul3A_856 {strides = array<i32>} : memref<128x128xf32, #tpu.memory_space<vmem>>, vector<16xf32>,
        %get3A_860 = arith.index_cast %add3A_838 : i32 to index
        %get3A_861 = arith.constant 48 : index
        %get3A_862 = tpu.vector_load %arg7[%get3A_860, %get3A_861] {strides = array<i32>} : memref<128x128xf32, #tpu.memory_space<vmem>>, vector<16xf32>,
        %mul3A_863 = arith.mulf %get3A_862, %gather3A_836 : vector<16xf32>
        %swap3A_864 = arith.index_cast %add3A_838 : i32 to index
        %swap3A_865 = arith.constant 48 : index
        %swap3A_866 = tpu.vector_load %arg7[%swap3A_864, %swap3A_865] {strides = array<i32>} : memref<128x128xf32, #tpu.memory_space<vmem>>, vector<16xf32>,
        tpu.vector_store %arg7[%swap3A_864, %swap3A_865], %mul3A_863 {strides = array<i32>} : memref<128x128xf32, #tpu.memory_space<vmem>>, vector<16xf32>,
        %get3A_867 = arith.index_cast %add3A_838 : i32 to index
        %get3A_868 = arith.constant 64 : index
        %get3A_869 = tpu.vector_load %arg7[%get3A_867, %get3A_868] {strides = array<i32>} : memref<128x128xf32, #tpu.memory_space<vmem>>, vector<16xf32>,
        %mul3A_870 = arith.mulf %get3A_869, %gather3A_836 : vector<16xf32>
        %swap3A_871 = arith.index_cast %add3A_838 : i32 to index
        %swap3A_872 = arith.constant 64 : index
        %swap3A_873 = tpu.vector_load %arg7[%swap3A_871, %swap3A_872] {strides = array<i32>} : memref<128x128xf32, #tpu.memory_space<vmem>>, vector<16xf32>,
        tpu.vector_store %arg7[%swap3A_871, %swap3A_872], %mul3A_870 {strides = array<i32>} : memref<128x128xf32, #tpu.memory_space<vmem>>, vector<16xf32>,
        %get3A_874 = arith.index_cast %add3A_838 : i32 to index
        %get3A_875 = arith.constant 80 : index
        %get3A_876 = tpu.vector_load %arg7[%get3A_874, %get3A_875] {strides = array<i32>} : memref<128x128xf32, #tpu.memory_space<vmem>>, vector<16xf32>,
        %mul3A_877 = arith.mulf %get3A_876, %gather3A_836 : vector<16xf32>
        %swap3A_878 = arith.index_cast %add3A_838 : i32 to index
        %swap3A_879 = arith.constant 80 : index
        %swap3A_880 = tpu.vector_load %arg7[%swap3A_878, %swap3A_879] {strides = array<i32>} : memref<128x128xf32, #tpu.memory_space<vmem>>, vector<16xf32>,
        tpu.vector_store %arg7[%swap3A_878, %swap3A_879], %mul3A_877 {strides = array<i32>} : memref<128x128xf32, #tpu.memory_space<vmem>>, vector<16xf32>,
        %get3A_881 = arith.index_cast %add3A_838 : i32 to index
        %get3A_882 = arith.constant 96 : index
        %get3A_883 = tpu.vector_load %arg7[%get3A_881, %get3A_882] {strides = array<i32>} : memref<128x128xf32, #tpu.memory_space<vmem>>, vector<16xf32>,
        %mul3A_884 = arith.mulf %get3A_883, %gather3A_836 : vector<16xf32>
        %swap3A_885 = arith.index_cast %add3A_838 : i32 to index
        %swap3A_886 = arith.constant 96 : index
        %swap3A_887 = tpu.vector_load %arg7[%swap3A_885, %swap3A_886] {strides = array<i32>} : memref<128x128xf32, #tpu.memory_space<vmem>>, vector<16xf32>,
        tpu.vector_store %arg7[%swap3A_885, %swap3A_886], %mul3A_884 {strides = array<i32>} : memref<128x128xf32, #tpu.memory_space<vmem>>, vector<16xf32>,
        %get3A_888 = arith.index_cast %add3A_838 : i32 to index
        %get3A_889 = arith.constant 112 : index
        %get3A_890 = tpu.vector_load %arg7[%get3A_888, %get3A_889] {strides = array<i32>} : memref<128x128xf32, #tpu.memory_space<vmem>>, vector<16xf32>,
        %mul3A_891 = arith.mulf %get3A_890, %gather3A_836 : vector<16xf32>
        %swap3A_892 = arith.index_cast %add3A_838 : i32 to index
        %swap3A_893 = arith.constant 112 : index
        %swap3A_894 = tpu.vector_load %arg7[%swap3A_892, %swap3A_893] {strides = array<i32>} : memref<128x128xf32, #tpu.memory_space<vmem>>, vector<16xf32>,
        tpu.vector_store %arg7[%swap3A_892, %swap3A_893], %mul3A_891 {strides = array<i32>} : memref<128x128xf32, #tpu.memory_space<vmem>>, vector<16xf32>,
        %add3A_895 = arith.constant 13 : i32
        %add3A_896 = arith.addi %mul3A_92, %add3A_895 : i32
        %broadcast_in_dim3A_897 = vector.broadcast %add3A_896 : i32 to vector<16xi32>
        %gather3A_898 = tpu.vector_load_idx %arg10[%broadcast_in_dim3A_897] : memref<128xf32, #tpu.memory_space<vmem>>[vector<16xi32>], vector<16xf32>,
        %add3A_899 = arith.constant 13 : i32
        %add3A_900 = arith.addi %mul3A_92, %add3A_899 : i32
        %get3A_901 = arith.index_cast %add3A_900 : i32 to index
        %get3A_902 = arith.constant 0 : index
        %get3A_903 = tpu.vector_load %arg7[%get3A_901, %get3A_902] {strides = array<i32>} : memref<128x128xf32, #tpu.memory_space<vmem>>, vector<16xf32>,
        %mul3A_904 = arith.mulf %get3A_903, %gather3A_898 : vector<16xf32>
        %swap3A_905 = arith.index_cast %add3A_900 : i32 to index
        %swap3A_906 = arith.constant 0 : index
        %swap3A_907 = tpu.vector_load %arg7[%swap3A_905, %swap3A_906] {strides = array<i32>} : memref<128x128xf32, #tpu.memory_space<vmem>>, vector<16xf32>,
        tpu.vector_store %arg7[%swap3A_905, %swap3A_906], %mul3A_904 {strides = array<i32>} : memref<128x128xf32, #tpu.memory_space<vmem>>, vector<16xf32>,
        %get3A_908 = arith.index_cast %add3A_900 : i32 to index
        %get3A_909 = arith.constant 16 : index
        %get3A_910 = tpu.vector_load %arg7[%get3A_908, %get3A_909] {strides = array<i32>} : memref<128x128xf32, #tpu.memory_space<vmem>>, vector<16xf32>,
        %mul3A_911 = arith.mulf %get3A_910, %gather3A_898 : vector<16xf32>
        %swap3A_912 = arith.index_cast %add3A_900 : i32 to index
        %swap3A_913 = arith.constant 16 : index
        %swap3A_914 = tpu.vector_load %arg7[%swap3A_912, %swap3A_913] {strides = array<i32>} : memref<128x128xf32, #tpu.memory_space<vmem>>, vector<16xf32>,
        tpu.vector_store %arg7[%swap3A_912, %swap3A_913], %mul3A_911 {strides = array<i32>} : memref<128x128xf32, #tpu.memory_space<vmem>>, vector<16xf32>,
        %get3A_915 = arith.index_cast %add3A_900 : i32 to index
        %get3A_916 = arith.constant 32 : index
        %get3A_917 = tpu.vector_load %arg7[%get3A_915, %get3A_916] {strides = array<i32>} : memref<128x128xf32, #tpu.memory_space<vmem>>, vector<16xf32>,
        %mul3A_918 = arith.mulf %get3A_917, %gather3A_898 : vector<16xf32>
        %swap3A_919 = arith.index_cast %add3A_900 : i32 to index
        %swap3A_920 = arith.constant 32 : index
        %swap3A_921 = tpu.vector_load %arg7[%swap3A_919, %swap3A_920] {strides = array<i32>} : memref<128x128xf32, #tpu.memory_space<vmem>>, vector<16xf32>,
        tpu.vector_store %arg7[%swap3A_919, %swap3A_920], %mul3A_918 {strides = array<i32>} : memref<128x128xf32, #tpu.memory_space<vmem>>, vector<16xf32>,
        %get3A_922 = arith.index_cast %add3A_900 : i32 to index
        %get3A_923 = arith.constant 48 : index
        %get3A_924 = tpu.vector_load %arg7[%get3A_922, %get3A_923] {strides = array<i32>} : memref<128x128xf32, #tpu.memory_space<vmem>>, vector<16xf32>,
        %mul3A_925 = arith.mulf %get3A_924, %gather3A_898 : vector<16xf32>
        %swap3A_926 = arith.index_cast %add3A_900 : i32 to index
        %swap3A_927 = arith.constant 48 : index
        %swap3A_928 = tpu.vector_load %arg7[%swap3A_926, %swap3A_927] {strides = array<i32>} : memref<128x128xf32, #tpu.memory_space<vmem>>, vector<16xf32>,
        tpu.vector_store %arg7[%swap3A_926, %swap3A_927], %mul3A_925 {strides = array<i32>} : memref<128x128xf32, #tpu.memory_space<vmem>>, vector<16xf32>,
        %get3A_929 = arith.index_cast %add3A_900 : i32 to index
        %get3A_930 = arith.constant 64 : index
        %get3A_931 = tpu.vector_load %arg7[%get3A_929, %get3A_930] {strides = array<i32>} : memref<128x128xf32, #tpu.memory_space<vmem>>, vector<16xf32>,
        %mul3A_932 = arith.mulf %get3A_931, %gather3A_898 : vector<16xf32>
        %swap3A_933 = arith.index_cast %add3A_900 : i32 to index
        %swap3A_934 = arith.constant 64 : index
        %swap3A_935 = tpu.vector_load %arg7[%swap3A_933, %swap3A_934] {strides = array<i32>} : memref<128x128xf32, #tpu.memory_space<vmem>>, vector<16xf32>,
        tpu.vector_store %arg7[%swap3A_933, %swap3A_934], %mul3A_932 {strides = array<i32>} : memref<128x128xf32, #tpu.memory_space<vmem>>, vector<16xf32>,
        %get3A_936 = arith.index_cast %add3A_900 : i32 to index
        %get3A_937 = arith.constant 80 : index
        %get3A_938 = tpu.vector_load %arg7[%get3A_936, %get3A_937] {strides = array<i32>} : memref<128x128xf32, #tpu.memory_space<vmem>>, vector<16xf32>,
        %mul3A_939 = arith.mulf %get3A_938, %gather3A_898 : vector<16xf32>
        %swap3A_940 = arith.index_cast %add3A_900 : i32 to index
        %swap3A_941 = arith.constant 80 : index
        %swap3A_942 = tpu.vector_load %arg7[%swap3A_940, %swap3A_941] {strides = array<i32>} : memref<128x128xf32, #tpu.memory_space<vmem>>, vector<16xf32>,
        tpu.vector_store %arg7[%swap3A_940, %swap3A_941], %mul3A_939 {strides = array<i32>} : memref<128x128xf32, #tpu.memory_space<vmem>>, vector<16xf32>,
        %get3A_943 = arith.index_cast %add3A_900 : i32 to index
        %get3A_944 = arith.constant 96 : index
        %get3A_945 = tpu.vector_load %arg7[%get3A_943, %get3A_944] {strides = array<i32>} : memref<128x128xf32, #tpu.memory_space<vmem>>, vector<16xf32>,
        %mul3A_946 = arith.mulf %get3A_945, %gather3A_898 : vector<16xf32>
        %swap3A_947 = arith.index_cast %add3A_900 : i32 to index
        %swap3A_948 = arith.constant 96 : index
        %swap3A_949 = tpu.vector_load %arg7[%swap3A_947, %swap3A_948] {strides = array<i32>} : memref<128x128xf32, #tpu.memory_space<vmem>>, vector<16xf32>,
        tpu.vector_store %arg7[%swap3A_947, %swap3A_948], %mul3A_946 {strides = array<i32>} : memref<128x128xf32, #tpu.memory_space<vmem>>, vector<16xf32>,
        %get3A_950 = arith.index_cast %add3A_900 : i32 to index
        %get3A_951 = arith.constant 112 : index
        %get3A_952 = tpu.vector_load %arg7[%get3A_950, %get3A_951] {strides = array<i32>} : memref<128x128xf32, #tpu.memory_space<vmem>>, vector<16xf32>,
        %mul3A_953 = arith.mulf %get3A_952, %gather3A_898 : vector<16xf32>
        %swap3A_954 = arith.index_cast %add3A_900 : i32 to index
        %swap3A_955 = arith.constant 112 : index
        %swap3A_956 = tpu.vector_load %arg7[%swap3A_954, %swap3A_955] {strides = array<i32>} : memref<128x128xf32, #tpu.memory_space<vmem>>, vector<16xf32>,
        tpu.vector_store %arg7[%swap3A_954, %swap3A_955], %mul3A_953 {strides = array<i32>} : memref<128x128xf32, #tpu.memory_space<vmem>>, vector<16xf32>,
        %add3A_957 = arith.constant 14 : i32
        %add3A_958 = arith.addi %mul3A_92, %add3A_957 : i32
        %broadcast_in_dim3A_959 = vector.broadcast %add3A_958 : i32 to vector<16xi32>
        %gather3A_960 = tpu.vector_load_idx %arg10[%broadcast_in_dim3A_959] : memref<128xf32, #tpu.memory_space<vmem>>[vector<16xi32>], vector<16xf32>,
        %add3A_961 = arith.constant 14 : i32
        %add3A_962 = arith.addi %mul3A_92, %add3A_961 : i32
        %get3A_963 = arith.index_cast %add3A_962 : i32 to index
        %get3A_964 = arith.constant 0 : index
        %get3A_965 = tpu.vector_load %arg7[%get3A_963, %get3A_964] {strides = array<i32>} : memref<128x128xf32, #tpu.memory_space<vmem>>, vector<16xf32>,
        %mul3A_966 = arith.mulf %get3A_965, %gather3A_960 : vector<16xf32>
        %swap3A_967 = arith.index_cast %add3A_962 : i32 to index
        %swap3A_968 = arith.constant 0 : index
        %swap3A_969 = tpu.vector_load %arg7[%swap3A_967, %swap3A_968] {strides = array<i32>} : memref<128x128xf32, #tpu.memory_space<vmem>>, vector<16xf32>,
        tpu.vector_store %arg7[%swap3A_967, %swap3A_968], %mul3A_966 {strides = array<i32>} : memref<128x128xf32, #tpu.memory_space<vmem>>, vector<16xf32>,
        %get3A_970 = arith.index_cast %add3A_962 : i32 to index
        %get3A_971 = arith.constant 16 : index
        %get3A_972 = tpu.vector_load %arg7[%get3A_970, %get3A_971] {strides = array<i32>} : memref<128x128xf32, #tpu.memory_space<vmem>>, vector<16xf32>,
        %mul3A_973 = arith.mulf %get3A_972, %gather3A_960 : vector<16xf32>
        %swap3A_974 = arith.index_cast %add3A_962 : i32 to index
        %swap3A_975 = arith.constant 16 : index
        %swap3A_976 = tpu.vector_load %arg7[%swap3A_974, %swap3A_975] {strides = array<i32>} : memref<128x128xf32, #tpu.memory_space<vmem>>, vector<16xf32>,
        tpu.vector_store %arg7[%swap3A_974, %swap3A_975], %mul3A_973 {strides = array<i32>} : memref<128x128xf32, #tpu.memory_space<vmem>>, vector<16xf32>,
        %get3A_977 = arith.index_cast %add3A_962 : i32 to index
        %get3A_978 = arith.constant 32 : index
        %get3A_979 = tpu.vector_load %arg7[%get3A_977, %get3A_978] {strides = array<i32>} : memref<128x128xf32, #tpu.memory_space<vmem>>, vector<16xf32>,
        %mul3A_980 = arith.mulf %get3A_979, %gather3A_960 : vector<16xf32>
        %swap3A_981 = arith.index_cast %add3A_962 : i32 to index
        %swap3A_982 = arith.constant 32 : index
        %swap3A_983 = tpu.vector_load %arg7[%swap3A_981, %swap3A_982] {strides = array<i32>} : memref<128x128xf32, #tpu.memory_space<vmem>>, vector<16xf32>,
        tpu.vector_store %arg7[%swap3A_981, %swap3A_982], %mul3A_980 {strides = array<i32>} : memref<128x128xf32, #tpu.memory_space<vmem>>, vector<16xf32>,
        %get3A_984 = arith.index_cast %add3A_962 : i32 to index
        %get3A_985 = arith.constant 48 : index
        %get3A_986 = tpu.vector_load %arg7[%get3A_984, %get3A_985] {strides = array<i32>} : memref<128x128xf32, #tpu.memory_space<vmem>>, vector<16xf32>,
        %mul3A_987 = arith.mulf %get3A_986, %gather3A_960 : vector<16xf32>
        %swap3A_988 = arith.index_cast %add3A_962 : i32 to index
        %swap3A_989 = arith.constant 48 : index
        %swap3A_990 = tpu.vector_load %arg7[%swap3A_988, %swap3A_989] {strides = array<i32>} : memref<128x128xf32, #tpu.memory_space<vmem>>, vector<16xf32>,
        tpu.vector_store %arg7[%swap3A_988, %swap3A_989], %mul3A_987 {strides = array<i32>} : memref<128x128xf32, #tpu.memory_space<vmem>>, vector<16xf32>,
        %get3A_991 = arith.index_cast %add3A_962 : i32 to index
        %get3A_992 = arith.constant 64 : index
        %get3A_993 = tpu.vector_load %arg7[%get3A_991, %get3A_992] {strides = array<i32>} : memref<128x128xf32, #tpu.memory_space<vmem>>, vector<16xf32>,
        %mul3A_994 = arith.mulf %get3A_993, %gather3A_960 : vector<16xf32>
        %swap3A_995 = arith.index_cast %add3A_962 : i32 to index
        %swap3A_996 = arith.constant 64 : index
        %swap3A_997 = tpu.vector_load %arg7[%swap3A_995, %swap3A_996] {strides = array<i32>} : memref<128x128xf32, #tpu.memory_space<vmem>>, vector<16xf32>,
        tpu.vector_store %arg7[%swap3A_995, %swap3A_996], %mul3A_994 {strides = array<i32>} : memref<128x128xf32, #tpu.memory_space<vmem>>, vector<16xf32>,
        %get3A_998 = arith.index_cast %add3A_962 : i32 to index
        %get3A_999 = arith.constant 80 : index
        %get3A_1000 = tpu.vector_load %arg7[%get3A_998, %get3A_999] {strides = array<i32>} : memref<128x128xf32, #tpu.memory_space<vmem>>, vector<16xf32>,
        %mul3A_1001 = arith.mulf %get3A_1000, %gather3A_960 : vector<16xf32>
        %swap3A_1002 = arith.index_cast %add3A_962 : i32 to index
        %swap3A_1003 = arith.constant 80 : index
        %swap3A_1004 = tpu.vector_load %arg7[%swap3A_1002, %swap3A_1003] {strides = array<i32>} : memref<128x128xf32, #tpu.memory_space<vmem>>, vector<16xf32>,
        tpu.vector_store %arg7[%swap3A_1002, %swap3A_1003], %mul3A_1001 {strides = array<i32>} : memref<128x128xf32, #tpu.memory_space<vmem>>, vector<16xf32>,
        %get3A_1005 = arith.index_cast %add3A_962 : i32 to index
        %get3A_1006 = arith.constant 96 : index
        %get3A_1007 = tpu.vector_load %arg7[%get3A_1005, %get3A_1006] {strides = array<i32>} : memref<128x128xf32, #tpu.memory_space<vmem>>, vector<16xf32>,
        %mul3A_1008 = arith.mulf %get3A_1007, %gather3A_960 : vector<16xf32>
        %swap3A_1009 = arith.index_cast %add3A_962 : i32 to index
        %swap3A_1010 = arith.constant 96 : index
        %swap3A_1011 = tpu.vector_load %arg7[%swap3A_1009, %swap3A_1010] {strides = array<i32>} : memref<128x128xf32, #tpu.memory_space<vmem>>, vector<16xf32>,
        tpu.vector_store %arg7[%swap3A_1009, %swap3A_1010], %mul3A_1008 {strides = array<i32>} : memref<128x128xf32, #tpu.memory_space<vmem>>, vector<16xf32>,
        %get3A_1012 = arith.index_cast %add3A_962 : i32 to index
        %get3A_1013 = arith.constant 112 : index
        %get3A_1014 = tpu.vector_load %arg7[%get3A_1012, %get3A_1013] {strides = array<i32>} : memref<128x128xf32, #tpu.memory_space<vmem>>, vector<16xf32>,
        %mul3A_1015 = arith.mulf %get3A_1014, %gather3A_960 : vector<16xf32>
        %swap3A_1016 = arith.index_cast %add3A_962 : i32 to index
        %swap3A_1017 = arith.constant 112 : index
        %swap3A_1018 = tpu.vector_load %arg7[%swap3A_1016, %swap3A_1017] {strides = array<i32>} : memref<128x128xf32, #tpu.memory_space<vmem>>, vector<16xf32>,
        tpu.vector_store %arg7[%swap3A_1016, %swap3A_1017], %mul3A_1015 {strides = array<i32>} : memref<128x128xf32, #tpu.memory_space<vmem>>, vector<16xf32>,
        %add3A_1019 = arith.constant 15 : i32
        %add3A_1020 = arith.addi %mul3A_92, %add3A_1019 : i32
        %broadcast_in_dim3A_1021 = vector.broadcast %add3A_1020 : i32 to vector<16xi32>
        %gather3A_1022 = tpu.vector_load_idx %arg10[%broadcast_in_dim3A_1021] : memref<128xf32, #tpu.memory_space<vmem>>[vector<16xi32>], vector<16xf32>,
        %add3A_1023 = arith.constant 15 : i32
        %add3A_1024 = arith.addi %mul3A_92, %add3A_1023 : i32
        %get3A_1025 = arith.index_cast %add3A_1024 : i32 to index
        %get3A_1026 = arith.constant 0 : index
        %get3A_1027 = tpu.vector_load %arg7[%get3A_1025, %get3A_1026] {strides = array<i32>} : memref<128x128xf32, #tpu.memory_space<vmem>>, vector<16xf32>,
        %mul3A_1028 = arith.mulf %get3A_1027, %gather3A_1022 : vector<16xf32>
        %swap3A_1029 = arith.index_cast %add3A_1024 : i32 to index
        %swap3A_1030 = arith.constant 0 : index
        %swap3A_1031 = tpu.vector_load %arg7[%swap3A_1029, %swap3A_1030] {strides = array<i32>} : memref<128x128xf32, #tpu.memory_space<vmem>>, vector<16xf32>,
        tpu.vector_store %arg7[%swap3A_1029, %swap3A_1030], %mul3A_1028 {strides = array<i32>} : memref<128x128xf32, #tpu.memory_space<vmem>>, vector<16xf32>,
        %get3A_1032 = arith.index_cast %add3A_1024 : i32 to index
        %get3A_1033 = arith.constant 16 : index
        %get3A_1034 = tpu.vector_load %arg7[%get3A_1032, %get3A_1033] {strides = array<i32>} : memref<128x128xf32, #tpu.memory_space<vmem>>, vector<16xf32>,
        %mul3A_1035 = arith.mulf %get3A_1034, %gather3A_1022 : vector<16xf32>
        %swap3A_1036 = arith.index_cast %add3A_1024 : i32 to index
        %swap3A_1037 = arith.constant 16 : index
        %swap3A_1038 = tpu.vector_load %arg7[%swap3A_1036, %swap3A_1037] {strides = array<i32>} : memref<128x128xf32, #tpu.memory_space<vmem>>, vector<16xf32>,
        tpu.vector_store %arg7[%swap3A_1036, %swap3A_1037], %mul3A_1035 {strides = array<i32>} : memref<128x128xf32, #tpu.memory_space<vmem>>, vector<16xf32>,
        %get3A_1039 = arith.index_cast %add3A_1024 : i32 to index
        %get3A_1040 = arith.constant 32 : index
        %get3A_1041 = tpu.vector_load %arg7[%get3A_1039, %get3A_1040] {strides = array<i32>} : memref<128x128xf32, #tpu.memory_space<vmem>>, vector<16xf32>,
        %mul3A_1042 = arith.mulf %get3A_1041, %gather3A_1022 : vector<16xf32>
        %swap3A_1043 = arith.index_cast %add3A_1024 : i32 to index
        %swap3A_1044 = arith.constant 32 : index
        %swap3A_1045 = tpu.vector_load %arg7[%swap3A_1043, %swap3A_1044] {strides = array<i32>} : memref<128x128xf32, #tpu.memory_space<vmem>>, vector<16xf32>,
        tpu.vector_store %arg7[%swap3A_1043, %swap3A_1044], %mul3A_1042 {strides = array<i32>} : memref<128x128xf32, #tpu.memory_space<vmem>>, vector<16xf32>,
        %get3A_1046 = arith.index_cast %add3A_1024 : i32 to index
        %get3A_1047 = arith.constant 48 : index
        %get3A_1048 = tpu.vector_load %arg7[%get3A_1046, %get3A_1047] {strides = array<i32>} : memref<128x128xf32, #tpu.memory_space<vmem>>, vector<16xf32>,
        %mul3A_1049 = arith.mulf %get3A_1048, %gather3A_1022 : vector<16xf32>
        %swap3A_1050 = arith.index_cast %add3A_1024 : i32 to index
        %swap3A_1051 = arith.constant 48 : index
        %swap3A_1052 = tpu.vector_load %arg7[%swap3A_1050, %swap3A_1051] {strides = array<i32>} : memref<128x128xf32, #tpu.memory_space<vmem>>, vector<16xf32>,
        tpu.vector_store %arg7[%swap3A_1050, %swap3A_1051], %mul3A_1049 {strides = array<i32>} : memref<128x128xf32, #tpu.memory_space<vmem>>, vector<16xf32>,
        %get3A_1053 = arith.index_cast %add3A_1024 : i32 to index
        %get3A_1054 = arith.constant 64 : index
        %get3A_1055 = tpu.vector_load %arg7[%get3A_1053, %get3A_1054] {strides = array<i32>} : memref<128x128xf32, #tpu.memory_space<vmem>>, vector<16xf32>,
        %mul3A_1056 = arith.mulf %get3A_1055, %gather3A_1022 : vector<16xf32>
        %swap3A_1057 = arith.index_cast %add3A_1024 : i32 to index
        %swap3A_1058 = arith.constant 64 : index
        %swap3A_1059 = tpu.vector_load %arg7[%swap3A_1057, %swap3A_1058] {strides = array<i32>} : memref<128x128xf32, #tpu.memory_space<vmem>>, vector<16xf32>,
        tpu.vector_store %arg7[%swap3A_1057, %swap3A_1058], %mul3A_1056 {strides = array<i32>} : memref<128x128xf32, #tpu.memory_space<vmem>>, vector<16xf32>,
        %get3A_1060 = arith.index_cast %add3A_1024 : i32 to index
        %get3A_1061 = arith.constant 80 : index
        %get3A_1062 = tpu.vector_load %arg7[%get3A_1060, %get3A_1061] {strides = array<i32>} : memref<128x128xf32, #tpu.memory_space<vmem>>, vector<16xf32>,
        %mul3A_1063 = arith.mulf %get3A_1062, %gather3A_1022 : vector<16xf32>
        %swap3A_1064 = arith.index_cast %add3A_1024 : i32 to index
        %swap3A_1065 = arith.constant 80 : index
        %swap3A_1066 = tpu.vector_load %arg7[%swap3A_1064, %swap3A_1065] {strides = array<i32>} : memref<128x128xf32, #tpu.memory_space<vmem>>, vector<16xf32>,
        tpu.vector_store %arg7[%swap3A_1064, %swap3A_1065], %mul3A_1063 {strides = array<i32>} : memref<128x128xf32, #tpu.memory_space<vmem>>, vector<16xf32>,
        %get3A_1067 = arith.index_cast %add3A_1024 : i32 to index
        %get3A_1068 = arith.constant 96 : index
        %get3A_1069 = tpu.vector_load %arg7[%get3A_1067, %get3A_1068] {strides = array<i32>} : memref<128x128xf32, #tpu.memory_space<vmem>>, vector<16xf32>,
        %mul3A_1070 = arith.mulf %get3A_1069, %gather3A_1022 : vector<16xf32>
        %swap3A_1071 = arith.index_cast %add3A_1024 : i32 to index
        %swap3A_1072 = arith.constant 96 : index
        %swap3A_1073 = tpu.vector_load %arg7[%swap3A_1071, %swap3A_1072] {strides = array<i32>} : memref<128x128xf32, #tpu.memory_space<vmem>>, vector<16xf32>,
        tpu.vector_store %arg7[%swap3A_1071, %swap3A_1072], %mul3A_1070 {strides = array<i32>} : memref<128x128xf32, #tpu.memory_space<vmem>>, vector<16xf32>,
        %get3A_1074 = arith.index_cast %add3A_1024 : i32 to index
        %get3A_1075 = arith.constant 112 : index
        %get3A_1076 = tpu.vector_load %arg7[%get3A_1074, %get3A_1075] {strides = array<i32>} : memref<128x128xf32, #tpu.memory_space<vmem>>, vector<16xf32>,
        %mul3A_1077 = arith.mulf %get3A_1076, %gather3A_1022 : vector<16xf32>
        %swap3A_1078 = arith.index_cast %add3A_1024 : i32 to index
        %swap3A_1079 = arith.constant 112 : index
        %swap3A_1080 = tpu.vector_load %arg7[%swap3A_1078, %swap3A_1079] {strides = array<i32>} : memref<128x128xf32, #tpu.memory_space<vmem>>, vector<16xf32>,
        tpu.vector_store %arg7[%swap3A_1078, %swap3A_1079], %mul3A_1077 {strides = array<i32>} : memref<128x128xf32, #tpu.memory_space<vmem>>, vector<16xf32>,
        %scan3A_1081 = arith.constant 0 : i32
        scf.yield %scan3A_1081 : i32
      }
      %scan3A_87 = arith.constant 8 : i32
      %run_scoped3A = arith.constant 0 : i32
      "tpu.region"() ({
        %run_scoped3A_89 = tpu.sem_alloc : memref<!tpu.dma_semaphore, #tpu.memory_space<semaphore_mem>>
        %dma_start3A_90 = arith.constant 0 : i32
        %dma_start3A_91 = tpu.memref_slice %arg8[%run_scoped3A, %dma_start3A_90] : memref<1x128xi32, #tpu.memory_space<vmem>> -> memref<1x128xi32, #tpu.memory_space<vmem>>
        %dma_start3A_92 = tpu.memref_squeeze %dma_start3A_91 : memref<1x128xi32, #tpu.memory_space<vmem>> -> memref<128xi32, #tpu.memory_space<vmem>>
        %dma_start3A_93 = arith.constant 0 : i32
        %dma_start3A_94 = arith.constant 0 : i32
        %dma_start3A_95 = tpu.memref_slice %arg11[%dma_start3A_93, %dma_start3A_94] : memref<10240x128xf32, #tpu.memory_space<vmem_shared>> -> memref<10240x128xf32, #tpu.memory_space<vmem_shared>>
        tpu.enqueue_indirect_dma source(%arg7 : memref<128x128xf32, #tpu.memory_space<vmem>>) target(%dma_start3A_95 : memref<10240x128xf32, #tpu.memory_space<vmem_shared>>) offsets(%dma_start3A_92 : memref<128xi32, #tpu.memory_space<vmem>>) semaphore(%run_scoped3A_89 : memref<!tpu.dma_semaphore, #tpu.memory_space<semaphore_mem>>) {add = true}
        %dma_wait3A_96 = arith.constant 0 : i32
        %dma_wait3A_97 = tpu.memref_slice %arg8[%run_scoped3A, %dma_wait3A_96] : memref<1x128xi32, #tpu.memory_space<vmem>> -> memref<1x128xi32, #tpu.memory_space<vmem>>
        %dma_wait3A_98 = tpu.memref_squeeze %dma_wait3A_97 : memref<1x128xi32, #tpu.memory_space<vmem>> -> memref<128xi32, #tpu.memory_space<vmem>>
        %dma_wait3A_99 = arith.constant 0 : i32
        %dma_wait3A_100 = arith.constant 0 : i32
        %dma_wait3A_101 = tpu.memref_slice %arg11[%dma_wait3A_99, %dma_wait3A_100] : memref<10240x128xf32, #tpu.memory_space<vmem_shared>> -> memref<10240x128xf32, #tpu.memory_space<vmem_shared>>
        tpu.wait_indirect_dma semaphore(%run_scoped3A_89 : memref<!tpu.dma_semaphore, #tpu.memory_space<semaphore_mem>>) src(%arg7 : memref<128x128xf32, #tpu.memory_space<vmem>>) dst(%dma_wait3A_101 : memref<10240x128xf32, #tpu.memory_space<vmem_shared>>)
        tpu.yield
      }) : () -> ()
      %scan3A_88 = arith.constant 0 : i32
      scf.yield %scan3A_88 : i32
    }
    %scan3A_30 = arith.constant 162 : i32
    %barrier3A_31 = arith.constant 0 : index
    tpu.barrier barrier_id(%barrier3A_31)
    %mul3A_32 = arith.constant 640 : i32
    %mul3A_33 = arith.muli %arg1, %mul3A_32 : i32
    %add3A_34 = arith.constant 0 : i32
    %add3A_35 = arith.addi %mul3A_33, %add3A_34 : i32
    "tpu.region"() ({
      %run_scoped3A = tpu.sem_alloc : memref<!tpu.dma_semaphore, #tpu.memory_space<semaphore_mem>>
      %dma_start3A = arith.constant 0 : i32
      %dma_start3A_67 = tpu.memref_slice %arg11[%add3A_35, %dma_start3A] : memref<10240x128xf32, #tpu.memory_space<vmem_shared>> -> memref<128x128xf32, #tpu.memory_space<vmem_shared>>
      %dma_start3A_68 = arith.constant 0 : i32
      %dma_start3A_69 = tpu.memref_slice %arg11[%add3A_35, %dma_start3A_68] : memref<10240x128xf32, #tpu.memory_space<vmem_shared>> -> memref<128x128xf32, #tpu.memory_space<vmem_shared>>
      tpu.enqueue_dma source(%dma_start3A_69 : memref<128x128xf32, #tpu.memory_space<vmem_shared>>) target(%arg7 : memref<128x128xf32, #tpu.memory_space<vmem>>) target_semaphore(%run_scoped3A : memref<!tpu.dma_semaphore, #tpu.memory_space<semaphore_mem>>)
      %dma_wait3A = arith.constant 0 : i32
      %dma_wait3A_70 = tpu.memref_slice %arg11[%add3A_35, %dma_wait3A] : memref<10240x128xf32, #tpu.memory_space<vmem_shared>> -> memref<128x128xf32, #tpu.memory_space<vmem_shared>>
      %dma_wait3A_71 = arith.constant 0 : i32
      %dma_wait3A_72 = tpu.memref_slice %arg11[%add3A_35, %dma_wait3A_71] : memref<10240x128xf32, #tpu.memory_space<vmem_shared>> -> memref<128x128xf32, #tpu.memory_space<vmem_shared>>
      tpu.wait_dma2 semaphore(%run_scoped3A : memref<!tpu.dma_semaphore, #tpu.memory_space<semaphore_mem>>) src(%dma_wait3A_72 : memref<128x128xf32, #tpu.memory_space<vmem_shared>>) dst(%arg7 : memref<128x128xf32, #tpu.memory_space<vmem>>)
      tpu.yield
    }) : () -> ()
    %mul3A_36 = arith.constant 10240 : i32
    %mul3A_37 = arith.muli %arg0, %mul3A_36 : i32
    %add3A_38 = arith.addi %mul3A_37, %add3A_35 : i32
    "tpu.region"() ({
      %run_scoped3A = tpu.sem_alloc : memref<!tpu.dma_semaphore, #tpu.memory_space<semaphore_mem>>
      %dma_start3A = arith.constant 0 : i32
      %dma_start3A_67 = tpu.memref_slice %arg6[%add3A_38, %dma_start3A] : memref<20480x128xf32, #tpu.memory_space<hbm>> -> memref<128x128xf32, #tpu.memory_space<hbm>>
      %dma_start3A_68 = arith.constant 0 : i32
      %dma_start3A_69 = tpu.memref_slice %arg6[%add3A_38, %dma_start3A_68] : memref<20480x128xf32, #tpu.memory_space<hbm>> -> memref<128x128xf32, #tpu.memory_space<hbm>>
      tpu.enqueue_dma source(%arg7 : memref<128x128xf32, #tpu.memory_space<vmem>>) target(%dma_start3A_69 : memref<128x128xf32, #tpu.memory_space<hbm>>) target_semaphore(%run_scoped3A : memref<!tpu.dma_semaphore, #tpu.memory_space<semaphore_mem>>)
      %dma_wait3A = arith.constant 0 : i32
      %dma_wait3A_70 = tpu.memref_slice %arg6[%add3A_38, %dma_wait3A] : memref<20480x128xf32, #tpu.memory_space<hbm>> -> memref<128x128xf32, #tpu.memory_space<hbm>>
      %dma_wait3A_71 = arith.constant 0 : i32
      %dma_wait3A_72 = tpu.memref_slice %arg6[%add3A_38, %dma_wait3A_71] : memref<20480x128xf32, #tpu.memory_space<hbm>> -> memref<128x128xf32, #tpu.memory_space<hbm>>
      tpu.wait_dma2 semaphore(%run_scoped3A : memref<!tpu.dma_semaphore, #tpu.memory_space<semaphore_mem>>) src(%arg7 : memref<128x128xf32, #tpu.memory_space<vmem>>) dst(%dma_wait3A_72 : memref<128x128xf32, #tpu.memory_space<hbm>>)
      tpu.yield
    }) : () -> ()
    %mul3A_39 = arith.constant 640 : i32
    %mul3A_40 = arith.muli %arg1, %mul3A_39 : i32
    %add3A_41 = arith.constant 128 : i32
    %add3A_42 = arith.addi %mul3A_40, %add3A_41 : i32
    "tpu.region"() ({
      %run_scoped3A = tpu.sem_alloc : memref<!tpu.dma_semaphore, #tpu.memory_space<semaphore_mem>>
      %dma_start3A = arith.constant 0 : i32
      %dma_start3A_67 = tpu.memref_slice %arg11[%add3A_42, %dma_start3A] : memref<10240x128xf32, #tpu.memory_space<vmem_shared>> -> memref<128x128xf32, #tpu.memory_space<vmem_shared>>
      %dma_start3A_68 = arith.constant 0 : i32
      %dma_start3A_69 = tpu.memref_slice %arg11[%add3A_42, %dma_start3A_68] : memref<10240x128xf32, #tpu.memory_space<vmem_shared>> -> memref<128x128xf32, #tpu.memory_space<vmem_shared>>
      tpu.enqueue_dma source(%dma_start3A_69 : memref<128x128xf32, #tpu.memory_space<vmem_shared>>) target(%arg7 : memref<128x128xf32, #tpu.memory_space<vmem>>) target_semaphore(%run_scoped3A : memref<!tpu.dma_semaphore, #tpu.memory_space<semaphore_mem>>)
      %dma_wait3A = arith.constant 0 : i32
      %dma_wait3A_70 = tpu.memref_slice %arg11[%add3A_42, %dma_wait3A] : memref<10240x128xf32, #tpu.memory_space<vmem_shared>> -> memref<128x128xf32, #tpu.memory_space<vmem_shared>>
      %dma_wait3A_71 = arith.constant 0 : i32
      %dma_wait3A_72 = tpu.memref_slice %arg11[%add3A_42, %dma_wait3A_71] : memref<10240x128xf32, #tpu.memory_space<vmem_shared>> -> memref<128x128xf32, #tpu.memory_space<vmem_shared>>
      tpu.wait_dma2 semaphore(%run_scoped3A : memref<!tpu.dma_semaphore, #tpu.memory_space<semaphore_mem>>) src(%dma_wait3A_72 : memref<128x128xf32, #tpu.memory_space<vmem_shared>>) dst(%arg7 : memref<128x128xf32, #tpu.memory_space<vmem>>)
      tpu.yield
    }) : () -> ()
    %mul3A_43 = arith.constant 10240 : i32
    %mul3A_44 = arith.muli %arg0, %mul3A_43 : i32
    %add3A_45 = arith.addi %mul3A_44, %add3A_42 : i32
    "tpu.region"() ({
      %run_scoped3A = tpu.sem_alloc : memref<!tpu.dma_semaphore, #tpu.memory_space<semaphore_mem>>
      %dma_start3A = arith.constant 0 : i32
      %dma_start3A_67 = tpu.memref_slice %arg6[%add3A_45, %dma_start3A] : memref<20480x128xf32, #tpu.memory_space<hbm>> -> memref<128x128xf32, #tpu.memory_space<hbm>>
      %dma_start3A_68 = arith.constant 0 : i32
      %dma_start3A_69 = tpu.memref_slice %arg6[%add3A_45, %dma_start3A_68] : memref<20480x128xf32, #tpu.memory_space<hbm>> -> memref<128x128xf32, #tpu.memory_space<hbm>>
      tpu.enqueue_dma source(%arg7 : memref<128x128xf32, #tpu.memory_space<vmem>>) target(%dma_start3A_69 : memref<128x128xf32, #tpu.memory_space<hbm>>) target_semaphore(%run_scoped3A : memref<!tpu.dma_semaphore, #tpu.memory_space<semaphore_mem>>)
      %dma_wait3A = arith.constant 0 : i32
      %dma_wait3A_70 = tpu.memref_slice %arg6[%add3A_45, %dma_wait3A] : memref<20480x128xf32, #tpu.memory_space<hbm>> -> memref<128x128xf32, #tpu.memory_space<hbm>>
      %dma_wait3A_71 = arith.constant 0 : i32
      %dma_wait3A_72 = tpu.memref_slice %arg6[%add3A_45, %dma_wait3A_71] : memref<20480x128xf32, #tpu.memory_space<hbm>> -> memref<128x128xf32, #tpu.memory_space<hbm>>
      tpu.wait_dma2 semaphore(%run_scoped3A : memref<!tpu.dma_semaphore, #tpu.memory_space<semaphore_mem>>) src(%arg7 : memref<128x128xf32, #tpu.memory_space<vmem>>) dst(%dma_wait3A_72 : memref<128x128xf32, #tpu.memory_space<hbm>>)
      tpu.yield
    }) : () -> ()
    %mul3A_46 = arith.constant 640 : i32
    %mul3A_47 = arith.muli %arg1, %mul3A_46 : i32
    %add3A_48 = arith.constant 256 : i32
    %add3A_49 = arith.addi %mul3A_47, %add3A_48 : i32
    "tpu.region"() ({
      %run_scoped3A = tpu.sem_alloc : memref<!tpu.dma_semaphore, #tpu.memory_space<semaphore_mem>>
      %dma_start3A = arith.constant 0 : i32
      %dma_start3A_67 = tpu.memref_slice %arg11[%add3A_49, %dma_start3A] : memref<10240x128xf32, #tpu.memory_space<vmem_shared>> -> memref<128x128xf32, #tpu.memory_space<vmem_shared>>
      %dma_start3A_68 = arith.constant 0 : i32
      %dma_start3A_69 = tpu.memref_slice %arg11[%add3A_49, %dma_start3A_68] : memref<10240x128xf32, #tpu.memory_space<vmem_shared>> -> memref<128x128xf32, #tpu.memory_space<vmem_shared>>
      tpu.enqueue_dma source(%dma_start3A_69 : memref<128x128xf32, #tpu.memory_space<vmem_shared>>) target(%arg7 : memref<128x128xf32, #tpu.memory_space<vmem>>) target_semaphore(%run_scoped3A : memref<!tpu.dma_semaphore, #tpu.memory_space<semaphore_mem>>)
      %dma_wait3A = arith.constant 0 : i32
      %dma_wait3A_70 = tpu.memref_slice %arg11[%add3A_49, %dma_wait3A] : memref<10240x128xf32, #tpu.memory_space<vmem_shared>> -> memref<128x128xf32, #tpu.memory_space<vmem_shared>>
      %dma_wait3A_71 = arith.constant 0 : i32
      %dma_wait3A_72 = tpu.memref_slice %arg11[%add3A_49, %dma_wait3A_71] : memref<10240x128xf32, #tpu.memory_space<vmem_shared>> -> memref<128x128xf32, #tpu.memory_space<vmem_shared>>
      tpu.wait_dma2 semaphore(%run_scoped3A : memref<!tpu.dma_semaphore, #tpu.memory_space<semaphore_mem>>) src(%dma_wait3A_72 : memref<128x128xf32, #tpu.memory_space<vmem_shared>>) dst(%arg7 : memref<128x128xf32, #tpu.memory_space<vmem>>)
      tpu.yield
    }) : () -> ()
    %mul3A_50 = arith.constant 10240 : i32
    %mul3A_51 = arith.muli %arg0, %mul3A_50 : i32
    %add3A_52 = arith.addi %mul3A_51, %add3A_49 : i32
    "tpu.region"() ({
      %run_scoped3A = tpu.sem_alloc : memref<!tpu.dma_semaphore, #tpu.memory_space<semaphore_mem>>
      %dma_start3A = arith.constant 0 : i32
      %dma_start3A_67 = tpu.memref_slice %arg6[%add3A_52, %dma_start3A] : memref<20480x128xf32, #tpu.memory_space<hbm>> -> memref<128x128xf32, #tpu.memory_space<hbm>>
      %dma_start3A_68 = arith.constant 0 : i32
      %dma_start3A_69 = tpu.memref_slice %arg6[%add3A_52, %dma_start3A_68] : memref<20480x128xf32, #tpu.memory_space<hbm>> -> memref<128x128xf32, #tpu.memory_space<hbm>>
      tpu.enqueue_dma source(%arg7 : memref<128x128xf32, #tpu.memory_space<vmem>>) target(%dma_start3A_69 : memref<128x128xf32, #tpu.memory_space<hbm>>) target_semaphore(%run_scoped3A : memref<!tpu.dma_semaphore, #tpu.memory_space<semaphore_mem>>)
      %dma_wait3A = arith.constant 0 : i32
      %dma_wait3A_70 = tpu.memref_slice %arg6[%add3A_52, %dma_wait3A] : memref<20480x128xf32, #tpu.memory_space<hbm>> -> memref<128x128xf32, #tpu.memory_space<hbm>>
      %dma_wait3A_71 = arith.constant 0 : i32
      %dma_wait3A_72 = tpu.memref_slice %arg6[%add3A_52, %dma_wait3A_71] : memref<20480x128xf32, #tpu.memory_space<hbm>> -> memref<128x128xf32, #tpu.memory_space<hbm>>
      tpu.wait_dma2 semaphore(%run_scoped3A : memref<!tpu.dma_semaphore, #tpu.memory_space<semaphore_mem>>) src(%arg7 : memref<128x128xf32, #tpu.memory_space<vmem>>) dst(%dma_wait3A_72 : memref<128x128xf32, #tpu.memory_space<hbm>>)
      tpu.yield
    }) : () -> ()
    %mul3A_53 = arith.constant 640 : i32
    %mul3A_54 = arith.muli %arg1, %mul3A_53 : i32
    %add3A_55 = arith.constant 384 : i32
    %add3A_56 = arith.addi %mul3A_54, %add3A_55 : i32
    "tpu.region"() ({
      %run_scoped3A = tpu.sem_alloc : memref<!tpu.dma_semaphore, #tpu.memory_space<semaphore_mem>>
      %dma_start3A = arith.constant 0 : i32
      %dma_start3A_67 = tpu.memref_slice %arg11[%add3A_56, %dma_start3A] : memref<10240x128xf32, #tpu.memory_space<vmem_shared>> -> memref<128x128xf32, #tpu.memory_space<vmem_shared>>
      %dma_start3A_68 = arith.constant 0 : i32
      %dma_start3A_69 = tpu.memref_slice %arg11[%add3A_56, %dma_start3A_68] : memref<10240x128xf32, #tpu.memory_space<vmem_shared>> -> memref<128x128xf32, #tpu.memory_space<vmem_shared>>
      tpu.enqueue_dma source(%dma_start3A_69 : memref<128x128xf32, #tpu.memory_space<vmem_shared>>) target(%arg7 : memref<128x128xf32, #tpu.memory_space<vmem>>) target_semaphore(%run_scoped3A : memref<!tpu.dma_semaphore, #tpu.memory_space<semaphore_mem>>)
      %dma_wait3A = arith.constant 0 : i32
      %dma_wait3A_70 = tpu.memref_slice %arg11[%add3A_56, %dma_wait3A] : memref<10240x128xf32, #tpu.memory_space<vmem_shared>> -> memref<128x128xf32, #tpu.memory_space<vmem_shared>>
      %dma_wait3A_71 = arith.constant 0 : i32
      %dma_wait3A_72 = tpu.memref_slice %arg11[%add3A_56, %dma_wait3A_71] : memref<10240x128xf32, #tpu.memory_space<vmem_shared>> -> memref<128x128xf32, #tpu.memory_space<vmem_shared>>
      tpu.wait_dma2 semaphore(%run_scoped3A : memref<!tpu.dma_semaphore, #tpu.memory_space<semaphore_mem>>) src(%dma_wait3A_72 : memref<128x128xf32, #tpu.memory_space<vmem_shared>>) dst(%arg7 : memref<128x128xf32, #tpu.memory_space<vmem>>)
      tpu.yield
    }) : () -> ()
    %mul3A_57 = arith.constant 10240 : i32
    %mul3A_58 = arith.muli %arg0, %mul3A_57 : i32
    %add3A_59 = arith.addi %mul3A_58, %add3A_56 : i32
    "tpu.region"() ({
      %run_scoped3A = tpu.sem_alloc : memref<!tpu.dma_semaphore, #tpu.memory_space<semaphore_mem>>
      %dma_start3A = arith.constant 0 : i32
      %dma_start3A_67 = tpu.memref_slice %arg6[%add3A_59, %dma_start3A] : memref<20480x128xf32, #tpu.memory_space<hbm>> -> memref<128x128xf32, #tpu.memory_space<hbm>>
      %dma_start3A_68 = arith.constant 0 : i32
      %dma_start3A_69 = tpu.memref_slice %arg6[%add3A_59, %dma_start3A_68] : memref<20480x128xf32, #tpu.memory_space<hbm>> -> memref<128x128xf32, #tpu.memory_space<hbm>>
      tpu.enqueue_dma source(%arg7 : memref<128x128xf32, #tpu.memory_space<vmem>>) target(%dma_start3A_69 : memref<128x128xf32, #tpu.memory_space<hbm>>) target_semaphore(%run_scoped3A : memref<!tpu.dma_semaphore, #tpu.memory_space<semaphore_mem>>)
      %dma_wait3A = arith.constant 0 : i32
      %dma_wait3A_70 = tpu.memref_slice %arg6[%add3A_59, %dma_wait3A] : memref<20480x128xf32, #tpu.memory_space<hbm>> -> memref<128x128xf32, #tpu.memory_space<hbm>>
      %dma_wait3A_71 = arith.constant 0 : i32
      %dma_wait3A_72 = tpu.memref_slice %arg6[%add3A_59, %dma_wait3A_71] : memref<20480x128xf32, #tpu.memory_space<hbm>> -> memref<128x128xf32, #tpu.memory_space<hbm>>
      tpu.wait_dma2 semaphore(%run_scoped3A : memref<!tpu.dma_semaphore, #tpu.memory_space<semaphore_mem>>) src(%arg7 : memref<128x128xf32, #tpu.memory_space<vmem>>) dst(%dma_wait3A_72 : memref<128x128xf32, #tpu.memory_space<hbm>>)
      tpu.yield
    }) : () -> ()
    %mul3A_60 = arith.constant 640 : i32
    %mul3A_61 = arith.muli %arg1, %mul3A_60 : i32
    %add3A_62 = arith.constant 512 : i32
    %add3A_63 = arith.addi %mul3A_61, %add3A_62 : i32
    "tpu.region"() ({
      %run_scoped3A = tpu.sem_alloc : memref<!tpu.dma_semaphore, #tpu.memory_space<semaphore_mem>>
      %dma_start3A = arith.constant 0 : i32
      %dma_start3A_67 = tpu.memref_slice %arg11[%add3A_63, %dma_start3A] : memref<10240x128xf32, #tpu.memory_space<vmem_shared>> -> memref<128x128xf32, #tpu.memory_space<vmem_shared>>
      %dma_start3A_68 = arith.constant 0 : i32
      %dma_start3A_69 = tpu.memref_slice %arg11[%add3A_63, %dma_start3A_68] : memref<10240x128xf32, #tpu.memory_space<vmem_shared>> -> memref<128x128xf32, #tpu.memory_space<vmem_shared>>
      tpu.enqueue_dma source(%dma_start3A_69 : memref<128x128xf32, #tpu.memory_space<vmem_shared>>) target(%arg7 : memref<128x128xf32, #tpu.memory_space<vmem>>) target_semaphore(%run_scoped3A : memref<!tpu.dma_semaphore, #tpu.memory_space<semaphore_mem>>)
      %dma_wait3A = arith.constant 0 : i32
      %dma_wait3A_70 = tpu.memref_slice %arg11[%add3A_63, %dma_wait3A] : memref<10240x128xf32, #tpu.memory_space<vmem_shared>> -> memref<128x128xf32, #tpu.memory_space<vmem_shared>>
      %dma_wait3A_71 = arith.constant 0 : i32
      %dma_wait3A_72 = tpu.memref_slice %arg11[%add3A_63, %dma_wait3A_71] : memref<10240x128xf32, #tpu.memory_space<vmem_shared>> -> memref<128x128xf32, #tpu.memory_space<vmem_shared>>
      tpu.wait_dma2 semaphore(%run_scoped3A : memref<!tpu.dma_semaphore, #tpu.memory_space<semaphore_mem>>) src(%dma_wait3A_72 : memref<128x128xf32, #tpu.memory_space<vmem_shared>>) dst(%arg7 : memref<128x128xf32, #tpu.memory_space<vmem>>)
      tpu.yield
    }) : () -> ()
    %mul3A_64 = arith.constant 10240 : i32
    %mul3A_65 = arith.muli %arg0, %mul3A_64 : i32
    %add3A_66 = arith.addi %mul3A_65, %add3A_63 : i32
    "tpu.region"() ({
      %run_scoped3A = tpu.sem_alloc : memref<!tpu.dma_semaphore, #tpu.memory_space<semaphore_mem>>
      %dma_start3A = arith.constant 0 : i32
      %dma_start3A_67 = tpu.memref_slice %arg6[%add3A_66, %dma_start3A] : memref<20480x128xf32, #tpu.memory_space<hbm>> -> memref<128x128xf32, #tpu.memory_space<hbm>>
      %dma_start3A_68 = arith.constant 0 : i32
      %dma_start3A_69 = tpu.memref_slice %arg6[%add3A_66, %dma_start3A_68] : memref<20480x128xf32, #tpu.memory_space<hbm>> -> memref<128x128xf32, #tpu.memory_space<hbm>>
      tpu.enqueue_dma source(%arg7 : memref<128x128xf32, #tpu.memory_space<vmem>>) target(%dma_start3A_69 : memref<128x128xf32, #tpu.memory_space<hbm>>) target_semaphore(%run_scoped3A : memref<!tpu.dma_semaphore, #tpu.memory_space<semaphore_mem>>)
      %dma_wait3A = arith.constant 0 : i32
      %dma_wait3A_70 = tpu.memref_slice %arg6[%add3A_66, %dma_wait3A] : memref<20480x128xf32, #tpu.memory_space<hbm>> -> memref<128x128xf32, #tpu.memory_space<hbm>>
      %dma_wait3A_71 = arith.constant 0 : i32
      %dma_wait3A_72 = tpu.memref_slice %arg6[%add3A_66, %dma_wait3A_71] : memref<20480x128xf32, #tpu.memory_space<hbm>> -> memref<128x128xf32, #tpu.memory_space<hbm>>
      tpu.wait_dma2 semaphore(%run_scoped3A : memref<!tpu.dma_semaphore, #tpu.memory_space<semaphore_mem>>) src(%arg7 : memref<128x128xf32, #tpu.memory_space<vmem>>) dst(%dma_wait3A_72 : memref<128x128xf32, #tpu.memory_space<hbm>>)
      tpu.yield
    }) : () -> ()
    return
  }
}

module attributes {stable_mosaic.version = 14 : i64} {
  func.func @_dense1_body(%arg0: i32, %arg1: memref<1024x128xf32, #tpu.memory_space<vmem>>, %arg2: memref<128x256xf32, #tpu.memory_space<vmem>>, %arg3: memref<1x256xf32, #tpu.memory_space<vmem>>, %arg4: memref<1x256xf32, #tpu.memory_space<vmem>>, %arg5: memref<2x1024x128xf32, #tpu.memory_space<vmem>>, %arg6: memref<1024xf32, #tpu.memory_space<vmem>>, %arg7: memref<1024xf32, #tpu.memory_space<vmem>>, %arg8: memref<16xf32, #tpu.memory_space<vmem>>, %arg9: memref<1xf32, #tpu.memory_space<smem>>) attributes {dimension_semantics = [#tpu.dimension_semantics<arbitrary>], iteration_bounds = array<i64: 10>, scalar_prefetch = 0 : i64, scratch_operands = 1 : i64, tpu.core_type = #tpu.core_type<tc>, window_params = [{transform_indices = @transform_0, window_bounds = array<i64: 1024, 128>}, {pipeline_mode = #tpu.pipeline_mode<synchronous>, transform_indices = @transform_1, window_bounds = array<i64: 128, 256>}, {pipeline_mode = #tpu.pipeline_mode<synchronous>, transform_indices = @transform_2, window_bounds = array<i64: 1, 256>}, {pipeline_mode = #tpu.pipeline_mode<synchronous>, transform_indices = @transform_3, window_bounds = array<i64: 1, 256>}, {transform_indices = @transform_4, window_bounds = array<i64: 2, 1024, 128>}, {transform_indices = @transform_5, window_bounds = array<i64: 1024>}, {transform_indices = @transform_6, window_bounds = array<i64: 1024>}, {pipeline_mode = #tpu.pipeline_mode<synchronous>, transform_indices = @transform_7, window_bounds = array<i64: 16>}]} {
    %get3A = arith.constant 0 : index
    %get3A_0 = arith.constant 0 : index
    %get3A_1 = vector.load %arg1[%get3A, %get3A_0] : memref<1024x128xf32, #tpu.memory_space<vmem>>, vector<1024x128xf32>
    %get3A_2 = arith.constant 0 : index
    %get3A_3 = arith.constant 0 : index
    %get3A_4 = vector.load %arg2[%get3A_2, %get3A_3] : memref<128x256xf32, #tpu.memory_space<vmem>>, vector<128x256xf32>
    %dot_general3A = arith.constant dense<0.000000e+00> : vector<1024x256xf32>
    %dot_general3A_5 = tpu.matmul %get3A_1, %get3A_4, %dot_general3A {dimension_numbers = #tpu.dot_dimension_numbers<[1], [0], [0], [1], [0, 0, 1, 1], [], []>, transpose_lhs_hint = false} : vector<1024x128xf32>, vector<128x256xf32>, vector<1024x256xf32> -> vector<1024x256xf32>
    %slice3A = vector.extract_strided_slice %dot_general3A_5 {offsets = [0, 0], sizes = [1024, 128], strides = [1, 1]} : vector<1024x256xf32> to vector<1024x128xf32>
    %swap3A = arith.constant 0 : index
    %swap3A_6 = arith.constant 0 : index
    %swap3A_7 = arith.constant 0 : index
    %swap3A_8 = vector.load %arg5[%swap3A, %swap3A_6, %swap3A_7] : memref<2x1024x128xf32, #tpu.memory_space<vmem>>, vector<1x1024x128xf32>
    %swap3A_9 = vector.shape_cast %swap3A_8 : vector<1x1024x128xf32> to vector<1024x128xf32>
    %swap3A_10 = vector.shape_cast %slice3A : vector<1024x128xf32> to vector<1x1024x128xf32>
    tpu.vector_store %arg5[%swap3A, %swap3A_6, %swap3A_7], %swap3A_10 {strides = array<i32>} : memref<2x1024x128xf32, #tpu.memory_space<vmem>>, vector<1x1024x128xf32>,
    %slice3A_11 = vector.extract_strided_slice %dot_general3A_5 {offsets = [0, 128], sizes = [1024, 128], strides = [1, 1]} : vector<1024x256xf32> to vector<1024x128xf32>
    %swap3A_12 = arith.constant 1 : index
    %swap3A_13 = arith.constant 0 : index
    %swap3A_14 = arith.constant 0 : index
    %swap3A_15 = vector.load %arg5[%swap3A_12, %swap3A_13, %swap3A_14] : memref<2x1024x128xf32, #tpu.memory_space<vmem>>, vector<1x1024x128xf32>
    %swap3A_16 = vector.shape_cast %swap3A_15 : vector<1x1024x128xf32> to vector<1024x128xf32>
    %swap3A_17 = vector.shape_cast %slice3A_11 : vector<1024x128xf32> to vector<1x1024x128xf32>
    tpu.vector_store %arg5[%swap3A_12, %swap3A_13, %swap3A_14], %swap3A_17 {strides = array<i32>} : memref<2x1024x128xf32, #tpu.memory_space<vmem>>, vector<1x1024x128xf32>,
    %get3A_18 = arith.constant 0 : index
    %get3A_19 = arith.constant 0 : index
    %get3A_20 = vector.load %arg3[%get3A_18, %get3A_19] : memref<1x256xf32, #tpu.memory_space<vmem>>, vector<1x256xf32>
    %mul3A = vector.broadcast %get3A_20 : vector<1x256xf32> to vector<1024x256xf32>
    %mul3A_21 = arith.mulf %dot_general3A_5, %mul3A : vector<1024x256xf32>
    %reduce_sum3A = arith.constant dense<0.000000e+00> : vector<1024xf32>
    %reduce_sum3A_22 = vector.multi_reduction <add>, %mul3A_21, %reduce_sum3A [1] : vector<1024x256xf32> to vector<1024xf32>
    %get3A_23 = arith.constant 0 : index
    %get3A_24 = arith.constant 0 : index
    %get3A_25 = vector.load %arg4[%get3A_23, %get3A_24] : memref<1x256xf32, #tpu.memory_space<vmem>>, vector<1x256xf32>
    %mul3A_26 = vector.broadcast %get3A_25 : vector<1x256xf32> to vector<1024x256xf32>
    %mul3A_27 = arith.mulf %dot_general3A_5, %mul3A_26 : vector<1024x256xf32>
    %reduce_sum3A_28 = arith.constant dense<0.000000e+00> : vector<1024xf32>
    %reduce_sum3A_29 = vector.multi_reduction <add>, %mul3A_27, %reduce_sum3A_28 [1] : vector<1024x256xf32> to vector<1024xf32>
    %swap3A_30 = arith.constant 0 : index
    %swap3A_31 = vector.load %arg6[%swap3A_30] : memref<1024xf32, #tpu.memory_space<vmem>>, vector<1024xf32>
    tpu.vector_store %arg6[%swap3A_30], %reduce_sum3A_22 {strides = array<i32>} : memref<1024xf32, #tpu.memory_space<vmem>>, vector<1024xf32>,
    %swap3A_32 = arith.constant 0 : index
    %swap3A_33 = vector.load %arg7[%swap3A_32] : memref<1024xf32, #tpu.memory_space<vmem>>, vector<1024xf32>
    tpu.vector_store %arg7[%swap3A_32], %reduce_sum3A_29 {strides = array<i32>} : memref<1024xf32, #tpu.memory_space<vmem>>, vector<1024xf32>,
    %reduce_max3A = vector.shape_cast %reduce_sum3A_22 : vector<1024xf32> to vector<1x1024xf32>
    %reduce_max3A_34 = arith.constant dense<0xFF800000> : vector<1xf32>
    %reduce_max3A_35 = vector.multi_reduction <maximumf>, %reduce_max3A, %reduce_max3A_34 [1] : vector<1x1024xf32> to vector<1xf32>
    %reduce_max3A_36 = vector.shape_cast %reduce_max3A_35 : vector<1xf32> to vector<1x1xf32>
    %reduce_max3A_37 = vector.extract %reduce_max3A_36[0, 0] : f32 from vector<1x1xf32>
    %eq3A = arith.constant 0 : i32
    %eq3A_38 = arith.cmpi eq, %arg0, %eq3A : i32
    %convert_element_type3A = arith.extui %eq3A_38 : i1 to i32
    %cond3A = arith.constant 0 : i32
    %cond3A_39 = arith.cmpi ne, %convert_element_type3A, %cond3A : i32
    scf.if %cond3A_39 {
      %swap3A_49 = arith.constant 0 : index
      %swap3A_50 = memref.load %arg9[%swap3A_49] : memref<1xf32, #tpu.memory_space<smem>>
      memref.store %reduce_max3A_37, %arg9[%swap3A_49] : memref<1xf32, #tpu.memory_space<smem>>
    } else {
    }
    %gt3A = arith.constant 0 : i32
    %gt3A_40 = arith.cmpi sgt, %arg0, %gt3A : i32
    %convert_element_type3A_41 = arith.extui %gt3A_40 : i1 to i32
    %cond3A_42 = arith.constant 0 : i32
    %cond3A_43 = arith.cmpi ne, %convert_element_type3A_41, %cond3A_42 : i32
    scf.if %cond3A_43 {
      %get3A_49 = arith.constant 0 : index
      %get3A_50 = memref.load %arg9[%get3A_49] : memref<1xf32, #tpu.memory_space<smem>>
      %max3A = arith.maximumf %get3A_50, %reduce_max3A_37 : f32
      %swap3A_51 = arith.constant 0 : index
      %swap3A_52 = memref.load %arg9[%swap3A_51] : memref<1xf32, #tpu.memory_space<smem>>
      memref.store %max3A, %arg9[%swap3A_51] : memref<1xf32, #tpu.memory_space<smem>>
    } else {
    }
    %eq3A_44 = arith.constant 9 : i32
    %eq3A_45 = arith.cmpi eq, %arg0, %eq3A_44 : i32
    %convert_element_type3A_46 = arith.extui %eq3A_45 : i1 to i32
    %cond3A_47 = arith.constant 0 : i32
    %cond3A_48 = arith.cmpi ne, %convert_element_type3A_46, %cond3A_47 : i32
    scf.if %cond3A_48 {
      %get3A_49 = arith.constant 0 : index
      %get3A_50 = memref.load %arg9[%get3A_49] : memref<1xf32, #tpu.memory_space<smem>>
      %broadcast_in_dim3A = vector.broadcast %get3A_50 : f32 to vector<16xf32>
      %swap3A_51 = arith.constant 0 : index
      %swap3A_52 = vector.load %arg8[%swap3A_51] : memref<16xf32, #tpu.memory_space<vmem>>, vector<16xf32>
      tpu.vector_store %arg8[%swap3A_51], %broadcast_in_dim3A {strides = array<i32>} : memref<16xf32, #tpu.memory_space<vmem>>, vector<16xf32>,
    } else {
    }
    return
  }
  func.func @transform_0(%arg0: i32) -> (i32, i32) {
    %c0_i32 = arith.constant 0 : i32
    %c0_i32_0 = arith.constant 0 : i32
    return %arg0, %c0_i32 : i32, i32
  }
  func.func @transform_1(%arg0: i32) -> (i32, i32) {
    %c0_i32 = arith.constant 0 : i32
    %c0_i32_0 = arith.constant 0 : i32
    %c0_i32_1 = arith.constant 0 : i32
    return %c0_i32, %c0_i32_0 : i32, i32
  }
  func.func @transform_2(%arg0: i32) -> (i32, i32) {
    %c0_i32 = arith.constant 0 : i32
    %c0_i32_0 = arith.constant 0 : i32
    %c0_i32_1 = arith.constant 0 : i32
    return %c0_i32, %c0_i32_0 : i32, i32
  }
  func.func @transform_3(%arg0: i32) -> (i32, i32) {
    %c0_i32 = arith.constant 0 : i32
    %c0_i32_0 = arith.constant 0 : i32
    %c0_i32_1 = arith.constant 0 : i32
    return %c0_i32, %c0_i32_0 : i32, i32
  }
  func.func @transform_4(%arg0: i32) -> (i32, i32, i32) {
    %c0_i32 = arith.constant 0 : i32
    %c0_i32_0 = arith.constant 0 : i32
    %c0_i32_1 = arith.constant 0 : i32
    return %c0_i32, %arg0, %c0_i32_0 : i32, i32, i32
  }
  func.func @transform_5(%arg0: i32) -> i32 {
    %c0_i32 = arith.constant 0 : i32
    return %arg0 : i32
  }
  func.func @transform_6(%arg0: i32) -> i32 {
    %c0_i32 = arith.constant 0 : i32
    return %arg0 : i32
  }
  func.func @transform_7(%arg0: i32) -> i32 {
    %c0_i32 = arith.constant 0 : i32
    %c0_i32_0 = arith.constant 0 : i32
    return %c0_i32 : i32
  }
}

module attributes {stable_mosaic.version = 14 : i64} {
  func.func @_dense2_body(%arg0: i32, %arg1: memref<2x1024x128xf32, #tpu.memory_space<vmem>>, %arg2: memref<32x1024xf32, #tpu.memory_space<vmem>>, %arg3: memref<1x256xf32, #tpu.memory_space<vmem>>, %arg4: memref<256x128xf32, #tpu.memory_space<vmem>>, %arg5: memref<1x128xf32, #tpu.memory_space<vmem>>, %arg6: memref<1x128xf32, #tpu.memory_space<vmem>>, %arg7: memref<256x128xf32, #tpu.memory_space<vmem>>, %arg8: memref<1x128xf32, #tpu.memory_space<vmem>>, %arg9: memref<1x128xf32, #tpu.memory_space<vmem>>, %arg10: memref<2x1024x128xf32, #tpu.memory_space<vmem>>, %arg11: memref<1024xf32, #tpu.memory_space<vmem>>, %arg12: memref<1024xf32, #tpu.memory_space<vmem>>, %arg13: memref<16xf32, #tpu.memory_space<vmem>>, %arg14: memref<1024xf32, #tpu.memory_space<vmem>>, %arg15: memref<1024xf32, #tpu.memory_space<vmem>>, %arg16: memref<16xf32, #tpu.memory_space<vmem>>, %arg17: memref<1xf32, #tpu.memory_space<smem>>, %arg18: memref<1xf32, #tpu.memory_space<smem>>) attributes {dimension_semantics = [#tpu.dimension_semantics<arbitrary>], iteration_bounds = array<i64: 10>, scalar_prefetch = 0 : i64, scratch_operands = 2 : i64, tpu.core_type = #tpu.core_type<tc>, window_params = [{transform_indices = @transform_0, window_bounds = array<i64: 2, 1024, 128>}, {transform_indices = @transform_1, window_bounds = array<i64: 32, 1024>}, {pipeline_mode = #tpu.pipeline_mode<synchronous>, transform_indices = @transform_2, window_bounds = array<i64: 1, 256>}, {pipeline_mode = #tpu.pipeline_mode<synchronous>, transform_indices = @transform_3, window_bounds = array<i64: 256, 128>}, {pipeline_mode = #tpu.pipeline_mode<synchronous>, transform_indices = @transform_4, window_bounds = array<i64: 1, 128>}, {pipeline_mode = #tpu.pipeline_mode<synchronous>, transform_indices = @transform_5, window_bounds = array<i64: 1, 128>}, {pipeline_mode = #tpu.pipeline_mode<synchronous>, transform_indices = @transform_6, window_bounds = array<i64: 256, 128>}, {pipeline_mode = #tpu.pipeline_mode<synchronous>, transform_indices = @transform_7, window_bounds = array<i64: 1, 128>}, {pipeline_mode = #tpu.pipeline_mode<synchronous>, transform_indices = @transform_8, window_bounds = array<i64: 1, 128>}, {transform_indices = @transform_9, window_bounds = array<i64: 2, 1024, 128>}, {transform_indices = @transform_10, window_bounds = array<i64: 1024>}, {transform_indices = @transform_11, window_bounds = array<i64: 1024>}, {pipeline_mode = #tpu.pipeline_mode<synchronous>, transform_indices = @transform_12, window_bounds = array<i64: 16>}, {transform_indices = @transform_13, window_bounds = array<i64: 1024>}, {transform_indices = @transform_14, window_bounds = array<i64: 1024>}, {pipeline_mode = #tpu.pipeline_mode<synchronous>, transform_indices = @transform_15, window_bounds = array<i64: 16>}]} {
    %get3A = arith.constant 0 : index
    %get3A_0 = arith.constant 0 : index
    %get3A_1 = vector.load %arg2[%get3A, %get3A_0] : memref<32x1024xf32, #tpu.memory_space<vmem>>, vector<32x1024xf32>
    %reduce_sum3A = arith.constant dense<0.000000e+00> : vector<1024xf32>
    %reduce_sum3A_2 = vector.multi_reduction <add>, %get3A_1, %reduce_sum3A [0] : vector<32x1024xf32> to vector<1024xf32>
    %add3A = arith.constant 1.000000e-16 : f32
    %add3A_3 = vector.broadcast %add3A : f32 to vector<1024xf32>
    %add3A_4 = arith.addf %reduce_sum3A_2, %add3A_3 : vector<1024xf32>
    %div3A = arith.constant 1.000000e+00 : f32
    %div3A_5 = vector.broadcast %div3A : f32 to vector<1024xf32>
    %div3A_6 = arith.divf %div3A_5, %add3A_4 : vector<1024xf32>
    %get3A_7 = arith.constant 0 : index
    %get3A_8 = arith.constant 0 : index
    %get3A_9 = arith.constant 0 : index
    %get3A_10 = vector.load %arg1[%get3A_7, %get3A_8, %get3A_9] : memref<2x1024x128xf32, #tpu.memory_space<vmem>>, vector<1x1024x128xf32>
    %get3A_11 = vector.shape_cast %get3A_10 : vector<1x1024x128xf32> to vector<1024x128xf32>
    %broadcast_in_dim3A = vector.shape_cast %div3A_6 : vector<1024xf32> to vector<1024x1xf32>
    %mul3A = vector.broadcast %broadcast_in_dim3A : vector<1024x1xf32> to vector<1024x128xf32>
    %mul3A_12 = arith.mulf %get3A_11, %mul3A : vector<1024x128xf32>
    %get3A_13 = arith.constant 1 : index
    %get3A_14 = arith.constant 0 : index
    %get3A_15 = arith.constant 0 : index
    %get3A_16 = vector.load %arg1[%get3A_13, %get3A_14, %get3A_15] : memref<2x1024x128xf32, #tpu.memory_space<vmem>>, vector<1x1024x128xf32>
    %get3A_17 = vector.shape_cast %get3A_16 : vector<1x1024x128xf32> to vector<1024x128xf32>
    %broadcast_in_dim3A_18 = vector.shape_cast %div3A_6 : vector<1024xf32> to vector<1024x1xf32>
    %mul3A_19 = vector.broadcast %broadcast_in_dim3A_18 : vector<1024x1xf32> to vector<1024x128xf32>
    %mul3A_20 = arith.mulf %get3A_17, %mul3A_19 : vector<1024x128xf32>
    %concatenate3A = tpu.concatenate %mul3A_12, %mul3A_20 in 1 : vector<1024x128xf32>, vector<1024x128xf32> -> vector<1024x256xf32>
    %get3A_21 = arith.constant 0 : index
    %get3A_22 = arith.constant 0 : index
    %get3A_23 = vector.load %arg3[%get3A_21, %get3A_22] : memref<1x256xf32, #tpu.memory_space<vmem>>, vector<1x256xf32>
    %add3A_24 = vector.broadcast %get3A_23 : vector<1x256xf32> to vector<1024x256xf32>
    %add3A_25 = arith.addf %concatenate3A, %add3A_24 : vector<1024x256xf32>
    %max3A = arith.constant 0.000000e+00 : f32
    %max3A_26 = vector.broadcast %max3A : f32 to vector<1024x256xf32>
    %max3A_27 = arith.maximumf %add3A_25, %max3A_26 : vector<1024x256xf32>
    %get3A_28 = arith.constant 0 : index
    %get3A_29 = arith.constant 0 : index
    %get3A_30 = vector.load %arg4[%get3A_28, %get3A_29] : memref<256x128xf32, #tpu.memory_space<vmem>>, vector<256x128xf32>
    %dot_general3A = arith.constant dense<0.000000e+00> : vector<1024x128xf32>
    %dot_general3A_31 = tpu.matmul %max3A_27, %get3A_30, %dot_general3A {dimension_numbers = #tpu.dot_dimension_numbers<[1], [0], [0], [1], [0, 0, 1, 1], [], []>, transpose_lhs_hint = false} : vector<1024x256xf32>, vector<256x128xf32>, vector<1024x128xf32> -> vector<1024x128xf32>
    %get3A_32 = arith.constant 0 : index
    %get3A_33 = arith.constant 0 : index
    %get3A_34 = vector.load %arg7[%get3A_32, %get3A_33] : memref<256x128xf32, #tpu.memory_space<vmem>>, vector<256x128xf32>
    %dot_general3A_35 = arith.constant dense<0.000000e+00> : vector<1024x128xf32>
    %dot_general3A_36 = tpu.matmul %max3A_27, %get3A_34, %dot_general3A_35 {dimension_numbers = #tpu.dot_dimension_numbers<[1], [0], [0], [1], [0, 0, 1, 1], [], []>, transpose_lhs_hint = false} : vector<1024x256xf32>, vector<256x128xf32>, vector<1024x128xf32> -> vector<1024x128xf32>
    %swap3A = arith.constant 0 : index
    %swap3A_37 = arith.constant 0 : index
    %swap3A_38 = arith.constant 0 : index
    %swap3A_39 = vector.load %arg10[%swap3A, %swap3A_37, %swap3A_38] : memref<2x1024x128xf32, #tpu.memory_space<vmem>>, vector<1x1024x128xf32>
    %swap3A_40 = vector.shape_cast %swap3A_39 : vector<1x1024x128xf32> to vector<1024x128xf32>
    %swap3A_41 = vector.shape_cast %dot_general3A_31 : vector<1024x128xf32> to vector<1x1024x128xf32>
    tpu.vector_store %arg10[%swap3A, %swap3A_37, %swap3A_38], %swap3A_41 {strides = array<i32>} : memref<2x1024x128xf32, #tpu.memory_space<vmem>>, vector<1x1024x128xf32>,
    %swap3A_42 = arith.constant 1 : index
    %swap3A_43 = arith.constant 0 : index
    %swap3A_44 = arith.constant 0 : index
    %swap3A_45 = vector.load %arg10[%swap3A_42, %swap3A_43, %swap3A_44] : memref<2x1024x128xf32, #tpu.memory_space<vmem>>, vector<1x1024x128xf32>
    %swap3A_46 = vector.shape_cast %swap3A_45 : vector<1x1024x128xf32> to vector<1024x128xf32>
    %swap3A_47 = vector.shape_cast %dot_general3A_36 : vector<1024x128xf32> to vector<1x1024x128xf32>
    tpu.vector_store %arg10[%swap3A_42, %swap3A_43, %swap3A_44], %swap3A_47 {strides = array<i32>} : memref<2x1024x128xf32, #tpu.memory_space<vmem>>, vector<1x1024x128xf32>,
    %get3A_48 = arith.constant 0 : index
    %get3A_49 = arith.constant 0 : index
    %get3A_50 = vector.load %arg5[%get3A_48, %get3A_49] : memref<1x128xf32, #tpu.memory_space<vmem>>, vector<1x128xf32>
    %mul3A_51 = vector.broadcast %get3A_50 : vector<1x128xf32> to vector<1024x128xf32>
    %mul3A_52 = arith.mulf %dot_general3A_31, %mul3A_51 : vector<1024x128xf32>
    %reduce_sum3A_53 = arith.constant dense<0.000000e+00> : vector<1024xf32>
    %reduce_sum3A_54 = vector.multi_reduction <add>, %mul3A_52, %reduce_sum3A_53 [1] : vector<1024x128xf32> to vector<1024xf32>
    %get3A_55 = arith.constant 0 : index
    %get3A_56 = arith.constant 0 : index
    %get3A_57 = vector.load %arg6[%get3A_55, %get3A_56] : memref<1x128xf32, #tpu.memory_space<vmem>>, vector<1x128xf32>
    %mul3A_58 = vector.broadcast %get3A_57 : vector<1x128xf32> to vector<1024x128xf32>
    %mul3A_59 = arith.mulf %dot_general3A_31, %mul3A_58 : vector<1024x128xf32>
    %reduce_sum3A_60 = arith.constant dense<0.000000e+00> : vector<1024xf32>
    %reduce_sum3A_61 = vector.multi_reduction <add>, %mul3A_59, %reduce_sum3A_60 [1] : vector<1024x128xf32> to vector<1024xf32>
    %get3A_62 = arith.constant 0 : index
    %get3A_63 = arith.constant 0 : index
    %get3A_64 = vector.load %arg8[%get3A_62, %get3A_63] : memref<1x128xf32, #tpu.memory_space<vmem>>, vector<1x128xf32>
    %mul3A_65 = vector.broadcast %get3A_64 : vector<1x128xf32> to vector<1024x128xf32>
    %mul3A_66 = arith.mulf %dot_general3A_36, %mul3A_65 : vector<1024x128xf32>
    %reduce_sum3A_67 = arith.constant dense<0.000000e+00> : vector<1024xf32>
    %reduce_sum3A_68 = vector.multi_reduction <add>, %mul3A_66, %reduce_sum3A_67 [1] : vector<1024x128xf32> to vector<1024xf32>
    %get3A_69 = arith.constant 0 : index
    %get3A_70 = arith.constant 0 : index
    %get3A_71 = vector.load %arg9[%get3A_69, %get3A_70] : memref<1x128xf32, #tpu.memory_space<vmem>>, vector<1x128xf32>
    %mul3A_72 = vector.broadcast %get3A_71 : vector<1x128xf32> to vector<1024x128xf32>
    %mul3A_73 = arith.mulf %dot_general3A_36, %mul3A_72 : vector<1024x128xf32>
    %reduce_sum3A_74 = arith.constant dense<0.000000e+00> : vector<1024xf32>
    %reduce_sum3A_75 = vector.multi_reduction <add>, %mul3A_73, %reduce_sum3A_74 [1] : vector<1024x128xf32> to vector<1024xf32>
    %swap3A_76 = arith.constant 0 : index
    %swap3A_77 = vector.load %arg11[%swap3A_76] : memref<1024xf32, #tpu.memory_space<vmem>>, vector<1024xf32>
    tpu.vector_store %arg11[%swap3A_76], %reduce_sum3A_54 {strides = array<i32>} : memref<1024xf32, #tpu.memory_space<vmem>>, vector<1024xf32>,
    %swap3A_78 = arith.constant 0 : index
    %swap3A_79 = vector.load %arg12[%swap3A_78] : memref<1024xf32, #tpu.memory_space<vmem>>, vector<1024xf32>
    tpu.vector_store %arg12[%swap3A_78], %reduce_sum3A_61 {strides = array<i32>} : memref<1024xf32, #tpu.memory_space<vmem>>, vector<1024xf32>,
    %swap3A_80 = arith.constant 0 : index
    %swap3A_81 = vector.load %arg14[%swap3A_80] : memref<1024xf32, #tpu.memory_space<vmem>>, vector<1024xf32>
    tpu.vector_store %arg14[%swap3A_80], %reduce_sum3A_68 {strides = array<i32>} : memref<1024xf32, #tpu.memory_space<vmem>>, vector<1024xf32>,
    %swap3A_82 = arith.constant 0 : index
    %swap3A_83 = vector.load %arg15[%swap3A_82] : memref<1024xf32, #tpu.memory_space<vmem>>, vector<1024xf32>
    tpu.vector_store %arg15[%swap3A_82], %reduce_sum3A_75 {strides = array<i32>} : memref<1024xf32, #tpu.memory_space<vmem>>, vector<1024xf32>,
    %reduce_max3A = vector.shape_cast %reduce_sum3A_54 : vector<1024xf32> to vector<1x1024xf32>
    %reduce_max3A_84 = arith.constant dense<0xFF800000> : vector<1xf32>
    %reduce_max3A_85 = vector.multi_reduction <maximumf>, %reduce_max3A, %reduce_max3A_84 [1] : vector<1x1024xf32> to vector<1xf32>
    %reduce_max3A_86 = vector.shape_cast %reduce_max3A_85 : vector<1xf32> to vector<1x1xf32>
    %reduce_max3A_87 = vector.extract %reduce_max3A_86[0, 0] : f32 from vector<1x1xf32>
    %reduce_max3A_88 = vector.shape_cast %reduce_sum3A_68 : vector<1024xf32> to vector<1x1024xf32>
    %reduce_max3A_89 = arith.constant dense<0xFF800000> : vector<1xf32>
    %reduce_max3A_90 = vector.multi_reduction <maximumf>, %reduce_max3A_88, %reduce_max3A_89 [1] : vector<1x1024xf32> to vector<1xf32>
    %reduce_max3A_91 = vector.shape_cast %reduce_max3A_90 : vector<1xf32> to vector<1x1xf32>
    %reduce_max3A_92 = vector.extract %reduce_max3A_91[0, 0] : f32 from vector<1x1xf32>
    %eq3A = arith.constant 0 : i32
    %eq3A_93 = arith.cmpi eq, %arg0, %eq3A : i32
    %convert_element_type3A = arith.extui %eq3A_93 : i1 to i32
    %cond3A = arith.constant 0 : i32
    %cond3A_94 = arith.cmpi ne, %convert_element_type3A, %cond3A : i32
    scf.if %cond3A_94 {
      %swap3A_104 = arith.constant 0 : index
      %swap3A_105 = memref.load %arg17[%swap3A_104] : memref<1xf32, #tpu.memory_space<smem>>
      memref.store %reduce_max3A_87, %arg17[%swap3A_104] : memref<1xf32, #tpu.memory_space<smem>>
      %swap3A_106 = arith.constant 0 : index
      %swap3A_107 = memref.load %arg18[%swap3A_106] : memref<1xf32, #tpu.memory_space<smem>>
      memref.store %reduce_max3A_92, %arg18[%swap3A_106] : memref<1xf32, #tpu.memory_space<smem>>
    } else {
    }
    %gt3A = arith.constant 0 : i32
    %gt3A_95 = arith.cmpi sgt, %arg0, %gt3A : i32
    %convert_element_type3A_96 = arith.extui %gt3A_95 : i1 to i32
    %cond3A_97 = arith.constant 0 : i32
    %cond3A_98 = arith.cmpi ne, %convert_element_type3A_96, %cond3A_97 : i32
    scf.if %cond3A_98 {
      %get3A_104 = arith.constant 0 : index
      %get3A_105 = memref.load %arg17[%get3A_104] : memref<1xf32, #tpu.memory_space<smem>>
      %max3A_106 = arith.maximumf %get3A_105, %reduce_max3A_87 : f32
      %swap3A_107 = arith.constant 0 : index
      %swap3A_108 = memref.load %arg17[%swap3A_107] : memref<1xf32, #tpu.memory_space<smem>>
      memref.store %max3A_106, %arg17[%swap3A_107] : memref<1xf32, #tpu.memory_space<smem>>
      %get3A_109 = arith.constant 0 : index
      %get3A_110 = memref.load %arg18[%get3A_109] : memref<1xf32, #tpu.memory_space<smem>>
      %max3A_111 = arith.maximumf %get3A_110, %reduce_max3A_92 : f32
      %swap3A_112 = arith.constant 0 : index
      %swap3A_113 = memref.load %arg18[%swap3A_112] : memref<1xf32, #tpu.memory_space<smem>>
      memref.store %max3A_111, %arg18[%swap3A_112] : memref<1xf32, #tpu.memory_space<smem>>
    } else {
    }
    %eq3A_99 = arith.constant 9 : i32
    %eq3A_100 = arith.cmpi eq, %arg0, %eq3A_99 : i32
    %convert_element_type3A_101 = arith.extui %eq3A_100 : i1 to i32
    %cond3A_102 = arith.constant 0 : i32
    %cond3A_103 = arith.cmpi ne, %convert_element_type3A_101, %cond3A_102 : i32
    scf.if %cond3A_103 {
      %get3A_104 = arith.constant 0 : index
      %get3A_105 = memref.load %arg17[%get3A_104] : memref<1xf32, #tpu.memory_space<smem>>
      %broadcast_in_dim3A_106 = vector.broadcast %get3A_105 : f32 to vector<16xf32>
      %swap3A_107 = arith.constant 0 : index
      %swap3A_108 = vector.load %arg13[%swap3A_107] : memref<16xf32, #tpu.memory_space<vmem>>, vector<16xf32>
      tpu.vector_store %arg13[%swap3A_107], %broadcast_in_dim3A_106 {strides = array<i32>} : memref<16xf32, #tpu.memory_space<vmem>>, vector<16xf32>,
      %get3A_109 = arith.constant 0 : index
      %get3A_110 = memref.load %arg18[%get3A_109] : memref<1xf32, #tpu.memory_space<smem>>
      %broadcast_in_dim3A_111 = vector.broadcast %get3A_110 : f32 to vector<16xf32>
      %swap3A_112 = arith.constant 0 : index
      %swap3A_113 = vector.load %arg16[%swap3A_112] : memref<16xf32, #tpu.memory_space<vmem>>, vector<16xf32>
      tpu.vector_store %arg16[%swap3A_112], %broadcast_in_dim3A_111 {strides = array<i32>} : memref<16xf32, #tpu.memory_space<vmem>>, vector<16xf32>,
    } else {
    }
    return
  }
  func.func @transform_0(%arg0: i32) -> (i32, i32, i32) {
    %c0_i32 = arith.constant 0 : i32
    %c0_i32_0 = arith.constant 0 : i32
    %c0_i32_1 = arith.constant 0 : i32
    return %c0_i32, %arg0, %c0_i32_0 : i32, i32, i32
  }
  func.func @transform_1(%arg0: i32) -> (i32, i32) {
    %c0_i32 = arith.constant 0 : i32
    %c0_i32_0 = arith.constant 0 : i32
    return %c0_i32, %arg0 : i32, i32
  }
  func.func @transform_2(%arg0: i32) -> (i32, i32) {
    %c0_i32 = arith.constant 0 : i32
    %c0_i32_0 = arith.constant 0 : i32
    %c0_i32_1 = arith.constant 0 : i32
    return %c0_i32, %c0_i32_0 : i32, i32
  }
  func.func @transform_3(%arg0: i32) -> (i32, i32) {
    %c0_i32 = arith.constant 0 : i32
    %c0_i32_0 = arith.constant 0 : i32
    %c0_i32_1 = arith.constant 0 : i32
    return %c0_i32, %c0_i32_0 : i32, i32
  }
  func.func @transform_4(%arg0: i32) -> (i32, i32) {
    %c0_i32 = arith.constant 0 : i32
    %c0_i32_0 = arith.constant 0 : i32
    %c0_i32_1 = arith.constant 0 : i32
    return %c0_i32, %c0_i32_0 : i32, i32
  }
  func.func @transform_5(%arg0: i32) -> (i32, i32) {
    %c0_i32 = arith.constant 0 : i32
    %c0_i32_0 = arith.constant 0 : i32
    %c0_i32_1 = arith.constant 0 : i32
    return %c0_i32, %c0_i32_0 : i32, i32
  }
  func.func @transform_6(%arg0: i32) -> (i32, i32) {
    %c0_i32 = arith.constant 0 : i32
    %c0_i32_0 = arith.constant 0 : i32
    %c0_i32_1 = arith.constant 0 : i32
    return %c0_i32, %c0_i32_0 : i32, i32
  }
  func.func @transform_7(%arg0: i32) -> (i32, i32) {
    %c0_i32 = arith.constant 0 : i32
    %c0_i32_0 = arith.constant 0 : i32
    %c0_i32_1 = arith.constant 0 : i32
    return %c0_i32, %c0_i32_0 : i32, i32
  }
  func.func @transform_8(%arg0: i32) -> (i32, i32) {
    %c0_i32 = arith.constant 0 : i32
    %c0_i32_0 = arith.constant 0 : i32
    %c0_i32_1 = arith.constant 0 : i32
    return %c0_i32, %c0_i32_0 : i32, i32
  }
  func.func @transform_9(%arg0: i32) -> (i32, i32, i32) {
    %c0_i32 = arith.constant 0 : i32
    %c0_i32_0 = arith.constant 0 : i32
    %c0_i32_1 = arith.constant 0 : i32
    return %c0_i32, %arg0, %c0_i32_0 : i32, i32, i32
  }
  func.func @transform_10(%arg0: i32) -> i32 {
    %c0_i32 = arith.constant 0 : i32
    return %arg0 : i32
  }
  func.func @transform_11(%arg0: i32) -> i32 {
    %c0_i32 = arith.constant 0 : i32
    return %arg0 : i32
  }
  func.func @transform_12(%arg0: i32) -> i32 {
    %c0_i32 = arith.constant 0 : i32
    %c0_i32_0 = arith.constant 0 : i32
    return %c0_i32 : i32
  }
  func.func @transform_13(%arg0: i32) -> i32 {
    %c0_i32 = arith.constant 0 : i32
    return %arg0 : i32
  }
  func.func @transform_14(%arg0: i32) -> i32 {
    %c0_i32 = arith.constant 0 : i32
    return %arg0 : i32
  }
  func.func @transform_15(%arg0: i32) -> i32 {
    %c0_i32 = arith.constant 0 : i32
    %c0_i32_0 = arith.constant 0 : i32
    return %c0_i32 : i32
  }
}

module attributes {stable_mosaic.version = 14 : i64} {
  func.func @_final_body(%arg0: i32, %arg1: memref<2x1024x128xf32, #tpu.memory_space<vmem>>, %arg2: memref<32x1024xf32, #tpu.memory_space<vmem>>, %arg3: memref<32x1024xf32, #tpu.memory_space<vmem>>, %arg4: memref<1x128xf32, #tpu.memory_space<vmem>>, %arg5: memref<1x128xf32, #tpu.memory_space<vmem>>, %arg6: memref<1024x128xf32, #tpu.memory_space<vmem>>, %arg7: memref<1024x128xf32, #tpu.memory_space<vmem>>) attributes {dimension_semantics = [#tpu.dimension_semantics<arbitrary>], iteration_bounds = array<i64: 10>, scalar_prefetch = 0 : i64, scratch_operands = 0 : i64, tpu.core_type = #tpu.core_type<tc>, window_params = [{transform_indices = @transform_0, window_bounds = array<i64: 2, 1024, 128>}, {transform_indices = @transform_1, window_bounds = array<i64: 32, 1024>}, {transform_indices = @transform_2, window_bounds = array<i64: 32, 1024>}, {pipeline_mode = #tpu.pipeline_mode<synchronous>, transform_indices = @transform_3, window_bounds = array<i64: 1, 128>}, {pipeline_mode = #tpu.pipeline_mode<synchronous>, transform_indices = @transform_4, window_bounds = array<i64: 1, 128>}, {transform_indices = @transform_5, window_bounds = array<i64: 1024, 128>}, {transform_indices = @transform_6, window_bounds = array<i64: 1024, 128>}]} {
    %get3A = arith.constant 0 : index
    %get3A_0 = arith.constant 0 : index
    %get3A_1 = vector.load %arg2[%get3A, %get3A_0] : memref<32x1024xf32, #tpu.memory_space<vmem>>, vector<32x1024xf32>
    %reduce_sum3A = arith.constant dense<0.000000e+00> : vector<1024xf32>
    %reduce_sum3A_2 = vector.multi_reduction <add>, %get3A_1, %reduce_sum3A [0] : vector<32x1024xf32> to vector<1024xf32>
    %get3A_3 = arith.constant 0 : index
    %get3A_4 = arith.constant 0 : index
    %get3A_5 = vector.load %arg3[%get3A_3, %get3A_4] : memref<32x1024xf32, #tpu.memory_space<vmem>>, vector<32x1024xf32>
    %reduce_sum3A_6 = arith.constant dense<0.000000e+00> : vector<1024xf32>
    %reduce_sum3A_7 = vector.multi_reduction <add>, %get3A_5, %reduce_sum3A_6 [0] : vector<32x1024xf32> to vector<1024xf32>
    %add3A = arith.constant 1.000000e-16 : f32
    %add3A_8 = vector.broadcast %add3A : f32 to vector<1024xf32>
    %add3A_9 = arith.addf %reduce_sum3A_2, %add3A_8 : vector<1024xf32>
    %div3A = arith.constant 1.000000e+00 : f32
    %div3A_10 = vector.broadcast %div3A : f32 to vector<1024xf32>
    %div3A_11 = arith.divf %div3A_10, %add3A_9 : vector<1024xf32>
    %add3A_12 = arith.constant 1.000000e-16 : f32
    %add3A_13 = vector.broadcast %add3A_12 : f32 to vector<1024xf32>
    %add3A_14 = arith.addf %reduce_sum3A_7, %add3A_13 : vector<1024xf32>
    %div3A_15 = arith.constant 1.000000e+00 : f32
    %div3A_16 = vector.broadcast %div3A_15 : f32 to vector<1024xf32>
    %div3A_17 = arith.divf %div3A_16, %add3A_14 : vector<1024xf32>
    %get3A_18 = arith.constant 0 : index
    %get3A_19 = arith.constant 0 : index
    %get3A_20 = arith.constant 0 : index
    %get3A_21 = vector.load %arg1[%get3A_18, %get3A_19, %get3A_20] : memref<2x1024x128xf32, #tpu.memory_space<vmem>>, vector<1x1024x128xf32>
    %get3A_22 = vector.shape_cast %get3A_21 : vector<1x1024x128xf32> to vector<1024x128xf32>
    %broadcast_in_dim3A = vector.shape_cast %div3A_11 : vector<1024xf32> to vector<1024x1xf32>
    %mul3A = vector.broadcast %broadcast_in_dim3A : vector<1024x1xf32> to vector<1024x128xf32>
    %mul3A_23 = arith.mulf %get3A_22, %mul3A : vector<1024x128xf32>
    %get3A_24 = arith.constant 0 : index
    %get3A_25 = arith.constant 0 : index
    %get3A_26 = vector.load %arg4[%get3A_24, %get3A_25] : memref<1x128xf32, #tpu.memory_space<vmem>>, vector<1x128xf32>
    %add3A_27 = vector.broadcast %get3A_26 : vector<1x128xf32> to vector<1024x128xf32>
    %add3A_28 = arith.addf %mul3A_23, %add3A_27 : vector<1024x128xf32>
    %swap3A = arith.constant 0 : index
    %swap3A_29 = arith.constant 0 : index
    %swap3A_30 = vector.load %arg6[%swap3A, %swap3A_29] : memref<1024x128xf32, #tpu.memory_space<vmem>>, vector<1024x128xf32>
    tpu.vector_store %arg6[%swap3A, %swap3A_29], %add3A_28 {strides = array<i32>} : memref<1024x128xf32, #tpu.memory_space<vmem>>, vector<1024x128xf32>,
    %get3A_31 = arith.constant 1 : index
    %get3A_32 = arith.constant 0 : index
    %get3A_33 = arith.constant 0 : index
    %get3A_34 = vector.load %arg1[%get3A_31, %get3A_32, %get3A_33] : memref<2x1024x128xf32, #tpu.memory_space<vmem>>, vector<1x1024x128xf32>
    %get3A_35 = vector.shape_cast %get3A_34 : vector<1x1024x128xf32> to vector<1024x128xf32>
    %broadcast_in_dim3A_36 = vector.shape_cast %div3A_17 : vector<1024xf32> to vector<1024x1xf32>
    %mul3A_37 = vector.broadcast %broadcast_in_dim3A_36 : vector<1024x1xf32> to vector<1024x128xf32>
    %mul3A_38 = arith.mulf %get3A_35, %mul3A_37 : vector<1024x128xf32>
    %get3A_39 = arith.constant 0 : index
    %get3A_40 = arith.constant 0 : index
    %get3A_41 = vector.load %arg5[%get3A_39, %get3A_40] : memref<1x128xf32, #tpu.memory_space<vmem>>, vector<1x128xf32>
    %add3A_42 = vector.broadcast %get3A_41 : vector<1x128xf32> to vector<1024x128xf32>
    %add3A_43 = arith.addf %mul3A_38, %add3A_42 : vector<1024x128xf32>
    %swap3A_44 = arith.constant 0 : index
    %swap3A_45 = arith.constant 0 : index
    %swap3A_46 = vector.load %arg7[%swap3A_44, %swap3A_45] : memref<1024x128xf32, #tpu.memory_space<vmem>>, vector<1024x128xf32>
    tpu.vector_store %arg7[%swap3A_44, %swap3A_45], %add3A_43 {strides = array<i32>} : memref<1024x128xf32, #tpu.memory_space<vmem>>, vector<1024x128xf32>,
    return
  }
  func.func @transform_0(%arg0: i32) -> (i32, i32, i32) {
    %c0_i32 = arith.constant 0 : i32
    %c0_i32_0 = arith.constant 0 : i32
    %c0_i32_1 = arith.constant 0 : i32
    return %c0_i32, %arg0, %c0_i32_0 : i32, i32, i32
  }
  func.func @transform_1(%arg0: i32) -> (i32, i32) {
    %c0_i32 = arith.constant 0 : i32
    %c0_i32_0 = arith.constant 0 : i32
    return %c0_i32, %arg0 : i32, i32
  }
  func.func @transform_2(%arg0: i32) -> (i32, i32) {
    %c0_i32 = arith.constant 0 : i32
    %c0_i32_0 = arith.constant 0 : i32
    return %c0_i32, %arg0 : i32, i32
  }
  func.func @transform_3(%arg0: i32) -> (i32, i32) {
    %c0_i32 = arith.constant 0 : i32
    %c0_i32_0 = arith.constant 0 : i32
    %c0_i32_1 = arith.constant 0 : i32
    return %c0_i32, %c0_i32_0 : i32, i32
  }
  func.func @transform_4(%arg0: i32) -> (i32, i32) {
    %c0_i32 = arith.constant 0 : i32
    %c0_i32_0 = arith.constant 0 : i32
    %c0_i32_1 = arith.constant 0 : i32
    return %c0_i32, %c0_i32_0 : i32, i32
  }
  func.func @transform_5(%arg0: i32) -> (i32, i32) {
    %c0_i32 = arith.constant 0 : i32
    %c0_i32_0 = arith.constant 0 : i32
    return %arg0, %c0_i32 : i32, i32
  }
  func.func @transform_6(%arg0: i32) -> (i32, i32) {
    %c0_i32 = arith.constant 0 : i32
    %c0_i32_0 = arith.constant 0 : i32
    return %arg0, %c0_i32 : i32, i32
  }
}

</mosaic_0001>

<sc_bundles>
// kernel: kernel.12.cloned.1.call-start
scs
__scs_entry_jumppad:
0x0: {  	(pc) =	sbr.rel $0x88, $3  }
0x1: {  	(tag) =	ssettag $0x0;
	lr =	simm.s32 $0x1  }
0x2: {  	[smem:$0x3F93] =	sst lr;
	_ =	strace $0xD0000000  }
0x3: {  	_ = 	snop  }
0x4: {  	_ = 	snop  }
0x5: {  	_ = 	snop  }
0x6: {  	_ = 	snop  }
0x7: {  	_ = 	snop  }
__scs_overlays_trampoline_lowered:
0x8: {  	[smem:$0x3FA2] =	sst s0  }
0x9: {  	[smem:$0x3FA3] =	sst s1  }
0xa: {  	[smem:$0x3FA4] =	sst s2  }
0xb: {  	[smem:$0x3FA5] =	sst s3  }
0xc: {  	[smem:$0x3FA6] =	sst s4  }
0xd: {  	[smem:$0x3FA7] =	sst s5  }
0xe: {  	[smem:$0x3FA8] =	sst s6  }
0xf: {  	[smem:$0x3FA9] =	sst s7  }
0x10: {  	[smem:$0x3FAA] =	sst s8  }
0x11: {  	[smem:$0x3FAB] =	sst s9;
	s0 =	simm.s32 @!p0 $0x0  }
0x12: {  	s1 =	sld [smem:$0x3F91];
	s0 =	simm.s32 @p0 $0x1  }
0x13: {  	[smem:$0x3FAC] =	sst s0;
	s0 =	simm.s32 @!p1 $0x0  }
0x14: {  	s2 =	sld [smem:$0x3F90];
	s0 =	simm.s32 @p1 $0x1  }
0x15: {  	[smem:$0x3FAD] =	sst s0;
	s0 =	simm.s32 @!p2 $0x0  }
0x16: {  	s3 =	sld [smem:$0x3FDB];
	s0 =	simm.s32 @p2 $0x1  }
0x17: {  	s4 =	simm.s32 $0x1BF5;
	[smem:$0x3FAF] =	sst s0  }
0x18: {  	s0 =	sld [smem:$0x3F92];
	_ =	swait.ge [sflag:s4], $0x0  }
0x19: {  	s7 =	sld [smem:$0x3F93]  }
0x1a: {  	s8 =	sadd.s32 $0xFFFFE003, lr  }
0x1b: {  	s9 =	sadd.s32 $0xFFFFFEF7, lr;
	s5 =	simm.s32 $0xFFFFFFFF;
	p2 =	slt.u32 s8, $0xFFFFF086  }
0x1c: {  	p1 =	slt.u32 s9, $0xF7A;
	s5 =	simm.s32 @!p2 $0x0  }
0x1d: {  	s5 =	simm.s32 @p1 $0x1;
	p0 =	seq.s32 s7, s2  }
0x1e: {  	s7 =	smul.u32 @!p0 $0xF7A, s2;
	p2 =	seq.s32 @!p0 s5, $0x0  }
0x1f: {  	s9 =	smul.u32 $0xF7A, s1;
	s8 =	simm.s32 @!p0 $0x1BF5;
	p2 =	por !p2, p0  }
0x20: {  	[sflag:s8] =	ssyncset.s32 @!p0 $0xFFFFF086;
	s6 =	sadd.s32 @!p0 s3, s7;
	s7 =	simm.s32 @!p0 $0x108  }
0x21: {  	s3 =	sadd.s32 s3, s9;
	s6 =	sadd.s32 @!p0 $0x88, s6;
	s7 =	simm.s32 @p2 $0x1082  }
0x22: {  	[simem:s7], [sflag:s8] =	dma.local @!p0 [hbm:s6], $0xF7A  }
0x23: {  	s9 =	sor.u32 $0xD0000000, s2;
	s6 =	simm.s32 $0x108;
	_ =	swait.ge @!p0 [sflag:s8], $0x0  }
0x24: {  	s3 =	sadd.s32 $0x88, s3;
	s6 =	simm.s32 @!p1 $0x1082;
	[sflag:s4] =	ssyncset.s32 $0xFFFFF086  }
0x25: {  	[simem:s6], [sflag:s4] =	dma.local [hbm:s3], $0xF7A  }
0x26: {  	[smem:$0x3F93] =	sst s1;
	(tag) =	ssettag s2;
	_ =	strace s9  }
0x27: {  	s1 =	sld [smem:$0x3FA3]  }
0x28: {  	s2 =	sld [smem:$0x3FA4]  }
0x29: {  	s4 =	sld [smem:$0x3FA6]  }
0x2a: {  	p0 =	seq.s32 s5, $0x0;
	s5 =	sld [smem:$0x3FA7]  }
0x2b: {  	s6 =	sld [smem:$0x3FA8]  }
0x2c: {  	s7 =	sld [smem:$0x3FA9]  }
0x2d: {  	s3 =	simm.s32 $0x108;
	s8 =	sld [smem:$0x3FAA]  }
0x2e: {  	s3 =	simm.s32 @!p0 $0x1082;
	s9 =	sld [smem:$0x3FAB]  }
0x2f: {  	lr =	sadd.s32 s0, s3;
	s0 =	sld [smem:$0x3FA2]  }
0x30: {  	s3 =	sld [smem:$0x3FA5]  }
0x31: {  	[smem:$0x3FAE] =	sst s10  }
0x32: {  	s10 =	sld [smem:$0x3FAC];
	_ =	sdelay $0x3  }
0x33: {  	p0 =	seq.s32 s10, $0x1;
	s10 =	sld [smem:$0x3FAE];
	_ =	sdelay $0x3  }
0x34: {  	[smem:$0x3FAE] =	sst s10  }
0x35: {  	s10 =	sld [smem:$0x3FAD];
	_ =	sdelay $0x3  }
0x36: {  	p1 =	seq.s32 s10, $0x1;
	s10 =	sld [smem:$0x3FAE];
	_ =	sdelay $0x3  }
0x37: {  	[smem:$0x3FAE] =	sst s10  }
0x38: {  	s10 =	sld [smem:$0x3FAF]  }
0x39: {  	_ = 	snop;
	(pc) =	sbr.ind lr, $3  }
0x3a: {  	_ = 	snop  }
0x3b: {  	_ = 	snop  }
0x3c: {  	p2 =	seq.s32 s10, $0x1;
	s10 =	sld [smem:$0x3FAE]  }
0x3d: {  	_ =	shalt  }
0x3e: {  	_ =	shalt  }
0x3f: {  	_ =	shalt  }
0x40: {  	_ =	shalt  }
0x41: {  	_ =	shalt  }
0x42: {  	_ =	shalt  }
0x43: {  	_ =	shalt  }
0x44: {  	_ =	shalt  }
0x45: {  	_ =	shalt  }
0x46: {  	_ =	shalt  }
0x47: {  	_ =	shalt  }
0x48: {  	_ =	shalt  }
0x49: {  	_ =	shalt  }
0x4a: {  	_ =	shalt  }
0x4b: {  	_ =	shalt  }
0x4c: {  	_ =	shalt  }
0x4d: {  	_ =	shalt  }
0x4e: {  	_ =	shalt  }
0x4f: {  	_ =	shalt  }
0x50: {  	_ =	shalt  }
0x51: {  	_ =	shalt  }
0x52: {  	_ =	shalt  }
0x53: {  	_ =	shalt  }
0x54: {  	_ =	shalt  }
0x55: {  	_ =	shalt  }
0x56: {  	_ =	shalt  }
0x57: {  	_ =	shalt  }
0x58: {  	_ =	shalt  }
0x59: {  	_ =	shalt  }
0x5a: {  	_ =	shalt  }
0x5b: {  	_ =	shalt  }
0x5c: {  	_ =	shalt  }
0x5d: {  	_ =	shalt  }
0x5e: {  	_ =	shalt  }
0x5f: {  	_ =	shalt  }
0x60: {  	_ =	shalt  }
0x61: {  	_ =	shalt  }
0x62: {  	_ =	shalt  }
0x63: {  	_ =	shalt  }
0x64: {  	_ =	shalt  }
0x65: {  	_ =	shalt  }
0x66: {  	_ =	shalt  }
0x67: {  	_ =	shalt  }
0x68: {  	_ =	shalt  }
0x69: {  	_ =	shalt  }
0x6a: {  	_ =	shalt  }
0x6b: {  	_ =	shalt  }
0x6c: {  	_ =	shalt  }
0x6d: {  	_ =	shalt  }
0x6e: {  	_ =	shalt  }
0x6f: {  	_ =	shalt  }
0x70: {  	_ =	shalt  }
0x71: {  	_ =	shalt  }
0x72: {  	_ =	shalt  }
0x73: {  	_ =	shalt  }
0x74: {  	_ =	shalt  }
0x75: {  	_ =	shalt  }
0x76: {  	_ =	shalt  }
0x77: {  	_ =	shalt  }
0x78: {  	_ =	shalt  }
0x79: {  	_ =	shalt  }
0x7a: {  	_ =	shalt  }
0x7b: {  	_ =	shalt  }
0x7c: {  	_ =	shalt  }
0x7d: {  	_ =	shalt  }
0x7e: {  	_ =	shalt  }
0x7f: {  	_ =	shalt  }
0x80: {  	_ =	shalt  }
0x81: {  	_ =	shalt  }
0x82: {  	_ =	shalt  }
0x83: {  	_ =	shalt  }
0x84: {  	_ =	shalt  }
0x85: {  	_ =	shalt  }
0x86: {  	_ =	shalt  }
0x87: {  	_ =	shalt  }
.Lfunc_end0:
.L_simem_size_0:
called_computation.1_lowered:
.L_overlay_start_0:
0x88: {  	s2 =	sld [smem:$0x3FD9]  }
0x89: {  	s3 =	sld [smem:$0x3FFE];
	_ =	sdelay $0x1  }
0x8a: {  	s1 =	srdreg.scid  }
0x8b: {  	s0 =	sand.u32 $0x1, s1  }
0x8c: {  	s14 =	sshll.u32 s0, $0xA;
	s2 =	sadd.s32 s3, s2  }
0x8d: {  	s2 =	sadd.s32 s2, s14  }
0x8e: {  	[smem:$0x3FBA] =	sst s2  }
0x8f: {  	_ = 	snop  }
0x90: {  	s2 =	sld [smem:$0x3FD0];
	_ =	sdelay $0x2  }
0x91: {  	s15 =	simm.s32 $0xA;
	s4 =	simm.s32 $0x10  }
0x92: {  	[smem:s4], [sflag:s15] =	dma.local [hbm:s2], $0x1  }
0x93: {  	_ =	swait.eq [sflag:s15], $0x1  }
0x94: {  	[sflag:s15] =	ssyncset.done $0x0  }
0x95: {  	s16 =	sld [smem:$0x10];
	[sflag:s15] =	ssyncadd.s32 $0xFFFFFFFF  }
0x96: {  	s17 =	sld [smem:$0x11];
	(tm) =	ssettm $0x1  }
0x97: {  	s18 =	sld [smem:$0x3FFB];
	_ =	sdelay $0x3  }
0x98: {  	_ =	strace s18  }
0x99: {  	s4 =	sld [smem:$0x3FFC];
	_ =	sdelay $0x3  }
0x9a: {  	_ =	strace s4  }
0x9b: {  	s4 =	sld [smem:$0x3FFD];
	_ =	sdelay $0x3  }
0x9c: {  	_ =	strace s4  }
0x9d: {  	_ =	strace $0x8FFFFFFF  }
0x9e: {  	s19 =	sld [smem:$0x3FDB];
	_ =	sdelay $0x1  }
0x9f: {  	s5 =	simm.s32 $_scs_section_size  }
0xa0: {  	s6 =	simm.s32 $_size__tile_overlayer_lowered;
	s7 =	simm.s32 $_tile_overlayer_lowered  }
0xa1: {  	s22 =	simm.s32 $0x1BFF;
	s21 =	sshll.u32 s7, $0x1;
	s4 =	sadd.s32 s5, s19  }
0xa2: {  	s8 =	simm.s32 $0x0;
	s20 =	sshll.u32 s6, $0x1;
	s6 =	sadd.s32 s21, s4  }
0xa3: {  	[timem:s8], [sflag:s22] =	dma.local [hbm:s6], s20  }
0xa4: {  	_ =	swait.ge [sflag:s22], s20  }
0xa5: {  	s5 =	ssub.s32 $0x0, s20;
	[sflag:s22] =	ssyncset.done $0x0  }
0xa6: {  	[sflag:s22] =	ssyncadd.s32 s5;
	_ =	sdelay $0x1  }
0xa7: {  	s23 =	simm.s32 $0x1B8B  }
0xa8: {  	_ =	swait.ge [sflag:s23], $0x1  }
0xa9: {  	[sflag:s23] =	ssyncset.done $0x0  }
0xaa: {  	s25 =	simm.s32 $0x1B8E;
	s24 =	sld [smem:$0x3FFE];
	[sflag:s23] =	ssyncadd.s32 $0xFFFFFFFF  }
0xab: {  	s26 =	simm.s32 $execute0_lowered;
	[smem:$0x3FD2] =	sst s25  }
0xac: {  	s6 =	sshll.u32 s26, $0x1;
	_ =	strace $0x80000049;
	[dreg:$0x1] =	wrdreg $0xFFFFFFFF  }
0xad: {  	s28 =	simm.s32 $_size_execute0_lowered;
	s4 =	sadd.s32 s4, s6;
	[dreg:$0x0] =	wrdreg $0x0  }
0xae: {  	s6 =	sshll.u32 s28, $0x1;
	[dreg:$0x2] =	wrdreg s4  }
0xaf: {  	[dreg:$0x3] =	wrdreg s6  }
0xb0: {  	[dreg:$0x4] =	wrdreg $0xC0  }
0xb1: {  	_ =	task [dreg:s8], $0x5FFFF  }
0xb2: {  	[dreg:$0x1] =	wrdreg $0xFFFFFFFF  }
0xb3: {  	[dreg:$0x0] =	wrdreg $0x60  }
0xb4: {  	[dreg:$0x2] =	wrdreg s24  }
0xb5: {  	[dreg:$0x3] =	wrdreg s17  }
0xb6: {  	[dreg:$0x4] =	wrdreg s16  }
0xb7: {  	[dreg:$0x5] =	wrdreg $0x41800  }
0xb8: {  	[dreg:$0x6] =	wrdreg $0x9  }
0xb9: {  	_ =	task.clear_ibuf [dreg:s8], $0x7FFFF;
	_ =	strace $0x90000049  }
0xba: {  	s29 =	simm.s32 $0x9;
	_ =	strace $0x8000004B  }
0xbb: {  	_ =	swait.ge [sflag:s29], $0x1  }
0xbc: {  	[sflag:s29] =	ssyncadd.s32 $0xFFFFFFFF  }
0xbd: {  	_ =	strace $0x9000004B  }
0xbe: {  	_ =	sfence  }
0xbf: {  	s30 =	sld [smem:$0x0];
	_ =	sdelay $0x2  }
0xc0: {  	s31 =	sshll.u32 s1, $0xD;
	s1 =	sshrl.u32 s1, $0x2  }
0xc1: {  	s3 =	sand.u32 $0x4000, s31;
	s1 =	sadd.s32 s1, s30  }
0xc2: {  	s0 =	sor.u32 s3, s0;
	s1 =	sshll.u32 s1, $0x11  }
0xc3: {  	s0 =	sor.u32 s1, s0  }
0xc4: {  	s0 =	sadd.s32 $0x8F2B, s0  }
0xc5: {  	[sflag:s0] =	ssyncadd.remote.s32 $0x1  }
0xc6: {  	_ =	sfence.sel $0xFFFF  }
0xc7: {  	[dreg:$0x0] =	wrdreg $0xFFFFFFFF;
	(pc) =	sbr.abs _section_cstart, $3  }
0xc8: {  	[dreg:$0x1] =	wrdreg $0xFFFFFFFF  }
0xc9: {  	_ =	task.clear_ibuf [dreg:s8], $0x2FFFF;
	_ =	strace $0x9FFFFFFF  }
0xca: {  	(tm) =	ssettm $0x7FFFFFFF  }
0xcb: {  	_ =	shalt  }
tec
execute0_lowered:
.L_overlay_start_1:
0x0: {  	(tag) =	ssettag $0x1  }
0x1: {  	s0 =	rddreg [dreg:$0x0]  }
0x2: {  	s1 =	rddreg [dreg:$0x1]  }
0x3: {  	s2 =	rddreg [dreg:$0x2]  }
0x4: {  	s3 =	rddreg [dreg:$0x3];
	s5 =	simm.s32 $0x0  }
0x5: {  	s6 =	srdreg.scid;
	s4 =	stileid.u32;
	s23 =	simm.s32 $0x4000  }
0x6: {  	s24 =	simm.s32 $0x4100;
	s28 =	simm.s32 $0x0;
	[smem:$0x7FF] =	sst s5  }
0x7: {  	s14 =	sand.u32 $0x1, s6;
	s6 =	sadd.s32 $0x19400, s0;
	s13 =	smul.u32 $0x280, s4  }
0x8: {  	s7 =	sadd.s32 $0x5000, s0;
	s10 =	smul.u32 $0x50000, s4;
	s0 =	sadd.s32 $0x74200, s0  }
0x9: {  	_ =	strace $0x8000004A;
	s8 =	ssub.s32 $0x2, s14;
	s21 =	smul.u32 $0x2800, s14  }
0xa: {  	s14 =	smul.u32 $0x51000, s14;
	s9 =	sshrl.u32 s8, $0x1;
	s15 =	sadd.s32 $0x80, s13  }
0xb: {  	s25 =	sshrl.u32 s10, $0x2;
	s17 =	sadd.s32 $0x100, s13;
	s18 =	sadd.s32 $0x180, s13  }
0xc: {  	s19 =	sadd.s32 $0x200, s13;
	s20 =	ssub.s32 s8, s9;
	s26 =	sshll.u32 s15, $0x7  }
0xd: {  	s8 =	sadd.s32 s25, s3;
	s29 =	sshll.u32 s17, $0x7;
	s11 =	sshll.u32 s18, $0x7  }
0xe: {  	s12 =	sshll.u32 s19, $0x7;
	s16 =	sadd.s32 s13, s21;
	s13 =	smul.u32 $0xA2, s4  }
0xf: {  	s22 =	sadd.s32 s21, s15;
	s17 =	sadd.s32 s21, s17;
	s18 =	sadd.s32 s21, s18  }
0x10: {  	s19 =	sadd.s32 s21, s19;
	s21 =	simm.s32 $0x2;
	s25 =	simm.s32 $0x80  }
0x11: {  	s9 =	sadd.s32 s26, s3;
	s10 =	sadd.s32 s29, s3;
	s11 =	sadd.s32 s11, s3  }
0x12: {  	s12 =	sadd.s32 s12, s3;
	s16 =	sshll.u32 s16, $0x4;
	s31 =	sshll.u32 s22, $0x4  }
0x13: {  	s17 =	sshll.u32 s17, $0x4;
	s18 =	sshll.u32 s18, $0x4;
	s19 =	sshll.u32 s19, $0x4  }
0x14: {  	s20 =	smax.u32 s20, $0x1;
	s22 =	simm.s32 $0x4080;
	s26 =	simm.s32 $0x1  }
0x15: {  	s30 =	sadd.s32 s0, s16;
	s16 =	sadd.s32 s0, s31;
	s17 =	sadd.s32 s0, s17  }
0x16: {  	v0 =	vimm.f32 $0.0e+00;
	s18 =	sadd.s32 s0, s18;
	s19 =	sadd.s32 s0, s19;
	[dreg:$0x5] =	wrdreg s30  }
.LBB2_1:
0x17: {  	s0 =	simm.s32 $0x0;
	s29 =	simm.s32 $0x200  }
.LBB2_2:
0x18: {  	p0 =	sne.s32 s29, $0xFE00;
	[tilespmem:s0+$0x70] =	vst v0  }
0x19: {  	[tilespmem:s0+$0x0] =	vst v0  }
0x1a: {  	[tilespmem:s0+$0x10] =	vst v0  }
.Ltmp0:
0x1b: {  	[tilespmem:s0+$0x20] =	vst v0;
	(pc) =	sbr.rel @p0 .LBB2_2-.Ltmp0, $4  }
0x1c: {  	[tilespmem:s0+$0x30] =	vst v0  }
0x1d: {  	[tilespmem:s0+$0x40] =	vst v0  }
0x1e: {  	[tilespmem:s0+$0x50] =	vst v0  }
0x1f: {  	[tilespmem:s0+$0x60] =	vst v0;
	s0 =	sshra.s32 s29, $0x2;
	s29 =	sadd.s32 $0x200, s29  }
0x20: {  	[tilespmem:s0+$0x70] =	vst v0  }
0x21: {  	[tilespmem:s0+$0x0] =	vst v0  }
0x22: {  	[tilespmem:s0+$0x10] =	vst v0  }
0x23: {  	[tilespmem:s0+$0x20] =	vst v0  }
0x24: {  	[tilespmem:s0+$0x30] =	vst v0  }
0x25: {  	[tilespmem:s0+$0x40] =	vst v0  }
0x26: {  	[tilespmem:s0+$0x50] =	vst v0  }
0x27: {  	[tilespmem:s0+$0x60] =	vst v0;
	s29 =	simm.s32 $0x0  }
0x28: {  	[spmem:s8] =	stream.linear.scatter [tilespmem:s29], [sflag:$0x2], $0x4000, $0x38;
	[tilespmem:$0x18180] =	vst v63  }
0x29: {  	_ =	swait.ge [sflag:s21], $0x4000  }
0x2a: {  	[sflag:s21] =	ssyncset.done $0x0  }
0x2b: {  	[sflag:s21] =	ssyncadd.s32 $0xFFFFC000  }
0x2c: {  	[spmem:s9] =	stream.linear.scatter [tilespmem:s29], [sflag:$0x2], $0x4000, $0x38;
	[tilespmem:$0x18180] =	vst v63  }
0x2d: {  	_ =	swait.ge [sflag:s21], $0x4000  }
0x2e: {  	[sflag:s21] =	ssyncset.done $0x0  }
0x2f: {  	[sflag:s21] =	ssyncadd.s32 $0xFFFFC000  }
0x30: {  	[spmem:s10] =	stream.linear.scatter [tilespmem:s29], [sflag:$0x2], $0x4000, $0x38;
	[tilespmem:$0x18180] =	vst v63  }
0x31: {  	_ =	swait.ge [sflag:s21], $0x4000  }
0x32: {  	[sflag:s21] =	ssyncset.done $0x0  }
0x33: {  	[sflag:s21] =	ssyncadd.s32 $0xFFFFC000  }
0x34: {  	[spmem:s11] =	stream.linear.scatter [tilespmem:s29], [sflag:$0x2], $0x4000, $0x38;
	[tilespmem:$0x18180] =	vst v63  }
0x35: {  	_ =	swait.ge [sflag:s21], $0x4000  }
0x36: {  	[sflag:s21] =	ssyncset.done $0x0  }
0x37: {  	[sflag:s21] =	ssyncadd.s32 $0xFFFFC000  }
0x38: {  	[spmem:s12] =	stream.linear.scatter [tilespmem:s29], [sflag:$0x2], $0x4000, $0x38;
	[tilespmem:$0x18180] =	vst v63  }
0x39: {  	_ =	swait.ge [sflag:s21], $0x4000  }
0x3a: {  	[sflag:s21] =	ssyncset.done $0x0  }
0x3b: {  	[sflag:s21] =	ssyncadd.s32 $0xFFFFC000  }
0x3c: {  	s30 =	simm.s32 $0x0;
	[bflag:$0x0] =	sbarrier.arrive $0xFFFF  }
.LBB2_4:
0x3d: {  	s0 =	sadd.s32 s13, s30  }
0x3e: {  	s31 =	sshll.u32 s0, $0x7  }
0x3f: {  	s31 =	sadd.s32 s14, s31  }
0x40: {  	s31 =	sshrl.u32 s31, $0x3  }
0x41: {  	s31 =	sadd.s32 s1, s31  }
0x42: {  	[tilespmem:s22], [sflag:$0x2] =	stream.linear.gather [hbm4b:s31+s29], $0x80, $0x38;
	[tilespmem:$0x18180] =	vst v63  }
0x43: {  	_ =	swait.ge [sflag:s21], $0x80  }
0x44: {  	s0 =	sshll.u32 s0, $0x4;
	[sflag:s21] =	ssyncset.done $0x0  }
0x45: {  	s31 =	sadd.s32 s7, s0;
	[sflag:s21] =	ssyncadd.s32 $0xFFFFFF80  }
0x46: {  	[tilespmem:s23], [sflag:$0x2] =	stream.linear.gather [hbm4b:s31+s29], $0x80, $0x38;
	[tilespmem:$0x18180] =	vst v63  }
0x47: {  	_ =	swait.ge [sflag:s21], $0x80  }
0x48: {  	[sflag:s21] =	ssyncset.done $0x0  }
0x49: {  	s0 =	sadd.s32 s2, s0;
	[sflag:s21] =	ssyncadd.s32 $0xFFFFFF80  }
0x4a: {  	[tilespmem:s24], [sflag:$0x2] =	stream.linear.gather [hbm4b:s0+s29], $0x80, $0x38;
	[tilespmem:$0x18180] =	vst v63  }
0x4b: {  	_ =	swait.ge [sflag:s21], $0x80  }
0x4c: {  	[sflag:s21] =	ssyncset.done $0x0  }
0x4d: {  	[sflag:s21] =	ssyncadd.s32 $0xFFFFFF80  }
0x4e: {  	[tilespmem:s29], [sflag:$0x1] =	stream.indirect.gather [hbm4b:s6+s25], $0x80, s22, s25, $0xb8;
	[tilespmem:$0x18180] =	vst v63  }
0x4f: {  	_ =	swait.ge [sflag:s26], $0x4000  }
0x50: {  	[sflag:s26] =	ssyncset.done $0x0  }
0x51: {  	s31 =	simm.s32 $0x0;
	[sflag:s26] =	ssyncadd.s32 $0xFFFFC000  }
.LBB2_5:
0x52: {  	s0 =	sshll.u32 s31, $0x4  }
0x53: {  	v1 =	vmov s0  }
0x54: {  	v1 =	vbroadcast v1, $0x0;
	_ =	sdelay $0x2  }
0x55: {  	s4 =	sshll.u32 s31, $0xB  }
0x56: {  	s4 =	sand.u32 $0x3FFFF800, s4  }
0x57: {  	v2 =	vld [tilespmem:s4+$0x0]  }
0x58: {  	v1 =	vld.idx.msk [tilespmem:v1+s24+$0x0], $0xffff  }
0x59: {  	v3 =	vld [tilespmem:s4+$0x10]  }
0x5a: {  	v4 =	vld [tilespmem:s4+$0x20]  }
0x5b: {  	v5 =	vld [tilespmem:s4+$0x30]  }
0x5c: {  	v6 =	vld [tilespmem:s4+$0x40]  }
0x5d: {  	v7 =	vld [tilespmem:s4+$0x50];
	v2 =	vmul.f32 v2, v1  }
0x5e: {  	v8 =	vld [tilespmem:s4+$0x60];
	v3 =	vmul.f32 v3, v1  }
0x5f: {  	s15 =	sor.u32 $0x1, s0;
	v10 =	vld [tilespmem:s4+$0x70];
	[tilespmem:s4+$0x0] =	vst v2;
	v2 =	vmul.f32 v4, v1  }
0x60: {  	v11 =	vmov s15;
	[tilespmem:s4+$0x10] =	vst v3;
	v3 =	vmul.f32 v5, v1  }
0x61: {  	v5 =	vbroadcast v11, $0x0;
	[tilespmem:s4+$0x20] =	vst v2;
	v2 =	vmul.f32 v6, v1  }
0x62: {  	[tilespmem:s4+$0x30] =	vst v3;
	v3 =	vmul.f32 v7, v1  }
0x63: {  	[tilespmem:s4+$0x40] =	vst v2;
	v2 =	vmul.f32 v8, v1  }
0x64: {  	[tilespmem:s4+$0x50] =	vst v3;
	v1 =	vmul.f32 v10, v1  }
0x65: {  	[tilespmem:s4+$0x60] =	vst v2  }
0x66: {  	s15 =	sshll.u32 s15, $0x7;
	[tilespmem:s4+$0x70] =	vst v1  }
0x67: {  	s4 =	sand.u32 $0x3FFFF880, s15;
	v1 =	vld.idx.msk [tilespmem:v5+s24+$0x0], $0xffff  }
0x68: {  	v2 =	vld [tilespmem:s4+$0x0]  }
0x69: {  	v3 =	vld [tilespmem:s4+$0x10]  }
0x6a: {  	v12 =	vld [tilespmem:s4+$0x20]  }
0x6b: {  	v13 =	vld [tilespmem:s4+$0x30]  }
0x6c: {  	v14 =	vld [tilespmem:s4+$0x40]  }
0x6d: {  	v15 =	vld [tilespmem:s4+$0x50];
	v2 =	vmul.f32 v2, v1  }
0x6e: {  	v16 =	vld [tilespmem:s4+$0x60];
	v3 =	vmul.f32 v3, v1  }
0x6f: {  	s15 =	sor.u32 $0x2, s0;
	v17 =	vld [tilespmem:s4+$0x70];
	[tilespmem:s4+$0x0] =	vst v2;
	v2 =	vmul.f32 v12, v1  }
0x70: {  	v18 =	vmov s15;
	[tilespmem:s4+$0x10] =	vst v3;
	v3 =	vmul.f32 v13, v1  }
0x71: {  	v5 =	vbroadcast v18, $0x0;
	[tilespmem:s4+$0x20] =	vst v2;
	v2 =	vmul.f32 v14, v1  }
0x72: {  	[tilespmem:s4+$0x30] =	vst v3;
	v3 =	vmul.f32 v15, v1  }
0x73: {  	[tilespmem:s4+$0x40] =	vst v2;
	v2 =	vmul.f32 v16, v1  }
0x74: {  	[tilespmem:s4+$0x50] =	vst v3;
	v1 =	vmul.f32 v17, v1  }
0x75: {  	[tilespmem:s4+$0x60] =	vst v2  }
0x76: {  	s15 =	sshll.u32 s15, $0x7;
	[tilespmem:s4+$0x70] =	vst v1  }
0x77: {  	s4 =	sand.u32 $0x3FFFF900, s15;
	v1 =	vld.idx.msk [tilespmem:v5+s24+$0x0], $0xffff  }
0x78: {  	v2 =	vld [tilespmem:s4+$0x0]  }
0x79: {  	v3 =	vld [tilespmem:s4+$0x10]  }
0x7a: {  	v19 =	vld [tilespmem:s4+$0x20]  }
0x7b: {  	v20 =	vld [tilespmem:s4+$0x30]  }
0x7c: {  	v21 =	vld [tilespmem:s4+$0x40]  }
0x7d: {  	v22 =	vld [tilespmem:s4+$0x50];
	v2 =	vmul.f32 v2, v1  }
0x7e: {  	v23 =	vld [tilespmem:s4+$0x60];
	v3 =	vmul.f32 v3, v1  }
0x7f: {  	s15 =	sor.u32 $0x3, s0;
	v24 =	vld [tilespmem:s4+$0x70];
	[tilespmem:s4+$0x0] =	vst v2;
	v2 =	vmul.f32 v19, v1  }
0x80: {  	v25 =	vmov s15;
	[tilespmem:s4+$0x10] =	vst v3;
	v3 =	vmul.f32 v20, v1  }
0x81: {  	v5 =	vbroadcast v25, $0x0;
	[tilespmem:s4+$0x20] =	vst v2;
	v2 =	vmul.f32 v21, v1  }
0x82: {  	[tilespmem:s4+$0x30] =	vst v3;
	v3 =	vmul.f32 v22, v1  }
0x83: {  	[tilespmem:s4+$0x40] =	vst v2;
	v2 =	vmul.f32 v23, v1  }
0x84: {  	[tilespmem:s4+$0x50] =	vst v3;
	v1 =	vmul.f32 v24, v1  }
0x85: {  	[tilespmem:s4+$0x60] =	vst v2  }
0x86: {  	s15 =	sshll.u32 s15, $0x7;
	[tilespmem:s4+$0x70] =	vst v1  }
0x87: {  	s4 =	sand.u32 $0x3FFFF980, s15;
	v1 =	vld.idx.msk [tilespmem:v5+s24+$0x0], $0xffff  }
0x88: {  	v2 =	vld [tilespmem:s4+$0x0]  }
0x89: {  	v3 =	vld [tilespmem:s4+$0x10]  }
0x8a: {  	v26 =	vld [tilespmem:s4+$0x20]  }
0x8b: {  	v27 =	vld [tilespmem:s4+$0x30]  }
0x8c: {  	v28 =	vld [tilespmem:s4+$0x40]  }
0x8d: {  	v29 =	vld [tilespmem:s4+$0x50];
	v2 =	vmul.f32 v2, v1  }
0x8e: {  	v30 =	vld [tilespmem:s4+$0x60];
	v3 =	vmul.f32 v3, v1  }
0x8f: {  	s15 =	sor.u32 $0x4, s0;
	v31 =	vld [tilespmem:s4+$0x70];
	[tilespmem:s4+$0x0] =	vst v2;
	v2 =	vmul.f32 v26, v1  }
0x90: {  	v32 =	vmov s15;
	[tilespmem:s4+$0x10] =	vst v3;
	v3 =	vmul.f32 v27, v1  }
0x91: {  	v5 =	vbroadcast v32, $0x0;
	[tilespmem:s4+$0x20] =	vst v2;
	v2 =	vmul.f32 v28, v1  }
0x92: {  	[tilespmem:s4+$0x30] =	vst v3;
	v3 =	vmul.f32 v29, v1  }
0x93: {  	[tilespmem:s4+$0x40] =	vst v2;
	v2 =	vmul.f32 v30, v1  }
0x94: {  	[tilespmem:s4+$0x50] =	vst v3;
	v1 =	vmul.f32 v31, v1  }
0x95: {  	[tilespmem:s4+$0x60] =	vst v2  }
0x96: {  	s15 =	sshll.u32 s15, $0x7;
	[tilespmem:s4+$0x70] =	vst v1  }
0x97: {  	s4 =	sand.u32 $0x3FFFFA00, s15;
	v1 =	vld.idx.msk [tilespmem:v5+s24+$0x0], $0xffff  }
0x98: {  	v2 =	vld [tilespmem:s4+$0x0]  }
0x99: {  	v3 =	vld [tilespmem:s4+$0x10]  }
0x9a: {  	v33 =	vld [tilespmem:s4+$0x20]  }
0x9b: {  	v34 =	vld [tilespmem:s4+$0x30]  }
0x9c: {  	v35 =	vld [tilespmem:s4+$0x40]  }
0x9d: {  	v36 =	vld [tilespmem:s4+$0x50];
	v2 =	vmul.f32 v2, v1  }
0x9e: {  	v37 =	vld [tilespmem:s4+$0x60];
	v3 =	vmul.f32 v3, v1  }
0x9f: {  	s15 =	sor.u32 $0x5, s0;
	v38 =	vld [tilespmem:s4+$0x70];
	[tilespmem:s4+$0x0] =	vst v2;
	v2 =	vmul.f32 v33, v1  }
0xa0: {  	v39 =	vmov s15;
	[tilespmem:s4+$0x10] =	vst v3;
	v3 =	vmul.f32 v34, v1  }
0xa1: {  	v5 =	vbroadcast v39, $0x0;
	[tilespmem:s4+$0x20] =	vst v2;
	v2 =	vmul.f32 v35, v1  }
0xa2: {  	[tilespmem:s4+$0x30] =	vst v3;
	v3 =	vmul.f32 v36, v1  }
0xa3: {  	[tilespmem:s4+$0x40] =	vst v2;
	v2 =	vmul.f32 v37, v1  }
0xa4: {  	[tilespmem:s4+$0x50] =	vst v3;
	v1 =	vmul.f32 v38, v1  }
0xa5: {  	[tilespmem:s4+$0x60] =	vst v2  }
0xa6: {  	s15 =	sshll.u32 s15, $0x7;
	[tilespmem:s4+$0x70] =	vst v1  }
0xa7: {  	s4 =	sand.u32 $0x3FFFFA80, s15;
	v1 =	vld.idx.msk [tilespmem:v5+s24+$0x0], $0xffff  }
0xa8: {  	v2 =	vld [tilespmem:s4+$0x0]  }
0xa9: {  	v3 =	vld [tilespmem:s4+$0x10]  }
0xaa: {  	v40 =	vld [tilespmem:s4+$0x20]  }
0xab: {  	v41 =	vld [tilespmem:s4+$0x30]  }
0xac: {  	v42 =	vld [tilespmem:s4+$0x40]  }
0xad: {  	v43 =	vld [tilespmem:s4+$0x50];
	v2 =	vmul.f32 v2, v1  }
0xae: {  	v44 =	vld [tilespmem:s4+$0x60];
	v3 =	vmul.f32 v3, v1  }
0xaf: {  	s15 =	sor.u32 $0x6, s0;
	v45 =	vld [tilespmem:s4+$0x70];
	[tilespmem:s4+$0x0] =	vst v2;
	v2 =	vmul.f32 v40, v1  }
0xb0: {  	v46 =	vmov s15;
	[tilespmem:s4+$0x10] =	vst v3;
	v3 =	vmul.f32 v41, v1  }
0xb1: {  	v5 =	vbroadcast v46, $0x0;
	[tilespmem:s4+$0x20] =	vst v2;
	v2 =	vmul.f32 v42, v1  }
0xb2: {  	[tilespmem:s4+$0x30] =	vst v3;
	v3 =	vmul.f32 v43, v1  }
0xb3: {  	[tilespmem:s4+$0x40] =	vst v2;
	v2 =	vmul.f32 v44, v1  }
0xb4: {  	[tilespmem:s4+$0x50] =	vst v3;
	v1 =	vmul.f32 v45, v1  }
0xb5: {  	[tilespmem:s4+$0x60] =	vst v2  }
0xb6: {  	s15 =	sshll.u32 s15, $0x7;
	[tilespmem:s4+$0x70] =	vst v1  }
0xb7: {  	s4 =	sand.u32 $0x3FFFFB00, s15;
	v1 =	vld.idx.msk [tilespmem:v5+s24+$0x0], $0xffff  }
0xb8: {  	v2 =	vld [tilespmem:s4+$0x0]  }
0xb9: {  	v3 =	vld [tilespmem:s4+$0x10]  }
0xba: {  	v47 =	vld [tilespmem:s4+$0x20]  }
0xbb: {  	v48 =	vld [tilespmem:s4+$0x30]  }
0xbc: {  	v49 =	vld [tilespmem:s4+$0x40]  }
0xbd: {  	v50 =	vld [tilespmem:s4+$0x50];
	v2 =	vmul.f32 v2, v1  }
0xbe: {  	v51 =	vld [tilespmem:s4+$0x60];
	v3 =	vmul.f32 v3, v1  }
0xbf: {  	s15 =	sor.u32 $0x7, s0;
	v52 =	vld [tilespmem:s4+$0x70];
	[tilespmem:s4+$0x0] =	vst v2;
	v2 =	vmul.f32 v47, v1  }
0xc0: {  	v53 =	vmov s15;
	[tilespmem:s4+$0x10] =	vst v3;
	v3 =	vmul.f32 v48, v1  }
0xc1: {  	v5 =	vbroadcast v53, $0x0;
	[tilespmem:s4+$0x20] =	vst v2;
	v2 =	vmul.f32 v49, v1  }
0xc2: {  	[tilespmem:s4+$0x30] =	vst v3;
	v3 =	vmul.f32 v50, v1  }
0xc3: {  	[tilespmem:s4+$0x40] =	vst v2;
	v2 =	vmul.f32 v51, v1  }
0xc4: {  	[tilespmem:s4+$0x50] =	vst v3;
	v1 =	vmul.f32 v52, v1  }
0xc5: {  	[tilespmem:s4+$0x60] =	vst v2  }
0xc6: {  	s15 =	sshll.u32 s15, $0x7;
	[tilespmem:s4+$0x70] =	vst v1  }
0xc7: {  	s4 =	sand.u32 $0x3FFFFB80, s15;
	v1 =	vld.idx.msk [tilespmem:v5+s24+$0x0], $0xffff  }
0xc8: {  	v2 =	vld [tilespmem:s4+$0x0]  }
0xc9: {  	v3 =	vld [tilespmem:s4+$0x10]  }
0xca: {  	v54 =	vld [tilespmem:s4+$0x20]  }
0xcb: {  	v55 =	vld [tilespmem:s4+$0x30]  }
0xcc: {  	v56 =	vld [tilespmem:s4+$0x40]  }
0xcd: {  	v57 =	vld [tilespmem:s4+$0x50];
	v2 =	vmul.f32 v2, v1  }
0xce: {  	v58 =	vld [tilespmem:s4+$0x60];
	v3 =	vmul.f32 v3, v1  }
0xcf: {  	s15 =	sor.u32 $0x8, s0;
	v59 =	vld [tilespmem:s4+$0x70];
	[tilespmem:s4+$0x0] =	vst v2;
	v2 =	vmul.f32 v54, v1  }
0xd0: {  	v60 =	vmov s15;
	[tilespmem:s4+$0x10] =	vst v3;
	v3 =	vmul.f32 v55, v1  }
0xd1: {  	v5 =	vbroadcast v60, $0x0;
	[tilespmem:s4+$0x20] =	vst v2;
	v2 =	vmul.f32 v56, v1  }
0xd2: {  	[tilespmem:s4+$0x30] =	vst v3;
	v3 =	vmul.f32 v57, v1  }
0xd3: {  	[tilespmem:s4+$0x40] =	vst v2;
	v2 =	vmul.f32 v58, v1  }
0xd4: {  	[tilespmem:s4+$0x50] =	vst v3;
	v1 =	vmul.f32 v59, v1  }
0xd5: {  	[tilespmem:s4+$0x60] =	vst v2  }
0xd6: {  	s15 =	sshll.u32 s15, $0x7;
	[tilespmem:s4+$0x70] =	vst v1  }
0xd7: {  	s4 =	sand.u32 $0x3FFFFC00, s15;
	v1 =	vld.idx.msk [tilespmem:v5+s24+$0x0], $0xffff  }
0xd8: {  	v2 =	vld [tilespmem:s4+$0x0]  }
0xd9: {  	v3 =	vld [tilespmem:s4+$0x10]  }
0xda: {  	v61 =	vld [tilespmem:s4+$0x20]  }
0xdb: {  	v62 =	vld [tilespmem:s4+$0x30]  }
0xdc: {  	v63 =	vld [tilespmem:s4+$0x40]  }
0xdd: {  	v12 =	vld [tilespmem:s4+$0x50];
	v2 =	vmul.f32 v2, v1  }
0xde: {  	v13 =	vld [tilespmem:s4+$0x60];
	v3 =	vmul.f32 v3, v1  }
0xdf: {  	s15 =	sor.u32 $0x9, s0;
	v14 =	vld [tilespmem:s4+$0x70];
	[tilespmem:s4+$0x0] =	vst v2;
	v2 =	vmul.f32 v61, v1  }
0xe0: {  	v15 =	vmov s15;
	[tilespmem:s4+$0x10] =	vst v3;
	v3 =	vmul.f32 v62, v1  }
0xe1: {  	v5 =	vbroadcast v15, $0x0;
	[tilespmem:s4+$0x20] =	vst v2;
	v2 =	vmul.f32 v63, v1  }
0xe2: {  	[tilespmem:s4+$0x30] =	vst v3;
	v3 =	vmul.f32 v12, v1  }
0xe3: {  	[tilespmem:s4+$0x40] =	vst v2;
	v2 =	vmul.f32 v13, v1  }
0xe4: {  	[tilespmem:s4+$0x50] =	vst v3;
	v1 =	vmul.f32 v14, v1  }
0xe5: {  	[tilespmem:s4+$0x60] =	vst v2  }
0xe6: {  	s15 =	sshll.u32 s15, $0x7;
	[tilespmem:s4+$0x70] =	vst v1  }
0xe7: {  	s4 =	sand.u32 $0x3FFFFC80, s15;
	v1 =	vld.idx.msk [tilespmem:v5+s24+$0x0], $0xffff  }
0xe8: {  	v2 =	vld [tilespmem:s4+$0x0]  }
0xe9: {  	v3 =	vld [tilespmem:s4+$0x10]  }
0xea: {  	v16 =	vld [tilespmem:s4+$0x20]  }
0xeb: {  	v17 =	vld [tilespmem:s4+$0x30]  }
0xec: {  	v18 =	vld [tilespmem:s4+$0x40]  }
0xed: {  	v19 =	vld [tilespmem:s4+$0x50];
	v2 =	vmul.f32 v2, v1  }
0xee: {  	v20 =	vld [tilespmem:s4+$0x60];
	v3 =	vmul.f32 v3, v1  }
0xef: {  	s15 =	sor.u32 $0xA, s0;
	v21 =	vld [tilespmem:s4+$0x70];
	[tilespmem:s4+$0x0] =	vst v2;
	v2 =	vmul.f32 v16, v1  }
0xf0: {  	v22 =	vmov s15;
	[tilespmem:s4+$0x10] =	vst v3;
	v3 =	vmul.f32 v17, v1  }
0xf1: {  	v5 =	vbroadcast v22, $0x0;
	[tilespmem:s4+$0x20] =	vst v2;
	v2 =	vmul.f32 v18, v1  }
0xf2: {  	[tilespmem:s4+$0x30] =	vst v3;
	v3 =	vmul.f32 v19, v1  }
0xf3: {  	[tilespmem:s4+$0x40] =	vst v2;
	v2 =	vmul.f32 v20, v1  }
0xf4: {  	[tilespmem:s4+$0x50] =	vst v3;
	v1 =	vmul.f32 v21, v1  }
0xf5: {  	[tilespmem:s4+$0x60] =	vst v2  }
0xf6: {  	s15 =	sshll.u32 s15, $0x7;
	[tilespmem:s4+$0x70] =	vst v1  }
0xf7: {  	s4 =	sand.u32 $0x3FFFFD00, s15;
	v1 =	vld.idx.msk [tilespmem:v5+s24+$0x0], $0xffff  }
0xf8: {  	v2 =	vld [tilespmem:s4+$0x0]  }
0xf9: {  	v3 =	vld [tilespmem:s4+$0x10]  }
0xfa: {  	v23 =	vld [tilespmem:s4+$0x20]  }
0xfb: {  	v24 =	vld [tilespmem:s4+$0x30]  }
0xfc: {  	v25 =	vld [tilespmem:s4+$0x40]  }
0xfd: {  	v26 =	vld [tilespmem:s4+$0x50];
	v2 =	vmul.f32 v2, v1  }
0xfe: {  	v27 =	vld [tilespmem:s4+$0x60];
	v3 =	vmul.f32 v3, v1  }
0xff: {  	s15 =	sor.u32 $0xB, s0;
	v28 =	vld [tilespmem:s4+$0x70];
	[tilespmem:s4+$0x0] =	vst v2;
	v2 =	vmul.f32 v23, v1  }
0x100: {  	v29 =	vmov s15;
	[tilespmem:s4+$0x10] =	vst v3;
	v3 =	vmul.f32 v24, v1  }
0x101: {  	v5 =	vbroadcast v29, $0x0;
	[tilespmem:s4+$0x20] =	vst v2;
	v2 =	vmul.f32 v25, v1  }
0x102: {  	[tilespmem:s4+$0x30] =	vst v3;
	v3 =	vmul.f32 v26, v1  }
0x103: {  	[tilespmem:s4+$0x40] =	vst v2;
	v2 =	vmul.f32 v27, v1  }
0x104: {  	[tilespmem:s4+$0x50] =	vst v3;
	v1 =	vmul.f32 v28, v1  }
0x105: {  	[tilespmem:s4+$0x60] =	vst v2  }
0x106: {  	s15 =	sshll.u32 s15, $0x7;
	[tilespmem:s4+$0x70] =	vst v1  }
0x107: {  	s4 =	sand.u32 $0x3FFFFD80, s15;
	v1 =	vld.idx.msk [tilespmem:v5+s24+$0x0], $0xffff  }
0x108: {  	v2 =	vld [tilespmem:s4+$0x0]  }
0x109: {  	v3 =	vld [tilespmem:s4+$0x10]  }
0x10a: {  	v30 =	vld [tilespmem:s4+$0x20]  }
0x10b: {  	v31 =	vld [tilespmem:s4+$0x30]  }
0x10c: {  	v32 =	vld [tilespmem:s4+$0x40]  }
0x10d: {  	v33 =	vld [tilespmem:s4+$0x50];
	v2 =	vmul.f32 v2, v1  }
0x10e: {  	v34 =	vld [tilespmem:s4+$0x60];
	v3 =	vmul.f32 v3, v1  }
0x10f: {  	s15 =	sor.u32 $0xC, s0;
	v35 =	vld [tilespmem:s4+$0x70];
	[tilespmem:s4+$0x0] =	vst v2;
	v2 =	vmul.f32 v30, v1  }
0x110: {  	v36 =	vmov s15;
	[tilespmem:s4+$0x10] =	vst v3;
	v3 =	vmul.f32 v31, v1  }
0x111: {  	v5 =	vbroadcast v36, $0x0;
	[tilespmem:s4+$0x20] =	vst v2;
	v2 =	vmul.f32 v32, v1  }
0x112: {  	[tilespmem:s4+$0x30] =	vst v3;
	v3 =	vmul.f32 v33, v1  }
0x113: {  	[tilespmem:s4+$0x40] =	vst v2;
	v2 =	vmul.f32 v34, v1  }
0x114: {  	[tilespmem:s4+$0x50] =	vst v3;
	v1 =	vmul.f32 v35, v1  }
0x115: {  	[tilespmem:s4+$0x60] =	vst v2  }
0x116: {  	s15 =	sshll.u32 s15, $0x7;
	[tilespmem:s4+$0x70] =	vst v1  }
0x117: {  	s4 =	sand.u32 $0x3FFFFE00, s15;
	v1 =	vld.idx.msk [tilespmem:v5+s24+$0x0], $0xffff  }
0x118: {  	v2 =	vld [tilespmem:s4+$0x0]  }
0x119: {  	v3 =	vld [tilespmem:s4+$0x10]  }
0x11a: {  	v37 =	vld [tilespmem:s4+$0x20]  }
0x11b: {  	v38 =	vld [tilespmem:s4+$0x30]  }
0x11c: {  	v39 =	vld [tilespmem:s4+$0x40]  }
0x11d: {  	v40 =	vld [tilespmem:s4+$0x50];
	v2 =	vmul.f32 v2, v1  }
0x11e: {  	v41 =	vld [tilespmem:s4+$0x60];
	v3 =	vmul.f32 v3, v1  }
0x11f: {  	s15 =	sor.u32 $0xD, s0;
	v42 =	vld [tilespmem:s4+$0x70];
	[tilespmem:s4+$0x0] =	vst v2;
	v2 =	vmul.f32 v37, v1  }
0x120: {  	v43 =	vmov s15;
	[tilespmem:s4+$0x10] =	vst v3;
	v3 =	vmul.f32 v38, v1  }
0x121: {  	v5 =	vbroadcast v43, $0x0;
	[tilespmem:s4+$0x20] =	vst v2;
	v2 =	vmul.f32 v39, v1  }
0x122: {  	[tilespmem:s4+$0x30] =	vst v3;
	v3 =	vmul.f32 v40, v1  }
0x123: {  	[tilespmem:s4+$0x40] =	vst v2;
	v2 =	vmul.f32 v41, v1  }
0x124: {  	[tilespmem:s4+$0x50] =	vst v3;
	v1 =	vmul.f32 v42, v1  }
0x125: {  	[tilespmem:s4+$0x60] =	vst v2  }
0x126: {  	s15 =	sshll.u32 s15, $0x7;
	[tilespmem:s4+$0x70] =	vst v1  }
0x127: {  	s4 =	sand.u32 $0x3FFFFE80, s15;
	v1 =	vld.idx.msk [tilespmem:v5+s24+$0x0], $0xffff  }
0x128: {  	v2 =	vld [tilespmem:s4+$0x0]  }
0x129: {  	v3 =	vld [tilespmem:s4+$0x10]  }
0x12a: {  	v44 =	vld [tilespmem:s4+$0x20]  }
0x12b: {  	v45 =	vld [tilespmem:s4+$0x30]  }
0x12c: {  	v46 =	vld [tilespmem:s4+$0x40]  }
0x12d: {  	v47 =	vld [tilespmem:s4+$0x50];
	v2 =	vmul.f32 v2, v1  }
0x12e: {  	v48 =	vld [tilespmem:s4+$0x60];
	v3 =	vmul.f32 v3, v1  }
0x12f: {  	s0 =	sor.u32 $0xE, s0;
	v49 =	vld [tilespmem:s4+$0x70];
	[tilespmem:s4+$0x0] =	vst v2;
	v2 =	vmul.f32 v44, v1  }
0x130: {  	v50 =	vmov s0;
	[tilespmem:s4+$0x10] =	vst v3;
	v3 =	vmul.f32 v45, v1  }
0x131: {  	v5 =	vbroadcast v50, $0x0;
	[tilespmem:s4+$0x20] =	vst v2;
	v2 =	vmul.f32 v46, v1  }
0x132: {  	[tilespmem:s4+$0x30] =	vst v3;
	v3 =	vmul.f32 v47, v1  }
0x133: {  	[tilespmem:s4+$0x40] =	vst v2;
	v2 =	vmul.f32 v48, v1  }
0x134: {  	[tilespmem:s4+$0x50] =	vst v3;
	v1 =	vmul.f32 v49, v1  }
0x135: {  	[tilespmem:s4+$0x60] =	vst v2  }
0x136: {  	s0 =	sshll.u32 s0, $0x7;
	[tilespmem:s4+$0x70] =	vst v1  }
0x137: {  	s0 =	sand.u32 $0x3FFFFF00, s0;
	v1 =	vld.idx.msk [tilespmem:v5+s24+$0x0], $0xffff  }
0x138: {  	v2 =	vld [tilespmem:s0+$0x0]  }
0x139: {  	v3 =	vld [tilespmem:s0+$0x10]  }
0x13a: {  	v51 =	vld [tilespmem:s0+$0x20]  }
0x13b: {  	v52 =	vld [tilespmem:s0+$0x30]  }
0x13c: {  	v53 =	vld [tilespmem:s0+$0x40]  }
0x13d: {  	v54 =	vld [tilespmem:s0+$0x50];
	v2 =	vmul.f32 v2, v1  }
0x13e: {  	v55 =	vld [tilespmem:s0+$0x60];
	v3 =	vmul.f32 v3, v1  }
0x13f: {  	v56 =	vld [tilespmem:s0+$0x70];
	[tilespmem:s0+$0x0] =	vst v2;
	v2 =	vmul.f32 v51, v1  }
0x140: {  	[tilespmem:s0+$0x10] =	vst v3;
	v3 =	vmul.f32 v52, v1  }
0x141: {  	s15 =	sshllo.u32 s31, $0x4;
	[tilespmem:s0+$0x20] =	vst v2;
	v2 =	vmul.f32 v53, v1  }
0x142: {  	v57 =	vmov s15;
	[tilespmem:s0+$0x30] =	vst v3;
	v3 =	vmul.f32 v54, v1  }
0x143: {  	[tilespmem:s0+$0x40] =	vst v2;
	v2 =	vmul.f32 v55, v1  }
0x144: {  	[tilespmem:s0+$0x50] =	vst v3;
	v1 =	vmul.f32 v56, v1  }
0x145: {  	[tilespmem:s0+$0x60] =	vst v2  }
0x146: {  	s15 =	sshll.u32 s15, $0x7;
	[tilespmem:s0+$0x70] =	vst v1  }
0x147: {  	s0 =	sand.u32 $0x3FFFFF80, s15;
	v1 =	vld.idx.msk [tilespmem:v57+s24+$0x0], $0xffff  }
0x148: {  	v2 =	vld [tilespmem:s0+$0x0]  }
0x149: {  	v3 =	vld [tilespmem:s0+$0x10]  }
0x14a: {  	v58 =	vld [tilespmem:s0+$0x20]  }
0x14b: {  	v59 =	vld [tilespmem:s0+$0x30]  }
0x14c: {  	v60 =	vld [tilespmem:s0+$0x40]  }
0x14d: {  	v61 =	vld [tilespmem:s0+$0x50];
	v2 =	vmul.f32 v2, v1  }
0x14e: {  	v62 =	vld [tilespmem:s0+$0x60];
	v3 =	vmul.f32 v3, v1  }
0x14f: {  	v63 =	vld [tilespmem:s0+$0x70];
	[tilespmem:s0+$0x0] =	vst v2;
	v2 =	vmul.f32 v58, v1  }
0x150: {  	[tilespmem:s0+$0x10] =	vst v3;
	v3 =	vmul.f32 v59, v1  }
0x151: {  	p0 =	sne.s32 s31, $0x7;
	[tilespmem:s0+$0x20] =	vst v2;
	v2 =	vmul.f32 v60, v1  }
.Ltmp1:
0x152: {  	[tilespmem:s0+$0x30] =	vst v3;
	v3 =	vmul.f32 v61, v1;
	(pc) =	sbr.rel @p0 .LBB2_5-.Ltmp1, $4  }
0x153: {  	[tilespmem:s0+$0x40] =	vst v2;
	v2 =	vmul.f32 v62, v1  }
0x154: {  	[tilespmem:s0+$0x50] =	vst v3;
	v1 =	vmul.f32 v63, v1  }
0x155: {  	[tilespmem:s0+$0x60] =	vst v2  }
0x156: {  	s31 =	sadd.s32 $0x1, s31;
	[tilespmem:s0+$0x70] =	vst v1  }
0x157: {  	s30 =	sadd.s32 $0x1, s30  }
0x158: {  	p0 =	sne.s32 s30, $0xA2  }
.Ltmp2:
0x159: {  	_ = 	snop;
	(pc) =	sbr.rel @p0 .LBB2_4-.Ltmp2, $4  }
0x15a: {  	[spmem:s3] =	stream.indirect.scatter.add.f32 [tilespmem:s5], [sflag:$0x2], $0x80, s23, s25, $0xb8;
	[tilespmem:$0x18180] =	vst v63  }
0x15b: {  	_ =	swait.ge [sflag:s21], $0x4000  }
0x15c: {  	[sflag:s21] =	ssyncset.done $0x0  }
0x15d: {  	[sflag:s21] =	ssyncadd.s32 $0xFFFFC000  }
0x15e: {  	[bflag:$0x0] =	sbarrier.arrive $0xFFFF  }
0x15f: {  	[tilespmem:s5], [sflag:$0x2] =	stream.linear.gather [spmem:s8], $0x4000, $0x38;
	[tilespmem:$0x18180] =	vst v63  }
0x160: {  	_ =	swait.ge [sflag:s21], $0x4000  }
0x161: {  	[sflag:s21] =	ssyncset.done $0x0  }
0x162: {  	s0 =	rddreg [dreg:$0x5];
	[sflag:s21] =	ssyncadd.s32 $0xFFFFC000  }
0x163: {  	[hbm4b:s0+s5] =	stream.linear.scatter [tilespmem:s5], [sflag:$0x2], $0x4000, $0x38;
	[tilespmem:$0x18180] =	vst v63  }
0x164: {  	_ =	swait.ge [sflag:s21], $0x4000  }
0x165: {  	[sflag:s21] =	ssyncset.done $0x0  }
0x166: {  	[sflag:s21] =	ssyncadd.s32 $0xFFFFC000  }
0x167: {  	[tilespmem:s5], [sflag:$0x2] =	stream.linear.gather [spmem:s9], $0x4000, $0x38;
	[tilespmem:$0x18180] =	vst v63  }
0x168: {  	_ =	swait.ge [sflag:s21], $0x4000  }
0x169: {  	[sflag:s21] =	ssyncset.done $0x0  }
0x16a: {  	[sflag:s21] =	ssyncadd.s32 $0xFFFFC000  }
0x16b: {  	[hbm4b:s16+s5] =	stream.linear.scatter [tilespmem:s5], [sflag:$0x2], $0x4000, $0x38;
	[tilespmem:$0x18180] =	vst v63  }
0x16c: {  	_ =	swait.ge [sflag:s21], $0x4000  }
0x16d: {  	[sflag:s21] =	ssyncset.done $0x0  }
0x16e: {  	[sflag:s21] =	ssyncadd.s32 $0xFFFFC000  }
0x16f: {  	[tilespmem:s5], [sflag:$0x2] =	stream.linear.gather [spmem:s10], $0x4000, $0x38;
	[tilespmem:$0x18180] =	vst v63  }
0x170: {  	_ =	swait.ge [sflag:s21], $0x4000  }
0x171: {  	[sflag:s21] =	ssyncset.done $0x0  }
0x172: {  	[sflag:s21] =	ssyncadd.s32 $0xFFFFC000  }
0x173: {  	[hbm4b:s17+s5] =	stream.linear.scatter [tilespmem:s5], [sflag:$0x2], $0x4000, $0x38;
	[tilespmem:$0x18180] =	vst v63  }
0x174: {  	_ =	swait.ge [sflag:s21], $0x4000  }
0x175: {  	[sflag:s21] =	ssyncset.done $0x0  }
0x176: {  	[sflag:s21] =	ssyncadd.s32 $0xFFFFC000  }
0x177: {  	[tilespmem:s5], [sflag:$0x2] =	stream.linear.gather [spmem:s11], $0x4000, $0x38;
	[tilespmem:$0x18180] =	vst v63  }
0x178: {  	_ =	swait.ge [sflag:s21], $0x4000  }
0x179: {  	[sflag:s21] =	ssyncset.done $0x0  }
0x17a: {  	[sflag:s21] =	ssyncadd.s32 $0xFFFFC000  }
0x17b: {  	[hbm4b:s18+s5] =	stream.linear.scatter [tilespmem:s5], [sflag:$0x2], $0x4000, $0x38;
	[tilespmem:$0x18180] =	vst v63  }
0x17c: {  	_ =	swait.ge [sflag:s21], $0x4000  }
0x17d: {  	[sflag:s21] =	ssyncset.done $0x0  }
0x17e: {  	[sflag:s21] =	ssyncadd.s32 $0xFFFFC000  }
0x17f: {  	[tilespmem:s5], [sflag:$0x2] =	stream.linear.gather [spmem:s12], $0x4000, $0x38;
	[tilespmem:$0x18180] =	vst v63  }
0x180: {  	s28 =	sadd.s32 $0x1, s28;
	_ =	swait.ge [sflag:s21], $0x4000  }
0x181: {  	p0 =	sne.s32 s28, s20;
	[sflag:s21] =	ssyncset.done $0x0  }
.Ltmp3:
0x182: {  	[sflag:s21] =	ssyncadd.s32 $0xFFFFC000;
	(pc) =	sbr.rel @p0 .LBB2_1-.Ltmp3, $4  }
0x183: {  	[hbm4b:s19+s5] =	stream.linear.scatter [tilespmem:s5], [sflag:$0x2], $0x4000, $0x38;
	[tilespmem:$0x18180] =	vst v63  }
0x184: {  	_ =	swait.ge [sflag:s21], $0x4000  }
0x185: {  	[sflag:s21] =	ssyncset.done $0x0  }
0x186: {  	[sflag:s21] =	ssyncadd.s32 $0xFFFFC000  }
0x187: {  	_ =	sfence.sel $0x180000  }
0x188: {  	[bflag:$0x0] =	sbarrier.arrive $0xFFFF  }
0x189: {  	_ =	strace $0x9000004A  }
0x18a: {  	s0 =	stileid.u32;
	[bflag:$0x2] =	sbarrier.arrive $0xFFFF  }
0x18b: {  	p0 =	sne.s32 s0, $0x0;
	s0 =	rddreg [dreg:$0x4]  }
0x18c: {  	s0 =	sadd.s32 @!p0 $0x100000, s0  }
0x18d: {  	[sflag:s0] =	ssyncadd.tile.s32 @!p0 $0x1;
	_ =	shalt  }
.Lfunc_end2:
_tile_overlayer_lowered:
.L_overlay_start_2:
0x18e: {  	(tag) =	ssettag $0x2  }
0x18f: {  	s0 =	rddreg [dreg:$0x0];
	s2 =	stileid.u32  }
0x190: {  	s1 =	rddreg [dreg:$0x1];
	p0 =	sne.s32 s2, $0x0  }
0x191: {  	s3 =	rddreg [dreg:$0x2];
	[bflag:$0x3] =	sbarrier.arrive $0xFFFF;
	s2 =	simm.s32 @!p0 $0x1C02  }
0x192: {  	[timem:s3], [sflag:s2] =	dma.local @!p0 [hbm:s0], s1  }
0x193: {  	s0 =	simm.s32 @!p0 $0x2  }
0x194: {  	_ =	swait.ge @!p0 [sflag:s0], s1  }
0x195: {  	s1 =	ssub.s32 @!p0 $0x0, s1;
	[sflag:s0] =	ssyncset.done @!p0 $0x0  }
0x196: {  	[sflag:s0] =	ssyncadd.s32 @!p0 s1  }
0x197: {  	[bflag:$0x3] =	sbarrier.arrive $0xFFFF  }
0x198: {  	_ =	shalt  }

// kernel: kernel.15.cloned.1.call-start
scs
__scs_entry_jumppad:
0x0: {  	(pc) =	sbr.rel $0x88, $3  }
0x1: {  	(tag) =	ssettag $0x0;
	lr =	simm.s32 $0x1  }
0x2: {  	[smem:$0x3F93] =	sst lr;
	_ =	strace $0xD0000000  }
0x3: {  	_ = 	snop  }
0x4: {  	_ = 	snop  }
0x5: {  	_ = 	snop  }
0x6: {  	_ = 	snop  }
0x7: {  	_ = 	snop  }
__scs_overlays_trampoline_lowered:
0x8: {  	[smem:$0x3FA2] =	sst s0  }
0x9: {  	[smem:$0x3FA3] =	sst s1  }
0xa: {  	[smem:$0x3FA4] =	sst s2  }
0xb: {  	[smem:$0x3FA5] =	sst s3  }
0xc: {  	[smem:$0x3FA6] =	sst s4  }
0xd: {  	[smem:$0x3FA7] =	sst s5  }
0xe: {  	[smem:$0x3FA8] =	sst s6  }
0xf: {  	[smem:$0x3FA9] =	sst s7  }
0x10: {  	[smem:$0x3FAA] =	sst s8  }
0x11: {  	[smem:$0x3FAB] =	sst s9;
	s0 =	simm.s32 @!p0 $0x0  }
0x12: {  	s1 =	sld [smem:$0x3F91];
	s0 =	simm.s32 @p0 $0x1  }
0x13: {  	[smem:$0x3FAC] =	sst s0;
	s0 =	simm.s32 @!p1 $0x0  }
0x14: {  	s2 =	sld [smem:$0x3F90];
	s0 =	simm.s32 @p1 $0x1  }
0x15: {  	[smem:$0x3FAD] =	sst s0;
	s0 =	simm.s32 @!p2 $0x0  }
0x16: {  	s3 =	sld [smem:$0x3FDB];
	s0 =	simm.s32 @p2 $0x1  }
0x17: {  	s4 =	simm.s32 $0x1BF5;
	[smem:$0x3FAF] =	sst s0  }
0x18: {  	s0 =	sld [smem:$0x3F92];
	_ =	swait.ge [sflag:s4], $0x0  }
0x19: {  	s7 =	sld [smem:$0x3F93]  }
0x1a: {  	s8 =	sadd.s32 $0xFFFFE003, lr  }
0x1b: {  	s9 =	sadd.s32 $0xFFFFFEF7, lr;
	s5 =	simm.s32 $0xFFFFFFFF;
	p2 =	slt.u32 s8, $0xFFFFF086  }
0x1c: {  	p1 =	slt.u32 s9, $0xF7A;
	s5 =	simm.s32 @!p2 $0x0  }
0x1d: {  	s5 =	simm.s32 @p1 $0x1;
	p0 =	seq.s32 s7, s2  }
0x1e: {  	s7 =	smul.u32 @!p0 $0xF7A, s2;
	p2 =	seq.s32 @!p0 s5, $0x0  }
0x1f: {  	s9 =	smul.u32 $0xF7A, s1;
	s8 =	simm.s32 @!p0 $0x1BF5;
	p2 =	por !p2, p0  }
0x20: {  	[sflag:s8] =	ssyncset.s32 @!p0 $0xFFFFF086;
	s6 =	sadd.s32 @!p0 s3, s7;
	s7 =	simm.s32 @!p0 $0x108  }
0x21: {  	s3 =	sadd.s32 s3, s9;
	s6 =	sadd.s32 @!p0 $0x88, s6;
	s7 =	simm.s32 @p2 $0x1082  }
0x22: {  	[simem:s7], [sflag:s8] =	dma.local @!p0 [hbm:s6], $0xF7A  }
0x23: {  	s9 =	sor.u32 $0xD0000000, s2;
	s6 =	simm.s32 $0x108;
	_ =	swait.ge @!p0 [sflag:s8], $0x0  }
0x24: {  	s3 =	sadd.s32 $0x88, s3;
	s6 =	simm.s32 @!p1 $0x1082;
	[sflag:s4] =	ssyncset.s32 $0xFFFFF086  }
0x25: {  	[simem:s6], [sflag:s4] =	dma.local [hbm:s3], $0xF7A  }
0x26: {  	[smem:$0x3F93] =	sst s1;
	(tag) =	ssettag s2;
	_ =	strace s9  }
0x27: {  	s1 =	sld [smem:$0x3FA3]  }
0x28: {  	s2 =	sld [smem:$0x3FA4]  }
0x29: {  	s4 =	sld [smem:$0x3FA6]  }
0x2a: {  	p0 =	seq.s32 s5, $0x0;
	s5 =	sld [smem:$0x3FA7]  }
0x2b: {  	s6 =	sld [smem:$0x3FA8]  }
0x2c: {  	s7 =	sld [smem:$0x3FA9]  }
0x2d: {  	s3 =	simm.s32 $0x108;
	s8 =	sld [smem:$0x3FAA]  }
0x2e: {  	s3 =	simm.s32 @!p0 $0x1082;
	s9 =	sld [smem:$0x3FAB]  }
0x2f: {  	lr =	sadd.s32 s0, s3;
	s0 =	sld [smem:$0x3FA2]  }
0x30: {  	s3 =	sld [smem:$0x3FA5]  }
0x31: {  	[smem:$0x3FAE] =	sst s10  }
0x32: {  	s10 =	sld [smem:$0x3FAC];
	_ =	sdelay $0x3  }
0x33: {  	p0 =	seq.s32 s10, $0x1;
	s10 =	sld [smem:$0x3FAE];
	_ =	sdelay $0x3  }
0x34: {  	[smem:$0x3FAE] =	sst s10  }
0x35: {  	s10 =	sld [smem:$0x3FAD];
	_ =	sdelay $0x3  }
0x36: {  	p1 =	seq.s32 s10, $0x1;
	s10 =	sld [smem:$0x3FAE];
	_ =	sdelay $0x3  }
0x37: {  	[smem:$0x3FAE] =	sst s10  }
0x38: {  	s10 =	sld [smem:$0x3FAF]  }
0x39: {  	_ = 	snop;
	(pc) =	sbr.ind lr, $3  }
0x3a: {  	_ = 	snop  }
0x3b: {  	_ = 	snop  }
0x3c: {  	p2 =	seq.s32 s10, $0x1;
	s10 =	sld [smem:$0x3FAE]  }
0x3d: {  	_ =	shalt  }
0x3e: {  	_ =	shalt  }
0x3f: {  	_ =	shalt  }
0x40: {  	_ =	shalt  }
0x41: {  	_ =	shalt  }
0x42: {  	_ =	shalt  }
0x43: {  	_ =	shalt  }
0x44: {  	_ =	shalt  }
0x45: {  	_ =	shalt  }
0x46: {  	_ =	shalt  }
0x47: {  	_ =	shalt  }
0x48: {  	_ =	shalt  }
0x49: {  	_ =	shalt  }
0x4a: {  	_ =	shalt  }
0x4b: {  	_ =	shalt  }
0x4c: {  	_ =	shalt  }
0x4d: {  	_ =	shalt  }
0x4e: {  	_ =	shalt  }
0x4f: {  	_ =	shalt  }
0x50: {  	_ =	shalt  }
0x51: {  	_ =	shalt  }
0x52: {  	_ =	shalt  }
0x53: {  	_ =	shalt  }
0x54: {  	_ =	shalt  }
0x55: {  	_ =	shalt  }
0x56: {  	_ =	shalt  }
0x57: {  	_ =	shalt  }
0x58: {  	_ =	shalt  }
0x59: {  	_ =	shalt  }
0x5a: {  	_ =	shalt  }
0x5b: {  	_ =	shalt  }
0x5c: {  	_ =	shalt  }
0x5d: {  	_ =	shalt  }
0x5e: {  	_ =	shalt  }
0x5f: {  	_ =	shalt  }
0x60: {  	_ =	shalt  }
0x61: {  	_ =	shalt  }
0x62: {  	_ =	shalt  }
0x63: {  	_ =	shalt  }
0x64: {  	_ =	shalt  }
0x65: {  	_ =	shalt  }
0x66: {  	_ =	shalt  }
0x67: {  	_ =	shalt  }
0x68: {  	_ =	shalt  }
0x69: {  	_ =	shalt  }
0x6a: {  	_ =	shalt  }
0x6b: {  	_ =	shalt  }
0x6c: {  	_ =	shalt  }
0x6d: {  	_ =	shalt  }
0x6e: {  	_ =	shalt  }
0x6f: {  	_ =	shalt  }
0x70: {  	_ =	shalt  }
0x71: {  	_ =	shalt  }
0x72: {  	_ =	shalt  }
0x73: {  	_ =	shalt  }
0x74: {  	_ =	shalt  }
0x75: {  	_ =	shalt  }
0x76: {  	_ =	shalt  }
0x77: {  	_ =	shalt  }
0x78: {  	_ =	shalt  }
0x79: {  	_ =	shalt  }
0x7a: {  	_ =	shalt  }
0x7b: {  	_ =	shalt  }
0x7c: {  	_ =	shalt  }
0x7d: {  	_ =	shalt  }
0x7e: {  	_ =	shalt  }
0x7f: {  	_ =	shalt  }
0x80: {  	_ =	shalt  }
0x81: {  	_ =	shalt  }
0x82: {  	_ =	shalt  }
0x83: {  	_ =	shalt  }
0x84: {  	_ =	shalt  }
0x85: {  	_ =	shalt  }
0x86: {  	_ =	shalt  }
0x87: {  	_ =	shalt  }
.Lfunc_end0:
.L_simem_size_0:
called_computation.2_lowered:
.L_overlay_start_0:
0x88: {  	s2 =	sld [smem:$0x3FD9]  }
0x89: {  	s3 =	sld [smem:$0x3FFE];
	_ =	sdelay $0x1  }
0x8a: {  	s1 =	srdreg.scid  }
0x8b: {  	s0 =	sand.u32 $0x1, s1  }
0x8c: {  	s14 =	sshll.u32 s0, $0xA;
	s2 =	sadd.s32 s3, s2  }
0x8d: {  	s2 =	sadd.s32 s2, s14  }
0x8e: {  	[smem:$0x3FBA] =	sst s2  }
0x8f: {  	_ = 	snop  }
0x90: {  	s2 =	sld [smem:$0x3FD0];
	_ =	sdelay $0x2  }
0x91: {  	s15 =	simm.s32 $0xA;
	s4 =	simm.s32 $0x10  }
0x92: {  	[smem:s4], [sflag:s15] =	dma.local [hbm:s2], $0x1  }
0x93: {  	_ =	swait.eq [sflag:s15], $0x1  }
0x94: {  	[sflag:s15] =	ssyncset.done $0x0  }
0x95: {  	[sflag:s15] =	ssyncadd.s32 $0xFFFFFFFF  }
0x96: {  	s16 =	sld [smem:$0x10];
	(tm) =	ssettm $0x1  }
0x97: {  	s17 =	sld [smem:$0x3FFB];
	_ =	sdelay $0x3  }
0x98: {  	_ =	strace s17  }
0x99: {  	s3 =	sld [smem:$0x3FFC];
	_ =	sdelay $0x3  }
0x9a: {  	_ =	strace s3  }
0x9b: {  	s3 =	sld [smem:$0x3FFD];
	_ =	sdelay $0x3  }
0x9c: {  	_ =	strace s3  }
0x9d: {  	_ =	strace $0x8FFFFFFF  }
0x9e: {  	s18 =	sld [smem:$0x3FDB];
	_ =	sdelay $0x1  }
0x9f: {  	s19 =	simm.s32 $_scs_section_size  }
0xa0: {  	s5 =	simm.s32 $_size__tile_overlayer_lowered;
	s6 =	simm.s32 $_tile_overlayer_lowered  }
0xa1: {  	s22 =	simm.s32 $0x1BFF;
	s21 =	sshll.u32 s6, $0x1;
	s3 =	sadd.s32 s19, s18  }
0xa2: {  	s7 =	simm.s32 $0x0;
	s20 =	sshll.u32 s5, $0x1;
	s5 =	sadd.s32 s21, s3  }
0xa3: {  	[timem:s7], [sflag:s22] =	dma.local [hbm:s5], s20  }
0xa4: {  	_ =	swait.ge [sflag:s22], s20  }
0xa5: {  	s4 =	ssub.s32 $0x0, s20;
	[sflag:s22] =	ssyncset.done $0x0  }
0xa6: {  	[sflag:s22] =	ssyncadd.s32 s4;
	_ =	sdelay $0x1  }
0xa7: {  	s23 =	simm.s32 $0x1B8B  }
0xa8: {  	_ =	swait.ge [sflag:s23], $0x1  }
0xa9: {  	[sflag:s23] =	ssyncset.done $0x0  }
0xaa: {  	s25 =	simm.s32 $0x1B8E;
	s24 =	sld [smem:$0x3FFE];
	[sflag:s23] =	ssyncadd.s32 $0xFFFFFFFF  }
0xab: {  	s26 =	simm.s32 $execute0_lowered;
	[smem:$0x3FD2] =	sst s25  }
0xac: {  	s5 =	sshll.u32 s26, $0x1;
	_ =	strace $0x8000004C;
	[dreg:$0x1] =	wrdreg $0xFFFFFFFF  }
0xad: {  	s28 =	simm.s32 $_size_execute0_lowered;
	s3 =	sadd.s32 s3, s5;
	[dreg:$0x0] =	wrdreg $0x0  }
0xae: {  	s5 =	sshll.u32 s28, $0x1;
	[dreg:$0x2] =	wrdreg s3  }
0xaf: {  	[dreg:$0x3] =	wrdreg s5  }
0xb0: {  	[dreg:$0x4] =	wrdreg $0xC0  }
0xb1: {  	_ =	task [dreg:s7], $0x5FFFF  }
0xb2: {  	[dreg:$0x1] =	wrdreg $0xFFFFFFFF  }
0xb3: {  	[dreg:$0x0] =	wrdreg $0x60  }
0xb4: {  	[dreg:$0x2] =	wrdreg s24  }
0xb5: {  	[dreg:$0x3] =	wrdreg s16  }
0xb6: {  	[dreg:$0x4] =	wrdreg $0x9  }
0xb7: {  	_ =	task.clear_ibuf [dreg:s7], $0x5FFFF;
	_ =	strace $0x9000004C  }
0xb8: {  	s29 =	simm.s32 $0x9;
	_ =	strace $0x8000004E  }
0xb9: {  	_ =	swait.ge [sflag:s29], $0x1  }
0xba: {  	[sflag:s29] =	ssyncadd.s32 $0xFFFFFFFF  }
0xbb: {  	_ =	strace $0x9000004E  }
0xbc: {  	_ =	sfence  }
0xbd: {  	s30 =	sld [smem:$0x0];
	_ =	sdelay $0x2  }
0xbe: {  	s31 =	sshll.u32 s1, $0xD;
	s1 =	sshrl.u32 s1, $0x2  }
0xbf: {  	s3 =	sand.u32 $0x4000, s31;
	s1 =	sadd.s32 s1, s30  }
0xc0: {  	s0 =	sor.u32 s3, s0;
	s1 =	sshll.u32 s1, $0x11  }
0xc1: {  	s0 =	sor.u32 s1, s0  }
0xc2: {  	s0 =	sadd.s32 $0x8F2B, s0  }
0xc3: {  	[sflag:s0] =	ssyncadd.remote.s32 $0x1  }
0xc4: {  	_ =	sfence.sel $0xFFFF  }
0xc5: {  	[dreg:$0x0] =	wrdreg $0xFFFFFFFF;
	(pc) =	sbr.abs _section_cstart, $3  }
0xc6: {  	[dreg:$0x1] =	wrdreg $0xFFFFFFFF  }
0xc7: {  	_ =	task.clear_ibuf [dreg:s7], $0x2FFFF;
	_ =	strace $0x9FFFFFFF  }
0xc8: {  	(tm) =	ssettm $0x7FFFFFFF  }
0xc9: {  	_ =	shalt  }
tec
execute0_lowered:
.L_overlay_start_1:
0x0: {  	(tag) =	ssettag $0x1  }
0x1: {  	s0 =	srdreg.scid;
	s9 =	rddreg [dreg:$0x0]  }
0x2: {  	s16 =	stileid.u32;
	s11 =	rddreg [dreg:$0x1];
	s2 =	simm.s32 $0x0  }
0x3: {  	s17 =	simm.s32 $0x1;
	s19 =	simm.s32 $0xA200;
	s20 =	simm.s32 $0xCA00  }
0x4: {  	s22 =	simm.s32 $0xF200;
	s23 =	simm.s32 $0x11A00;
	s28 =	simm.s32 $0x5100  }
0x5: {  	s29 =	simm.s32 $0x80;
	s30 =	simm.s32 $0x400;
	s31 =	simm.s32 $0x7980  }
0x6: {  	s0 =	sand.u32 $0x1, s0;
	[smem:$0x7FF] =	sst s2;
	s4 =	sadd.s32 $0x69A00, s9  }
0x7: {  	s5 =	sadd.s32 $0x6AC00, s9;
	s6 =	sadd.s32 $0x6A000, s9;
	s7 =	sadd.s32 $0x6A600, s9  }
0x8: {  	s8 =	sadd.s32 $0x6AE00, s9;
	s14 =	sadd.s32 $0x6B000, s9;
	s25 =	sshll.u32 s16, $0x7  }
0x9: {  	s1 =	sshll.u32 s0, $0x4;
	s13 =	ssub.s32 $0x2, s0;
	s0 =	smul.u32 $0x28800, s0  }
0xa: {  	_ =	strace $0x8000004D;
	s1 =	sor.u32 s16, s1;
	s16 =	smul.u32 $0x2880, s16  }
0xb: {  	s24 =	sshrl.u32 s13, $0x1;
	s3 =	smul.u32 $0x2880, s1;
	s1 =	sshrl.u32 s1, $0x3  }
0xc: {  	s15 =	ssub.s32 s13, s24;
	s13 =	sand.u32 $0x380, s25;
	s25 =	simm.s32 $0x14300  }
0xd: {  	s1 =	smul.u32 $0x14000, s1;
	s15 =	smax.u32 s15, $0x1;
	s12 =	sshrl.u32 s3, $0x3  }
0xe: {  	s21 =	sadd.s32 s16, s0;
	s3 =	sadd.s32 $0x69400, s9;
	s10 =	sadd.s32 s12, s9  }
0xf: {  	s11 =	sadd.s32 s11, s12;
	s1 =	sor.u32 s13, s1;
	s9 =	sadd.s32 $0xF200, s10  }
0x10: {  	s10 =	sadd.s32 $0x5000, s10;
	s26 =	sshrl.u32 s1, $0x3;
	s1 =	sadd.s32 $0x50000, s1  }
0x11: {  	s13 =	sadd.s32 $0xA200, s11;
	s12 =	sadd.s32 s14, s26;
	s1 =	sshrl.u32 s1, $0x3  }
0x12: {  	v0 =	vimm.f32 $0.0e+00;
	s26 =	simm.s32 $0x16B00;
	s14 =	sadd.s32 s14, s1;
	s1 =	simm.s32 $0x0  }
.LBB2_1:
0x13: {  	[tilespmem:s2], [sflag:$0x1] =	stream.linear.gather [hbm4b:s9+s2], $0x2880, $0x38;
	[tilespmem:$0x19300] =	vst v63  }
0x14: {  	_ =	swait.ge [sflag:s17], $0x2880  }
0x15: {  	[sflag:s17] =	ssyncset.done $0x0  }
0x16: {  	s0 =	simm.s32 $0x2880;
	[sflag:s17] =	ssyncadd.s32 $0xFFFFD780  }
0x17: {  	[tilespmem:s0], [sflag:$0x1] =	stream.linear.gather [hbm4b:s10+s2], $0x2880, $0x38;
	[tilespmem:$0x19300] =	vst v63  }
0x18: {  	_ =	swait.ge [sflag:s17], $0x2880  }
0x19: {  	[sflag:s17] =	ssyncset.done $0x0  }
0x1a: {  	[sflag:s17] =	ssyncadd.s32 $0xFFFFD780  }
0x1b: {  	[tilespmem:s19], [sflag:$0x1] =	stream.linear.gather [hbm4b:s3+s2], $0x2800, $0x38;
	[tilespmem:$0x19300] =	vst v63  }
0x1c: {  	_ =	swait.ge [sflag:s17], $0x2800  }
0x1d: {  	[sflag:s17] =	ssyncset.done $0x0  }
0x1e: {  	[sflag:s17] =	ssyncadd.s32 $0xFFFFD800  }
0x1f: {  	[tilespmem:s20], [sflag:$0x1] =	stream.linear.gather [hbm4b:s4+s2], $0x2800, $0x38;
	[tilespmem:$0x19300] =	vst v63  }
0x20: {  	_ =	swait.ge [sflag:s17], $0x2800  }
0x21: {  	[sflag:s17] =	ssyncset.done $0x0  }
0x22: {  	s18 =	simm.s32 $0x14200;
	[sflag:s17] =	ssyncadd.s32 $0xFFFFD800  }
0x23: {  	[tilespmem:s18], [sflag:$0x1] =	stream.linear.gather [hbm4b:s5+s2], $0x80, $0x38;
	[tilespmem:$0x19300] =	vst v63  }
0x24: {  	_ =	swait.ge [sflag:s17], $0x80  }
0x25: {  	[sflag:s17] =	ssyncset.done $0x0  }
0x26: {  	[sflag:s17] =	ssyncadd.s32 $0xFFFFFF80  }
0x27: {  	[tilespmem:s22], [sflag:$0x1] =	stream.linear.gather [hbm4b:s6+s2], $0x2800, $0x38;
	[tilespmem:$0x19300] =	vst v63  }
0x28: {  	_ =	swait.ge [sflag:s17], $0x2800  }
0x29: {  	[sflag:s17] =	ssyncset.done $0x0  }
0x2a: {  	[sflag:s17] =	ssyncadd.s32 $0xFFFFD800  }
0x2b: {  	[tilespmem:s23], [sflag:$0x1] =	stream.linear.gather [hbm4b:s7+s2], $0x2800, $0x38;
	[tilespmem:$0x19300] =	vst v63  }
0x2c: {  	_ =	swait.ge [sflag:s17], $0x2800  }
0x2d: {  	[sflag:s17] =	ssyncset.done $0x0  }
0x2e: {  	s24 =	simm.s32 $0x14280;
	[sflag:s17] =	ssyncadd.s32 $0xFFFFD800  }
0x2f: {  	[tilespmem:s24], [sflag:$0x1] =	stream.linear.gather [hbm4b:s8+s2], $0x80, $0x38;
	[tilespmem:$0x19300] =	vst v63  }
0x30: {  	_ =	swait.ge [sflag:s17], $0x80  }
0x31: {  	[sflag:s17] =	ssyncset.done $0x0  }
0x32: {  	s0 =	simm.s32 $0x0;
	[sflag:s17] =	ssyncadd.s32 $0xFFFFFF80  }
.LBB2_2:
0x33: {  	p0 =	sne.s32 s0, $0x9FC0  }
.Ltmp0:
0x34: {  	_ = 	snop;
	(pc) =	sbr.rel @p0 .LBB2_2-.Ltmp0, $4  }
0x35: {  	_ = 	snop  }
0x36: {  	s16 =	sshra.s32 s0, $0x2  }
0x37: {  	[tilespmem:s16+$0x14300] =	vst v0  }
0x38: {  	s0 =	sadd.s32 $0x40, s0;
	[tilespmem:s16+$0x16B00] =	vst v0  }
0x39: {  	s0 =	simm.s32 $0x0  }
0x3a: {  	v2 =	vld [tilespmem:s0+$0x0]  }
0x3b: {  	v1 =	vld [tilespmem:s0+$0x2880];
	_ =	sdelay $0x5  }
0x3c: {  	v5 =	vld [tilespmem:$0x14200]  }
0x3d: {  	v3 =	vld.idx.msk [tilespmem:v2+s19+$0x0], $0xffff  }
0x3e: {  	v4 =	vld.idx.msk [tilespmem:v1+s20+$0x0], $0xffff;
	_ =	sdelay $0x4  }
0x3f: {  	v3 =	vadd.f32 v4, v3;
	v4 =	vadd.f32 v5, v4;
	_ =	sdelay $0x1  }
0x40: {  	v60 =	vmul.f32 $2.000000030e-01, v3;
	v6 =	vmul.f32 $2.000000030e-01, v4  }
0x41: {  	vm0 =	vge.f32 v3, $0.0e+00;
	vm1 =	vge.f32 v4, $0.0e+00  }
0x42: {  	v3 =	vsel vm0, v3, v60;
	v4 =	vsel vm1, v4, v6  }
0x43: {  	v3 =	vsub.f32 v3, v4;
	_ =	sdelay $0x1  }
0x44: {  	v3 =	vmul.f32 $1.442695020e+00, v3;
	_ =	sdelay $0x1  }
0x45: {  	(erf) = vpow2.f32 v3;
	_ =	sdelay $0x8  }
0x46: {  	p1 =	slt.u32 s21, $0x50910;
	v3 =	vpop (erf)  }
0x47: {  	v3 =	vpsel !p1, $0x0, v3  }
0x48: {  	[tilespmem:s0+$0x5100] =	vst v3  }
0x49: {  	[tilespmem:v1+s25+$0x0] =	vst.idx.add.f32.msk $0xffff, v3  }
0x4a: {  	v2 =	vld.idx.msk [tilespmem:v2+s22+$0x0], $0xffff  }
0x4b: {  	v3 =	vld.idx.msk [tilespmem:v1+s23+$0x0], $0xffff  }
0x4c: {  	v61 =	vld [tilespmem:$0x14280];
	_ =	sdelay $0x4  }
0x4d: {  	v2 =	vadd.f32 v3, v2;
	v3 =	vadd.f32 v61, v3;
	_ =	sdelay $0x1  }
0x4e: {  	v62 =	vmul.f32 $2.000000030e-01, v2;
	v63 =	vmul.f32 $2.000000030e-01, v3  }
0x4f: {  	vm14 =	vge.f32 v3, $0.0e+00;
	vm15 =	vge.f32 v2, $0.0e+00  }
0x50: {  	v2 =	vsel vm15, v2, v62;
	v3 =	vsel vm14, v3, v63  }
0x51: {  	v2 =	vsub.f32 v2, v3;
	_ =	sdelay $0x1  }
0x52: {  	v2 =	vmul.f32 $1.442695020e+00, v2;
	_ =	sdelay $0x1  }
0x53: {  	s18 =	simm.s32 $0x40;
	s16 =	smov.u32 s21;
	(erf) = vpow2.f32 v2  }
.LBB2_4:
0x54: {  	_ =	sdelay $0x6  }
0x55: {  	p0 =	sne.s32 s18, $0xA1C0  }
0x56: {  	s16 =	sadd.s32 $0x10, s16;
	s24 =	smov.u32 s18;
	s18 =	sadd.s32 $0x40, s18;
	v2 =	vpop (erf)  }
0x57: {  	v2 =	vpsel !p1, $0x0, v2  }
0x58: {  	[tilespmem:s0+$0x7980] =	vst v2;
	s0 =	sshra.s32 s24, $0x2  }
0x59: {  	[tilespmem:v1+s26+$0x0] =	vst.idx.add.f32.msk $0xffff, v2  }
0x5a: {  	v2 =	vld [tilespmem:s0+$0x0]  }
0x5b: {  	v1 =	vld [tilespmem:s0+$0x2880];
	_ =	sdelay $0x6  }
0x5c: {  	v3 =	vld.idx.msk [tilespmem:v2+s19+$0x0], $0xffff  }
0x5d: {  	v4 =	vld.idx.msk [tilespmem:v1+s20+$0x0], $0xffff  }
0x5e: {  	v5 =	vld [tilespmem:$0x14200];
	_ =	sdelay $0x4  }
0x5f: {  	v3 =	vadd.f32 v4, v3;
	v4 =	vadd.f32 v5, v4;
	_ =	sdelay $0x1  }
0x60: {  	v5 =	vmul.f32 $2.000000030e-01, v3;
	v6 =	vmul.f32 $2.000000030e-01, v4  }
0x61: {  	vm0 =	vge.f32 v3, $0.0e+00;
	vm1 =	vge.f32 v4, $0.0e+00  }
0x62: {  	v3 =	vsel vm0, v3, v5;
	v4 =	vsel vm1, v4, v6  }
0x63: {  	v3 =	vsub.f32 v3, v4;
	_ =	sdelay $0x1  }
0x64: {  	v3 =	vmul.f32 $1.442695020e+00, v3;
	_ =	sdelay $0x1  }
0x65: {  	(erf) = vpow2.f32 v3;
	_ =	sdelay $0x8  }
0x66: {  	p1 =	slt.u32 s16, $0x50910;
	v3 =	vpop (erf)  }
0x67: {  	v3 =	vpsel !p1, $0x0, v3  }
0x68: {  	[tilespmem:s0+$0x5100] =	vst v3  }
0x69: {  	[tilespmem:v1+s25+$0x0] =	vst.idx.add.f32.msk $0xffff, v3  }
0x6a: {  	v2 =	vld.idx.msk [tilespmem:v2+s22+$0x0], $0xffff  }
0x6b: {  	v3 =	vld.idx.msk [tilespmem:v1+s23+$0x0], $0xffff  }
0x6c: {  	v4 =	vld [tilespmem:$0x14280];
	_ =	sdelay $0x4  }
0x6d: {  	v2 =	vadd.f32 v3, v2;
	v3 =	vadd.f32 v4, v3;
	_ =	sdelay $0x1  }
0x6e: {  	v4 =	vmul.f32 $2.000000030e-01, v2;
	vm0 =	vge.f32 v3, $0.0e+00;
	v5 =	vmul.f32 $2.000000030e-01, v3  }
0x6f: {  	vm1 =	vge.f32 v2, $0.0e+00  }
0x70: {  	v2 =	vsel vm1, v2, v4;
	v3 =	vsel vm0, v3, v5  }
.Ltmp1:
0x71: {  	v2 =	vsub.f32 v2, v3;
	(pc) =	sbr.rel @p0 .LBB2_4-.Ltmp1, $3  }
0x72: {  	_ = 	snop  }
0x73: {  	v2 =	vmul.f32 $1.442695020e+00, v2;
	_ =	sdelay $0x1  }
0x74: {  	(erf) = vpow2.f32 v2  }
0x75: {  	_ =	sdelay $0x7  }
0x76: {  	v2 =	vpop (erf)  }
0x77: {  	v2 =	vpsel !p1, $0x0, v2  }
0x78: {  	[tilespmem:s0+$0x7980] =	vst v2  }
0x79: {  	[tilespmem:v1+s26+$0x0] =	vst.idx.add.f32.msk $0xffff, v2  }
0x7a: {  	[hbm4b:s11+s2] =	stream.linear.scatter [tilespmem:s28], [sflag:$0x1], $0x2880, $0x38;
	[tilespmem:$0x19300] =	vst v63  }
0x7b: {  	_ =	swait.ge [sflag:s17], $0x2880  }
0x7c: {  	[sflag:s17] =	ssyncset.done $0x0  }
0x7d: {  	[sflag:s17] =	ssyncadd.s32 $0xFFFFD780  }
0x7e: {  	[hbm4b:s12+s29] =	stream.strided.scatter [tilespmem:s25], [sflag:$0x1], $0x2800, s30, s29, $0x38;
	[tilespmem:$0x19300] =	vst v63  }
0x7f: {  	_ =	swait.ge [sflag:s17], $0x2800  }
0x80: {  	[sflag:s17] =	ssyncset.done $0x0  }
0x81: {  	[sflag:s17] =	ssyncadd.s32 $0xFFFFD800  }
0x82: {  	[hbm4b:s13+s2] =	stream.linear.scatter [tilespmem:s31], [sflag:$0x1], $0x2880, $0x38;
	[tilespmem:$0x19300] =	vst v63  }
0x83: {  	s1 =	sadd.s32 $0x1, s1;
	_ =	swait.ge [sflag:s17], $0x2880  }
0x84: {  	p0 =	sne.s32 s1, s15;
	[sflag:s17] =	ssyncset.done $0x0  }
.Ltmp2:
0x85: {  	[sflag:s17] =	ssyncadd.s32 $0xFFFFD780;
	(pc) =	sbr.rel @p0 .LBB2_1-.Ltmp2, $4  }
0x86: {  	[hbm4b:s14+s29] =	stream.strided.scatter [tilespmem:s26], [sflag:$0x1], $0x2800, s30, s29, $0x38;
	[tilespmem:$0x19300] =	vst v63  }
0x87: {  	_ =	swait.ge [sflag:s17], $0x2800  }
0x88: {  	[sflag:s17] =	ssyncset.done $0x0  }
0x89: {  	[sflag:s17] =	ssyncadd.s32 $0xFFFFD800  }
0x8a: {  	_ =	sfence.sel $0x180000  }
0x8b: {  	[bflag:$0x0] =	sbarrier.arrive $0xFFFF  }
0x8c: {  	_ =	strace $0x9000004D  }
0x8d: {  	s0 =	stileid.u32;
	[bflag:$0x2] =	sbarrier.arrive $0xFFFF  }
0x8e: {  	p0 =	sne.s32 s0, $0x0;
	s0 =	rddreg [dreg:$0x2]  }
0x8f: {  	s0 =	sadd.s32 @!p0 $0x100000, s0  }
0x90: {  	[sflag:s0] =	ssyncadd.tile.s32 @!p0 $0x1;
	_ =	shalt  }
.Lfunc_end2:
_tile_overlayer_lowered:
.L_overlay_start_2:
0x91: {  	(tag) =	ssettag $0x2  }
0x92: {  	s0 =	rddreg [dreg:$0x0];
	s2 =	stileid.u32  }
0x93: {  	s1 =	rddreg [dreg:$0x1];
	p0 =	sne.s32 s2, $0x0  }
0x94: {  	s3 =	rddreg [dreg:$0x2];
	[bflag:$0x3] =	sbarrier.arrive $0xFFFF;
	s2 =	simm.s32 @!p0 $0x1C01  }
0x95: {  	[timem:s3], [sflag:s2] =	dma.local @!p0 [hbm:s0], s1  }
0x96: {  	s0 =	simm.s32 @!p0 $0x1  }
0x97: {  	_ =	swait.ge @!p0 [sflag:s0], s1  }
0x98: {  	s1 =	ssub.s32 @!p0 $0x0, s1;
	[sflag:s0] =	ssyncset.done @!p0 $0x0  }
0x99: {  	[sflag:s0] =	ssyncadd.s32 @!p0 s1  }
0x9a: {  	[bflag:$0x3] =	sbarrier.arrive $0xFFFF  }
0x9b: {  	_ =	shalt  }

// kernel: kernel.18.cloned.1.call-start
scs
__scs_entry_jumppad:
0x0: {  	(pc) =	sbr.rel $0x88, $3  }
0x1: {  	(tag) =	ssettag $0x0;
	lr =	simm.s32 $0x1  }
0x2: {  	[smem:$0x3F93] =	sst lr;
	_ =	strace $0xD0000000  }
0x3: {  	_ = 	snop  }
0x4: {  	_ = 	snop  }
0x5: {  	_ = 	snop  }
0x6: {  	_ = 	snop  }
0x7: {  	_ = 	snop  }
__scs_overlays_trampoline_lowered:
0x8: {  	[smem:$0x3FA2] =	sst s0  }
0x9: {  	[smem:$0x3FA3] =	sst s1  }
0xa: {  	[smem:$0x3FA4] =	sst s2  }
0xb: {  	[smem:$0x3FA5] =	sst s3  }
0xc: {  	[smem:$0x3FA6] =	sst s4  }
0xd: {  	[smem:$0x3FA7] =	sst s5  }
0xe: {  	[smem:$0x3FA8] =	sst s6  }
0xf: {  	[smem:$0x3FA9] =	sst s7  }
0x10: {  	[smem:$0x3FAA] =	sst s8  }
0x11: {  	[smem:$0x3FAB] =	sst s9;
	s0 =	simm.s32 @!p0 $0x0  }
0x12: {  	s1 =	sld [smem:$0x3F91];
	s0 =	simm.s32 @p0 $0x1  }
0x13: {  	[smem:$0x3FAC] =	sst s0;
	s0 =	simm.s32 @!p1 $0x0  }
0x14: {  	s2 =	sld [smem:$0x3F90];
	s0 =	simm.s32 @p1 $0x1  }
0x15: {  	[smem:$0x3FAD] =	sst s0;
	s0 =	simm.s32 @!p2 $0x0  }
0x16: {  	s3 =	sld [smem:$0x3FDB];
	s0 =	simm.s32 @p2 $0x1  }
0x17: {  	s4 =	simm.s32 $0x1BF5;
	[smem:$0x3FAF] =	sst s0  }
0x18: {  	s0 =	sld [smem:$0x3F92];
	_ =	swait.ge [sflag:s4], $0x0  }
0x19: {  	s7 =	sld [smem:$0x3F93]  }
0x1a: {  	s8 =	sadd.s32 $0xFFFFE003, lr  }
0x1b: {  	s9 =	sadd.s32 $0xFFFFFEF7, lr;
	s5 =	simm.s32 $0xFFFFFFFF;
	p2 =	slt.u32 s8, $0xFFFFF086  }
0x1c: {  	p1 =	slt.u32 s9, $0xF7A;
	s5 =	simm.s32 @!p2 $0x0  }
0x1d: {  	s5 =	simm.s32 @p1 $0x1;
	p0 =	seq.s32 s7, s2  }
0x1e: {  	s7 =	smul.u32 @!p0 $0xF7A, s2;
	p2 =	seq.s32 @!p0 s5, $0x0  }
0x1f: {  	s9 =	smul.u32 $0xF7A, s1;
	s8 =	simm.s32 @!p0 $0x1BF5;
	p2 =	por !p2, p0  }
0x20: {  	[sflag:s8] =	ssyncset.s32 @!p0 $0xFFFFF086;
	s6 =	sadd.s32 @!p0 s3, s7;
	s7 =	simm.s32 @!p0 $0x108  }
0x21: {  	s3 =	sadd.s32 s3, s9;
	s6 =	sadd.s32 @!p0 $0x88, s6;
	s7 =	simm.s32 @p2 $0x1082  }
0x22: {  	[simem:s7], [sflag:s8] =	dma.local @!p0 [hbm:s6], $0xF7A  }
0x23: {  	s9 =	sor.u32 $0xD0000000, s2;
	s6 =	simm.s32 $0x108;
	_ =	swait.ge @!p0 [sflag:s8], $0x0  }
0x24: {  	s3 =	sadd.s32 $0x88, s3;
	s6 =	simm.s32 @!p1 $0x1082;
	[sflag:s4] =	ssyncset.s32 $0xFFFFF086  }
0x25: {  	[simem:s6], [sflag:s4] =	dma.local [hbm:s3], $0xF7A  }
0x26: {  	[smem:$0x3F93] =	sst s1;
	(tag) =	ssettag s2;
	_ =	strace s9  }
0x27: {  	s1 =	sld [smem:$0x3FA3]  }
0x28: {  	s2 =	sld [smem:$0x3FA4]  }
0x29: {  	s4 =	sld [smem:$0x3FA6]  }
0x2a: {  	p0 =	seq.s32 s5, $0x0;
	s5 =	sld [smem:$0x3FA7]  }
0x2b: {  	s6 =	sld [smem:$0x3FA8]  }
0x2c: {  	s7 =	sld [smem:$0x3FA9]  }
0x2d: {  	s3 =	simm.s32 $0x108;
	s8 =	sld [smem:$0x3FAA]  }
0x2e: {  	s3 =	simm.s32 @!p0 $0x1082;
	s9 =	sld [smem:$0x3FAB]  }
0x2f: {  	lr =	sadd.s32 s0, s3;
	s0 =	sld [smem:$0x3FA2]  }
0x30: {  	s3 =	sld [smem:$0x3FA5]  }
0x31: {  	[smem:$0x3FAE] =	sst s10  }
0x32: {  	s10 =	sld [smem:$0x3FAC];
	_ =	sdelay $0x3  }
0x33: {  	p0 =	seq.s32 s10, $0x1;
	s10 =	sld [smem:$0x3FAE];
	_ =	sdelay $0x3  }
0x34: {  	[smem:$0x3FAE] =	sst s10  }
0x35: {  	s10 =	sld [smem:$0x3FAD];
	_ =	sdelay $0x3  }
0x36: {  	p1 =	seq.s32 s10, $0x1;
	s10 =	sld [smem:$0x3FAE];
	_ =	sdelay $0x3  }
0x37: {  	[smem:$0x3FAE] =	sst s10  }
0x38: {  	s10 =	sld [smem:$0x3FAF]  }
0x39: {  	_ = 	snop;
	(pc) =	sbr.ind lr, $3  }
0x3a: {  	_ = 	snop  }
0x3b: {  	_ = 	snop  }
0x3c: {  	p2 =	seq.s32 s10, $0x1;
	s10 =	sld [smem:$0x3FAE]  }
0x3d: {  	_ =	shalt  }
0x3e: {  	_ =	shalt  }
0x3f: {  	_ =	shalt  }
0x40: {  	_ =	shalt  }
0x41: {  	_ =	shalt  }
0x42: {  	_ =	shalt  }
0x43: {  	_ =	shalt  }
0x44: {  	_ =	shalt  }
0x45: {  	_ =	shalt  }
0x46: {  	_ =	shalt  }
0x47: {  	_ =	shalt  }
0x48: {  	_ =	shalt  }
0x49: {  	_ =	shalt  }
0x4a: {  	_ =	shalt  }
0x4b: {  	_ =	shalt  }
0x4c: {  	_ =	shalt  }
0x4d: {  	_ =	shalt  }
0x4e: {  	_ =	shalt  }
0x4f: {  	_ =	shalt  }
0x50: {  	_ =	shalt  }
0x51: {  	_ =	shalt  }
0x52: {  	_ =	shalt  }
0x53: {  	_ =	shalt  }
0x54: {  	_ =	shalt  }
0x55: {  	_ =	shalt  }
0x56: {  	_ =	shalt  }
0x57: {  	_ =	shalt  }
0x58: {  	_ =	shalt  }
0x59: {  	_ =	shalt  }
0x5a: {  	_ =	shalt  }
0x5b: {  	_ =	shalt  }
0x5c: {  	_ =	shalt  }
0x5d: {  	_ =	shalt  }
0x5e: {  	_ =	shalt  }
0x5f: {  	_ =	shalt  }
0x60: {  	_ =	shalt  }
0x61: {  	_ =	shalt  }
0x62: {  	_ =	shalt  }
0x63: {  	_ =	shalt  }
0x64: {  	_ =	shalt  }
0x65: {  	_ =	shalt  }
0x66: {  	_ =	shalt  }
0x67: {  	_ =	shalt  }
0x68: {  	_ =	shalt  }
0x69: {  	_ =	shalt  }
0x6a: {  	_ =	shalt  }
0x6b: {  	_ =	shalt  }
0x6c: {  	_ =	shalt  }
0x6d: {  	_ =	shalt  }
0x6e: {  	_ =	shalt  }
0x6f: {  	_ =	shalt  }
0x70: {  	_ =	shalt  }
0x71: {  	_ =	shalt  }
0x72: {  	_ =	shalt  }
0x73: {  	_ =	shalt  }
0x74: {  	_ =	shalt  }
0x75: {  	_ =	shalt  }
0x76: {  	_ =	shalt  }
0x77: {  	_ =	shalt  }
0x78: {  	_ =	shalt  }
0x79: {  	_ =	shalt  }
0x7a: {  	_ =	shalt  }
0x7b: {  	_ =	shalt  }
0x7c: {  	_ =	shalt  }
0x7d: {  	_ =	shalt  }
0x7e: {  	_ =	shalt  }
0x7f: {  	_ =	shalt  }
0x80: {  	_ =	shalt  }
0x81: {  	_ =	shalt  }
0x82: {  	_ =	shalt  }
0x83: {  	_ =	shalt  }
0x84: {  	_ =	shalt  }
0x85: {  	_ =	shalt  }
0x86: {  	_ =	shalt  }
0x87: {  	_ =	shalt  }
.Lfunc_end0:
.L_simem_size_0:
called_computation.3_lowered:
.L_overlay_start_0:
0x88: {  	s2 =	sld [smem:$0x3FD9]  }
0x89: {  	s3 =	sld [smem:$0x3FFE];
	_ =	sdelay $0x1  }
0x8a: {  	s1 =	srdreg.scid  }
0x8b: {  	s0 =	sand.u32 $0x1, s1  }
0x8c: {  	s14 =	sshll.u32 s0, $0xA;
	s2 =	sadd.s32 s3, s2  }
0x8d: {  	s2 =	sadd.s32 s2, s14  }
0x8e: {  	[smem:$0x3FBA] =	sst s2  }
0x8f: {  	_ = 	snop  }
0x90: {  	s2 =	sld [smem:$0x3FD0];
	_ =	sdelay $0x2  }
0x91: {  	s15 =	simm.s32 $0xA;
	s4 =	simm.s32 $0x10  }
0x92: {  	[smem:s4], [sflag:s15] =	dma.local [hbm:s2], $0x1  }
0x93: {  	_ =	swait.eq [sflag:s15], $0x1  }
0x94: {  	[sflag:s15] =	ssyncset.done $0x0  }
0x95: {  	s16 =	sld [smem:$0x10];
	[sflag:s15] =	ssyncadd.s32 $0xFFFFFFFF  }
0x96: {  	s17 =	sld [smem:$0x11];
	(tm) =	ssettm $0x1  }
0x97: {  	s18 =	sld [smem:$0x3FFB];
	_ =	sdelay $0x3  }
0x98: {  	_ =	strace s18  }
0x99: {  	s4 =	sld [smem:$0x3FFC];
	_ =	sdelay $0x3  }
0x9a: {  	_ =	strace s4  }
0x9b: {  	s4 =	sld [smem:$0x3FFD];
	_ =	sdelay $0x3  }
0x9c: {  	_ =	strace s4  }
0x9d: {  	_ =	strace $0x8FFFFFFF  }
0x9e: {  	s19 =	sld [smem:$0x3FDB];
	_ =	sdelay $0x1  }
0x9f: {  	s5 =	simm.s32 $_scs_section_size  }
0xa0: {  	s6 =	simm.s32 $_size__tile_overlayer_lowered;
	s7 =	simm.s32 $_tile_overlayer_lowered  }
0xa1: {  	s22 =	simm.s32 $0x1BFF;
	s21 =	sshll.u32 s7, $0x1;
	s4 =	sadd.s32 s5, s19  }
0xa2: {  	s8 =	simm.s32 $0x0;
	s20 =	sshll.u32 s6, $0x1;
	s6 =	sadd.s32 s21, s4  }
0xa3: {  	[timem:s8], [sflag:s22] =	dma.local [hbm:s6], s20  }
0xa4: {  	_ =	swait.ge [sflag:s22], s20  }
0xa5: {  	s5 =	ssub.s32 $0x0, s20;
	[sflag:s22] =	ssyncset.done $0x0  }
0xa6: {  	[sflag:s22] =	ssyncadd.s32 s5;
	_ =	sdelay $0x1  }
0xa7: {  	s23 =	simm.s32 $0x1B8B  }
0xa8: {  	_ =	swait.ge [sflag:s23], $0x1  }
0xa9: {  	[sflag:s23] =	ssyncset.done $0x0  }
0xaa: {  	s25 =	simm.s32 $0x1B8E;
	s24 =	sld [smem:$0x3FFE];
	[sflag:s23] =	ssyncadd.s32 $0xFFFFFFFF  }
0xab: {  	s26 =	simm.s32 $execute0_lowered;
	[smem:$0x3FD2] =	sst s25  }
0xac: {  	s6 =	sshll.u32 s26, $0x1;
	_ =	strace $0x8000004F;
	[dreg:$0x1] =	wrdreg $0xFFFFFFFF  }
0xad: {  	s28 =	simm.s32 $_size_execute0_lowered;
	s4 =	sadd.s32 s4, s6;
	[dreg:$0x0] =	wrdreg $0x0  }
0xae: {  	s6 =	sshll.u32 s28, $0x1;
	[dreg:$0x2] =	wrdreg s4  }
0xaf: {  	[dreg:$0x3] =	wrdreg s6  }
0xb0: {  	[dreg:$0x4] =	wrdreg $0xC0  }
0xb1: {  	_ =	task [dreg:s8], $0x5FFFF  }
0xb2: {  	[dreg:$0x1] =	wrdreg $0xFFFFFFFF  }
0xb3: {  	[dreg:$0x0] =	wrdreg $0x60  }
0xb4: {  	[dreg:$0x2] =	wrdreg s24  }
0xb5: {  	[dreg:$0x3] =	wrdreg s17  }
0xb6: {  	[dreg:$0x4] =	wrdreg s16  }
0xb7: {  	[dreg:$0x5] =	wrdreg $0x41800  }
0xb8: {  	[dreg:$0x6] =	wrdreg $0x9  }
0xb9: {  	_ =	task.clear_ibuf [dreg:s8], $0x7FFFF;
	_ =	strace $0x9000004F  }
0xba: {  	s29 =	simm.s32 $0x9;
	_ =	strace $0x80000051  }
0xbb: {  	_ =	swait.ge [sflag:s29], $0x1  }
0xbc: {  	[sflag:s29] =	ssyncadd.s32 $0xFFFFFFFF  }
0xbd: {  	_ =	strace $0x90000051  }
0xbe: {  	_ =	sfence  }
0xbf: {  	s30 =	sld [smem:$0x0];
	_ =	sdelay $0x2  }
0xc0: {  	s31 =	sshll.u32 s1, $0xD;
	s1 =	sshrl.u32 s1, $0x2  }
0xc1: {  	s3 =	sand.u32 $0x4000, s31;
	s1 =	sadd.s32 s1, s30  }
0xc2: {  	s0 =	sor.u32 s3, s0;
	s1 =	sshll.u32 s1, $0x11  }
0xc3: {  	s0 =	sor.u32 s1, s0  }
0xc4: {  	s0 =	sadd.s32 $0x8F2B, s0  }
0xc5: {  	[sflag:s0] =	ssyncadd.remote.s32 $0x1  }
0xc6: {  	_ =	sfence.sel $0xFFFF  }
0xc7: {  	[dreg:$0x0] =	wrdreg $0xFFFFFFFF;
	(pc) =	sbr.abs _section_cstart, $3  }
0xc8: {  	[dreg:$0x1] =	wrdreg $0xFFFFFFFF  }
0xc9: {  	_ =	task.clear_ibuf [dreg:s8], $0x2FFFF;
	_ =	strace $0x9FFFFFFF  }
0xca: {  	(tm) =	ssettm $0x7FFFFFFF  }
0xcb: {  	_ =	shalt  }
tec
execute0_lowered:
.L_overlay_start_1:
0x0: {  	(tag) =	ssettag $0x1  }
0x1: {  	s0 =	rddreg [dreg:$0x0]  }
0x2: {  	s1 =	rddreg [dreg:$0x1]  }
0x3: {  	s2 =	rddreg [dreg:$0x2]  }
0x4: {  	s3 =	rddreg [dreg:$0x3];
	s5 =	simm.s32 $0x0  }
0x5: {  	s6 =	srdreg.scid;
	s4 =	stileid.u32;
	s23 =	simm.s32 $0x4000  }
0x6: {  	s24 =	simm.s32 $0x4100;
	s28 =	simm.s32 $0x0;
	[smem:$0x7FF] =	sst s5  }
0x7: {  	s13 =	sand.u32 $0x1, s6;
	s6 =	sadd.s32 $0x19400, s0;
	s14 =	smul.u32 $0x280, s4  }
0x8: {  	s7 =	sadd.s32 $0x5000, s0;
	s10 =	smul.u32 $0x50000, s4;
	s0 =	sadd.s32 $0x7F000, s0  }
0x9: {  	_ =	strace $0x80000050;
	s8 =	ssub.s32 $0x2, s13;
	s21 =	smul.u32 $0x2800, s13  }
0xa: {  	s13 =	smul.u32 $0xA20, s13;
	s9 =	sshrl.u32 s8, $0x1;
	s15 =	sadd.s32 $0x80, s14  }
0xb: {  	s25 =	sshrl.u32 s10, $0x2;
	s17 =	sadd.s32 $0x100, s14;
	s18 =	sadd.s32 $0x180, s14  }
0xc: {  	s19 =	sadd.s32 $0x200, s14;
	s20 =	ssub.s32 s8, s9;
	s26 =	sshll.u32 s15, $0x7  }
0xd: {  	s8 =	sadd.s32 s25, s3;
	s29 =	sshll.u32 s17, $0x7;
	s11 =	sshll.u32 s18, $0x7  }
0xe: {  	s12 =	sshll.u32 s19, $0x7;
	s14 =	sadd.s32 s14, s21;
	s22 =	sadd.s32 s21, s15  }
0xf: {  	s17 =	sadd.s32 s21, s17;
	s18 =	sadd.s32 s21, s18;
	s19 =	sadd.s32 s21, s19  }
0x10: {  	s21 =	simm.s32 $0x2;
	s25 =	simm.s32 $0x80;
	s9 =	sadd.s32 s26, s3  }
0x11: {  	s10 =	sadd.s32 s29, s3;
	s11 =	sadd.s32 s11, s3;
	s12 =	sadd.s32 s12, s3  }
0x12: {  	s16 =	sshll.u32 s14, $0x4;
	s14 =	smul.u32 $0xA2, s4;
	s31 =	sshll.u32 s22, $0x4  }
0x13: {  	s17 =	sshll.u32 s17, $0x4;
	s18 =	sshll.u32 s18, $0x4;
	s19 =	sshll.u32 s19, $0x4  }
0x14: {  	s20 =	smax.u32 s20, $0x1;
	s22 =	simm.s32 $0x4080;
	s26 =	simm.s32 $0x1  }
0x15: {  	s30 =	sadd.s32 s0, s16;
	s16 =	sadd.s32 s0, s31;
	s17 =	sadd.s32 s0, s17  }
0x16: {  	v0 =	vimm.f32 $0.0e+00;
	s18 =	sadd.s32 s0, s18;
	s19 =	sadd.s32 s0, s19;
	[dreg:$0x5] =	wrdreg s30  }
.LBB2_1:
0x17: {  	s0 =	simm.s32 $0x0;
	s29 =	simm.s32 $0x200  }
.LBB2_2:
0x18: {  	p0 =	sne.s32 s29, $0xFE00;
	[tilespmem:s0+$0x70] =	vst v0  }
0x19: {  	[tilespmem:s0+$0x0] =	vst v0  }
0x1a: {  	[tilespmem:s0+$0x10] =	vst v0  }
.Ltmp0:
0x1b: {  	[tilespmem:s0+$0x20] =	vst v0;
	(pc) =	sbr.rel @p0 .LBB2_2-.Ltmp0, $4  }
0x1c: {  	[tilespmem:s0+$0x30] =	vst v0  }
0x1d: {  	[tilespmem:s0+$0x40] =	vst v0  }
0x1e: {  	[tilespmem:s0+$0x50] =	vst v0  }
0x1f: {  	[tilespmem:s0+$0x60] =	vst v0;
	s0 =	sshra.s32 s29, $0x2;
	s29 =	sadd.s32 $0x200, s29  }
0x20: {  	[tilespmem:s0+$0x70] =	vst v0  }
0x21: {  	[tilespmem:s0+$0x0] =	vst v0  }
0x22: {  	[tilespmem:s0+$0x10] =	vst v0  }
0x23: {  	[tilespmem:s0+$0x20] =	vst v0  }
0x24: {  	[tilespmem:s0+$0x30] =	vst v0  }
0x25: {  	[tilespmem:s0+$0x40] =	vst v0  }
0x26: {  	[tilespmem:s0+$0x50] =	vst v0  }
0x27: {  	[tilespmem:s0+$0x60] =	vst v0;
	s29 =	simm.s32 $0x0  }
0x28: {  	[spmem:s8] =	stream.linear.scatter [tilespmem:s29], [sflag:$0x2], $0x4000, $0x38;
	[tilespmem:$0x18180] =	vst v63  }
0x29: {  	_ =	swait.ge [sflag:s21], $0x4000  }
0x2a: {  	[sflag:s21] =	ssyncset.done $0x0  }
0x2b: {  	[sflag:s21] =	ssyncadd.s32 $0xFFFFC000  }
0x2c: {  	[spmem:s9] =	stream.linear.scatter [tilespmem:s29], [sflag:$0x2], $0x4000, $0x38;
	[tilespmem:$0x18180] =	vst v63  }
0x2d: {  	_ =	swait.ge [sflag:s21], $0x4000  }
0x2e: {  	[sflag:s21] =	ssyncset.done $0x0  }
0x2f: {  	[sflag:s21] =	ssyncadd.s32 $0xFFFFC000  }
0x30: {  	[spmem:s10] =	stream.linear.scatter [tilespmem:s29], [sflag:$0x2], $0x4000, $0x38;
	[tilespmem:$0x18180] =	vst v63  }
0x31: {  	_ =	swait.ge [sflag:s21], $0x4000  }
0x32: {  	[sflag:s21] =	ssyncset.done $0x0  }
0x33: {  	[sflag:s21] =	ssyncadd.s32 $0xFFFFC000  }
0x34: {  	[spmem:s11] =	stream.linear.scatter [tilespmem:s29], [sflag:$0x2], $0x4000, $0x38;
	[tilespmem:$0x18180] =	vst v63  }
0x35: {  	_ =	swait.ge [sflag:s21], $0x4000  }
0x36: {  	[sflag:s21] =	ssyncset.done $0x0  }
0x37: {  	[sflag:s21] =	ssyncadd.s32 $0xFFFFC000  }
0x38: {  	[spmem:s12] =	stream.linear.scatter [tilespmem:s29], [sflag:$0x2], $0x4000, $0x38;
	[tilespmem:$0x18180] =	vst v63  }
0x39: {  	_ =	swait.ge [sflag:s21], $0x4000  }
0x3a: {  	[sflag:s21] =	ssyncset.done $0x0  }
0x3b: {  	[sflag:s21] =	ssyncadd.s32 $0xFFFFC000  }
0x3c: {  	s30 =	simm.s32 $0x0;
	[bflag:$0x0] =	sbarrier.arrive $0xFFFF  }
.LBB2_4:
0x3d: {  	s0 =	sadd.s32 s14, s30  }
0x3e: {  	s31 =	sadd.s32 s13, s0  }
0x3f: {  	s31 =	sshll.u32 s31, $0x4  }
0x40: {  	s4 =	sadd.s32 s1, s31  }
0x41: {  	[tilespmem:s22], [sflag:$0x2] =	stream.linear.gather [hbm4b:s4+s29], $0x80, $0x38;
	[tilespmem:$0x18180] =	vst v63  }
0x42: {  	_ =	swait.ge [sflag:s21], $0x80  }
0x43: {  	s0 =	sshll.u32 s0, $0x4;
	[sflag:s21] =	ssyncset.done $0x0  }
0x44: {  	s0 =	sadd.s32 s7, s0;
	[sflag:s21] =	ssyncadd.s32 $0xFFFFFF80  }
0x45: {  	[tilespmem:s23], [sflag:$0x2] =	stream.linear.gather [hbm4b:s0+s29], $0x80, $0x38;
	[tilespmem:$0x18180] =	vst v63  }
0x46: {  	_ =	swait.ge [sflag:s21], $0x80  }
0x47: {  	[sflag:s21] =	ssyncset.done $0x0  }
0x48: {  	s15 =	sadd.s32 s2, s31;
	[sflag:s21] =	ssyncadd.s32 $0xFFFFFF80  }
0x49: {  	[tilespmem:s24], [sflag:$0x2] =	stream.linear.gather [hbm4b:s15+s29], $0x80, $0x38;
	[tilespmem:$0x18180] =	vst v63  }
0x4a: {  	_ =	swait.ge [sflag:s21], $0x80  }
0x4b: {  	[sflag:s21] =	ssyncset.done $0x0  }
0x4c: {  	[sflag:s21] =	ssyncadd.s32 $0xFFFFFF80  }
0x4d: {  	[tilespmem:s29], [sflag:$0x1] =	stream.indirect.gather [hbm4b:s6+s25], $0x80, s22, s25, $0xb8;
	[tilespmem:$0x18180] =	vst v63  }
0x4e: {  	_ =	swait.ge [sflag:s26], $0x4000  }
0x4f: {  	[sflag:s26] =	ssyncset.done $0x0  }
0x50: {  	s31 =	simm.s32 $0x0;
	[sflag:s26] =	ssyncadd.s32 $0xFFFFC000  }
.LBB2_5:
0x51: {  	s0 =	sshll.u32 s31, $0x4  }
0x52: {  	v1 =	vmov s0  }
0x53: {  	v1 =	vbroadcast v1, $0x0;
	_ =	sdelay $0x2  }
0x54: {  	s4 =	sshll.u32 s31, $0xB  }
0x55: {  	s4 =	sand.u32 $0x3FFFF800, s4  }
0x56: {  	v2 =	vld [tilespmem:s4+$0x0]  }
0x57: {  	v1 =	vld.idx.msk [tilespmem:v1+s24+$0x0], $0xffff  }
0x58: {  	v3 =	vld [tilespmem:s4+$0x10]  }
0x59: {  	v4 =	vld [tilespmem:s4+$0x20]  }
0x5a: {  	v5 =	vld [tilespmem:s4+$0x30]  }
0x5b: {  	v6 =	vld [tilespmem:s4+$0x40]  }
0x5c: {  	v7 =	vld [tilespmem:s4+$0x50];
	v2 =	vmul.f32 v2, v1  }
0x5d: {  	v8 =	vld [tilespmem:s4+$0x60];
	v3 =	vmul.f32 v3, v1  }
0x5e: {  	s15 =	sor.u32 $0x1, s0;
	v10 =	vld [tilespmem:s4+$0x70];
	[tilespmem:s4+$0x0] =	vst v2;
	v2 =	vmul.f32 v4, v1  }
0x5f: {  	v11 =	vmov s15;
	[tilespmem:s4+$0x10] =	vst v3;
	v3 =	vmul.f32 v5, v1  }
0x60: {  	v5 =	vbroadcast v11, $0x0;
	[tilespmem:s4+$0x20] =	vst v2;
	v2 =	vmul.f32 v6, v1  }
0x61: {  	[tilespmem:s4+$0x30] =	vst v3;
	v3 =	vmul.f32 v7, v1  }
0x62: {  	[tilespmem:s4+$0x40] =	vst v2;
	v2 =	vmul.f32 v8, v1  }
0x63: {  	[tilespmem:s4+$0x50] =	vst v3;
	v1 =	vmul.f32 v10, v1  }
0x64: {  	[tilespmem:s4+$0x60] =	vst v2  }
0x65: {  	s15 =	sshll.u32 s15, $0x7;
	[tilespmem:s4+$0x70] =	vst v1  }
0x66: {  	s4 =	sand.u32 $0x3FFFF880, s15;
	v1 =	vld.idx.msk [tilespmem:v5+s24+$0x0], $0xffff  }
0x67: {  	v2 =	vld [tilespmem:s4+$0x0]  }
0x68: {  	v3 =	vld [tilespmem:s4+$0x10]  }
0x69: {  	v12 =	vld [tilespmem:s4+$0x20]  }
0x6a: {  	v13 =	vld [tilespmem:s4+$0x30]  }
0x6b: {  	v14 =	vld [tilespmem:s4+$0x40]  }
0x6c: {  	v15 =	vld [tilespmem:s4+$0x50];
	v2 =	vmul.f32 v2, v1  }
0x6d: {  	v16 =	vld [tilespmem:s4+$0x60];
	v3 =	vmul.f32 v3, v1  }
0x6e: {  	s15 =	sor.u32 $0x2, s0;
	v17 =	vld [tilespmem:s4+$0x70];
	[tilespmem:s4+$0x0] =	vst v2;
	v2 =	vmul.f32 v12, v1  }
0x6f: {  	v18 =	vmov s15;
	[tilespmem:s4+$0x10] =	vst v3;
	v3 =	vmul.f32 v13, v1  }
0x70: {  	v5 =	vbroadcast v18, $0x0;
	[tilespmem:s4+$0x20] =	vst v2;
	v2 =	vmul.f32 v14, v1  }
0x71: {  	[tilespmem:s4+$0x30] =	vst v3;
	v3 =	vmul.f32 v15, v1  }
0x72: {  	[tilespmem:s4+$0x40] =	vst v2;
	v2 =	vmul.f32 v16, v1  }
0x73: {  	[tilespmem:s4+$0x50] =	vst v3;
	v1 =	vmul.f32 v17, v1  }
0x74: {  	[tilespmem:s4+$0x60] =	vst v2  }
0x75: {  	s15 =	sshll.u32 s15, $0x7;
	[tilespmem:s4+$0x70] =	vst v1  }
0x76: {  	s4 =	sand.u32 $0x3FFFF900, s15;
	v1 =	vld.idx.msk [tilespmem:v5+s24+$0x0], $0xffff  }
0x77: {  	v2 =	vld [tilespmem:s4+$0x0]  }
0x78: {  	v3 =	vld [tilespmem:s4+$0x10]  }
0x79: {  	v19 =	vld [tilespmem:s4+$0x20]  }
0x7a: {  	v20 =	vld [tilespmem:s4+$0x30]  }
0x7b: {  	v21 =	vld [tilespmem:s4+$0x40]  }
0x7c: {  	v22 =	vld [tilespmem:s4+$0x50];
	v2 =	vmul.f32 v2, v1  }
0x7d: {  	v23 =	vld [tilespmem:s4+$0x60];
	v3 =	vmul.f32 v3, v1  }
0x7e: {  	s15 =	sor.u32 $0x3, s0;
	v24 =	vld [tilespmem:s4+$0x70];
	[tilespmem:s4+$0x0] =	vst v2;
	v2 =	vmul.f32 v19, v1  }
0x7f: {  	v25 =	vmov s15;
	[tilespmem:s4+$0x10] =	vst v3;
	v3 =	vmul.f32 v20, v1  }
0x80: {  	v5 =	vbroadcast v25, $0x0;
	[tilespmem:s4+$0x20] =	vst v2;
	v2 =	vmul.f32 v21, v1  }
0x81: {  	[tilespmem:s4+$0x30] =	vst v3;
	v3 =	vmul.f32 v22, v1  }
0x82: {  	[tilespmem:s4+$0x40] =	vst v2;
	v2 =	vmul.f32 v23, v1  }
0x83: {  	[tilespmem:s4+$0x50] =	vst v3;
	v1 =	vmul.f32 v24, v1  }
0x84: {  	[tilespmem:s4+$0x60] =	vst v2  }
0x85: {  	s15 =	sshll.u32 s15, $0x7;
	[tilespmem:s4+$0x70] =	vst v1  }
0x86: {  	s4 =	sand.u32 $0x3FFFF980, s15;
	v1 =	vld.idx.msk [tilespmem:v5+s24+$0x0], $0xffff  }
0x87: {  	v2 =	vld [tilespmem:s4+$0x0]  }
0x88: {  	v3 =	vld [tilespmem:s4+$0x10]  }
0x89: {  	v26 =	vld [tilespmem:s4+$0x20]  }
0x8a: {  	v27 =	vld [tilespmem:s4+$0x30]  }
0x8b: {  	v28 =	vld [tilespmem:s4+$0x40]  }
0x8c: {  	v29 =	vld [tilespmem:s4+$0x50];
	v2 =	vmul.f32 v2, v1  }
0x8d: {  	v30 =	vld [tilespmem:s4+$0x60];
	v3 =	vmul.f32 v3, v1  }
0x8e: {  	s15 =	sor.u32 $0x4, s0;
	v31 =	vld [tilespmem:s4+$0x70];
	[tilespmem:s4+$0x0] =	vst v2;
	v2 =	vmul.f32 v26, v1  }
0x8f: {  	v32 =	vmov s15;
	[tilespmem:s4+$0x10] =	vst v3;
	v3 =	vmul.f32 v27, v1  }
0x90: {  	v5 =	vbroadcast v32, $0x0;
	[tilespmem:s4+$0x20] =	vst v2;
	v2 =	vmul.f32 v28, v1  }
0x91: {  	[tilespmem:s4+$0x30] =	vst v3;
	v3 =	vmul.f32 v29, v1  }
0x92: {  	[tilespmem:s4+$0x40] =	vst v2;
	v2 =	vmul.f32 v30, v1  }
0x93: {  	[tilespmem:s4+$0x50] =	vst v3;
	v1 =	vmul.f32 v31, v1  }
0x94: {  	[tilespmem:s4+$0x60] =	vst v2  }
0x95: {  	s15 =	sshll.u32 s15, $0x7;
	[tilespmem:s4+$0x70] =	vst v1  }
0x96: {  	s4 =	sand.u32 $0x3FFFFA00, s15;
	v1 =	vld.idx.msk [tilespmem:v5+s24+$0x0], $0xffff  }
0x97: {  	v2 =	vld [tilespmem:s4+$0x0]  }
0x98: {  	v3 =	vld [tilespmem:s4+$0x10]  }
0x99: {  	v33 =	vld [tilespmem:s4+$0x20]  }
0x9a: {  	v34 =	vld [tilespmem:s4+$0x30]  }
0x9b: {  	v35 =	vld [tilespmem:s4+$0x40]  }
0x9c: {  	v36 =	vld [tilespmem:s4+$0x50];
	v2 =	vmul.f32 v2, v1  }
0x9d: {  	v37 =	vld [tilespmem:s4+$0x60];
	v3 =	vmul.f32 v3, v1  }
0x9e: {  	s15 =	sor.u32 $0x5, s0;
	v38 =	vld [tilespmem:s4+$0x70];
	[tilespmem:s4+$0x0] =	vst v2;
	v2 =	vmul.f32 v33, v1  }
0x9f: {  	v39 =	vmov s15;
	[tilespmem:s4+$0x10] =	vst v3;
	v3 =	vmul.f32 v34, v1  }
0xa0: {  	v5 =	vbroadcast v39, $0x0;
	[tilespmem:s4+$0x20] =	vst v2;
	v2 =	vmul.f32 v35, v1  }
0xa1: {  	[tilespmem:s4+$0x30] =	vst v3;
	v3 =	vmul.f32 v36, v1  }
0xa2: {  	[tilespmem:s4+$0x40] =	vst v2;
	v2 =	vmul.f32 v37, v1  }
0xa3: {  	[tilespmem:s4+$0x50] =	vst v3;
	v1 =	vmul.f32 v38, v1  }
0xa4: {  	[tilespmem:s4+$0x60] =	vst v2  }
0xa5: {  	s15 =	sshll.u32 s15, $0x7;
	[tilespmem:s4+$0x70] =	vst v1  }
0xa6: {  	s4 =	sand.u32 $0x3FFFFA80, s15;
	v1 =	vld.idx.msk [tilespmem:v5+s24+$0x0], $0xffff  }
0xa7: {  	v2 =	vld [tilespmem:s4+$0x0]  }
0xa8: {  	v3 =	vld [tilespmem:s4+$0x10]  }
0xa9: {  	v40 =	vld [tilespmem:s4+$0x20]  }
0xaa: {  	v41 =	vld [tilespmem:s4+$0x30]  }
0xab: {  	v42 =	vld [tilespmem:s4+$0x40]  }
0xac: {  	v43 =	vld [tilespmem:s4+$0x50];
	v2 =	vmul.f32 v2, v1  }
0xad: {  	v44 =	vld [tilespmem:s4+$0x60];
	v3 =	vmul.f32 v3, v1  }
0xae: {  	s15 =	sor.u32 $0x6, s0;
	v45 =	vld [tilespmem:s4+$0x70];
	[tilespmem:s4+$0x0] =	vst v2;
	v2 =	vmul.f32 v40, v1  }
0xaf: {  	v46 =	vmov s15;
	[tilespmem:s4+$0x10] =	vst v3;
	v3 =	vmul.f32 v41, v1  }
0xb0: {  	v5 =	vbroadcast v46, $0x0;
	[tilespmem:s4+$0x20] =	vst v2;
	v2 =	vmul.f32 v42, v1  }
0xb1: {  	[tilespmem:s4+$0x30] =	vst v3;
	v3 =	vmul.f32 v43, v1  }
0xb2: {  	[tilespmem:s4+$0x40] =	vst v2;
	v2 =	vmul.f32 v44, v1  }
0xb3: {  	[tilespmem:s4+$0x50] =	vst v3;
	v1 =	vmul.f32 v45, v1  }
0xb4: {  	[tilespmem:s4+$0x60] =	vst v2  }
0xb5: {  	s15 =	sshll.u32 s15, $0x7;
	[tilespmem:s4+$0x70] =	vst v1  }
0xb6: {  	s4 =	sand.u32 $0x3FFFFB00, s15;
	v1 =	vld.idx.msk [tilespmem:v5+s24+$0x0], $0xffff  }
0xb7: {  	v2 =	vld [tilespmem:s4+$0x0]  }
0xb8: {  	v3 =	vld [tilespmem:s4+$0x10]  }
0xb9: {  	v47 =	vld [tilespmem:s4+$0x20]  }
0xba: {  	v48 =	vld [tilespmem:s4+$0x30]  }
0xbb: {  	v49 =	vld [tilespmem:s4+$0x40]  }
0xbc: {  	v50 =	vld [tilespmem:s4+$0x50];
	v2 =	vmul.f32 v2, v1  }
0xbd: {  	v51 =	vld [tilespmem:s4+$0x60];
	v3 =	vmul.f32 v3, v1  }
0xbe: {  	s15 =	sor.u32 $0x7, s0;
	v52 =	vld [tilespmem:s4+$0x70];
	[tilespmem:s4+$0x0] =	vst v2;
	v2 =	vmul.f32 v47, v1  }
0xbf: {  	v53 =	vmov s15;
	[tilespmem:s4+$0x10] =	vst v3;
	v3 =	vmul.f32 v48, v1  }
0xc0: {  	v5 =	vbroadcast v53, $0x0;
	[tilespmem:s4+$0x20] =	vst v2;
	v2 =	vmul.f32 v49, v1  }
0xc1: {  	[tilespmem:s4+$0x30] =	vst v3;
	v3 =	vmul.f32 v50, v1  }
0xc2: {  	[tilespmem:s4+$0x40] =	vst v2;
	v2 =	vmul.f32 v51, v1  }
0xc3: {  	[tilespmem:s4+$0x50] =	vst v3;
	v1 =	vmul.f32 v52, v1  }
0xc4: {  	[tilespmem:s4+$0x60] =	vst v2  }
0xc5: {  	s15 =	sshll.u32 s15, $0x7;
	[tilespmem:s4+$0x70] =	vst v1  }
0xc6: {  	s4 =	sand.u32 $0x3FFFFB80, s15;
	v1 =	vld.idx.msk [tilespmem:v5+s24+$0x0], $0xffff  }
0xc7: {  	v2 =	vld [tilespmem:s4+$0x0]  }
0xc8: {  	v3 =	vld [tilespmem:s4+$0x10]  }
0xc9: {  	v54 =	vld [tilespmem:s4+$0x20]  }
0xca: {  	v55 =	vld [tilespmem:s4+$0x30]  }
0xcb: {  	v56 =	vld [tilespmem:s4+$0x40]  }
0xcc: {  	v57 =	vld [tilespmem:s4+$0x50];
	v2 =	vmul.f32 v2, v1  }
0xcd: {  	v58 =	vld [tilespmem:s4+$0x60];
	v3 =	vmul.f32 v3, v1  }
0xce: {  	s15 =	sor.u32 $0x8, s0;
	v59 =	vld [tilespmem:s4+$0x70];
	[tilespmem:s4+$0x0] =	vst v2;
	v2 =	vmul.f32 v54, v1  }
0xcf: {  	v60 =	vmov s15;
	[tilespmem:s4+$0x10] =	vst v3;
	v3 =	vmul.f32 v55, v1  }
0xd0: {  	v5 =	vbroadcast v60, $0x0;
	[tilespmem:s4+$0x20] =	vst v2;
	v2 =	vmul.f32 v56, v1  }
0xd1: {  	[tilespmem:s4+$0x30] =	vst v3;
	v3 =	vmul.f32 v57, v1  }
0xd2: {  	[tilespmem:s4+$0x40] =	vst v2;
	v2 =	vmul.f32 v58, v1  }
0xd3: {  	[tilespmem:s4+$0x50] =	vst v3;
	v1 =	vmul.f32 v59, v1  }
0xd4: {  	[tilespmem:s4+$0x60] =	vst v2  }
0xd5: {  	s15 =	sshll.u32 s15, $0x7;
	[tilespmem:s4+$0x70] =	vst v1  }
0xd6: {  	s4 =	sand.u32 $0x3FFFFC00, s15;
	v1 =	vld.idx.msk [tilespmem:v5+s24+$0x0], $0xffff  }
0xd7: {  	v2 =	vld [tilespmem:s4+$0x0]  }
0xd8: {  	v3 =	vld [tilespmem:s4+$0x10]  }
0xd9: {  	v61 =	vld [tilespmem:s4+$0x20]  }
0xda: {  	v62 =	vld [tilespmem:s4+$0x30]  }
0xdb: {  	v63 =	vld [tilespmem:s4+$0x40]  }
0xdc: {  	v12 =	vld [tilespmem:s4+$0x50];
	v2 =	vmul.f32 v2, v1  }
0xdd: {  	v13 =	vld [tilespmem:s4+$0x60];
	v3 =	vmul.f32 v3, v1  }
0xde: {  	s15 =	sor.u32 $0x9, s0;
	v14 =	vld [tilespmem:s4+$0x70];
	[tilespmem:s4+$0x0] =	vst v2;
	v2 =	vmul.f32 v61, v1  }
0xdf: {  	v15 =	vmov s15;
	[tilespmem:s4+$0x10] =	vst v3;
	v3 =	vmul.f32 v62, v1  }
0xe0: {  	v5 =	vbroadcast v15, $0x0;
	[tilespmem:s4+$0x20] =	vst v2;
	v2 =	vmul.f32 v63, v1  }
0xe1: {  	[tilespmem:s4+$0x30] =	vst v3;
	v3 =	vmul.f32 v12, v1  }
0xe2: {  	[tilespmem:s4+$0x40] =	vst v2;
	v2 =	vmul.f32 v13, v1  }
0xe3: {  	[tilespmem:s4+$0x50] =	vst v3;
	v1 =	vmul.f32 v14, v1  }
0xe4: {  	[tilespmem:s4+$0x60] =	vst v2  }
0xe5: {  	s15 =	sshll.u32 s15, $0x7;
	[tilespmem:s4+$0x70] =	vst v1  }
0xe6: {  	s4 =	sand.u32 $0x3FFFFC80, s15;
	v1 =	vld.idx.msk [tilespmem:v5+s24+$0x0], $0xffff  }
0xe7: {  	v2 =	vld [tilespmem:s4+$0x0]  }
0xe8: {  	v3 =	vld [tilespmem:s4+$0x10]  }
0xe9: {  	v16 =	vld [tilespmem:s4+$0x20]  }
0xea: {  	v17 =	vld [tilespmem:s4+$0x30]  }
0xeb: {  	v18 =	vld [tilespmem:s4+$0x40]  }
0xec: {  	v19 =	vld [tilespmem:s4+$0x50];
	v2 =	vmul.f32 v2, v1  }
0xed: {  	v20 =	vld [tilespmem:s4+$0x60];
	v3 =	vmul.f32 v3, v1  }
0xee: {  	s15 =	sor.u32 $0xA, s0;
	v21 =	vld [tilespmem:s4+$0x70];
	[tilespmem:s4+$0x0] =	vst v2;
	v2 =	vmul.f32 v16, v1  }
0xef: {  	v22 =	vmov s15;
	[tilespmem:s4+$0x10] =	vst v3;
	v3 =	vmul.f32 v17, v1  }
0xf0: {  	v5 =	vbroadcast v22, $0x0;
	[tilespmem:s4+$0x20] =	vst v2;
	v2 =	vmul.f32 v18, v1  }
0xf1: {  	[tilespmem:s4+$0x30] =	vst v3;
	v3 =	vmul.f32 v19, v1  }
0xf2: {  	[tilespmem:s4+$0x40] =	vst v2;
	v2 =	vmul.f32 v20, v1  }
0xf3: {  	[tilespmem:s4+$0x50] =	vst v3;
	v1 =	vmul.f32 v21, v1  }
0xf4: {  	[tilespmem:s4+$0x60] =	vst v2  }
0xf5: {  	s15 =	sshll.u32 s15, $0x7;
	[tilespmem:s4+$0x70] =	vst v1  }
0xf6: {  	s4 =	sand.u32 $0x3FFFFD00, s15;
	v1 =	vld.idx.msk [tilespmem:v5+s24+$0x0], $0xffff  }
0xf7: {  	v2 =	vld [tilespmem:s4+$0x0]  }
0xf8: {  	v3 =	vld [tilespmem:s4+$0x10]  }
0xf9: {  	v23 =	vld [tilespmem:s4+$0x20]  }
0xfa: {  	v24 =	vld [tilespmem:s4+$0x30]  }
0xfb: {  	v25 =	vld [tilespmem:s4+$0x40]  }
0xfc: {  	v26 =	vld [tilespmem:s4+$0x50];
	v2 =	vmul.f32 v2, v1  }
0xfd: {  	v27 =	vld [tilespmem:s4+$0x60];
	v3 =	vmul.f32 v3, v1  }
0xfe: {  	s15 =	sor.u32 $0xB, s0;
	v28 =	vld [tilespmem:s4+$0x70];
	[tilespmem:s4+$0x0] =	vst v2;
	v2 =	vmul.f32 v23, v1  }
0xff: {  	v29 =	vmov s15;
	[tilespmem:s4+$0x10] =	vst v3;
	v3 =	vmul.f32 v24, v1  }
0x100: {  	v5 =	vbroadcast v29, $0x0;
	[tilespmem:s4+$0x20] =	vst v2;
	v2 =	vmul.f32 v25, v1  }
0x101: {  	[tilespmem:s4+$0x30] =	vst v3;
	v3 =	vmul.f32 v26, v1  }
0x102: {  	[tilespmem:s4+$0x40] =	vst v2;
	v2 =	vmul.f32 v27, v1  }
0x103: {  	[tilespmem:s4+$0x50] =	vst v3;
	v1 =	vmul.f32 v28, v1  }
0x104: {  	[tilespmem:s4+$0x60] =	vst v2  }
0x105: {  	s15 =	sshll.u32 s15, $0x7;
	[tilespmem:s4+$0x70] =	vst v1  }
0x106: {  	s4 =	sand.u32 $0x3FFFFD80, s15;
	v1 =	vld.idx.msk [tilespmem:v5+s24+$0x0], $0xffff  }
0x107: {  	v2 =	vld [tilespmem:s4+$0x0]  }
0x108: {  	v3 =	vld [tilespmem:s4+$0x10]  }
0x109: {  	v30 =	vld [tilespmem:s4+$0x20]  }
0x10a: {  	v31 =	vld [tilespmem:s4+$0x30]  }
0x10b: {  	v32 =	vld [tilespmem:s4+$0x40]  }
0x10c: {  	v33 =	vld [tilespmem:s4+$0x50];
	v2 =	vmul.f32 v2, v1  }
0x10d: {  	v34 =	vld [tilespmem:s4+$0x60];
	v3 =	vmul.f32 v3, v1  }
0x10e: {  	s15 =	sor.u32 $0xC, s0;
	v35 =	vld [tilespmem:s4+$0x70];
	[tilespmem:s4+$0x0] =	vst v2;
	v2 =	vmul.f32 v30, v1  }
0x10f: {  	v36 =	vmov s15;
	[tilespmem:s4+$0x10] =	vst v3;
	v3 =	vmul.f32 v31, v1  }
0x110: {  	v5 =	vbroadcast v36, $0x0;
	[tilespmem:s4+$0x20] =	vst v2;
	v2 =	vmul.f32 v32, v1  }
0x111: {  	[tilespmem:s4+$0x30] =	vst v3;
	v3 =	vmul.f32 v33, v1  }
0x112: {  	[tilespmem:s4+$0x40] =	vst v2;
	v2 =	vmul.f32 v34, v1  }
0x113: {  	[tilespmem:s4+$0x50] =	vst v3;
	v1 =	vmul.f32 v35, v1  }
0x114: {  	[tilespmem:s4+$0x60] =	vst v2  }
0x115: {  	s15 =	sshll.u32 s15, $0x7;
	[tilespmem:s4+$0x70] =	vst v1  }
0x116: {  	s4 =	sand.u32 $0x3FFFFE00, s15;
	v1 =	vld.idx.msk [tilespmem:v5+s24+$0x0], $0xffff  }
0x117: {  	v2 =	vld [tilespmem:s4+$0x0]  }
0x118: {  	v3 =	vld [tilespmem:s4+$0x10]  }
0x119: {  	v37 =	vld [tilespmem:s4+$0x20]  }
0x11a: {  	v38 =	vld [tilespmem:s4+$0x30]  }
0x11b: {  	v39 =	vld [tilespmem:s4+$0x40]  }
0x11c: {  	v40 =	vld [tilespmem:s4+$0x50];
	v2 =	vmul.f32 v2, v1  }
0x11d: {  	v41 =	vld [tilespmem:s4+$0x60];
	v3 =	vmul.f32 v3, v1  }
0x11e: {  	s15 =	sor.u32 $0xD, s0;
	v42 =	vld [tilespmem:s4+$0x70];
	[tilespmem:s4+$0x0] =	vst v2;
	v2 =	vmul.f32 v37, v1  }
0x11f: {  	v43 =	vmov s15;
	[tilespmem:s4+$0x10] =	vst v3;
	v3 =	vmul.f32 v38, v1  }
0x120: {  	v5 =	vbroadcast v43, $0x0;
	[tilespmem:s4+$0x20] =	vst v2;
	v2 =	vmul.f32 v39, v1  }
0x121: {  	[tilespmem:s4+$0x30] =	vst v3;
	v3 =	vmul.f32 v40, v1  }
0x122: {  	[tilespmem:s4+$0x40] =	vst v2;
	v2 =	vmul.f32 v41, v1  }
0x123: {  	[tilespmem:s4+$0x50] =	vst v3;
	v1 =	vmul.f32 v42, v1  }
0x124: {  	[tilespmem:s4+$0x60] =	vst v2  }
0x125: {  	s15 =	sshll.u32 s15, $0x7;
	[tilespmem:s4+$0x70] =	vst v1  }
0x126: {  	s4 =	sand.u32 $0x3FFFFE80, s15;
	v1 =	vld.idx.msk [tilespmem:v5+s24+$0x0], $0xffff  }
0x127: {  	v2 =	vld [tilespmem:s4+$0x0]  }
0x128: {  	v3 =	vld [tilespmem:s4+$0x10]  }
0x129: {  	v44 =	vld [tilespmem:s4+$0x20]  }
0x12a: {  	v45 =	vld [tilespmem:s4+$0x30]  }
0x12b: {  	v46 =	vld [tilespmem:s4+$0x40]  }
0x12c: {  	v47 =	vld [tilespmem:s4+$0x50];
	v2 =	vmul.f32 v2, v1  }
0x12d: {  	v48 =	vld [tilespmem:s4+$0x60];
	v3 =	vmul.f32 v3, v1  }
0x12e: {  	s0 =	sor.u32 $0xE, s0;
	v49 =	vld [tilespmem:s4+$0x70];
	[tilespmem:s4+$0x0] =	vst v2;
	v2 =	vmul.f32 v44, v1  }
0x12f: {  	v50 =	vmov s0;
	[tilespmem:s4+$0x10] =	vst v3;
	v3 =	vmul.f32 v45, v1  }
0x130: {  	v5 =	vbroadcast v50, $0x0;
	[tilespmem:s4+$0x20] =	vst v2;
	v2 =	vmul.f32 v46, v1  }
0x131: {  	[tilespmem:s4+$0x30] =	vst v3;
	v3 =	vmul.f32 v47, v1  }
0x132: {  	[tilespmem:s4+$0x40] =	vst v2;
	v2 =	vmul.f32 v48, v1  }
0x133: {  	[tilespmem:s4+$0x50] =	vst v3;
	v1 =	vmul.f32 v49, v1  }
0x134: {  	[tilespmem:s4+$0x60] =	vst v2  }
0x135: {  	s0 =	sshll.u32 s0, $0x7;
	[tilespmem:s4+$0x70] =	vst v1  }
0x136: {  	s0 =	sand.u32 $0x3FFFFF00, s0;
	v1 =	vld.idx.msk [tilespmem:v5+s24+$0x0], $0xffff  }
0x137: {  	v2 =	vld [tilespmem:s0+$0x0]  }
0x138: {  	v3 =	vld [tilespmem:s0+$0x10]  }
0x139: {  	v51 =	vld [tilespmem:s0+$0x20]  }
0x13a: {  	v52 =	vld [tilespmem:s0+$0x30]  }
0x13b: {  	v53 =	vld [tilespmem:s0+$0x40]  }
0x13c: {  	v54 =	vld [tilespmem:s0+$0x50];
	v2 =	vmul.f32 v2, v1  }
0x13d: {  	v55 =	vld [tilespmem:s0+$0x60];
	v3 =	vmul.f32 v3, v1  }
0x13e: {  	v56 =	vld [tilespmem:s0+$0x70];
	[tilespmem:s0+$0x0] =	vst v2;
	v2 =	vmul.f32 v51, v1  }
0x13f: {  	[tilespmem:s0+$0x10] =	vst v3;
	v3 =	vmul.f32 v52, v1  }
0x140: {  	s15 =	sshllo.u32 s31, $0x4;
	[tilespmem:s0+$0x20] =	vst v2;
	v2 =	vmul.f32 v53, v1  }
0x141: {  	v57 =	vmov s15;
	[tilespmem:s0+$0x30] =	vst v3;
	v3 =	vmul.f32 v54, v1  }
0x142: {  	[tilespmem:s0+$0x40] =	vst v2;
	v2 =	vmul.f32 v55, v1  }
0x143: {  	[tilespmem:s0+$0x50] =	vst v3;
	v1 =	vmul.f32 v56, v1  }
0x144: {  	[tilespmem:s0+$0x60] =	vst v2  }
0x145: {  	s15 =	sshll.u32 s15, $0x7;
	[tilespmem:s0+$0x70] =	vst v1  }
0x146: {  	s0 =	sand.u32 $0x3FFFFF80, s15;
	v1 =	vld.idx.msk [tilespmem:v57+s24+$0x0], $0xffff  }
0x147: {  	v2 =	vld [tilespmem:s0+$0x0]  }
0x148: {  	v3 =	vld [tilespmem:s0+$0x10]  }
0x149: {  	v58 =	vld [tilespmem:s0+$0x20]  }
0x14a: {  	v59 =	vld [tilespmem:s0+$0x30]  }
0x14b: {  	v60 =	vld [tilespmem:s0+$0x40]  }
0x14c: {  	v61 =	vld [tilespmem:s0+$0x50];
	v2 =	vmul.f32 v2, v1  }
0x14d: {  	v62 =	vld [tilespmem:s0+$0x60];
	v3 =	vmul.f32 v3, v1  }
0x14e: {  	v63 =	vld [tilespmem:s0+$0x70];
	[tilespmem:s0+$0x0] =	vst v2;
	v2 =	vmul.f32 v58, v1  }
0x14f: {  	[tilespmem:s0+$0x10] =	vst v3;
	v3 =	vmul.f32 v59, v1  }
0x150: {  	p0 =	sne.s32 s31, $0x7;
	[tilespmem:s0+$0x20] =	vst v2;
	v2 =	vmul.f32 v60, v1  }
.Ltmp1:
0x151: {  	[tilespmem:s0+$0x30] =	vst v3;
	v3 =	vmul.f32 v61, v1;
	(pc) =	sbr.rel @p0 .LBB2_5-.Ltmp1, $4  }
0x152: {  	[tilespmem:s0+$0x40] =	vst v2;
	v2 =	vmul.f32 v62, v1  }
0x153: {  	[tilespmem:s0+$0x50] =	vst v3;
	v1 =	vmul.f32 v63, v1  }
0x154: {  	[tilespmem:s0+$0x60] =	vst v2  }
0x155: {  	s31 =	sadd.s32 $0x1, s31;
	[tilespmem:s0+$0x70] =	vst v1  }
0x156: {  	s30 =	sadd.s32 $0x1, s30  }
0x157: {  	p0 =	sne.s32 s30, $0xA2  }
.Ltmp2:
0x158: {  	_ = 	snop;
	(pc) =	sbr.rel @p0 .LBB2_4-.Ltmp2, $4  }
0x159: {  	[spmem:s3] =	stream.indirect.scatter.add.f32 [tilespmem:s5], [sflag:$0x2], $0x80, s23, s25, $0xb8;
	[tilespmem:$0x18180] =	vst v63  }
0x15a: {  	_ =	swait.ge [sflag:s21], $0x4000  }
0x15b: {  	[sflag:s21] =	ssyncset.done $0x0  }
0x15c: {  	[sflag:s21] =	ssyncadd.s32 $0xFFFFC000  }
0x15d: {  	[bflag:$0x0] =	sbarrier.arrive $0xFFFF  }
0x15e: {  	[tilespmem:s5], [sflag:$0x2] =	stream.linear.gather [spmem:s8], $0x4000, $0x38;
	[tilespmem:$0x18180] =	vst v63  }
0x15f: {  	_ =	swait.ge [sflag:s21], $0x4000  }
0x160: {  	[sflag:s21] =	ssyncset.done $0x0  }
0x161: {  	s0 =	rddreg [dreg:$0x5];
	[sflag:s21] =	ssyncadd.s32 $0xFFFFC000  }
0x162: {  	[hbm4b:s0+s5] =	stream.linear.scatter [tilespmem:s5], [sflag:$0x2], $0x4000, $0x38;
	[tilespmem:$0x18180] =	vst v63  }
0x163: {  	_ =	swait.ge [sflag:s21], $0x4000  }
0x164: {  	[sflag:s21] =	ssyncset.done $0x0  }
0x165: {  	[sflag:s21] =	ssyncadd.s32 $0xFFFFC000  }
0x166: {  	[tilespmem:s5], [sflag:$0x2] =	stream.linear.gather [spmem:s9], $0x4000, $0x38;
	[tilespmem:$0x18180] =	vst v63  }
0x167: {  	_ =	swait.ge [sflag:s21], $0x4000  }
0x168: {  	[sflag:s21] =	ssyncset.done $0x0  }
0x169: {  	[sflag:s21] =	ssyncadd.s32 $0xFFFFC000  }
0x16a: {  	[hbm4b:s16+s5] =	stream.linear.scatter [tilespmem:s5], [sflag:$0x2], $0x4000, $0x38;
	[tilespmem:$0x18180] =	vst v63  }
0x16b: {  	_ =	swait.ge [sflag:s21], $0x4000  }
0x16c: {  	[sflag:s21] =	ssyncset.done $0x0  }
0x16d: {  	[sflag:s21] =	ssyncadd.s32 $0xFFFFC000  }
0x16e: {  	[tilespmem:s5], [sflag:$0x2] =	stream.linear.gather [spmem:s10], $0x4000, $0x38;
	[tilespmem:$0x18180] =	vst v63  }
0x16f: {  	_ =	swait.ge [sflag:s21], $0x4000  }
0x170: {  	[sflag:s21] =	ssyncset.done $0x0  }
0x171: {  	[sflag:s21] =	ssyncadd.s32 $0xFFFFC000  }
0x172: {  	[hbm4b:s17+s5] =	stream.linear.scatter [tilespmem:s5], [sflag:$0x2], $0x4000, $0x38;
	[tilespmem:$0x18180] =	vst v63  }
0x173: {  	_ =	swait.ge [sflag:s21], $0x4000  }
0x174: {  	[sflag:s21] =	ssyncset.done $0x0  }
0x175: {  	[sflag:s21] =	ssyncadd.s32 $0xFFFFC000  }
0x176: {  	[tilespmem:s5], [sflag:$0x2] =	stream.linear.gather [spmem:s11], $0x4000, $0x38;
	[tilespmem:$0x18180] =	vst v63  }
0x177: {  	_ =	swait.ge [sflag:s21], $0x4000  }
0x178: {  	[sflag:s21] =	ssyncset.done $0x0  }
0x179: {  	[sflag:s21] =	ssyncadd.s32 $0xFFFFC000  }
0x17a: {  	[hbm4b:s18+s5] =	stream.linear.scatter [tilespmem:s5], [sflag:$0x2], $0x4000, $0x38;
	[tilespmem:$0x18180] =	vst v63  }
0x17b: {  	_ =	swait.ge [sflag:s21], $0x4000  }
0x17c: {  	[sflag:s21] =	ssyncset.done $0x0  }
0x17d: {  	[sflag:s21] =	ssyncadd.s32 $0xFFFFC000  }
0x17e: {  	[tilespmem:s5], [sflag:$0x2] =	stream.linear.gather [spmem:s12], $0x4000, $0x38;
	[tilespmem:$0x18180] =	vst v63  }
0x17f: {  	s28 =	sadd.s32 $0x1, s28;
	_ =	swait.ge [sflag:s21], $0x4000  }
0x180: {  	p0 =	sne.s32 s28, s20;
	[sflag:s21] =	ssyncset.done $0x0  }
.Ltmp3:
0x181: {  	[sflag:s21] =	ssyncadd.s32 $0xFFFFC000;
	(pc) =	sbr.rel @p0 .LBB2_1-.Ltmp3, $4  }
0x182: {  	[hbm4b:s19+s5] =	stream.linear.scatter [tilespmem:s5], [sflag:$0x2], $0x4000, $0x38;
	[tilespmem:$0x18180] =	vst v63  }
0x183: {  	_ =	swait.ge [sflag:s21], $0x4000  }
0x184: {  	[sflag:s21] =	ssyncset.done $0x0  }
0x185: {  	[sflag:s21] =	ssyncadd.s32 $0xFFFFC000  }
0x186: {  	_ =	sfence.sel $0x180000  }
0x187: {  	[bflag:$0x0] =	sbarrier.arrive $0xFFFF  }
0x188: {  	_ =	strace $0x90000050  }
0x189: {  	s0 =	stileid.u32;
	[bflag:$0x2] =	sbarrier.arrive $0xFFFF  }
0x18a: {  	p0 =	sne.s32 s0, $0x0;
	s0 =	rddreg [dreg:$0x4]  }
0x18b: {  	s0 =	sadd.s32 @!p0 $0x100000, s0  }
0x18c: {  	[sflag:s0] =	ssyncadd.tile.s32 @!p0 $0x1;
	_ =	shalt  }
.Lfunc_end2:
_tile_overlayer_lowered:
.L_overlay_start_2:
0x18d: {  	(tag) =	ssettag $0x2  }
0x18e: {  	s0 =	rddreg [dreg:$0x0];
	s2 =	stileid.u32  }
0x18f: {  	s1 =	rddreg [dreg:$0x1];
	p0 =	sne.s32 s2, $0x0  }
0x190: {  	s3 =	rddreg [dreg:$0x2];
	[bflag:$0x3] =	sbarrier.arrive $0xFFFF;
	s2 =	simm.s32 @!p0 $0x1C02  }
0x191: {  	[timem:s3], [sflag:s2] =	dma.local @!p0 [hbm:s0], s1  }
0x192: {  	s0 =	simm.s32 @!p0 $0x2  }
0x193: {  	_ =	swait.ge @!p0 [sflag:s0], s1  }
0x194: {  	s1 =	ssub.s32 @!p0 $0x0, s1;
	[sflag:s0] =	ssyncset.done @!p0 $0x0  }
0x195: {  	[sflag:s0] =	ssyncadd.s32 @!p0 s1  }
0x196: {  	[bflag:$0x3] =	sbarrier.arrive $0xFFFF  }
0x197: {  	_ =	shalt  }

// kernel: kernel.9.cloned.1.call-start
scs
__scs_entry_jumppad:
0x0: {  	(pc) =	sbr.rel $0x88, $3  }
0x1: {  	(tag) =	ssettag $0x0;
	lr =	simm.s32 $0x1  }
0x2: {  	[smem:$0x3F93] =	sst lr;
	_ =	strace $0xD0000000  }
0x3: {  	_ = 	snop  }
0x4: {  	_ = 	snop  }
0x5: {  	_ = 	snop  }
0x6: {  	_ = 	snop  }
0x7: {  	_ = 	snop  }
__scs_overlays_trampoline_lowered:
0x8: {  	[smem:$0x3FA2] =	sst s0  }
0x9: {  	[smem:$0x3FA3] =	sst s1  }
0xa: {  	[smem:$0x3FA4] =	sst s2  }
0xb: {  	[smem:$0x3FA5] =	sst s3  }
0xc: {  	[smem:$0x3FA6] =	sst s4  }
0xd: {  	[smem:$0x3FA7] =	sst s5  }
0xe: {  	[smem:$0x3FA8] =	sst s6  }
0xf: {  	[smem:$0x3FA9] =	sst s7  }
0x10: {  	[smem:$0x3FAA] =	sst s8  }
0x11: {  	[smem:$0x3FAB] =	sst s9;
	s0 =	simm.s32 @!p0 $0x0  }
0x12: {  	s1 =	sld [smem:$0x3F91];
	s0 =	simm.s32 @p0 $0x1  }
0x13: {  	[smem:$0x3FAC] =	sst s0;
	s0 =	simm.s32 @!p1 $0x0  }
0x14: {  	s2 =	sld [smem:$0x3F90];
	s0 =	simm.s32 @p1 $0x1  }
0x15: {  	[smem:$0x3FAD] =	sst s0;
	s0 =	simm.s32 @!p2 $0x0  }
0x16: {  	s3 =	sld [smem:$0x3FDB];
	s0 =	simm.s32 @p2 $0x1  }
0x17: {  	s4 =	simm.s32 $0x1BF5;
	[smem:$0x3FAF] =	sst s0  }
0x18: {  	s0 =	sld [smem:$0x3F92];
	_ =	swait.ge [sflag:s4], $0x0  }
0x19: {  	s7 =	sld [smem:$0x3F93]  }
0x1a: {  	s8 =	sadd.s32 $0xFFFFE003, lr  }
0x1b: {  	s9 =	sadd.s32 $0xFFFFFEF7, lr;
	s5 =	simm.s32 $0xFFFFFFFF;
	p2 =	slt.u32 s8, $0xFFFFF086  }
0x1c: {  	p1 =	slt.u32 s9, $0xF7A;
	s5 =	simm.s32 @!p2 $0x0  }
0x1d: {  	s5 =	simm.s32 @p1 $0x1;
	p0 =	seq.s32 s7, s2  }
0x1e: {  	s7 =	smul.u32 @!p0 $0xF7A, s2;
	p2 =	seq.s32 @!p0 s5, $0x0  }
0x1f: {  	s9 =	smul.u32 $0xF7A, s1;
	s8 =	simm.s32 @!p0 $0x1BF5;
	p2 =	por !p2, p0  }
0x20: {  	[sflag:s8] =	ssyncset.s32 @!p0 $0xFFFFF086;
	s6 =	sadd.s32 @!p0 s3, s7;
	s7 =	simm.s32 @!p0 $0x108  }
0x21: {  	s3 =	sadd.s32 s3, s9;
	s6 =	sadd.s32 @!p0 $0x88, s6;
	s7 =	simm.s32 @p2 $0x1082  }
0x22: {  	[simem:s7], [sflag:s8] =	dma.local @!p0 [hbm:s6], $0xF7A  }
0x23: {  	s9 =	sor.u32 $0xD0000000, s2;
	s6 =	simm.s32 $0x108;
	_ =	swait.ge @!p0 [sflag:s8], $0x0  }
0x24: {  	s3 =	sadd.s32 $0x88, s3;
	s6 =	simm.s32 @!p1 $0x1082;
	[sflag:s4] =	ssyncset.s32 $0xFFFFF086  }
0x25: {  	[simem:s6], [sflag:s4] =	dma.local [hbm:s3], $0xF7A  }
0x26: {  	[smem:$0x3F93] =	sst s1;
	(tag) =	ssettag s2;
	_ =	strace s9  }
0x27: {  	s1 =	sld [smem:$0x3FA3]  }
0x28: {  	s2 =	sld [smem:$0x3FA4]  }
0x29: {  	s4 =	sld [smem:$0x3FA6]  }
0x2a: {  	p0 =	seq.s32 s5, $0x0;
	s5 =	sld [smem:$0x3FA7]  }
0x2b: {  	s6 =	sld [smem:$0x3FA8]  }
0x2c: {  	s7 =	sld [smem:$0x3FA9]  }
0x2d: {  	s3 =	simm.s32 $0x108;
	s8 =	sld [smem:$0x3FAA]  }
0x2e: {  	s3 =	simm.s32 @!p0 $0x1082;
	s9 =	sld [smem:$0x3FAB]  }
0x2f: {  	lr =	sadd.s32 s0, s3;
	s0 =	sld [smem:$0x3FA2]  }
0x30: {  	s3 =	sld [smem:$0x3FA5]  }
0x31: {  	[smem:$0x3FAE] =	sst s10  }
0x32: {  	s10 =	sld [smem:$0x3FAC];
	_ =	sdelay $0x3  }
0x33: {  	p0 =	seq.s32 s10, $0x1;
	s10 =	sld [smem:$0x3FAE];
	_ =	sdelay $0x3  }
0x34: {  	[smem:$0x3FAE] =	sst s10  }
0x35: {  	s10 =	sld [smem:$0x3FAD];
	_ =	sdelay $0x3  }
0x36: {  	p1 =	seq.s32 s10, $0x1;
	s10 =	sld [smem:$0x3FAE];
	_ =	sdelay $0x3  }
0x37: {  	[smem:$0x3FAE] =	sst s10  }
0x38: {  	s10 =	sld [smem:$0x3FAF]  }
0x39: {  	_ = 	snop;
	(pc) =	sbr.ind lr, $3  }
0x3a: {  	_ = 	snop  }
0x3b: {  	_ = 	snop  }
0x3c: {  	p2 =	seq.s32 s10, $0x1;
	s10 =	sld [smem:$0x3FAE]  }
0x3d: {  	_ =	shalt  }
0x3e: {  	_ =	shalt  }
0x3f: {  	_ =	shalt  }
0x40: {  	_ =	shalt  }
0x41: {  	_ =	shalt  }
0x42: {  	_ =	shalt  }
0x43: {  	_ =	shalt  }
0x44: {  	_ =	shalt  }
0x45: {  	_ =	shalt  }
0x46: {  	_ =	shalt  }
0x47: {  	_ =	shalt  }
0x48: {  	_ =	shalt  }
0x49: {  	_ =	shalt  }
0x4a: {  	_ =	shalt  }
0x4b: {  	_ =	shalt  }
0x4c: {  	_ =	shalt  }
0x4d: {  	_ =	shalt  }
0x4e: {  	_ =	shalt  }
0x4f: {  	_ =	shalt  }
0x50: {  	_ =	shalt  }
0x51: {  	_ =	shalt  }
0x52: {  	_ =	shalt  }
0x53: {  	_ =	shalt  }
0x54: {  	_ =	shalt  }
0x55: {  	_ =	shalt  }
0x56: {  	_ =	shalt  }
0x57: {  	_ =	shalt  }
0x58: {  	_ =	shalt  }
0x59: {  	_ =	shalt  }
0x5a: {  	_ =	shalt  }
0x5b: {  	_ =	shalt  }
0x5c: {  	_ =	shalt  }
0x5d: {  	_ =	shalt  }
0x5e: {  	_ =	shalt  }
0x5f: {  	_ =	shalt  }
0x60: {  	_ =	shalt  }
0x61: {  	_ =	shalt  }
0x62: {  	_ =	shalt  }
0x63: {  	_ =	shalt  }
0x64: {  	_ =	shalt  }
0x65: {  	_ =	shalt  }
0x66: {  	_ =	shalt  }
0x67: {  	_ =	shalt  }
0x68: {  	_ =	shalt  }
0x69: {  	_ =	shalt  }
0x6a: {  	_ =	shalt  }
0x6b: {  	_ =	shalt  }
0x6c: {  	_ =	shalt  }
0x6d: {  	_ =	shalt  }
0x6e: {  	_ =	shalt  }
0x6f: {  	_ =	shalt  }
0x70: {  	_ =	shalt  }
0x71: {  	_ =	shalt  }
0x72: {  	_ =	shalt  }
0x73: {  	_ =	shalt  }
0x74: {  	_ =	shalt  }
0x75: {  	_ =	shalt  }
0x76: {  	_ =	shalt  }
0x77: {  	_ =	shalt  }
0x78: {  	_ =	shalt  }
0x79: {  	_ =	shalt  }
0x7a: {  	_ =	shalt  }
0x7b: {  	_ =	shalt  }
0x7c: {  	_ =	shalt  }
0x7d: {  	_ =	shalt  }
0x7e: {  	_ =	shalt  }
0x7f: {  	_ =	shalt  }
0x80: {  	_ =	shalt  }
0x81: {  	_ =	shalt  }
0x82: {  	_ =	shalt  }
0x83: {  	_ =	shalt  }
0x84: {  	_ =	shalt  }
0x85: {  	_ =	shalt  }
0x86: {  	_ =	shalt  }
0x87: {  	_ =	shalt  }
.Lfunc_end0:
.L_simem_size_0:
called_computation_lowered:
.L_overlay_start_0:
0x88: {  	s2 =	sld [smem:$0x3FD9]  }
0x89: {  	s3 =	sld [smem:$0x3FFE];
	_ =	sdelay $0x1  }
0x8a: {  	s1 =	srdreg.scid  }
0x8b: {  	s0 =	sand.u32 $0x1, s1  }
0x8c: {  	s14 =	sshll.u32 s0, $0xA;
	s2 =	sadd.s32 s3, s2  }
0x8d: {  	s2 =	sadd.s32 s2, s14  }
0x8e: {  	[smem:$0x3FBA] =	sst s2  }
0x8f: {  	_ = 	snop  }
0x90: {  	s2 =	sld [smem:$0x3FD0];
	_ =	sdelay $0x2  }
0x91: {  	s15 =	simm.s32 $0xA;
	s4 =	simm.s32 $0x10  }
0x92: {  	[smem:s4], [sflag:s15] =	dma.local [hbm:s2], $0x1  }
0x93: {  	_ =	swait.eq [sflag:s15], $0x1  }
0x94: {  	[sflag:s15] =	ssyncset.done $0x0  }
0x95: {  	[sflag:s15] =	ssyncadd.s32 $0xFFFFFFFF  }
0x96: {  	s16 =	sld [smem:$0x10];
	(tm) =	ssettm $0x1  }
0x97: {  	s17 =	sld [smem:$0x3FFB];
	_ =	sdelay $0x3  }
0x98: {  	_ =	strace s17  }
0x99: {  	s3 =	sld [smem:$0x3FFC];
	_ =	sdelay $0x3  }
0x9a: {  	_ =	strace s3  }
0x9b: {  	s3 =	sld [smem:$0x3FFD];
	_ =	sdelay $0x3  }
0x9c: {  	_ =	strace s3  }
0x9d: {  	_ =	strace $0x8FFFFFFF  }
0x9e: {  	s18 =	sld [smem:$0x3FDB];
	_ =	sdelay $0x1  }
0x9f: {  	s19 =	simm.s32 $_scs_section_size  }
0xa0: {  	s5 =	simm.s32 $_size__tile_overlayer_lowered;
	s6 =	simm.s32 $_tile_overlayer_lowered  }
0xa1: {  	s22 =	simm.s32 $0x1BFF;
	s21 =	sshll.u32 s6, $0x1;
	s3 =	sadd.s32 s19, s18  }
0xa2: {  	s7 =	simm.s32 $0x0;
	s20 =	sshll.u32 s5, $0x1;
	s5 =	sadd.s32 s21, s3  }
0xa3: {  	[timem:s7], [sflag:s22] =	dma.local [hbm:s5], s20  }
0xa4: {  	_ =	swait.ge [sflag:s22], s20  }
0xa5: {  	s4 =	ssub.s32 $0x0, s20;
	[sflag:s22] =	ssyncset.done $0x0  }
0xa6: {  	[sflag:s22] =	ssyncadd.s32 s4;
	_ =	sdelay $0x1  }
0xa7: {  	s23 =	simm.s32 $0x1B8B  }
0xa8: {  	_ =	swait.ge [sflag:s23], $0x1  }
0xa9: {  	[sflag:s23] =	ssyncset.done $0x0  }
0xaa: {  	s25 =	simm.s32 $0x1B8E;
	s24 =	sld [smem:$0x3FFE];
	[sflag:s23] =	ssyncadd.s32 $0xFFFFFFFF  }
0xab: {  	s26 =	simm.s32 $execute0_lowered;
	[smem:$0x3FD2] =	sst s25  }
0xac: {  	s5 =	sshll.u32 s26, $0x1;
	_ =	strace $0x80000046;
	[dreg:$0x1] =	wrdreg $0xFFFFFFFF  }
0xad: {  	s28 =	simm.s32 $_size_execute0_lowered;
	s3 =	sadd.s32 s3, s5;
	[dreg:$0x0] =	wrdreg $0x0  }
0xae: {  	s5 =	sshll.u32 s28, $0x1;
	[dreg:$0x2] =	wrdreg s3  }
0xaf: {  	[dreg:$0x3] =	wrdreg s5  }
0xb0: {  	[dreg:$0x4] =	wrdreg $0xC0  }
0xb1: {  	_ =	task [dreg:s7], $0x5FFFF  }
0xb2: {  	[dreg:$0x1] =	wrdreg $0xFFFFFFFF  }
0xb3: {  	[dreg:$0x0] =	wrdreg $0x60  }
0xb4: {  	[dreg:$0x2] =	wrdreg s24  }
0xb5: {  	[dreg:$0x3] =	wrdreg s16  }
0xb6: {  	[dreg:$0x4] =	wrdreg $0x9  }
0xb7: {  	_ =	task.clear_ibuf [dreg:s7], $0x5FFFF;
	_ =	strace $0x90000046  }
0xb8: {  	s29 =	simm.s32 $0x9;
	_ =	strace $0x80000048  }
0xb9: {  	_ =	swait.ge [sflag:s29], $0x1  }
0xba: {  	[sflag:s29] =	ssyncadd.s32 $0xFFFFFFFF  }
0xbb: {  	_ =	strace $0x90000048  }
0xbc: {  	_ =	sfence  }
0xbd: {  	s30 =	sld [smem:$0x0];
	_ =	sdelay $0x2  }
0xbe: {  	s31 =	sshll.u32 s1, $0xD;
	s1 =	sshrl.u32 s1, $0x2  }
0xbf: {  	s3 =	sand.u32 $0x4000, s31;
	s1 =	sadd.s32 s1, s30  }
0xc0: {  	s0 =	sor.u32 s3, s0;
	s1 =	sshll.u32 s1, $0x11  }
0xc1: {  	s0 =	sor.u32 s1, s0  }
0xc2: {  	s0 =	sadd.s32 $0x8F2B, s0  }
0xc3: {  	[sflag:s0] =	ssyncadd.remote.s32 $0x1  }
0xc4: {  	_ =	sfence.sel $0xFFFF  }
0xc5: {  	[dreg:$0x0] =	wrdreg $0xFFFFFFFF;
	(pc) =	sbr.abs _section_cstart, $3  }
0xc6: {  	[dreg:$0x1] =	wrdreg $0xFFFFFFFF  }
0xc7: {  	_ =	task.clear_ibuf [dreg:s7], $0x2FFFF;
	_ =	strace $0x9FFFFFFF  }
0xc8: {  	(tm) =	ssettm $0x7FFFFFFF  }
0xc9: {  	_ =	shalt  }
tec
execute0_lowered:
.L_overlay_start_1:
0x0: {  	(tag) =	ssettag $0x1  }
0x1: {  	s7 =	rddreg [dreg:$0x0]  }
0x2: {  	s0 =	srdreg.scid;
	s8 =	rddreg [dreg:$0x1]  }
0x3: {  	s2 =	simm.s32 $0x0;
	s15 =	simm.s32 $0xA180;
	s16 =	simm.s32 $0xC980  }
0x4: {  	s17 =	simm.s32 $0xCA00;
	s18 =	simm.s32 $0x5100;
	s19 =	simm.s32 $0x80  }
0x5: {  	s20 =	simm.s32 $0x400;
	s21 =	simm.s32 $0x0;
	s6 =	sand.u32 $0x1, s0  }
0x6: {  	s0 =	stileid.u32;
	[smem:$0x7FF] =	sst s2;
	s1 =	sshll.u32 s6, $0x4  }
0x7: {  	s30 =	sshll.u32 s0, $0x7;
	s12 =	ssub.s32 $0x2, s6;
	s13 =	smul.u32 $0x28800, s6  }
0x8: {  	s14 =	smul.u32 $0x2880, s0;
	s3 =	sor.u32 s0, s1;
	s1 =	rddreg [dreg:$0x2]  }
0x9: {  	_ =	strace $0x80000047;
	s4 =	smul.u32 $0x2880, s3;
	s3 =	sshrl.u32 s3, $0x3  }
0xa: {  	s11 =	sand.u32 $0x380, s30;
	s31 =	sshrl.u32 s12, $0x1;
	s5 =	smul.u32 $0x14000, s3  }
0xb: {  	s12 =	ssub.s32 s12, s31;
	s3 =	sadd.s32 $0x69400, s7;
	s9 =	sshrl.u32 s4, $0x3  }
0xc: {  	s4 =	sadd.s32 $0x69A00, s7;
	s10 =	sadd.s32 s9, s7;
	s11 =	sor.u32 s11, s5  }
0xd: {  	s5 =	sadd.s32 $0x6A000, s7;
	s8 =	sadd.s32 s8, s9;
	s11 =	sshrl.u32 s11, $0x3  }
0xe: {  	s6 =	sadd.s32 $0xF200, s10;
	s11 =	sadd.s32 s11, s7;
	s7 =	sadd.s32 $0x5000, s10  }
0xf: {  	s10 =	smax.u32 s12, $0x1;
	s12 =	simm.s32 $0x1;
	s9 =	sadd.s32 $0x6A200, s11  }
0x10: {  	v0 =	vimm.f32 $0.0e+00;
	s11 =	sadd.s32 s14, s13;
	s13 =	simm.s32 $0x2880;
	s14 =	simm.s32 $0x7980  }
.LBB2_1:
0x11: {  	[tilespmem:s2], [sflag:$0x1] =	stream.linear.gather [hbm4b:s6+s2], $0x2880, $0x38;
	[tilespmem:$0xF200] =	vst v63  }
0x12: {  	_ =	swait.ge [sflag:s12], $0x2880  }
0x13: {  	[sflag:s12] =	ssyncset.done $0x0  }
0x14: {  	[sflag:s12] =	ssyncadd.s32 $0xFFFFD780  }
0x15: {  	[tilespmem:s13], [sflag:$0x1] =	stream.linear.gather [hbm4b:s7+s2], $0x2880, $0x38;
	[tilespmem:$0xF200] =	vst v63  }
0x16: {  	_ =	swait.ge [sflag:s12], $0x2880  }
0x17: {  	[sflag:s12] =	ssyncset.done $0x0  }
0x18: {  	[sflag:s12] =	ssyncadd.s32 $0xFFFFD780  }
0x19: {  	[tilespmem:s14], [sflag:$0x1] =	stream.linear.gather [hbm4b:s3+s2], $0x2800, $0x38;
	[tilespmem:$0xF200] =	vst v63  }
0x1a: {  	_ =	swait.ge [sflag:s12], $0x2800  }
0x1b: {  	[sflag:s12] =	ssyncset.done $0x0  }
0x1c: {  	[sflag:s12] =	ssyncadd.s32 $0xFFFFD800  }
0x1d: {  	[tilespmem:s15], [sflag:$0x1] =	stream.linear.gather [hbm4b:s4+s2], $0x2800, $0x38;
	[tilespmem:$0xF200] =	vst v63  }
0x1e: {  	_ =	swait.ge [sflag:s12], $0x2800  }
0x1f: {  	[sflag:s12] =	ssyncset.done $0x0  }
0x20: {  	[sflag:s12] =	ssyncadd.s32 $0xFFFFD800  }
0x21: {  	[tilespmem:s16], [sflag:$0x1] =	stream.linear.gather [hbm4b:s5+s2], $0x80, $0x38;
	[tilespmem:$0xF200] =	vst v63  }
0x22: {  	_ =	swait.ge [sflag:s12], $0x80  }
0x23: {  	[sflag:s12] =	ssyncset.done $0x0  }
0x24: {  	s22 =	simm.s32 $0x0;
	[sflag:s12] =	ssyncadd.s32 $0xFFFFFF80  }
.LBB2_2:
0x25: {  	p0 =	sne.s32 s22, $0x9FC0  }
.Ltmp0:
0x26: {  	_ = 	snop;
	(pc) =	sbr.rel @p0 .LBB2_2-.Ltmp0, $3  }
0x27: {  	_ =	sdelay $0x1  }
0x28: {  	s23 =	sshra.s32 s22, $0x2  }
0x29: {  	s22 =	sadd.s32 $0x40, s22;
	[tilespmem:s23+$0xCA00] =	vst v0  }
0x2a: {  	s22 =	simm.s32 $0x0  }
0x2b: {  	v1 =	vld [tilespmem:s22+$0x0]  }
0x2c: {  	v2 =	vld [tilespmem:s22+$0x2880];
	_ =	sdelay $0x5  }
0x2d: {  	v4 =	vld [tilespmem:$0xC980]  }
0x2e: {  	v1 =	vld.idx.msk [tilespmem:v1+s14+$0x0], $0xffff  }
0x2f: {  	v3 =	vld.idx.msk [tilespmem:v2+s15+$0x0], $0xffff;
	_ =	sdelay $0x4  }
0x30: {  	v1 =	vadd.f32 v3, v1;
	v3 =	vadd.f32 v4, v3;
	_ =	sdelay $0x1  }
0x31: {  	v63 =	vmul.f32 $2.000000030e-01, v1;
	v5 =	vmul.f32 $2.000000030e-01, v3  }
0x32: {  	vm0 =	vge.f32 v1, $0.0e+00;
	vm1 =	vge.f32 v3, $0.0e+00  }
0x33: {  	v1 =	vsel vm0, v1, v63;
	v3 =	vsel vm1, v3, v5  }
0x34: {  	v1 =	vsub.f32 v1, v3;
	_ =	sdelay $0x1  }
0x35: {  	v1 =	vmul.f32 $1.442695020e+00, v1;
	_ =	sdelay $0x1  }
0x36: {  	(erf) = vpow2.f32 v1;
	_ =	sdelay $0x8  }
0x37: {  	p0 =	slt.u32 s11, $0x50910;
	v1 =	vpop (erf)  }
0x38: {  	v1 =	vpsel !p0, $0x0, v1  }
0x39: {  	[tilespmem:s22+$0x5100] =	vst v1  }
0x3a: {  	s22 =	simm.s32 $0x10;
	[tilespmem:v2+s17+$0x0] =	vst.idx.add.f32.msk $0xffff, v1  }
0x3b: {  	v2 =	vld [tilespmem:s22+$0x0]  }
0x3c: {  	s24 =	simm.s32 $0x80;
	s23 =	smov.u32 s11;
	v1 =	vld [tilespmem:s22+$0x2880]  }
.LBB2_4:
0x3d: {  	p0 =	sne.s32 s24, $0xA1C0;
	_ =	sdelay $0x5  }
0x3e: {  	v2 =	vld.idx.msk [tilespmem:v2+s14+$0x0], $0xffff  }
0x3f: {  	v3 =	vld.idx.msk [tilespmem:v1+s15+$0x0], $0xffff  }
0x40: {  	v4 =	vld [tilespmem:$0xC980];
	_ =	sdelay $0x4  }
0x41: {  	v2 =	vadd.f32 v3, v2;
	v3 =	vadd.f32 v4, v3;
	_ =	sdelay $0x1  }
0x42: {  	v4 =	vmul.f32 $2.000000030e-01, v2;
	v5 =	vmul.f32 $2.000000030e-01, v3  }
0x43: {  	vm0 =	vge.f32 v2, $0.0e+00;
	vm1 =	vge.f32 v3, $0.0e+00  }
0x44: {  	v2 =	vsel vm0, v2, v4;
	v3 =	vsel vm1, v3, v5  }
0x45: {  	v2 =	vsub.f32 v2, v3;
	_ =	sdelay $0x1  }
0x46: {  	v2 =	vmul.f32 $1.442695020e+00, v2;
	_ =	sdelay $0x1  }
0x47: {  	(erf) = vpow2.f32 v2;
	_ =	sdelay $0x7  }
0x48: {  	s23 =	sadd.s32 $0x10, s23  }
0x49: {  	p1 =	slt.u32 s23, $0x50910;
	v2 =	vpop (erf)  }
.Ltmp1:
0x4a: {  	v2 =	vpsel !p1, $0x0, v2;
	(pc) =	sbr.rel @p0 .LBB2_4-.Ltmp1, $4  }
0x4b: {  	[tilespmem:s22+$0x5100] =	vst v2  }
0x4c: {  	s22 =	sshra.s32 s24, $0x2;
	[tilespmem:v1+s17+$0x0] =	vst.idx.add.f32.msk $0xffff, v2  }
0x4d: {  	v2 =	vld [tilespmem:s22+$0x0]  }
0x4e: {  	s24 =	sadd.s32 $0x40, s24;
	v1 =	vld [tilespmem:s22+$0x2880]  }
0x4f: {  	_ =	sdelay $0x5  }
0x50: {  	v4 =	vld [tilespmem:$0xC980]  }
0x51: {  	v2 =	vld.idx.msk [tilespmem:v2+s14+$0x0], $0xffff  }
0x52: {  	v3 =	vld.idx.msk [tilespmem:v1+s15+$0x0], $0xffff;
	_ =	sdelay $0x4  }
0x53: {  	v2 =	vadd.f32 v3, v2;
	v3 =	vadd.f32 v4, v3;
	_ =	sdelay $0x1  }
0x54: {  	v63 =	vmul.f32 $2.000000030e-01, v2;
	v5 =	vmul.f32 $2.000000030e-01, v3  }
0x55: {  	vm0 =	vge.f32 v2, $0.0e+00;
	vm1 =	vge.f32 v3, $0.0e+00  }
0x56: {  	v2 =	vsel vm0, v2, v63;
	v3 =	vsel vm1, v3, v5  }
0x57: {  	v2 =	vsub.f32 v2, v3;
	_ =	sdelay $0x1  }
0x58: {  	v2 =	vmul.f32 $1.442695020e+00, v2;
	_ =	sdelay $0x1  }
0x59: {  	(erf) = vpow2.f32 v2;
	_ =	sdelay $0x7  }
0x5a: {  	s23 =	sadd.s32 $0x10, s23  }
0x5b: {  	p0 =	slt.u32 s23, $0x50910;
	v2 =	vpop (erf)  }
0x5c: {  	v2 =	vpsel !p0, $0x0, v2  }
0x5d: {  	[tilespmem:s22+$0x5100] =	vst v2  }
0x5e: {  	[tilespmem:v1+s17+$0x0] =	vst.idx.add.f32.msk $0xffff, v2  }
0x5f: {  	[hbm4b:s8+s2] =	stream.linear.scatter [tilespmem:s18], [sflag:$0x1], $0x2880, $0x38;
	[tilespmem:$0xF200] =	vst v63  }
0x60: {  	s21 =	sadd.s32 $0x1, s21;
	_ =	swait.ge [sflag:s12], $0x2880  }
0x61: {  	p0 =	sne.s32 s21, s10;
	[sflag:s12] =	ssyncset.done $0x0  }
.Ltmp2:
0x62: {  	[sflag:s12] =	ssyncadd.s32 $0xFFFFD780;
	(pc) =	sbr.rel @p0 .LBB2_1-.Ltmp2, $4  }
0x63: {  	[hbm4b:s9+s19] =	stream.strided.scatter [tilespmem:s17], [sflag:$0x1], $0x2800, s20, s19, $0x38;
	[tilespmem:$0xF200] =	vst v63  }
0x64: {  	_ =	swait.ge [sflag:s12], $0x2800  }
0x65: {  	[sflag:s12] =	ssyncset.done $0x0  }
0x66: {  	[sflag:s12] =	ssyncadd.s32 $0xFFFFD800  }
0x67: {  	_ =	sfence.sel $0x180000  }
0x68: {  	[bflag:$0x0] =	sbarrier.arrive $0xFFFF  }
0x69: {  	p0 =	sne.s32 s0, $0x0;
	_ =	strace $0x90000047  }
0x6a: {  	s0 =	sadd.s32 @!p0 $0x100000, s1;
	[bflag:$0x2] =	sbarrier.arrive $0xFFFF  }
0x6b: {  	[sflag:s0] =	ssyncadd.tile.s32 @!p0 $0x1;
	_ =	shalt  }
.Lfunc_end2:
_tile_overlayer_lowered:
.L_overlay_start_2:
0x6c: {  	(tag) =	ssettag $0x2  }
0x6d: {  	s0 =	rddreg [dreg:$0x0];
	s2 =	stileid.u32  }
0x6e: {  	s1 =	rddreg [dreg:$0x1];
	p0 =	sne.s32 s2, $0x0  }
0x6f: {  	s3 =	rddreg [dreg:$0x2];
	[bflag:$0x3] =	sbarrier.arrive $0xFFFF;
	s2 =	simm.s32 @!p0 $0x1C01  }
0x70: {  	[timem:s3], [sflag:s2] =	dma.local @!p0 [hbm:s0], s1  }
0x71: {  	s0 =	simm.s32 @!p0 $0x1  }
0x72: {  	_ =	swait.ge @!p0 [sflag:s0], s1  }
0x73: {  	s1 =	ssub.s32 @!p0 $0x0, s1;
	[sflag:s0] =	ssyncset.done @!p0 $0x0  }
0x74: {  	[sflag:s0] =	ssyncadd.s32 @!p0 s1  }
0x75: {  	[bflag:$0x3] =	sbarrier.arrive $0xFFFF  }
0x76: {  	_ =	shalt  }

</sc_bundles>
